<compile_context>
chip_gen: v7x
topology: tpu7x:2x2x1
jax: 0.10.2.dev20260603
libtpu: 0.0.44.dev20260713+nightly
codegen_flags: <defaults>
</compile_context>

<pallas_src>
import jax
import jax.numpy as jnp
from jax import lax
from jax.experimental import pallas as pl
from jax.experimental.pallas import tpu as pltpu
from jax.experimental.pallas import tpu_sc as plsc

_VOCAB = 1000000
_DIM = 64
_B = 16384
_P = 5
_N = 20
_NPAIR = _P + _N
_ROWS = 32

_NC = 2
_NS = 16
_NW = _NC * _NS
_BPW = _B // _NW
_C = 32
_NCH = _BPW // _C

_TV = 10240
_TGRID = 49
_H = _TV * _TGRID


def _tr_kernel(a1_ref, a2_ref, b1_ref, b2_ref, ao_ref, bo_ref):
    def tr(x):
        return jnp.swapaxes(x, 0, 1)

    ao_ref[...] = jnp.concatenate([tr(a1_ref[...]), tr(a2_ref[...])], axis=1)
    bo_ref[...] = jnp.concatenate([tr(b1_ref[...]), tr(b2_ref[...])], axis=1)


def _transpose_tables(in_t, out_t):
    nblk = pl.cdiv(_VOCAB, _TV)
    lo_spec = pl.BlockSpec((_DIM, _TV), lambda i: (0, i))
    hi_spec = pl.BlockSpec(
        (_DIM, _TV), lambda i: (0, jnp.minimum(_TGRID + i, nblk - 1)))
    out_spec = pl.BlockSpec((_TV, 2 * _DIM), lambda i: (i, 0))
    return pl.pallas_call(
        _tr_kernel,
        grid=(_TGRID,),
        compiler_params=pltpu.CompilerParams(
            vmem_limit_bytes=120 * 1024 * 1024),
        in_specs=[lo_spec, hi_spec, lo_spec, hi_spec],
        out_specs=[out_spec, out_spec],
        out_shape=[
            jax.ShapeDtypeStruct((_H, 2 * _DIM), jnp.float32),
            jax.ShapeDtypeStruct((_H, 2 * _DIM), jnp.float32),
        ],
    )(in_t, in_t, out_t, out_t)


def _remap(buf, n):
    def body(i, _):
        v = buf[pl.ds(i * 16, 16)]
        r = v + v
        buf[pl.ds(i * 16, 16)] = jnp.where(v < _H, r, r - (2 * _H - 1))
        return _
    lax.fori_loop(0, n // 16, body, 0)


_LANE15 = 15


def _sc_logits_kernel(center_hbm, pos_hbm, neg_hbm, in_embed, out_embed,
                      sl_out, cidx, pidx, nidx,
                      crows0, prows0, nrows0, sem0,
                      crows1, prows1, nrows1, sem1,
                      lg):
    wid = lax.axis_index("s") * _NC + lax.axis_index("c")
    slots = ((crows0, prows0, nrows0, sem0),
             (crows1, prows1, nrows1, sem1))

    pltpu.sync_copy(center_hbm.at[pl.ds(wid * _BPW, _BPW)], cidx)
    pltpu.sync_copy(pos_hbm.at[pl.ds(wid * _BPW * _P, _BPW * _P)], pidx)
    pltpu.sync_copy(neg_hbm.at[pl.ds(wid * _BPW * _N, _BPW * _N)], nidx)
    _remap(cidx, _BPW)
    _remap(pidx, _BPW * _P)
    _remap(nidx, _BPW * _N)

    zero16 = jnp.zeros((16,), jnp.float32)
    for r in range(_NPAIR, _ROWS):
        for c in range(4 * _C // 16):
            lg[r, pl.ds(c * 16, 16)] = zero16

    lane = lax.iota(jnp.int32, 16)
    last = lane == _LANE15

    def gather_list(c, slot):
        crows, prows, nrows, sem = slots[slot]
        gl = [(in_embed.at[cidx.at[pl.ds(c * _C, _C)]], crows, sem)]
        for o in range(0, _C * _P, 128):
            s = min(128, _C * _P - o)
            gl.append((out_embed.at[pidx.at[pl.ds(c * _C * _P + o, s)]],
                       prows.at[pl.ds(o, s)], sem))
        for o in range(0, _C * _N, 128):
            s = min(128, _C * _N - o)
            gl.append((out_embed.at[nidx.at[pl.ds(c * _C * _N + o, s)]],
                       nrows.at[pl.ds(o, s)], sem))
        return gl

    def stage(c, slot):
        for src, dst, sem_ in gather_list(c, slot):
            pltpu.async_copy(src, dst, sem_)

    def drain(c, slot):
        for src, dst, sem_ in gather_list(c, slot):
            pltpu.make_async_copy(src, dst, sem_).wait()

    def compute(slot, col0):
        crows, prows, nrows, _ = slots[slot]

        def dots(bb, _):
            v = [crows[bb, pl.ds(k * 16, 16)] for k in range(_DIM // 16)]
            col = jnp.full((16,), col0, jnp.int32) + bb
            for j in range(_NPAIR):
                if j < _P:
                    row = bb * _P + j
                    src = prows
                else:
                    row = bb * _N + (j - _P)
                    src = nrows
                acc = v[0] * src[row, pl.ds(0, 16)]
                for k in range(1, _DIM // 16):
                    acc = acc + v[k] * src[row, pl.ds(k * 16, 16)]
                tot = plsc.cumsum(acc)
                plsc.store_scatter(
                    lg, [jnp.full((16,), j, jnp.int32), col], tot, mask=last)
            return _

        lax.fori_loop(0, _C, dots, 0)

    stage(0, 0)

    def body(it, _):
        for h in range(4):
            c = it * 4 + h
            slot = h % 2

            @pl.when(c < _NCH - 1)
            def _prefetch():
                stage(c + 1, 1 - slot)

            drain(c, slot)
            compute(slot, h * _C)

        obase = pl.multiple_of(wid * _BPW + it * 4 * _C, 4 * _C)
        pltpu.sync_copy(lg, sl_out.at[:, pl.ds(obase, 4 * _C)])
        return _

    lax.fori_loop(0, _NCH // 4, body, 0)


def _sc_logits(center, pos_flat, neg_flat, in_embed, out_embed):
    mesh = plsc.VectorSubcoreMesh(core_axis_name="c", subcore_axis_name="s")
    return pl.kernel(
        _sc_logits_kernel,
        out_type=jax.ShapeDtypeStruct((_ROWS, _B), jnp.float32),
        mesh=mesh,
        compiler_params=pltpu.CompilerParams(
            needs_layout_passes=False, use_tc_tiling_on_sc=False),
        scratch_types=(
            [
                pltpu.VMEM((_BPW,), jnp.int32),
                pltpu.VMEM((_BPW * _P,), jnp.int32),
                pltpu.VMEM((_BPW * _N,), jnp.int32),
            ]
            + [
                pltpu.VMEM((_C, _DIM), jnp.float32),
                pltpu.VMEM((_C * _P, _DIM), jnp.float32),
                pltpu.VMEM((_C * _N, _DIM), jnp.float32),
                pltpu.SemaphoreType.DMA,
            ] * 2
            + [pltpu.VMEM((_ROWS, 4 * _C), jnp.float32)]
        ),
    )(center, pos_flat, neg_flat, in_embed, out_embed)


def _tc_loss_kernel(sl_ref, out_ref):
    x = sl_ref[...]
    row = lax.broadcasted_iota(jnp.int32, x.shape, 0)
    x = jnp.where(row < _P, x, -x)
    ls = jnp.where(row < _NPAIR, jax.nn.log_sigmoid(x), 0.0)
    out_ref[0, 0] = -jnp.sum(ls) / _B


def _tc_loss(sl):
    out = pl.pallas_call(
        _tc_loss_kernel,
        out_shape=jax.ShapeDtypeStruct((1, 1), jnp.float32),
        out_specs=pl.BlockSpec(memory_space=pltpu.SMEM),
    )(sl)
    return out[0, 0]


@jax.jit
def kernel(center, pos, neg, in_embed, out_embed):
    in_h, out_h = _transpose_tables(in_embed.T, out_embed.T)
    in_row = in_h.reshape(2 * _H, _DIM)
    out_row = out_h.reshape(2 * _H, _DIM)
    sl = _sc_logits(center, pos.reshape(-1), neg.reshape(-1), in_row, out_row)
    return _tc_loss(sl)

# --- scband reference (transcript-rebuilt; emitter-appended) ---
"""Pipeline reference for scband-skip-gram-ns-89120571392662 (READ-ONLY COPY).

The authoritative reference and input builder live on the scoring server;
editing this copy changes nothing except your own understanding.
"""

import jax, jax.numpy as jnp
import numpy as np

VOCAB = 1000000
DIM = 64
B = 16384
P = 5
N = 20

def setup_inputs(seed: int = 0) -> dict:
    key = jax.random.key(seed)
    k1, k2, k3, k4, k5 = jax.random.split(key, 5)
    center = jax.random.randint(k1, (B,), 0, VOCAB, dtype=jnp.int64 if jax.config.jax_enable_x64 else jnp.int32).astype(jnp.int32)
    pos = jax.random.randint(k2, (B, P), 0, VOCAB).astype(jnp.int32)
    neg = jax.random.randint(k3, (B, N), 0, VOCAB).astype(jnp.int32)
    initrange = 0.5 / DIM
    in_embed = jax.random.uniform(k4, (VOCAB, DIM), dtype=jnp.float32, minval=-initrange, maxval=initrange)
    out_embed = jnp.zeros((VOCAB, DIM), dtype=jnp.float32)
    return {"center": center, "pos": pos, "neg": neg, "in_embed": in_embed, "out_embed": out_embed}

def reference(center, pos, neg, in_embed, out_embed):
    v = jnp.take(in_embed, center, axis=0)          # [B, D]
    pos_v = jnp.take(out_embed, pos, axis=0)        # [B, P, D]
    neg_v = jnp.take(out_embed, neg, axis=0)        # [B, N, D]
    pos_logits = jnp.einsum('bd,bpd->bp', v, pos_v)
    neg_logits = jnp.einsum('bd,bnd->bn', v, neg_v)
    loss = -(jax.nn.log_sigmoid(pos_logits).sum(axis=1) + jax.nn.log_sigmoid(-neg_logits).sum(axis=1))
    return loss.mean()

if __name__ == "__main__":
    import jax
    _d = setup_inputs()
    print(jax.jit(kernel)(*tuple(_d.values())))

</pallas_src>

<mosaic_0001>
#map = affine_map<(d0, d1) -> (0)>
#map1 = affine_map<(d0, d1) -> (0, 0)>
module attributes {stable_mosaic.version = 14 : i64} {
  func.func @_sc_logits_kernel(%arg0: i32, %arg1: i32, %arg2: memref<16384xi32, #tpu.memory_space<hbm>>, %arg3: memref<81920xi32, #tpu.memory_space<hbm>>, %arg4: memref<327680xi32, #tpu.memory_space<hbm>>, %arg5: memref<1003520x64xf32, #tpu.memory_space<hbm>>, %arg6: memref<1003520x64xf32, #tpu.memory_space<hbm>>, %arg7: memref<32x16384xf32, #tpu.memory_space<hbm>>, %arg8: memref<512xi32, #tpu.memory_space<vmem>>, %arg9: memref<2560xi32, #tpu.memory_space<vmem>>, %arg10: memref<10240xi32, #tpu.memory_space<vmem>>, %arg11: memref<32x64xf32, #tpu.memory_space<vmem>>, %arg12: memref<160x64xf32, #tpu.memory_space<vmem>>, %arg13: memref<640x64xf32, #tpu.memory_space<vmem>>, %arg14: memref<!tpu.dma_semaphore, #tpu.memory_space<semaphore_mem>>, %arg15: memref<32x64xf32, #tpu.memory_space<vmem>>, %arg16: memref<160x64xf32, #tpu.memory_space<vmem>>, %arg17: memref<640x64xf32, #tpu.memory_space<vmem>>, %arg18: memref<!tpu.dma_semaphore, #tpu.memory_space<semaphore_mem>>, %arg19: memref<32x128xf32, #tpu.memory_space<vmem>>) attributes {dimension_semantics = [#tpu.dimension_semantics<core_parallel>, #tpu.dimension_semantics<subcore_parallel>], iteration_bounds = array<i64: 2, 16>, scalar_prefetch = 0 : i64, scratch_operands = 12 : i64, tpu.core_type = #tpu.core_type<sc_vector_subcore>, window_params = [{transform_indices = #map}, {transform_indices = #map}, {transform_indices = #map}, {transform_indices = #map1}, {transform_indices = #map1}, {transform_indices = #map1}]} {
    %mul3A = arith.constant 2 : i32
    %mul3A_0 = arith.muli %arg1, %mul3A : i32
    %add3A = arith.addi %mul3A_0, %arg0 : i32
    %mul3A_1 = arith.constant 512 : i32
    %mul3A_2 = arith.muli %add3A, %mul3A_1 : i32
    "tpu.region"() ({
      %run_scoped3A = tpu.sem_alloc : memref<!tpu.dma_semaphore, #tpu.memory_space<semaphore_mem>>
      %dma_start3A_320 = tpu.memref_slice %arg2[%mul3A_2] : memref<16384xi32, #tpu.memory_space<hbm>> -> memref<512xi32, #tpu.memory_space<hbm>>
      %dma_start3A_321 = tpu.memref_slice %arg2[%mul3A_2] : memref<16384xi32, #tpu.memory_space<hbm>> -> memref<512xi32, #tpu.memory_space<hbm>>
      tpu.enqueue_dma source(%dma_start3A_321 : memref<512xi32, #tpu.memory_space<hbm>>) target(%arg8 : memref<512xi32, #tpu.memory_space<vmem>>) target_semaphore(%run_scoped3A : memref<!tpu.dma_semaphore, #tpu.memory_space<semaphore_mem>>)
      %dma_wait3A = tpu.memref_slice %arg2[%mul3A_2] : memref<16384xi32, #tpu.memory_space<hbm>> -> memref<512xi32, #tpu.memory_space<hbm>>
      %dma_wait3A_322 = tpu.memref_slice %arg2[%mul3A_2] : memref<16384xi32, #tpu.memory_space<hbm>> -> memref<512xi32, #tpu.memory_space<hbm>>
      tpu.wait_dma2 semaphore(%run_scoped3A : memref<!tpu.dma_semaphore, #tpu.memory_space<semaphore_mem>>) src(%dma_wait3A_322 : memref<512xi32, #tpu.memory_space<hbm>>) dst(%arg8 : memref<512xi32, #tpu.memory_space<vmem>>)
      tpu.yield
    }) : () -> ()
    %mul3A_3 = arith.constant 512 : i32
    %mul3A_4 = arith.muli %add3A, %mul3A_3 : i32
    %mul3A_5 = arith.constant 5 : i32
    %mul3A_6 = arith.muli %mul3A_4, %mul3A_5 : i32
    "tpu.region"() ({
      %run_scoped3A = tpu.sem_alloc : memref<!tpu.dma_semaphore, #tpu.memory_space<semaphore_mem>>
      %dma_start3A_320 = tpu.memref_slice %arg3[%mul3A_6] : memref<81920xi32, #tpu.memory_space<hbm>> -> memref<2560xi32, #tpu.memory_space<hbm>>
      %dma_start3A_321 = tpu.memref_slice %arg3[%mul3A_6] : memref<81920xi32, #tpu.memory_space<hbm>> -> memref<2560xi32, #tpu.memory_space<hbm>>
      tpu.enqueue_dma source(%dma_start3A_321 : memref<2560xi32, #tpu.memory_space<hbm>>) target(%arg9 : memref<2560xi32, #tpu.memory_space<vmem>>) target_semaphore(%run_scoped3A : memref<!tpu.dma_semaphore, #tpu.memory_space<semaphore_mem>>)
      %dma_wait3A = tpu.memref_slice %arg3[%mul3A_6] : memref<81920xi32, #tpu.memory_space<hbm>> -> memref<2560xi32, #tpu.memory_space<hbm>>
      %dma_wait3A_322 = tpu.memref_slice %arg3[%mul3A_6] : memref<81920xi32, #tpu.memory_space<hbm>> -> memref<2560xi32, #tpu.memory_space<hbm>>
      tpu.wait_dma2 semaphore(%run_scoped3A : memref<!tpu.dma_semaphore, #tpu.memory_space<semaphore_mem>>) src(%dma_wait3A_322 : memref<2560xi32, #tpu.memory_space<hbm>>) dst(%arg9 : memref<2560xi32, #tpu.memory_space<vmem>>)
      tpu.yield
    }) : () -> ()
    %mul3A_7 = arith.constant 512 : i32
    %mul3A_8 = arith.muli %add3A, %mul3A_7 : i32
    %mul3A_9 = arith.constant 20 : i32
    %mul3A_10 = arith.muli %mul3A_8, %mul3A_9 : i32
    "tpu.region"() ({
      %run_scoped3A = tpu.sem_alloc : memref<!tpu.dma_semaphore, #tpu.memory_space<semaphore_mem>>
      %dma_start3A_320 = tpu.memref_slice %arg4[%mul3A_10] : memref<327680xi32, #tpu.memory_space<hbm>> -> memref<10240xi32, #tpu.memory_space<hbm>>
      %dma_start3A_321 = tpu.memref_slice %arg4[%mul3A_10] : memref<327680xi32, #tpu.memory_space<hbm>> -> memref<10240xi32, #tpu.memory_space<hbm>>
      tpu.enqueue_dma source(%dma_start3A_321 : memref<10240xi32, #tpu.memory_space<hbm>>) target(%arg10 : memref<10240xi32, #tpu.memory_space<vmem>>) target_semaphore(%run_scoped3A : memref<!tpu.dma_semaphore, #tpu.memory_space<semaphore_mem>>)
      %dma_wait3A = tpu.memref_slice %arg4[%mul3A_10] : memref<327680xi32, #tpu.memory_space<hbm>> -> memref<10240xi32, #tpu.memory_space<hbm>>
      %dma_wait3A_322 = tpu.memref_slice %arg4[%mul3A_10] : memref<327680xi32, #tpu.memory_space<hbm>> -> memref<10240xi32, #tpu.memory_space<hbm>>
      tpu.wait_dma2 semaphore(%run_scoped3A : memref<!tpu.dma_semaphore, #tpu.memory_space<semaphore_mem>>) src(%dma_wait3A_322 : memref<10240xi32, #tpu.memory_space<hbm>>) dst(%arg10 : memref<10240xi32, #tpu.memory_space<vmem>>)
      tpu.yield
    }) : () -> ()
    %scan3A = arith.constant 0 : i32
    %scan3A_11 = arith.constant 0 : i32
    %scan3A_12 = arith.constant 32 : i32
    %scan3A_13 = arith.addi %scan3A_11, %scan3A_12 : i32
    %scan3A_14 = arith.constant 1 : i32
    scf.for %scan3A_320 = %scan3A_11 to %scan3A_13 step %scan3A_14  : i32 {
      %mul3A_321 = arith.constant 16 : i32
      %mul3A_322 = arith.muli %scan3A_320, %mul3A_321 : i32
      %get3A = arith.index_cast %mul3A_322 : i32 to index
      %get3A_323 = tpu.vector_load %arg8[%get3A] {strides = array<i32>} : memref<512xi32, #tpu.memory_space<vmem>>, vector<16xi32>,
      %add3A_324 = arith.addi %get3A_323, %get3A_323 : vector<16xi32>
      %lt3A = arith.constant 501760 : i32
      %lt3A_325 = vector.broadcast %lt3A : i32 to vector<16xi32>
      %lt3A_326 = arith.cmpi slt, %get3A_323, %lt3A_325 : vector<16xi32>
      %sub3A = arith.constant 1003519 : i32
      %sub3A_327 = vector.broadcast %sub3A : i32 to vector<16xi32>
      %sub3A_328 = arith.subi %add3A_324, %sub3A_327 : vector<16xi32>
      %select_n3A = arith.select %lt3A_326, %add3A_324, %sub3A_328 : vector<16xi1>, vector<16xi32>
      %mul3A_329 = arith.constant 16 : i32
      %mul3A_330 = arith.muli %scan3A_320, %mul3A_329 : i32
      %swap3A_331 = arith.index_cast %mul3A_330 : i32 to index
      %swap3A_332 = tpu.vector_load %arg8[%swap3A_331] {strides = array<i32>} : memref<512xi32, #tpu.memory_space<vmem>>, vector<16xi32>,
      tpu.vector_store %arg8[%swap3A_331], %select_n3A {strides = array<i32>} : memref<512xi32, #tpu.memory_space<vmem>>, vector<16xi32>,
    }
    %scan3A_15 = arith.constant 32 : i32
    %scan3A_16 = arith.constant 0 : i32
    %scan3A_17 = arith.constant 0 : i32
    %scan3A_18 = arith.constant 160 : i32
    %scan3A_19 = arith.addi %scan3A_17, %scan3A_18 : i32
    %scan3A_20 = arith.constant 1 : i32
    scf.for %scan3A_320 = %scan3A_17 to %scan3A_19 step %scan3A_20  : i32 {
      %mul3A_321 = arith.constant 16 : i32
      %mul3A_322 = arith.muli %scan3A_320, %mul3A_321 : i32
      %get3A = arith.index_cast %mul3A_322 : i32 to index
      %get3A_323 = tpu.vector_load %arg9[%get3A] {strides = array<i32>} : memref<2560xi32, #tpu.memory_space<vmem>>, vector<16xi32>,
      %add3A_324 = arith.addi %get3A_323, %get3A_323 : vector<16xi32>
      %lt3A = arith.constant 501760 : i32
      %lt3A_325 = vector.broadcast %lt3A : i32 to vector<16xi32>
      %lt3A_326 = arith.cmpi slt, %get3A_323, %lt3A_325 : vector<16xi32>
      %sub3A = arith.constant 1003519 : i32
      %sub3A_327 = vector.broadcast %sub3A : i32 to vector<16xi32>
      %sub3A_328 = arith.subi %add3A_324, %sub3A_327 : vector<16xi32>
      %select_n3A = arith.select %lt3A_326, %add3A_324, %sub3A_328 : vector<16xi1>, vector<16xi32>
      %mul3A_329 = arith.constant 16 : i32
      %mul3A_330 = arith.muli %scan3A_320, %mul3A_329 : i32
      %swap3A_331 = arith.index_cast %mul3A_330 : i32 to index
      %swap3A_332 = tpu.vector_load %arg9[%swap3A_331] {strides = array<i32>} : memref<2560xi32, #tpu.memory_space<vmem>>, vector<16xi32>,
      tpu.vector_store %arg9[%swap3A_331], %select_n3A {strides = array<i32>} : memref<2560xi32, #tpu.memory_space<vmem>>, vector<16xi32>,
    }
    %scan3A_21 = arith.constant 160 : i32
    %scan3A_22 = arith.constant 0 : i32
    %scan3A_23 = arith.constant 0 : i32
    %scan3A_24 = arith.constant 640 : i32
    %scan3A_25 = arith.addi %scan3A_23, %scan3A_24 : i32
    %scan3A_26 = arith.constant 1 : i32
    scf.for %scan3A_320 = %scan3A_23 to %scan3A_25 step %scan3A_26  : i32 {
      %mul3A_321 = arith.constant 16 : i32
      %mul3A_322 = arith.muli %scan3A_320, %mul3A_321 : i32
      %get3A = arith.index_cast %mul3A_322 : i32 to index
      %get3A_323 = tpu.vector_load %arg10[%get3A] {strides = array<i32>} : memref<10240xi32, #tpu.memory_space<vmem>>, vector<16xi32>,
      %add3A_324 = arith.addi %get3A_323, %get3A_323 : vector<16xi32>
      %lt3A = arith.constant 501760 : i32
      %lt3A_325 = vector.broadcast %lt3A : i32 to vector<16xi32>
      %lt3A_326 = arith.cmpi slt, %get3A_323, %lt3A_325 : vector<16xi32>
      %sub3A = arith.constant 1003519 : i32
      %sub3A_327 = vector.broadcast %sub3A : i32 to vector<16xi32>
      %sub3A_328 = arith.subi %add3A_324, %sub3A_327 : vector<16xi32>
      %select_n3A = arith.select %lt3A_326, %add3A_324, %sub3A_328 : vector<16xi1>, vector<16xi32>
      %mul3A_329 = arith.constant 16 : i32
      %mul3A_330 = arith.muli %scan3A_320, %mul3A_329 : i32
      %swap3A_331 = arith.index_cast %mul3A_330 : i32 to index
      %swap3A_332 = tpu.vector_load %arg10[%swap3A_331] {strides = array<i32>} : memref<10240xi32, #tpu.memory_space<vmem>>, vector<16xi32>,
      tpu.vector_store %arg10[%swap3A_331], %select_n3A {strides = array<i32>} : memref<10240xi32, #tpu.memory_space<vmem>>, vector<16xi32>,
    }
    %scan3A_27 = arith.constant 640 : i32
    %broadcast_in_dim3A = arith.constant 0.000000e+00 : f32
    %broadcast_in_dim3A_28 = vector.broadcast %broadcast_in_dim3A : f32 to vector<16xf32>
    %swap3A = arith.constant 25 : i32
    %swap3A_29 = arith.index_cast %swap3A : i32 to index
    %swap3A_30 = arith.constant 0 : index
    %swap3A_31 = tpu.vector_load %arg19[%swap3A_29, %swap3A_30] {strides = array<i32>} : memref<32x128xf32, #tpu.memory_space<vmem>>, vector<16xf32>,
    tpu.vector_store %arg19[%swap3A_29, %swap3A_30], %broadcast_in_dim3A_28 {strides = array<i32>} : memref<32x128xf32, #tpu.memory_space<vmem>>, vector<16xf32>,
    %swap3A_32 = arith.constant 25 : i32
    %swap3A_33 = arith.index_cast %swap3A_32 : i32 to index
    %swap3A_34 = arith.constant 16 : index
    %swap3A_35 = tpu.vector_load %arg19[%swap3A_33, %swap3A_34] {strides = array<i32>} : memref<32x128xf32, #tpu.memory_space<vmem>>, vector<16xf32>,
    tpu.vector_store %arg19[%swap3A_33, %swap3A_34], %broadcast_in_dim3A_28 {strides = array<i32>} : memref<32x128xf32, #tpu.memory_space<vmem>>, vector<16xf32>,
    %swap3A_36 = arith.constant 25 : i32
    %swap3A_37 = arith.index_cast %swap3A_36 : i32 to index
    %swap3A_38 = arith.constant 32 : index
    %swap3A_39 = tpu.vector_load %arg19[%swap3A_37, %swap3A_38] {strides = array<i32>} : memref<32x128xf32, #tpu.memory_space<vmem>>, vector<16xf32>,
    tpu.vector_store %arg19[%swap3A_37, %swap3A_38], %broadcast_in_dim3A_28 {strides = array<i32>} : memref<32x128xf32, #tpu.memory_space<vmem>>, vector<16xf32>,
    %swap3A_40 = arith.constant 25 : i32
    %swap3A_41 = arith.index_cast %swap3A_40 : i32 to index
    %swap3A_42 = arith.constant 48 : index
    %swap3A_43 = tpu.vector_load %arg19[%swap3A_41, %swap3A_42] {strides = array<i32>} : memref<32x128xf32, #tpu.memory_space<vmem>>, vector<16xf32>,
    tpu.vector_store %arg19[%swap3A_41, %swap3A_42], %broadcast_in_dim3A_28 {strides = array<i32>} : memref<32x128xf32, #tpu.memory_space<vmem>>, vector<16xf32>,
    %swap3A_44 = arith.constant 25 : i32
    %swap3A_45 = arith.index_cast %swap3A_44 : i32 to index
    %swap3A_46 = arith.constant 64 : index
    %swap3A_47 = tpu.vector_load %arg19[%swap3A_45, %swap3A_46] {strides = array<i32>} : memref<32x128xf32, #tpu.memory_space<vmem>>, vector<16xf32>,
    tpu.vector_store %arg19[%swap3A_45, %swap3A_46], %broadcast_in_dim3A_28 {strides = array<i32>} : memref<32x128xf32, #tpu.memory_space<vmem>>, vector<16xf32>,
    %swap3A_48 = arith.constant 25 : i32
    %swap3A_49 = arith.index_cast %swap3A_48 : i32 to index
    %swap3A_50 = arith.constant 80 : index
    %swap3A_51 = tpu.vector_load %arg19[%swap3A_49, %swap3A_50] {strides = array<i32>} : memref<32x128xf32, #tpu.memory_space<vmem>>, vector<16xf32>,
    tpu.vector_store %arg19[%swap3A_49, %swap3A_50], %broadcast_in_dim3A_28 {strides = array<i32>} : memref<32x128xf32, #tpu.memory_space<vmem>>, vector<16xf32>,
    %swap3A_52 = arith.constant 25 : i32
    %swap3A_53 = arith.index_cast %swap3A_52 : i32 to index
    %swap3A_54 = arith.constant 96 : index
    %swap3A_55 = tpu.vector_load %arg19[%swap3A_53, %swap3A_54] {strides = array<i32>} : memref<32x128xf32, #tpu.memory_space<vmem>>, vector<16xf32>,
    tpu.vector_store %arg19[%swap3A_53, %swap3A_54], %broadcast_in_dim3A_28 {strides = array<i32>} : memref<32x128xf32, #tpu.memory_space<vmem>>, vector<16xf32>,
    %swap3A_56 = arith.constant 25 : i32
    %swap3A_57 = arith.index_cast %swap3A_56 : i32 to index
    %swap3A_58 = arith.constant 112 : index
    %swap3A_59 = tpu.vector_load %arg19[%swap3A_57, %swap3A_58] {strides = array<i32>} : memref<32x128xf32, #tpu.memory_space<vmem>>, vector<16xf32>,
    tpu.vector_store %arg19[%swap3A_57, %swap3A_58], %broadcast_in_dim3A_28 {strides = array<i32>} : memref<32x128xf32, #tpu.memory_space<vmem>>, vector<16xf32>,
    %swap3A_60 = arith.constant 26 : i32
    %swap3A_61 = arith.index_cast %swap3A_60 : i32 to index
    %swap3A_62 = arith.constant 0 : index
    %swap3A_63 = tpu.vector_load %arg19[%swap3A_61, %swap3A_62] {strides = array<i32>} : memref<32x128xf32, #tpu.memory_space<vmem>>, vector<16xf32>,
    tpu.vector_store %arg19[%swap3A_61, %swap3A_62], %broadcast_in_dim3A_28 {strides = array<i32>} : memref<32x128xf32, #tpu.memory_space<vmem>>, vector<16xf32>,
    %swap3A_64 = arith.constant 26 : i32
    %swap3A_65 = arith.index_cast %swap3A_64 : i32 to index
    %swap3A_66 = arith.constant 16 : index
    %swap3A_67 = tpu.vector_load %arg19[%swap3A_65, %swap3A_66] {strides = array<i32>} : memref<32x128xf32, #tpu.memory_space<vmem>>, vector<16xf32>,
    tpu.vector_store %arg19[%swap3A_65, %swap3A_66], %broadcast_in_dim3A_28 {strides = array<i32>} : memref<32x128xf32, #tpu.memory_space<vmem>>, vector<16xf32>,
    %swap3A_68 = arith.constant 26 : i32
    %swap3A_69 = arith.index_cast %swap3A_68 : i32 to index
    %swap3A_70 = arith.constant 32 : index
    %swap3A_71 = tpu.vector_load %arg19[%swap3A_69, %swap3A_70] {strides = array<i32>} : memref<32x128xf32, #tpu.memory_space<vmem>>, vector<16xf32>,
    tpu.vector_store %arg19[%swap3A_69, %swap3A_70], %broadcast_in_dim3A_28 {strides = array<i32>} : memref<32x128xf32, #tpu.memory_space<vmem>>, vector<16xf32>,
    %swap3A_72 = arith.constant 26 : i32
    %swap3A_73 = arith.index_cast %swap3A_72 : i32 to index
    %swap3A_74 = arith.constant 48 : index
    %swap3A_75 = tpu.vector_load %arg19[%swap3A_73, %swap3A_74] {strides = array<i32>} : memref<32x128xf32, #tpu.memory_space<vmem>>, vector<16xf32>,
    tpu.vector_store %arg19[%swap3A_73, %swap3A_74], %broadcast_in_dim3A_28 {strides = array<i32>} : memref<32x128xf32, #tpu.memory_space<vmem>>, vector<16xf32>,
    %swap3A_76 = arith.constant 26 : i32
    %swap3A_77 = arith.index_cast %swap3A_76 : i32 to index
    %swap3A_78 = arith.constant 64 : index
    %swap3A_79 = tpu.vector_load %arg19[%swap3A_77, %swap3A_78] {strides = array<i32>} : memref<32x128xf32, #tpu.memory_space<vmem>>, vector<16xf32>,
    tpu.vector_store %arg19[%swap3A_77, %swap3A_78], %broadcast_in_dim3A_28 {strides = array<i32>} : memref<32x128xf32, #tpu.memory_space<vmem>>, vector<16xf32>,
    %swap3A_80 = arith.constant 26 : i32
    %swap3A_81 = arith.index_cast %swap3A_80 : i32 to index
    %swap3A_82 = arith.constant 80 : index
    %swap3A_83 = tpu.vector_load %arg19[%swap3A_81, %swap3A_82] {strides = array<i32>} : memref<32x128xf32, #tpu.memory_space<vmem>>, vector<16xf32>,
    tpu.vector_store %arg19[%swap3A_81, %swap3A_82], %broadcast_in_dim3A_28 {strides = array<i32>} : memref<32x128xf32, #tpu.memory_space<vmem>>, vector<16xf32>,
    %swap3A_84 = arith.constant 26 : i32
    %swap3A_85 = arith.index_cast %swap3A_84 : i32 to index
    %swap3A_86 = arith.constant 96 : index
    %swap3A_87 = tpu.vector_load %arg19[%swap3A_85, %swap3A_86] {strides = array<i32>} : memref<32x128xf32, #tpu.memory_space<vmem>>, vector<16xf32>,
    tpu.vector_store %arg19[%swap3A_85, %swap3A_86], %broadcast_in_dim3A_28 {strides = array<i32>} : memref<32x128xf32, #tpu.memory_space<vmem>>, vector<16xf32>,
    %swap3A_88 = arith.constant 26 : i32
    %swap3A_89 = arith.index_cast %swap3A_88 : i32 to index
    %swap3A_90 = arith.constant 112 : index
    %swap3A_91 = tpu.vector_load %arg19[%swap3A_89, %swap3A_90] {strides = array<i32>} : memref<32x128xf32, #tpu.memory_space<vmem>>, vector<16xf32>,
    tpu.vector_store %arg19[%swap3A_89, %swap3A_90], %broadcast_in_dim3A_28 {strides = array<i32>} : memref<32x128xf32, #tpu.memory_space<vmem>>, vector<16xf32>,
    %swap3A_92 = arith.constant 27 : i32
    %swap3A_93 = arith.index_cast %swap3A_92 : i32 to index
    %swap3A_94 = arith.constant 0 : index
    %swap3A_95 = tpu.vector_load %arg19[%swap3A_93, %swap3A_94] {strides = array<i32>} : memref<32x128xf32, #tpu.memory_space<vmem>>, vector<16xf32>,
    tpu.vector_store %arg19[%swap3A_93, %swap3A_94], %broadcast_in_dim3A_28 {strides = array<i32>} : memref<32x128xf32, #tpu.memory_space<vmem>>, vector<16xf32>,
    %swap3A_96 = arith.constant 27 : i32
    %swap3A_97 = arith.index_cast %swap3A_96 : i32 to index
    %swap3A_98 = arith.constant 16 : index
    %swap3A_99 = tpu.vector_load %arg19[%swap3A_97, %swap3A_98] {strides = array<i32>} : memref<32x128xf32, #tpu.memory_space<vmem>>, vector<16xf32>,
    tpu.vector_store %arg19[%swap3A_97, %swap3A_98], %broadcast_in_dim3A_28 {strides = array<i32>} : memref<32x128xf32, #tpu.memory_space<vmem>>, vector<16xf32>,
    %swap3A_100 = arith.constant 27 : i32
    %swap3A_101 = arith.index_cast %swap3A_100 : i32 to index
    %swap3A_102 = arith.constant 32 : index
    %swap3A_103 = tpu.vector_load %arg19[%swap3A_101, %swap3A_102] {strides = array<i32>} : memref<32x128xf32, #tpu.memory_space<vmem>>, vector<16xf32>,
    tpu.vector_store %arg19[%swap3A_101, %swap3A_102], %broadcast_in_dim3A_28 {strides = array<i32>} : memref<32x128xf32, #tpu.memory_space<vmem>>, vector<16xf32>,
    %swap3A_104 = arith.constant 27 : i32
    %swap3A_105 = arith.index_cast %swap3A_104 : i32 to index
    %swap3A_106 = arith.constant 48 : index
    %swap3A_107 = tpu.vector_load %arg19[%swap3A_105, %swap3A_106] {strides = array<i32>} : memref<32x128xf32, #tpu.memory_space<vmem>>, vector<16xf32>,
    tpu.vector_store %arg19[%swap3A_105, %swap3A_106], %broadcast_in_dim3A_28 {strides = array<i32>} : memref<32x128xf32, #tpu.memory_space<vmem>>, vector<16xf32>,
    %swap3A_108 = arith.constant 27 : i32
    %swap3A_109 = arith.index_cast %swap3A_108 : i32 to index
    %swap3A_110 = arith.constant 64 : index
    %swap3A_111 = tpu.vector_load %arg19[%swap3A_109, %swap3A_110] {strides = array<i32>} : memref<32x128xf32, #tpu.memory_space<vmem>>, vector<16xf32>,
    tpu.vector_store %arg19[%swap3A_109, %swap3A_110], %broadcast_in_dim3A_28 {strides = array<i32>} : memref<32x128xf32, #tpu.memory_space<vmem>>, vector<16xf32>,
    %swap3A_112 = arith.constant 27 : i32
    %swap3A_113 = arith.index_cast %swap3A_112 : i32 to index
    %swap3A_114 = arith.constant 80 : index
    %swap3A_115 = tpu.vector_load %arg19[%swap3A_113, %swap3A_114] {strides = array<i32>} : memref<32x128xf32, #tpu.memory_space<vmem>>, vector<16xf32>,
    tpu.vector_store %arg19[%swap3A_113, %swap3A_114], %broadcast_in_dim3A_28 {strides = array<i32>} : memref<32x128xf32, #tpu.memory_space<vmem>>, vector<16xf32>,
    %swap3A_116 = arith.constant 27 : i32
    %swap3A_117 = arith.index_cast %swap3A_116 : i32 to index
    %swap3A_118 = arith.constant 96 : index
    %swap3A_119 = tpu.vector_load %arg19[%swap3A_117, %swap3A_118] {strides = array<i32>} : memref<32x128xf32, #tpu.memory_space<vmem>>, vector<16xf32>,
    tpu.vector_store %arg19[%swap3A_117, %swap3A_118], %broadcast_in_dim3A_28 {strides = array<i32>} : memref<32x128xf32, #tpu.memory_space<vmem>>, vector<16xf32>,
    %swap3A_120 = arith.constant 27 : i32
    %swap3A_121 = arith.index_cast %swap3A_120 : i32 to index
    %swap3A_122 = arith.constant 112 : index
    %swap3A_123 = tpu.vector_load %arg19[%swap3A_121, %swap3A_122] {strides = array<i32>} : memref<32x128xf32, #tpu.memory_space<vmem>>, vector<16xf32>,
    tpu.vector_store %arg19[%swap3A_121, %swap3A_122], %broadcast_in_dim3A_28 {strides = array<i32>} : memref<32x128xf32, #tpu.memory_space<vmem>>, vector<16xf32>,
    %swap3A_124 = arith.constant 28 : i32
    %swap3A_125 = arith.index_cast %swap3A_124 : i32 to index
    %swap3A_126 = arith.constant 0 : index
    %swap3A_127 = tpu.vector_load %arg19[%swap3A_125, %swap3A_126] {strides = array<i32>} : memref<32x128xf32, #tpu.memory_space<vmem>>, vector<16xf32>,
    tpu.vector_store %arg19[%swap3A_125, %swap3A_126], %broadcast_in_dim3A_28 {strides = array<i32>} : memref<32x128xf32, #tpu.memory_space<vmem>>, vector<16xf32>,
    %swap3A_128 = arith.constant 28 : i32
    %swap3A_129 = arith.index_cast %swap3A_128 : i32 to index
    %swap3A_130 = arith.constant 16 : index
    %swap3A_131 = tpu.vector_load %arg19[%swap3A_129, %swap3A_130] {strides = array<i32>} : memref<32x128xf32, #tpu.memory_space<vmem>>, vector<16xf32>,
    tpu.vector_store %arg19[%swap3A_129, %swap3A_130], %broadcast_in_dim3A_28 {strides = array<i32>} : memref<32x128xf32, #tpu.memory_space<vmem>>, vector<16xf32>,
    %swap3A_132 = arith.constant 28 : i32
    %swap3A_133 = arith.index_cast %swap3A_132 : i32 to index
    %swap3A_134 = arith.constant 32 : index
    %swap3A_135 = tpu.vector_load %arg19[%swap3A_133, %swap3A_134] {strides = array<i32>} : memref<32x128xf32, #tpu.memory_space<vmem>>, vector<16xf32>,
    tpu.vector_store %arg19[%swap3A_133, %swap3A_134], %broadcast_in_dim3A_28 {strides = array<i32>} : memref<32x128xf32, #tpu.memory_space<vmem>>, vector<16xf32>,
    %swap3A_136 = arith.constant 28 : i32
    %swap3A_137 = arith.index_cast %swap3A_136 : i32 to index
    %swap3A_138 = arith.constant 48 : index
    %swap3A_139 = tpu.vector_load %arg19[%swap3A_137, %swap3A_138] {strides = array<i32>} : memref<32x128xf32, #tpu.memory_space<vmem>>, vector<16xf32>,
    tpu.vector_store %arg19[%swap3A_137, %swap3A_138], %broadcast_in_dim3A_28 {strides = array<i32>} : memref<32x128xf32, #tpu.memory_space<vmem>>, vector<16xf32>,
    %swap3A_140 = arith.constant 28 : i32
    %swap3A_141 = arith.index_cast %swap3A_140 : i32 to index
    %swap3A_142 = arith.constant 64 : index
    %swap3A_143 = tpu.vector_load %arg19[%swap3A_141, %swap3A_142] {strides = array<i32>} : memref<32x128xf32, #tpu.memory_space<vmem>>, vector<16xf32>,
    tpu.vector_store %arg19[%swap3A_141, %swap3A_142], %broadcast_in_dim3A_28 {strides = array<i32>} : memref<32x128xf32, #tpu.memory_space<vmem>>, vector<16xf32>,
    %swap3A_144 = arith.constant 28 : i32
    %swap3A_145 = arith.index_cast %swap3A_144 : i32 to index
    %swap3A_146 = arith.constant 80 : index
    %swap3A_147 = tpu.vector_load %arg19[%swap3A_145, %swap3A_146] {strides = array<i32>} : memref<32x128xf32, #tpu.memory_space<vmem>>, vector<16xf32>,
    tpu.vector_store %arg19[%swap3A_145, %swap3A_146], %broadcast_in_dim3A_28 {strides = array<i32>} : memref<32x128xf32, #tpu.memory_space<vmem>>, vector<16xf32>,
    %swap3A_148 = arith.constant 28 : i32
    %swap3A_149 = arith.index_cast %swap3A_148 : i32 to index
    %swap3A_150 = arith.constant 96 : index
    %swap3A_151 = tpu.vector_load %arg19[%swap3A_149, %swap3A_150] {strides = array<i32>} : memref<32x128xf32, #tpu.memory_space<vmem>>, vector<16xf32>,
    tpu.vector_store %arg19[%swap3A_149, %swap3A_150], %broadcast_in_dim3A_28 {strides = array<i32>} : memref<32x128xf32, #tpu.memory_space<vmem>>, vector<16xf32>,
    %swap3A_152 = arith.constant 28 : i32
    %swap3A_153 = arith.index_cast %swap3A_152 : i32 to index
    %swap3A_154 = arith.constant 112 : index
    %swap3A_155 = tpu.vector_load %arg19[%swap3A_153, %swap3A_154] {strides = array<i32>} : memref<32x128xf32, #tpu.memory_space<vmem>>, vector<16xf32>,
    tpu.vector_store %arg19[%swap3A_153, %swap3A_154], %broadcast_in_dim3A_28 {strides = array<i32>} : memref<32x128xf32, #tpu.memory_space<vmem>>, vector<16xf32>,
    %swap3A_156 = arith.constant 29 : i32
    %swap3A_157 = arith.index_cast %swap3A_156 : i32 to index
    %swap3A_158 = arith.constant 0 : index
    %swap3A_159 = tpu.vector_load %arg19[%swap3A_157, %swap3A_158] {strides = array<i32>} : memref<32x128xf32, #tpu.memory_space<vmem>>, vector<16xf32>,
    tpu.vector_store %arg19[%swap3A_157, %swap3A_158], %broadcast_in_dim3A_28 {strides = array<i32>} : memref<32x128xf32, #tpu.memory_space<vmem>>, vector<16xf32>,
    %swap3A_160 = arith.constant 29 : i32
    %swap3A_161 = arith.index_cast %swap3A_160 : i32 to index
    %swap3A_162 = arith.constant 16 : index
    %swap3A_163 = tpu.vector_load %arg19[%swap3A_161, %swap3A_162] {strides = array<i32>} : memref<32x128xf32, #tpu.memory_space<vmem>>, vector<16xf32>,
    tpu.vector_store %arg19[%swap3A_161, %swap3A_162], %broadcast_in_dim3A_28 {strides = array<i32>} : memref<32x128xf32, #tpu.memory_space<vmem>>, vector<16xf32>,
    %swap3A_164 = arith.constant 29 : i32
    %swap3A_165 = arith.index_cast %swap3A_164 : i32 to index
    %swap3A_166 = arith.constant 32 : index
    %swap3A_167 = tpu.vector_load %arg19[%swap3A_165, %swap3A_166] {strides = array<i32>} : memref<32x128xf32, #tpu.memory_space<vmem>>, vector<16xf32>,
    tpu.vector_store %arg19[%swap3A_165, %swap3A_166], %broadcast_in_dim3A_28 {strides = array<i32>} : memref<32x128xf32, #tpu.memory_space<vmem>>, vector<16xf32>,
    %swap3A_168 = arith.constant 29 : i32
    %swap3A_169 = arith.index_cast %swap3A_168 : i32 to index
    %swap3A_170 = arith.constant 48 : index
    %swap3A_171 = tpu.vector_load %arg19[%swap3A_169, %swap3A_170] {strides = array<i32>} : memref<32x128xf32, #tpu.memory_space<vmem>>, vector<16xf32>,
    tpu.vector_store %arg19[%swap3A_169, %swap3A_170], %broadcast_in_dim3A_28 {strides = array<i32>} : memref<32x128xf32, #tpu.memory_space<vmem>>, vector<16xf32>,
    %swap3A_172 = arith.constant 29 : i32
    %swap3A_173 = arith.index_cast %swap3A_172 : i32 to index
    %swap3A_174 = arith.constant 64 : index
    %swap3A_175 = tpu.vector_load %arg19[%swap3A_173, %swap3A_174] {strides = array<i32>} : memref<32x128xf32, #tpu.memory_space<vmem>>, vector<16xf32>,
    tpu.vector_store %arg19[%swap3A_173, %swap3A_174], %broadcast_in_dim3A_28 {strides = array<i32>} : memref<32x128xf32, #tpu.memory_space<vmem>>, vector<16xf32>,
    %swap3A_176 = arith.constant 29 : i32
    %swap3A_177 = arith.index_cast %swap3A_176 : i32 to index
    %swap3A_178 = arith.constant 80 : index
    %swap3A_179 = tpu.vector_load %arg19[%swap3A_177, %swap3A_178] {strides = array<i32>} : memref<32x128xf32, #tpu.memory_space<vmem>>, vector<16xf32>,
    tpu.vector_store %arg19[%swap3A_177, %swap3A_178], %broadcast_in_dim3A_28 {strides = array<i32>} : memref<32x128xf32, #tpu.memory_space<vmem>>, vector<16xf32>,
    %swap3A_180 = arith.constant 29 : i32
    %swap3A_181 = arith.index_cast %swap3A_180 : i32 to index
    %swap3A_182 = arith.constant 96 : index
    %swap3A_183 = tpu.vector_load %arg19[%swap3A_181, %swap3A_182] {strides = array<i32>} : memref<32x128xf32, #tpu.memory_space<vmem>>, vector<16xf32>,
    tpu.vector_store %arg19[%swap3A_181, %swap3A_182], %broadcast_in_dim3A_28 {strides = array<i32>} : memref<32x128xf32, #tpu.memory_space<vmem>>, vector<16xf32>,
    %swap3A_184 = arith.constant 29 : i32
    %swap3A_185 = arith.index_cast %swap3A_184 : i32 to index
    %swap3A_186 = arith.constant 112 : index
    %swap3A_187 = tpu.vector_load %arg19[%swap3A_185, %swap3A_186] {strides = array<i32>} : memref<32x128xf32, #tpu.memory_space<vmem>>, vector<16xf32>,
    tpu.vector_store %arg19[%swap3A_185, %swap3A_186], %broadcast_in_dim3A_28 {strides = array<i32>} : memref<32x128xf32, #tpu.memory_space<vmem>>, vector<16xf32>,
    %swap3A_188 = arith.constant 30 : i32
    %swap3A_189 = arith.index_cast %swap3A_188 : i32 to index
    %swap3A_190 = arith.constant 0 : index
    %swap3A_191 = tpu.vector_load %arg19[%swap3A_189, %swap3A_190] {strides = array<i32>} : memref<32x128xf32, #tpu.memory_space<vmem>>, vector<16xf32>,
    tpu.vector_store %arg19[%swap3A_189, %swap3A_190], %broadcast_in_dim3A_28 {strides = array<i32>} : memref<32x128xf32, #tpu.memory_space<vmem>>, vector<16xf32>,
    %swap3A_192 = arith.constant 30 : i32
    %swap3A_193 = arith.index_cast %swap3A_192 : i32 to index
    %swap3A_194 = arith.constant 16 : index
    %swap3A_195 = tpu.vector_load %arg19[%swap3A_193, %swap3A_194] {strides = array<i32>} : memref<32x128xf32, #tpu.memory_space<vmem>>, vector<16xf32>,
    tpu.vector_store %arg19[%swap3A_193, %swap3A_194], %broadcast_in_dim3A_28 {strides = array<i32>} : memref<32x128xf32, #tpu.memory_space<vmem>>, vector<16xf32>,
    %swap3A_196 = arith.constant 30 : i32
    %swap3A_197 = arith.index_cast %swap3A_196 : i32 to index
    %swap3A_198 = arith.constant 32 : index
    %swap3A_199 = tpu.vector_load %arg19[%swap3A_197, %swap3A_198] {strides = array<i32>} : memref<32x128xf32, #tpu.memory_space<vmem>>, vector<16xf32>,
    tpu.vector_store %arg19[%swap3A_197, %swap3A_198], %broadcast_in_dim3A_28 {strides = array<i32>} : memref<32x128xf32, #tpu.memory_space<vmem>>, vector<16xf32>,
    %swap3A_200 = arith.constant 30 : i32
    %swap3A_201 = arith.index_cast %swap3A_200 : i32 to index
    %swap3A_202 = arith.constant 48 : index
    %swap3A_203 = tpu.vector_load %arg19[%swap3A_201, %swap3A_202] {strides = array<i32>} : memref<32x128xf32, #tpu.memory_space<vmem>>, vector<16xf32>,
    tpu.vector_store %arg19[%swap3A_201, %swap3A_202], %broadcast_in_dim3A_28 {strides = array<i32>} : memref<32x128xf32, #tpu.memory_space<vmem>>, vector<16xf32>,
    %swap3A_204 = arith.constant 30 : i32
    %swap3A_205 = arith.index_cast %swap3A_204 : i32 to index
    %swap3A_206 = arith.constant 64 : index
    %swap3A_207 = tpu.vector_load %arg19[%swap3A_205, %swap3A_206] {strides = array<i32>} : memref<32x128xf32, #tpu.memory_space<vmem>>, vector<16xf32>,
    tpu.vector_store %arg19[%swap3A_205, %swap3A_206], %broadcast_in_dim3A_28 {strides = array<i32>} : memref<32x128xf32, #tpu.memory_space<vmem>>, vector<16xf32>,
    %swap3A_208 = arith.constant 30 : i32
    %swap3A_209 = arith.index_cast %swap3A_208 : i32 to index
    %swap3A_210 = arith.constant 80 : index
    %swap3A_211 = tpu.vector_load %arg19[%swap3A_209, %swap3A_210] {strides = array<i32>} : memref<32x128xf32, #tpu.memory_space<vmem>>, vector<16xf32>,
    tpu.vector_store %arg19[%swap3A_209, %swap3A_210], %broadcast_in_dim3A_28 {strides = array<i32>} : memref<32x128xf32, #tpu.memory_space<vmem>>, vector<16xf32>,
    %swap3A_212 = arith.constant 30 : i32
    %swap3A_213 = arith.index_cast %swap3A_212 : i32 to index
    %swap3A_214 = arith.constant 96 : index
    %swap3A_215 = tpu.vector_load %arg19[%swap3A_213, %swap3A_214] {strides = array<i32>} : memref<32x128xf32, #tpu.memory_space<vmem>>, vector<16xf32>,
    tpu.vector_store %arg19[%swap3A_213, %swap3A_214], %broadcast_in_dim3A_28 {strides = array<i32>} : memref<32x128xf32, #tpu.memory_space<vmem>>, vector<16xf32>,
    %swap3A_216 = arith.constant 30 : i32
    %swap3A_217 = arith.index_cast %swap3A_216 : i32 to index
    %swap3A_218 = arith.constant 112 : index
    %swap3A_219 = tpu.vector_load %arg19[%swap3A_217, %swap3A_218] {strides = array<i32>} : memref<32x128xf32, #tpu.memory_space<vmem>>, vector<16xf32>,
    tpu.vector_store %arg19[%swap3A_217, %swap3A_218], %broadcast_in_dim3A_28 {strides = array<i32>} : memref<32x128xf32, #tpu.memory_space<vmem>>, vector<16xf32>,
    %swap3A_220 = arith.constant 31 : i32
    %swap3A_221 = arith.index_cast %swap3A_220 : i32 to index
    %swap3A_222 = arith.constant 0 : index
    %swap3A_223 = tpu.vector_load %arg19[%swap3A_221, %swap3A_222] {strides = array<i32>} : memref<32x128xf32, #tpu.memory_space<vmem>>, vector<16xf32>,
    tpu.vector_store %arg19[%swap3A_221, %swap3A_222], %broadcast_in_dim3A_28 {strides = array<i32>} : memref<32x128xf32, #tpu.memory_space<vmem>>, vector<16xf32>,
    %swap3A_224 = arith.constant 31 : i32
    %swap3A_225 = arith.index_cast %swap3A_224 : i32 to index
    %swap3A_226 = arith.constant 16 : index
    %swap3A_227 = tpu.vector_load %arg19[%swap3A_225, %swap3A_226] {strides = array<i32>} : memref<32x128xf32, #tpu.memory_space<vmem>>, vector<16xf32>,
    tpu.vector_store %arg19[%swap3A_225, %swap3A_226], %broadcast_in_dim3A_28 {strides = array<i32>} : memref<32x128xf32, #tpu.memory_space<vmem>>, vector<16xf32>,
    %swap3A_228 = arith.constant 31 : i32
    %swap3A_229 = arith.index_cast %swap3A_228 : i32 to index
    %swap3A_230 = arith.constant 32 : index
    %swap3A_231 = tpu.vector_load %arg19[%swap3A_229, %swap3A_230] {strides = array<i32>} : memref<32x128xf32, #tpu.memory_space<vmem>>, vector<16xf32>,
    tpu.vector_store %arg19[%swap3A_229, %swap3A_230], %broadcast_in_dim3A_28 {strides = array<i32>} : memref<32x128xf32, #tpu.memory_space<vmem>>, vector<16xf32>,
    %swap3A_232 = arith.constant 31 : i32
    %swap3A_233 = arith.index_cast %swap3A_232 : i32 to index
    %swap3A_234 = arith.constant 48 : index
    %swap3A_235 = tpu.vector_load %arg19[%swap3A_233, %swap3A_234] {strides = array<i32>} : memref<32x128xf32, #tpu.memory_space<vmem>>, vector<16xf32>,
    tpu.vector_store %arg19[%swap3A_233, %swap3A_234], %broadcast_in_dim3A_28 {strides = array<i32>} : memref<32x128xf32, #tpu.memory_space<vmem>>, vector<16xf32>,
    %swap3A_236 = arith.constant 31 : i32
    %swap3A_237 = arith.index_cast %swap3A_236 : i32 to index
    %swap3A_238 = arith.constant 64 : index
    %swap3A_239 = tpu.vector_load %arg19[%swap3A_237, %swap3A_238] {strides = array<i32>} : memref<32x128xf32, #tpu.memory_space<vmem>>, vector<16xf32>,
    tpu.vector_store %arg19[%swap3A_237, %swap3A_238], %broadcast_in_dim3A_28 {strides = array<i32>} : memref<32x128xf32, #tpu.memory_space<vmem>>, vector<16xf32>,
    %swap3A_240 = arith.constant 31 : i32
    %swap3A_241 = arith.index_cast %swap3A_240 : i32 to index
    %swap3A_242 = arith.constant 80 : index
    %swap3A_243 = tpu.vector_load %arg19[%swap3A_241, %swap3A_242] {strides = array<i32>} : memref<32x128xf32, #tpu.memory_space<vmem>>, vector<16xf32>,
    tpu.vector_store %arg19[%swap3A_241, %swap3A_242], %broadcast_in_dim3A_28 {strides = array<i32>} : memref<32x128xf32, #tpu.memory_space<vmem>>, vector<16xf32>,
    %swap3A_244 = arith.constant 31 : i32
    %swap3A_245 = arith.index_cast %swap3A_244 : i32 to index
    %swap3A_246 = arith.constant 96 : index
    %swap3A_247 = tpu.vector_load %arg19[%swap3A_245, %swap3A_246] {strides = array<i32>} : memref<32x128xf32, #tpu.memory_space<vmem>>, vector<16xf32>,
    tpu.vector_store %arg19[%swap3A_245, %swap3A_246], %broadcast_in_dim3A_28 {strides = array<i32>} : memref<32x128xf32, #tpu.memory_space<vmem>>, vector<16xf32>,
    %swap3A_248 = arith.constant 31 : i32
    %swap3A_249 = arith.index_cast %swap3A_248 : i32 to index
    %swap3A_250 = arith.constant 112 : index
    %swap3A_251 = tpu.vector_load %arg19[%swap3A_249, %swap3A_250] {strides = array<i32>} : memref<32x128xf32, #tpu.memory_space<vmem>>, vector<16xf32>,
    tpu.vector_store %arg19[%swap3A_249, %swap3A_250], %broadcast_in_dim3A_28 {strides = array<i32>} : memref<32x128xf32, #tpu.memory_space<vmem>>, vector<16xf32>,
    %iota3A = tpu.iota {dimensions = array<i32: 0>} : vector<16xi32>
    %eq3A = arith.constant 15 : i32
    %eq3A_252 = vector.broadcast %eq3A : i32 to vector<16xi32>
    %eq3A_253 = arith.cmpi eq, %iota3A, %eq3A_252 : vector<16xi32>
    %dma_start3A = arith.constant 0 : i32
    %dma_start3A_254 = tpu.memref_slice %arg8[%dma_start3A] : memref<512xi32, #tpu.memory_space<vmem>> -> memref<32xi32, #tpu.memory_space<vmem>>
    %dma_start3A_255 = arith.constant 0 : i32
    %dma_start3A_256 = arith.constant 0 : i32
    %dma_start3A_257 = tpu.memref_slice %arg5[%dma_start3A_255, %dma_start3A_256] : memref<1003520x64xf32, #tpu.memory_space<hbm>> -> memref<1003520x64xf32, #tpu.memory_space<hbm>>
    tpu.enqueue_indirect_dma source(%dma_start3A_257 : memref<1003520x64xf32, #tpu.memory_space<hbm>>) target(%arg11 : memref<32x64xf32, #tpu.memory_space<vmem>>) offsets(%dma_start3A_254 : memref<32xi32, #tpu.memory_space<vmem>>) semaphore(%arg14 : memref<!tpu.dma_semaphore, #tpu.memory_space<semaphore_mem>>)
    %dma_start3A_258 = arith.constant 0 : i32
    %dma_start3A_259 = arith.constant 0 : i32
    %dma_start3A_260 = tpu.memref_slice %arg12[%dma_start3A_258, %dma_start3A_259] : memref<160x64xf32, #tpu.memory_space<vmem>> -> memref<128x64xf32, #tpu.memory_space<vmem>>
    %dma_start3A_261 = arith.constant 0 : i32
    %dma_start3A_262 = tpu.memref_slice %arg9[%dma_start3A_261] : memref<2560xi32, #tpu.memory_space<vmem>> -> memref<128xi32, #tpu.memory_space<vmem>>
    %dma_start3A_263 = arith.constant 0 : i32
    %dma_start3A_264 = arith.constant 0 : i32
    %dma_start3A_265 = tpu.memref_slice %arg6[%dma_start3A_263, %dma_start3A_264] : memref<1003520x64xf32, #tpu.memory_space<hbm>> -> memref<1003520x64xf32, #tpu.memory_space<hbm>>
    tpu.enqueue_indirect_dma source(%dma_start3A_265 : memref<1003520x64xf32, #tpu.memory_space<hbm>>) target(%dma_start3A_260 : memref<128x64xf32, #tpu.memory_space<vmem>>) offsets(%dma_start3A_262 : memref<128xi32, #tpu.memory_space<vmem>>) semaphore(%arg14 : memref<!tpu.dma_semaphore, #tpu.memory_space<semaphore_mem>>)
    %dma_start3A_266 = arith.constant 128 : i32
    %dma_start3A_267 = arith.constant 0 : i32
    %dma_start3A_268 = tpu.memref_slice %arg12[%dma_start3A_266, %dma_start3A_267] : memref<160x64xf32, #tpu.memory_space<vmem>> -> memref<32x64xf32, #tpu.memory_space<vmem>>
    %dma_start3A_269 = arith.constant 128 : i32
    %dma_start3A_270 = tpu.memref_slice %arg9[%dma_start3A_269] : memref<2560xi32, #tpu.memory_space<vmem>> -> memref<32xi32, #tpu.memory_space<vmem>>
    %dma_start3A_271 = arith.constant 0 : i32
    %dma_start3A_272 = arith.constant 0 : i32
    %dma_start3A_273 = tpu.memref_slice %arg6[%dma_start3A_271, %dma_start3A_272] : memref<1003520x64xf32, #tpu.memory_space<hbm>> -> memref<1003520x64xf32, #tpu.memory_space<hbm>>
    tpu.enqueue_indirect_dma source(%dma_start3A_273 : memref<1003520x64xf32, #tpu.memory_space<hbm>>) target(%dma_start3A_268 : memref<32x64xf32, #tpu.memory_space<vmem>>) offsets(%dma_start3A_270 : memref<32xi32, #tpu.memory_space<vmem>>) semaphore(%arg14 : memref<!tpu.dma_semaphore, #tpu.memory_space<semaphore_mem>>)
    %dma_start3A_274 = arith.constant 0 : i32
    %dma_start3A_275 = arith.constant 0 : i32
    %dma_start3A_276 = tpu.memref_slice %arg13[%dma_start3A_274, %dma_start3A_275] : memref<640x64xf32, #tpu.memory_space<vmem>> -> memref<128x64xf32, #tpu.memory_space<vmem>>
    %dma_start3A_277 = arith.constant 0 : i32
    %dma_start3A_278 = tpu.memref_slice %arg10[%dma_start3A_277] : memref<10240xi32, #tpu.memory_space<vmem>> -> memref<128xi32, #tpu.memory_space<vmem>>
    %dma_start3A_279 = arith.constant 0 : i32
    %dma_start3A_280 = arith.constant 0 : i32
    %dma_start3A_281 = tpu.memref_slice %arg6[%dma_start3A_279, %dma_start3A_280] : memref<1003520x64xf32, #tpu.memory_space<hbm>> -> memref<1003520x64xf32, #tpu.memory_space<hbm>>
    tpu.enqueue_indirect_dma source(%dma_start3A_281 : memref<1003520x64xf32, #tpu.memory_space<hbm>>) target(%dma_start3A_276 : memref<128x64xf32, #tpu.memory_space<vmem>>) offsets(%dma_start3A_278 : memref<128xi32, #tpu.memory_space<vmem>>) semaphore(%arg14 : memref<!tpu.dma_semaphore, #tpu.memory_space<semaphore_mem>>)
    %dma_start3A_282 = arith.constant 128 : i32
    %dma_start3A_283 = arith.constant 0 : i32
    %dma_start3A_284 = tpu.memref_slice %arg13[%dma_start3A_282, %dma_start3A_283] : memref<640x64xf32, #tpu.memory_space<vmem>> -> memref<128x64xf32, #tpu.memory_space<vmem>>
    %dma_start3A_285 = arith.constant 128 : i32
    %dma_start3A_286 = tpu.memref_slice %arg10[%dma_start3A_285] : memref<10240xi32, #tpu.memory_space<vmem>> -> memref<128xi32, #tpu.memory_space<vmem>>
    %dma_start3A_287 = arith.constant 0 : i32
    %dma_start3A_288 = arith.constant 0 : i32
    %dma_start3A_289 = tpu.memref_slice %arg6[%dma_start3A_287, %dma_start3A_288] : memref<1003520x64xf32, #tpu.memory_space<hbm>> -> memref<1003520x64xf32, #tpu.memory_space<hbm>>
    tpu.enqueue_indirect_dma source(%dma_start3A_289 : memref<1003520x64xf32, #tpu.memory_space<hbm>>) target(%dma_start3A_284 : memref<128x64xf32, #tpu.memory_space<vmem>>) offsets(%dma_start3A_286 : memref<128xi32, #tpu.memory_space<vmem>>) semaphore(%arg14 : memref<!tpu.dma_semaphore, #tpu.memory_space<semaphore_mem>>)
    %dma_start3A_290 = arith.constant 256 : i32
    %dma_start3A_291 = arith.constant 0 : i32
    %dma_start3A_292 = tpu.memref_slice %arg13[%dma_start3A_290, %dma_start3A_291] : memref<640x64xf32, #tpu.memory_space<vmem>> -> memref<128x64xf32, #tpu.memory_space<vmem>>
    %dma_start3A_293 = arith.constant 256 : i32
    %dma_start3A_294 = tpu.memref_slice %arg10[%dma_start3A_293] : memref<10240xi32, #tpu.memory_space<vmem>> -> memref<128xi32, #tpu.memory_space<vmem>>
    %dma_start3A_295 = arith.constant 0 : i32
    %dma_start3A_296 = arith.constant 0 : i32
    %dma_start3A_297 = tpu.memref_slice %arg6[%dma_start3A_295, %dma_start3A_296] : memref<1003520x64xf32, #tpu.memory_space<hbm>> -> memref<1003520x64xf32, #tpu.memory_space<hbm>>
    tpu.enqueue_indirect_dma source(%dma_start3A_297 : memref<1003520x64xf32, #tpu.memory_space<hbm>>) target(%dma_start3A_292 : memref<128x64xf32, #tpu.memory_space<vmem>>) offsets(%dma_start3A_294 : memref<128xi32, #tpu.memory_space<vmem>>) semaphore(%arg14 : memref<!tpu.dma_semaphore, #tpu.memory_space<semaphore_mem>>)
    %dma_start3A_298 = arith.constant 384 : i32
    %dma_start3A_299 = arith.constant 0 : i32
    %dma_start3A_300 = tpu.memref_slice %arg13[%dma_start3A_298, %dma_start3A_299] : memref<640x64xf32, #tpu.memory_space<vmem>> -> memref<128x64xf32, #tpu.memory_space<vmem>>
    %dma_start3A_301 = arith.constant 384 : i32
    %dma_start3A_302 = tpu.memref_slice %arg10[%dma_start3A_301] : memref<10240xi32, #tpu.memory_space<vmem>> -> memref<128xi32, #tpu.memory_space<vmem>>
    %dma_start3A_303 = arith.constant 0 : i32
    %dma_start3A_304 = arith.constant 0 : i32
    %dma_start3A_305 = tpu.memref_slice %arg6[%dma_start3A_303, %dma_start3A_304] : memref<1003520x64xf32, #tpu.memory_space<hbm>> -> memref<1003520x64xf32, #tpu.memory_space<hbm>>
    tpu.enqueue_indirect_dma source(%dma_start3A_305 : memref<1003520x64xf32, #tpu.memory_space<hbm>>) target(%dma_start3A_300 : memref<128x64xf32, #tpu.memory_space<vmem>>) offsets(%dma_start3A_302 : memref<128xi32, #tpu.memory_space<vmem>>) semaphore(%arg14 : memref<!tpu.dma_semaphore, #tpu.memory_space<semaphore_mem>>)
    %dma_start3A_306 = arith.constant 512 : i32
    %dma_start3A_307 = arith.constant 0 : i32
    %dma_start3A_308 = tpu.memref_slice %arg13[%dma_start3A_306, %dma_start3A_307] : memref<640x64xf32, #tpu.memory_space<vmem>> -> memref<128x64xf32, #tpu.memory_space<vmem>>
    %dma_start3A_309 = arith.constant 512 : i32
    %dma_start3A_310 = tpu.memref_slice %arg10[%dma_start3A_309] : memref<10240xi32, #tpu.memory_space<vmem>> -> memref<128xi32, #tpu.memory_space<vmem>>
    %dma_start3A_311 = arith.constant 0 : i32
    %dma_start3A_312 = arith.constant 0 : i32
    %dma_start3A_313 = tpu.memref_slice %arg6[%dma_start3A_311, %dma_start3A_312] : memref<1003520x64xf32, #tpu.memory_space<hbm>> -> memref<1003520x64xf32, #tpu.memory_space<hbm>>
    tpu.enqueue_indirect_dma source(%dma_start3A_313 : memref<1003520x64xf32, #tpu.memory_space<hbm>>) target(%dma_start3A_308 : memref<128x64xf32, #tpu.memory_space<vmem>>) offsets(%dma_start3A_310 : memref<128xi32, #tpu.memory_space<vmem>>) semaphore(%arg14 : memref<!tpu.dma_semaphore, #tpu.memory_space<semaphore_mem>>)
    %scan3A_314 = arith.constant 0 : i32
    %scan3A_315 = arith.constant 0 : i32
    %scan3A_316 = arith.constant 4 : i32
    %scan3A_317 = arith.addi %scan3A_315, %scan3A_316 : i32
    %scan3A_318 = arith.constant 1 : i32
    scf.for %scan3A_320 = %scan3A_315 to %scan3A_317 step %scan3A_318  : i32 {
      %mul3A_321 = arith.constant 4 : i32
      %mul3A_322 = arith.muli %scan3A_320, %mul3A_321 : i32
      %add3A_323 = arith.constant 0 : i32
      %add3A_324 = arith.addi %mul3A_322, %add3A_323 : i32
      %lt3A = arith.constant 15 : i32
      %lt3A_325 = arith.cmpi slt, %add3A_324, %lt3A : i32
      %convert_element_type3A = arith.extui %lt3A_325 : i1 to i32
      %cond3A = arith.constant 0 : i32
      %cond3A_326 = arith.cmpi ne, %convert_element_type3A, %cond3A : i32
      scf.if %cond3A_326 {
        %add3A_772 = arith.constant 1 : i32
        %add3A_773 = arith.addi %add3A_324, %add3A_772 : i32
        %mul3A_774 = arith.constant 32 : i32
        %mul3A_775 = arith.muli %add3A_773, %mul3A_774 : i32
        %mul3A_776 = arith.constant 32 : i32
        %mul3A_777 = arith.muli %add3A_773, %mul3A_776 : i32
        %mul3A_778 = arith.constant 5 : i32
        %mul3A_779 = arith.muli %mul3A_777, %mul3A_778 : i32
        %add3A_780 = arith.constant 0 : i32
        %add3A_781 = arith.addi %mul3A_779, %add3A_780 : i32
        %mul3A_782 = arith.constant 32 : i32
        %mul3A_783 = arith.muli %add3A_773, %mul3A_782 : i32
        %mul3A_784 = arith.constant 5 : i32
        %mul3A_785 = arith.muli %mul3A_783, %mul3A_784 : i32
        %add3A_786 = arith.constant 128 : i32
        %add3A_787 = arith.addi %mul3A_785, %add3A_786 : i32
        %mul3A_788 = arith.constant 32 : i32
        %mul3A_789 = arith.muli %add3A_773, %mul3A_788 : i32
        %mul3A_790 = arith.constant 20 : i32
        %mul3A_791 = arith.muli %mul3A_789, %mul3A_790 : i32
        %add3A_792 = arith.constant 0 : i32
        %add3A_793 = arith.addi %mul3A_791, %add3A_792 : i32
        %mul3A_794 = arith.constant 32 : i32
        %mul3A_795 = arith.muli %add3A_773, %mul3A_794 : i32
        %mul3A_796 = arith.constant 20 : i32
        %mul3A_797 = arith.muli %mul3A_795, %mul3A_796 : i32
        %add3A_798 = arith.constant 128 : i32
        %add3A_799 = arith.addi %mul3A_797, %add3A_798 : i32
        %mul3A_800 = arith.constant 32 : i32
        %mul3A_801 = arith.muli %add3A_773, %mul3A_800 : i32
        %mul3A_802 = arith.constant 20 : i32
        %mul3A_803 = arith.muli %mul3A_801, %mul3A_802 : i32
        %add3A_804 = arith.constant 256 : i32
        %add3A_805 = arith.addi %mul3A_803, %add3A_804 : i32
        %mul3A_806 = arith.constant 32 : i32
        %mul3A_807 = arith.muli %add3A_773, %mul3A_806 : i32
        %mul3A_808 = arith.constant 20 : i32
        %mul3A_809 = arith.muli %mul3A_807, %mul3A_808 : i32
        %add3A_810 = arith.constant 384 : i32
        %add3A_811 = arith.addi %mul3A_809, %add3A_810 : i32
        %mul3A_812 = arith.constant 32 : i32
        %mul3A_813 = arith.muli %add3A_773, %mul3A_812 : i32
        %mul3A_814 = arith.constant 20 : i32
        %mul3A_815 = arith.muli %mul3A_813, %mul3A_814 : i32
        %add3A_816 = arith.constant 512 : i32
        %add3A_817 = arith.addi %mul3A_815, %add3A_816 : i32
        %dma_start3A_818 = tpu.memref_slice %arg8[%mul3A_775] : memref<512xi32, #tpu.memory_space<vmem>> -> memref<32xi32, #tpu.memory_space<vmem>>
        %dma_start3A_819 = arith.constant 0 : i32
        %dma_start3A_820 = arith.constant 0 : i32
        %dma_start3A_821 = tpu.memref_slice %arg5[%dma_start3A_819, %dma_start3A_820] : memref<1003520x64xf32, #tpu.memory_space<hbm>> -> memref<1003520x64xf32, #tpu.memory_space<hbm>>
        tpu.enqueue_indirect_dma source(%dma_start3A_821 : memref<1003520x64xf32, #tpu.memory_space<hbm>>) target(%arg15 : memref<32x64xf32, #tpu.memory_space<vmem>>) offsets(%dma_start3A_818 : memref<32xi32, #tpu.memory_space<vmem>>) semaphore(%arg18 : memref<!tpu.dma_semaphore, #tpu.memory_space<semaphore_mem>>)
        %dma_start3A_822 = arith.constant 0 : i32
        %dma_start3A_823 = arith.constant 0 : i32
        %dma_start3A_824 = tpu.memref_slice %arg16[%dma_start3A_822, %dma_start3A_823] : memref<160x64xf32, #tpu.memory_space<vmem>> -> memref<128x64xf32, #tpu.memory_space<vmem>>
        %dma_start3A_825 = tpu.memref_slice %arg9[%add3A_781] : memref<2560xi32, #tpu.memory_space<vmem>> -> memref<128xi32, #tpu.memory_space<vmem>>
        %dma_start3A_826 = arith.constant 0 : i32
        %dma_start3A_827 = arith.constant 0 : i32
        %dma_start3A_828 = tpu.memref_slice %arg6[%dma_start3A_826, %dma_start3A_827] : memref<1003520x64xf32, #tpu.memory_space<hbm>> -> memref<1003520x64xf32, #tpu.memory_space<hbm>>
        tpu.enqueue_indirect_dma source(%dma_start3A_828 : memref<1003520x64xf32, #tpu.memory_space<hbm>>) target(%dma_start3A_824 : memref<128x64xf32, #tpu.memory_space<vmem>>) offsets(%dma_start3A_825 : memref<128xi32, #tpu.memory_space<vmem>>) semaphore(%arg18 : memref<!tpu.dma_semaphore, #tpu.memory_space<semaphore_mem>>)
        %dma_start3A_829 = arith.constant 128 : i32
        %dma_start3A_830 = arith.constant 0 : i32
        %dma_start3A_831 = tpu.memref_slice %arg16[%dma_start3A_829, %dma_start3A_830] : memref<160x64xf32, #tpu.memory_space<vmem>> -> memref<32x64xf32, #tpu.memory_space<vmem>>
        %dma_start3A_832 = tpu.memref_slice %arg9[%add3A_787] : memref<2560xi32, #tpu.memory_space<vmem>> -> memref<32xi32, #tpu.memory_space<vmem>>
        %dma_start3A_833 = arith.constant 0 : i32
        %dma_start3A_834 = arith.constant 0 : i32
        %dma_start3A_835 = tpu.memref_slice %arg6[%dma_start3A_833, %dma_start3A_834] : memref<1003520x64xf32, #tpu.memory_space<hbm>> -> memref<1003520x64xf32, #tpu.memory_space<hbm>>
        tpu.enqueue_indirect_dma source(%dma_start3A_835 : memref<1003520x64xf32, #tpu.memory_space<hbm>>) target(%dma_start3A_831 : memref<32x64xf32, #tpu.memory_space<vmem>>) offsets(%dma_start3A_832 : memref<32xi32, #tpu.memory_space<vmem>>) semaphore(%arg18 : memref<!tpu.dma_semaphore, #tpu.memory_space<semaphore_mem>>)
        %dma_start3A_836 = arith.constant 0 : i32
        %dma_start3A_837 = arith.constant 0 : i32
        %dma_start3A_838 = tpu.memref_slice %arg17[%dma_start3A_836, %dma_start3A_837] : memref<640x64xf32, #tpu.memory_space<vmem>> -> memref<128x64xf32, #tpu.memory_space<vmem>>
        %dma_start3A_839 = tpu.memref_slice %arg10[%add3A_793] : memref<10240xi32, #tpu.memory_space<vmem>> -> memref<128xi32, #tpu.memory_space<vmem>>
        %dma_start3A_840 = arith.constant 0 : i32
        %dma_start3A_841 = arith.constant 0 : i32
        %dma_start3A_842 = tpu.memref_slice %arg6[%dma_start3A_840, %dma_start3A_841] : memref<1003520x64xf32, #tpu.memory_space<hbm>> -> memref<1003520x64xf32, #tpu.memory_space<hbm>>
        tpu.enqueue_indirect_dma source(%dma_start3A_842 : memref<1003520x64xf32, #tpu.memory_space<hbm>>) target(%dma_start3A_838 : memref<128x64xf32, #tpu.memory_space<vmem>>) offsets(%dma_start3A_839 : memref<128xi32, #tpu.memory_space<vmem>>) semaphore(%arg18 : memref<!tpu.dma_semaphore, #tpu.memory_space<semaphore_mem>>)
        %dma_start3A_843 = arith.constant 128 : i32
        %dma_start3A_844 = arith.constant 0 : i32
        %dma_start3A_845 = tpu.memref_slice %arg17[%dma_start3A_843, %dma_start3A_844] : memref<640x64xf32, #tpu.memory_space<vmem>> -> memref<128x64xf32, #tpu.memory_space<vmem>>
        %dma_start3A_846 = tpu.memref_slice %arg10[%add3A_799] : memref<10240xi32, #tpu.memory_space<vmem>> -> memref<128xi32, #tpu.memory_space<vmem>>
        %dma_start3A_847 = arith.constant 0 : i32
        %dma_start3A_848 = arith.constant 0 : i32
        %dma_start3A_849 = tpu.memref_slice %arg6[%dma_start3A_847, %dma_start3A_848] : memref<1003520x64xf32, #tpu.memory_space<hbm>> -> memref<1003520x64xf32, #tpu.memory_space<hbm>>
        tpu.enqueue_indirect_dma source(%dma_start3A_849 : memref<1003520x64xf32, #tpu.memory_space<hbm>>) target(%dma_start3A_845 : memref<128x64xf32, #tpu.memory_space<vmem>>) offsets(%dma_start3A_846 : memref<128xi32, #tpu.memory_space<vmem>>) semaphore(%arg18 : memref<!tpu.dma_semaphore, #tpu.memory_space<semaphore_mem>>)
        %dma_start3A_850 = arith.constant 256 : i32
        %dma_start3A_851 = arith.constant 0 : i32
        %dma_start3A_852 = tpu.memref_slice %arg17[%dma_start3A_850, %dma_start3A_851] : memref<640x64xf32, #tpu.memory_space<vmem>> -> memref<128x64xf32, #tpu.memory_space<vmem>>
        %dma_start3A_853 = tpu.memref_slice %arg10[%add3A_805] : memref<10240xi32, #tpu.memory_space<vmem>> -> memref<128xi32, #tpu.memory_space<vmem>>
        %dma_start3A_854 = arith.constant 0 : i32
        %dma_start3A_855 = arith.constant 0 : i32
        %dma_start3A_856 = tpu.memref_slice %arg6[%dma_start3A_854, %dma_start3A_855] : memref<1003520x64xf32, #tpu.memory_space<hbm>> -> memref<1003520x64xf32, #tpu.memory_space<hbm>>
        tpu.enqueue_indirect_dma source(%dma_start3A_856 : memref<1003520x64xf32, #tpu.memory_space<hbm>>) target(%dma_start3A_852 : memref<128x64xf32, #tpu.memory_space<vmem>>) offsets(%dma_start3A_853 : memref<128xi32, #tpu.memory_space<vmem>>) semaphore(%arg18 : memref<!tpu.dma_semaphore, #tpu.memory_space<semaphore_mem>>)
        %dma_start3A_857 = arith.constant 384 : i32
        %dma_start3A_858 = arith.constant 0 : i32
        %dma_start3A_859 = tpu.memref_slice %arg17[%dma_start3A_857, %dma_start3A_858] : memref<640x64xf32, #tpu.memory_space<vmem>> -> memref<128x64xf32, #tpu.memory_space<vmem>>
        %dma_start3A_860 = tpu.memref_slice %arg10[%add3A_811] : memref<10240xi32, #tpu.memory_space<vmem>> -> memref<128xi32, #tpu.memory_space<vmem>>
        %dma_start3A_861 = arith.constant 0 : i32
        %dma_start3A_862 = arith.constant 0 : i32
        %dma_start3A_863 = tpu.memref_slice %arg6[%dma_start3A_861, %dma_start3A_862] : memref<1003520x64xf32, #tpu.memory_space<hbm>> -> memref<1003520x64xf32, #tpu.memory_space<hbm>>
        tpu.enqueue_indirect_dma source(%dma_start3A_863 : memref<1003520x64xf32, #tpu.memory_space<hbm>>) target(%dma_start3A_859 : memref<128x64xf32, #tpu.memory_space<vmem>>) offsets(%dma_start3A_860 : memref<128xi32, #tpu.memory_space<vmem>>) semaphore(%arg18 : memref<!tpu.dma_semaphore, #tpu.memory_space<semaphore_mem>>)
        %dma_start3A_864 = arith.constant 512 : i32
        %dma_start3A_865 = arith.constant 0 : i32
        %dma_start3A_866 = tpu.memref_slice %arg17[%dma_start3A_864, %dma_start3A_865] : memref<640x64xf32, #tpu.memory_space<vmem>> -> memref<128x64xf32, #tpu.memory_space<vmem>>
        %dma_start3A_867 = tpu.memref_slice %arg10[%add3A_817] : memref<10240xi32, #tpu.memory_space<vmem>> -> memref<128xi32, #tpu.memory_space<vmem>>
        %dma_start3A_868 = arith.constant 0 : i32
        %dma_start3A_869 = arith.constant 0 : i32
        %dma_start3A_870 = tpu.memref_slice %arg6[%dma_start3A_868, %dma_start3A_869] : memref<1003520x64xf32, #tpu.memory_space<hbm>> -> memref<1003520x64xf32, #tpu.memory_space<hbm>>
        tpu.enqueue_indirect_dma source(%dma_start3A_870 : memref<1003520x64xf32, #tpu.memory_space<hbm>>) target(%dma_start3A_866 : memref<128x64xf32, #tpu.memory_space<vmem>>) offsets(%dma_start3A_867 : memref<128xi32, #tpu.memory_space<vmem>>) semaphore(%arg18 : memref<!tpu.dma_semaphore, #tpu.memory_space<semaphore_mem>>)
      } else {
      }
      %mul3A_327 = arith.constant 32 : i32
      %mul3A_328 = arith.muli %add3A_324, %mul3A_327 : i32
      %mul3A_329 = arith.constant 32 : i32
      %mul3A_330 = arith.muli %add3A_324, %mul3A_329 : i32
      %mul3A_331 = arith.constant 5 : i32
      %mul3A_332 = arith.muli %mul3A_330, %mul3A_331 : i32
      %add3A_333 = arith.constant 0 : i32
      %add3A_334 = arith.addi %mul3A_332, %add3A_333 : i32
      %mul3A_335 = arith.constant 32 : i32
      %mul3A_336 = arith.muli %add3A_324, %mul3A_335 : i32
      %mul3A_337 = arith.constant 5 : i32
      %mul3A_338 = arith.muli %mul3A_336, %mul3A_337 : i32
      %add3A_339 = arith.constant 128 : i32
      %add3A_340 = arith.addi %mul3A_338, %add3A_339 : i32
      %mul3A_341 = arith.constant 32 : i32
      %mul3A_342 = arith.muli %add3A_324, %mul3A_341 : i32
      %mul3A_343 = arith.constant 20 : i32
      %mul3A_344 = arith.muli %mul3A_342, %mul3A_343 : i32
      %add3A_345 = arith.constant 0 : i32
      %add3A_346 = arith.addi %mul3A_344, %add3A_345 : i32
      %mul3A_347 = arith.constant 32 : i32
      %mul3A_348 = arith.muli %add3A_324, %mul3A_347 : i32
      %mul3A_349 = arith.constant 20 : i32
      %mul3A_350 = arith.muli %mul3A_348, %mul3A_349 : i32
      %add3A_351 = arith.constant 128 : i32
      %add3A_352 = arith.addi %mul3A_350, %add3A_351 : i32
      %mul3A_353 = arith.constant 32 : i32
      %mul3A_354 = arith.muli %add3A_324, %mul3A_353 : i32
      %mul3A_355 = arith.constant 20 : i32
      %mul3A_356 = arith.muli %mul3A_354, %mul3A_355 : i32
      %add3A_357 = arith.constant 256 : i32
      %add3A_358 = arith.addi %mul3A_356, %add3A_357 : i32
      %mul3A_359 = arith.constant 32 : i32
      %mul3A_360 = arith.muli %add3A_324, %mul3A_359 : i32
      %mul3A_361 = arith.constant 20 : i32
      %mul3A_362 = arith.muli %mul3A_360, %mul3A_361 : i32
      %add3A_363 = arith.constant 384 : i32
      %add3A_364 = arith.addi %mul3A_362, %add3A_363 : i32
      %mul3A_365 = arith.constant 32 : i32
      %mul3A_366 = arith.muli %add3A_324, %mul3A_365 : i32
      %mul3A_367 = arith.constant 20 : i32
      %mul3A_368 = arith.muli %mul3A_366, %mul3A_367 : i32
      %add3A_369 = arith.constant 512 : i32
      %add3A_370 = arith.addi %mul3A_368, %add3A_369 : i32
      %dma_wait3A = tpu.memref_slice %arg8[%mul3A_328] : memref<512xi32, #tpu.memory_space<vmem>> -> memref<32xi32, #tpu.memory_space<vmem>>
      %dma_wait3A_371 = arith.constant 0 : i32
      %dma_wait3A_372 = arith.constant 0 : i32
      %dma_wait3A_373 = tpu.memref_slice %arg5[%dma_wait3A_371, %dma_wait3A_372] : memref<1003520x64xf32, #tpu.memory_space<hbm>> -> memref<1003520x64xf32, #tpu.memory_space<hbm>>
      tpu.wait_indirect_dma semaphore(%arg14 : memref<!tpu.dma_semaphore, #tpu.memory_space<semaphore_mem>>) src(%dma_wait3A_373 : memref<1003520x64xf32, #tpu.memory_space<hbm>>) dst(%arg11 : memref<32x64xf32, #tpu.memory_space<vmem>>)
      %dma_wait3A_374 = arith.constant 0 : i32
      %dma_wait3A_375 = arith.constant 0 : i32
      %dma_wait3A_376 = tpu.memref_slice %arg12[%dma_wait3A_374, %dma_wait3A_375] : memref<160x64xf32, #tpu.memory_space<vmem>> -> memref<128x64xf32, #tpu.memory_space<vmem>>
      %dma_wait3A_377 = tpu.memref_slice %arg9[%add3A_334] : memref<2560xi32, #tpu.memory_space<vmem>> -> memref<128xi32, #tpu.memory_space<vmem>>
      %dma_wait3A_378 = arith.constant 0 : i32
      %dma_wait3A_379 = arith.constant 0 : i32
      %dma_wait3A_380 = tpu.memref_slice %arg6[%dma_wait3A_378, %dma_wait3A_379] : memref<1003520x64xf32, #tpu.memory_space<hbm>> -> memref<1003520x64xf32, #tpu.memory_space<hbm>>
      tpu.wait_indirect_dma semaphore(%arg14 : memref<!tpu.dma_semaphore, #tpu.memory_space<semaphore_mem>>) src(%dma_wait3A_380 : memref<1003520x64xf32, #tpu.memory_space<hbm>>) dst(%dma_wait3A_376 : memref<128x64xf32, #tpu.memory_space<vmem>>)
      %dma_wait3A_381 = arith.constant 128 : i32
      %dma_wait3A_382 = arith.constant 0 : i32
      %dma_wait3A_383 = tpu.memref_slice %arg12[%dma_wait3A_381, %dma_wait3A_382] : memref<160x64xf32, #tpu.memory_space<vmem>> -> memref<32x64xf32, #tpu.memory_space<vmem>>
      %dma_wait3A_384 = tpu.memref_slice %arg9[%add3A_340] : memref<2560xi32, #tpu.memory_space<vmem>> -> memref<32xi32, #tpu.memory_space<vmem>>
      %dma_wait3A_385 = arith.constant 0 : i32
      %dma_wait3A_386 = arith.constant 0 : i32
      %dma_wait3A_387 = tpu.memref_slice %arg6[%dma_wait3A_385, %dma_wait3A_386] : memref<1003520x64xf32, #tpu.memory_space<hbm>> -> memref<1003520x64xf32, #tpu.memory_space<hbm>>
      tpu.wait_indirect_dma semaphore(%arg14 : memref<!tpu.dma_semaphore, #tpu.memory_space<semaphore_mem>>) src(%dma_wait3A_387 : memref<1003520x64xf32, #tpu.memory_space<hbm>>) dst(%dma_wait3A_383 : memref<32x64xf32, #tpu.memory_space<vmem>>)
      %dma_wait3A_388 = arith.constant 0 : i32
      %dma_wait3A_389 = arith.constant 0 : i32
      %dma_wait3A_390 = tpu.memref_slice %arg13[%dma_wait3A_388, %dma_wait3A_389] : memref<640x64xf32, #tpu.memory_space<vmem>> -> memref<128x64xf32, #tpu.memory_space<vmem>>
      %dma_wait3A_391 = tpu.memref_slice %arg10[%add3A_346] : memref<10240xi32, #tpu.memory_space<vmem>> -> memref<128xi32, #tpu.memory_space<vmem>>
      %dma_wait3A_392 = arith.constant 0 : i32
      %dma_wait3A_393 = arith.constant 0 : i32
      %dma_wait3A_394 = tpu.memref_slice %arg6[%dma_wait3A_392, %dma_wait3A_393] : memref<1003520x64xf32, #tpu.memory_space<hbm>> -> memref<1003520x64xf32, #tpu.memory_space<hbm>>
      tpu.wait_indirect_dma semaphore(%arg14 : memref<!tpu.dma_semaphore, #tpu.memory_space<semaphore_mem>>) src(%dma_wait3A_394 : memref<1003520x64xf32, #tpu.memory_space<hbm>>) dst(%dma_wait3A_390 : memref<128x64xf32, #tpu.memory_space<vmem>>)
      %dma_wait3A_395 = arith.constant 128 : i32
      %dma_wait3A_396 = arith.constant 0 : i32
      %dma_wait3A_397 = tpu.memref_slice %arg13[%dma_wait3A_395, %dma_wait3A_396] : memref<640x64xf32, #tpu.memory_space<vmem>> -> memref<128x64xf32, #tpu.memory_space<vmem>>
      %dma_wait3A_398 = tpu.memref_slice %arg10[%add3A_352] : memref<10240xi32, #tpu.memory_space<vmem>> -> memref<128xi32, #tpu.memory_space<vmem>>
      %dma_wait3A_399 = arith.constant 0 : i32
      %dma_wait3A_400 = arith.constant 0 : i32
      %dma_wait3A_401 = tpu.memref_slice %arg6[%dma_wait3A_399, %dma_wait3A_400] : memref<1003520x64xf32, #tpu.memory_space<hbm>> -> memref<1003520x64xf32, #tpu.memory_space<hbm>>
      tpu.wait_indirect_dma semaphore(%arg14 : memref<!tpu.dma_semaphore, #tpu.memory_space<semaphore_mem>>) src(%dma_wait3A_401 : memref<1003520x64xf32, #tpu.memory_space<hbm>>) dst(%dma_wait3A_397 : memref<128x64xf32, #tpu.memory_space<vmem>>)
      %dma_wait3A_402 = arith.constant 256 : i32
      %dma_wait3A_403 = arith.constant 0 : i32
      %dma_wait3A_404 = tpu.memref_slice %arg13[%dma_wait3A_402, %dma_wait3A_403] : memref<640x64xf32, #tpu.memory_space<vmem>> -> memref<128x64xf32, #tpu.memory_space<vmem>>
      %dma_wait3A_405 = tpu.memref_slice %arg10[%add3A_358] : memref<10240xi32, #tpu.memory_space<vmem>> -> memref<128xi32, #tpu.memory_space<vmem>>
      %dma_wait3A_406 = arith.constant 0 : i32
      %dma_wait3A_407 = arith.constant 0 : i32
      %dma_wait3A_408 = tpu.memref_slice %arg6[%dma_wait3A_406, %dma_wait3A_407] : memref<1003520x64xf32, #tpu.memory_space<hbm>> -> memref<1003520x64xf32, #tpu.memory_space<hbm>>
      tpu.wait_indirect_dma semaphore(%arg14 : memref<!tpu.dma_semaphore, #tpu.memory_space<semaphore_mem>>) src(%dma_wait3A_408 : memref<1003520x64xf32, #tpu.memory_space<hbm>>) dst(%dma_wait3A_404 : memref<128x64xf32, #tpu.memory_space<vmem>>)
      %dma_wait3A_409 = arith.constant 384 : i32
      %dma_wait3A_410 = arith.constant 0 : i32
      %dma_wait3A_411 = tpu.memref_slice %arg13[%dma_wait3A_409, %dma_wait3A_410] : memref<640x64xf32, #tpu.memory_space<vmem>> -> memref<128x64xf32, #tpu.memory_space<vmem>>
      %dma_wait3A_412 = tpu.memref_slice %arg10[%add3A_364] : memref<10240xi32, #tpu.memory_space<vmem>> -> memref<128xi32, #tpu.memory_space<vmem>>
      %dma_wait3A_413 = arith.constant 0 : i32
      %dma_wait3A_414 = arith.constant 0 : i32
      %dma_wait3A_415 = tpu.memref_slice %arg6[%dma_wait3A_413, %dma_wait3A_414] : memref<1003520x64xf32, #tpu.memory_space<hbm>> -> memref<1003520x64xf32, #tpu.memory_space<hbm>>
      tpu.wait_indirect_dma semaphore(%arg14 : memref<!tpu.dma_semaphore, #tpu.memory_space<semaphore_mem>>) src(%dma_wait3A_415 : memref<1003520x64xf32, #tpu.memory_space<hbm>>) dst(%dma_wait3A_411 : memref<128x64xf32, #tpu.memory_space<vmem>>)
      %dma_wait3A_416 = arith.constant 512 : i32
      %dma_wait3A_417 = arith.constant 0 : i32
      %dma_wait3A_418 = tpu.memref_slice %arg13[%dma_wait3A_416, %dma_wait3A_417] : memref<640x64xf32, #tpu.memory_space<vmem>> -> memref<128x64xf32, #tpu.memory_space<vmem>>
      %dma_wait3A_419 = tpu.memref_slice %arg10[%add3A_370] : memref<10240xi32, #tpu.memory_space<vmem>> -> memref<128xi32, #tpu.memory_space<vmem>>
      %dma_wait3A_420 = arith.constant 0 : i32
      %dma_wait3A_421 = arith.constant 0 : i32
      %dma_wait3A_422 = tpu.memref_slice %arg6[%dma_wait3A_420, %dma_wait3A_421] : memref<1003520x64xf32, #tpu.memory_space<hbm>> -> memref<1003520x64xf32, #tpu.memory_space<hbm>>
      tpu.wait_indirect_dma semaphore(%arg14 : memref<!tpu.dma_semaphore, #tpu.memory_space<semaphore_mem>>) src(%dma_wait3A_422 : memref<1003520x64xf32, #tpu.memory_space<hbm>>) dst(%dma_wait3A_418 : memref<128x64xf32, #tpu.memory_space<vmem>>)
      %scan3A_423 = arith.constant 0 : i32
      %scan3A_424 = arith.constant 0 : i32
      %scan3A_425 = arith.constant 32 : i32
      %scan3A_426 = arith.addi %scan3A_424, %scan3A_425 : i32
      %scan3A_427 = arith.constant 1 : i32
      scf.for %scan3A_772 = %scan3A_424 to %scan3A_426 step %scan3A_427  : i32 {
        %get3A = arith.index_cast %scan3A_772 : i32 to index
        %get3A_773 = arith.constant 0 : index
        %get3A_774 = tpu.vector_load %arg11[%get3A, %get3A_773] {strides = array<i32>} : memref<32x64xf32, #tpu.memory_space<vmem>>, vector<16xf32>,
        %get3A_775 = arith.index_cast %scan3A_772 : i32 to index
        %get3A_776 = arith.constant 16 : index
        %get3A_777 = tpu.vector_load %arg11[%get3A_775, %get3A_776] {strides = array<i32>} : memref<32x64xf32, #tpu.memory_space<vmem>>, vector<16xf32>,
        %get3A_778 = arith.index_cast %scan3A_772 : i32 to index
        %get3A_779 = arith.constant 32 : index
        %get3A_780 = tpu.vector_load %arg11[%get3A_778, %get3A_779] {strides = array<i32>} : memref<32x64xf32, #tpu.memory_space<vmem>>, vector<16xf32>,
        %get3A_781 = arith.index_cast %scan3A_772 : i32 to index
        %get3A_782 = arith.constant 48 : index
        %get3A_783 = tpu.vector_load %arg11[%get3A_781, %get3A_782] {strides = array<i32>} : memref<32x64xf32, #tpu.memory_space<vmem>>, vector<16xf32>,
        %broadcast_in_dim3A_784 = arith.constant 0 : i32
        %broadcast_in_dim3A_785 = vector.broadcast %broadcast_in_dim3A_784 : i32 to vector<16xi32>
        %add3A_786 = vector.broadcast %scan3A_772 : i32 to vector<16xi32>
        %add3A_787 = arith.addi %broadcast_in_dim3A_785, %add3A_786 : vector<16xi32>
        %mul3A_788 = arith.constant 5 : i32
        %mul3A_789 = arith.muli %scan3A_772, %mul3A_788 : i32
        %add3A_790 = arith.constant 0 : i32
        %add3A_791 = arith.addi %mul3A_789, %add3A_790 : i32
        %get3A_792 = arith.index_cast %add3A_791 : i32 to index
        %get3A_793 = arith.constant 0 : index
        %get3A_794 = tpu.vector_load %arg12[%get3A_792, %get3A_793] {strides = array<i32>} : memref<160x64xf32, #tpu.memory_space<vmem>>, vector<16xf32>,
        %mul3A_795 = arith.mulf %get3A_774, %get3A_794 : vector<16xf32>
        %get3A_796 = arith.index_cast %add3A_791 : i32 to index
        %get3A_797 = arith.constant 16 : index
        %get3A_798 = tpu.vector_load %arg12[%get3A_796, %get3A_797] {strides = array<i32>} : memref<160x64xf32, #tpu.memory_space<vmem>>, vector<16xf32>,
        %mul3A_799 = arith.mulf %get3A_777, %get3A_798 : vector<16xf32>
        %add3A_800 = arith.addf %mul3A_795, %mul3A_799 : vector<16xf32>
        %get3A_801 = arith.index_cast %add3A_791 : i32 to index
        %get3A_802 = arith.constant 32 : index
        %get3A_803 = tpu.vector_load %arg12[%get3A_801, %get3A_802] {strides = array<i32>} : memref<160x64xf32, #tpu.memory_space<vmem>>, vector<16xf32>,
        %mul3A_804 = arith.mulf %get3A_780, %get3A_803 : vector<16xf32>
        %add3A_805 = arith.addf %add3A_800, %mul3A_804 : vector<16xf32>
        %get3A_806 = arith.index_cast %add3A_791 : i32 to index
        %get3A_807 = arith.constant 48 : index
        %get3A_808 = tpu.vector_load %arg12[%get3A_806, %get3A_807] {strides = array<i32>} : memref<160x64xf32, #tpu.memory_space<vmem>>, vector<16xf32>,
        %mul3A_809 = arith.mulf %get3A_783, %get3A_808 : vector<16xf32>
        %add3A_810 = arith.addf %add3A_805, %mul3A_809 : vector<16xf32>
        %broadcast_in_dim3A_811 = arith.constant true
        %broadcast_in_dim3A_812 = vector.broadcast %broadcast_in_dim3A_811 : i1 to vector<16xi1>
        %masked_cumsum3A = tpu.scan <sum>, %add3A_810 masked %broadcast_in_dim3A_812 : vector<16xf32>, vector<16xi1> -> vector<16xf32>
        %broadcast_in_dim3A_813 = arith.constant 0 : i32
        %broadcast_in_dim3A_814 = vector.broadcast %broadcast_in_dim3A_813 : i32 to vector<16xi32>
        tpu.vector_store_idx %arg19[%broadcast_in_dim3A_814, %add3A_787], %masked_cumsum3A masked %eq3A_253 : memref<32x128xf32, #tpu.memory_space<vmem>>[vector<16xi32>, vector<16xi32>], vector<16xf32>, vector<16xi1>
        %mul3A_815 = arith.constant 5 : i32
        %mul3A_816 = arith.muli %scan3A_772, %mul3A_815 : i32
        %add3A_817 = arith.constant 1 : i32
        %add3A_818 = arith.addi %mul3A_816, %add3A_817 : i32
        %get3A_819 = arith.index_cast %add3A_818 : i32 to index
        %get3A_820 = arith.constant 0 : index
        %get3A_821 = tpu.vector_load %arg12[%get3A_819, %get3A_820] {strides = array<i32>} : memref<160x64xf32, #tpu.memory_space<vmem>>, vector<16xf32>,
        %mul3A_822 = arith.mulf %get3A_774, %get3A_821 : vector<16xf32>
        %get3A_823 = arith.index_cast %add3A_818 : i32 to index
        %get3A_824 = arith.constant 16 : index
        %get3A_825 = tpu.vector_load %arg12[%get3A_823, %get3A_824] {strides = array<i32>} : memref<160x64xf32, #tpu.memory_space<vmem>>, vector<16xf32>,
        %mul3A_826 = arith.mulf %get3A_777, %get3A_825 : vector<16xf32>
        %add3A_827 = arith.addf %mul3A_822, %mul3A_826 : vector<16xf32>
        %get3A_828 = arith.index_cast %add3A_818 : i32 to index
        %get3A_829 = arith.constant 32 : index
        %get3A_830 = tpu.vector_load %arg12[%get3A_828, %get3A_829] {strides = array<i32>} : memref<160x64xf32, #tpu.memory_space<vmem>>, vector<16xf32>,
        %mul3A_831 = arith.mulf %get3A_780, %get3A_830 : vector<16xf32>
        %add3A_832 = arith.addf %add3A_827, %mul3A_831 : vector<16xf32>
        %get3A_833 = arith.index_cast %add3A_818 : i32 to index
        %get3A_834 = arith.constant 48 : index
        %get3A_835 = tpu.vector_load %arg12[%get3A_833, %get3A_834] {strides = array<i32>} : memref<160x64xf32, #tpu.memory_space<vmem>>, vector<16xf32>,
        %mul3A_836 = arith.mulf %get3A_783, %get3A_835 : vector<16xf32>
        %add3A_837 = arith.addf %add3A_832, %mul3A_836 : vector<16xf32>
        %broadcast_in_dim3A_838 = arith.constant true
        %broadcast_in_dim3A_839 = vector.broadcast %broadcast_in_dim3A_838 : i1 to vector<16xi1>
        %masked_cumsum3A_840 = tpu.scan <sum>, %add3A_837 masked %broadcast_in_dim3A_839 : vector<16xf32>, vector<16xi1> -> vector<16xf32>
        %broadcast_in_dim3A_841 = arith.constant 1 : i32
        %broadcast_in_dim3A_842 = vector.broadcast %broadcast_in_dim3A_841 : i32 to vector<16xi32>
        tpu.vector_store_idx %arg19[%broadcast_in_dim3A_842, %add3A_787], %masked_cumsum3A_840 masked %eq3A_253 : memref<32x128xf32, #tpu.memory_space<vmem>>[vector<16xi32>, vector<16xi32>], vector<16xf32>, vector<16xi1>
        %mul3A_843 = arith.constant 5 : i32
        %mul3A_844 = arith.muli %scan3A_772, %mul3A_843 : i32
        %add3A_845 = arith.constant 2 : i32
        %add3A_846 = arith.addi %mul3A_844, %add3A_845 : i32
        %get3A_847 = arith.index_cast %add3A_846 : i32 to index
        %get3A_848 = arith.constant 0 : index
        %get3A_849 = tpu.vector_load %arg12[%get3A_847, %get3A_848] {strides = array<i32>} : memref<160x64xf32, #tpu.memory_space<vmem>>, vector<16xf32>,
        %mul3A_850 = arith.mulf %get3A_774, %get3A_849 : vector<16xf32>
        %get3A_851 = arith.index_cast %add3A_846 : i32 to index
        %get3A_852 = arith.constant 16 : index
        %get3A_853 = tpu.vector_load %arg12[%get3A_851, %get3A_852] {strides = array<i32>} : memref<160x64xf32, #tpu.memory_space<vmem>>, vector<16xf32>,
        %mul3A_854 = arith.mulf %get3A_777, %get3A_853 : vector<16xf32>
        %add3A_855 = arith.addf %mul3A_850, %mul3A_854 : vector<16xf32>
        %get3A_856 = arith.index_cast %add3A_846 : i32 to index
        %get3A_857 = arith.constant 32 : index
        %get3A_858 = tpu.vector_load %arg12[%get3A_856, %get3A_857] {strides = array<i32>} : memref<160x64xf32, #tpu.memory_space<vmem>>, vector<16xf32>,
        %mul3A_859 = arith.mulf %get3A_780, %get3A_858 : vector<16xf32>
        %add3A_860 = arith.addf %add3A_855, %mul3A_859 : vector<16xf32>
        %get3A_861 = arith.index_cast %add3A_846 : i32 to index
        %get3A_862 = arith.constant 48 : index
        %get3A_863 = tpu.vector_load %arg12[%get3A_861, %get3A_862] {strides = array<i32>} : memref<160x64xf32, #tpu.memory_space<vmem>>, vector<16xf32>,
        %mul3A_864 = arith.mulf %get3A_783, %get3A_863 : vector<16xf32>
        %add3A_865 = arith.addf %add3A_860, %mul3A_864 : vector<16xf32>
        %broadcast_in_dim3A_866 = arith.constant true
        %broadcast_in_dim3A_867 = vector.broadcast %broadcast_in_dim3A_866 : i1 to vector<16xi1>
        %masked_cumsum3A_868 = tpu.scan <sum>, %add3A_865 masked %broadcast_in_dim3A_867 : vector<16xf32>, vector<16xi1> -> vector<16xf32>
        %broadcast_in_dim3A_869 = arith.constant 2 : i32
        %broadcast_in_dim3A_870 = vector.broadcast %broadcast_in_dim3A_869 : i32 to vector<16xi32>
        tpu.vector_store_idx %arg19[%broadcast_in_dim3A_870, %add3A_787], %masked_cumsum3A_868 masked %eq3A_253 : memref<32x128xf32, #tpu.memory_space<vmem>>[vector<16xi32>, vector<16xi32>], vector<16xf32>, vector<16xi1>
        %mul3A_871 = arith.constant 5 : i32
        %mul3A_872 = arith.muli %scan3A_772, %mul3A_871 : i32
        %add3A_873 = arith.constant 3 : i32
        %add3A_874 = arith.addi %mul3A_872, %add3A_873 : i32
        %get3A_875 = arith.index_cast %add3A_874 : i32 to index
        %get3A_876 = arith.constant 0 : index
        %get3A_877 = tpu.vector_load %arg12[%get3A_875, %get3A_876] {strides = array<i32>} : memref<160x64xf32, #tpu.memory_space<vmem>>, vector<16xf32>,
        %mul3A_878 = arith.mulf %get3A_774, %get3A_877 : vector<16xf32>
        %get3A_879 = arith.index_cast %add3A_874 : i32 to index
        %get3A_880 = arith.constant 16 : index
        %get3A_881 = tpu.vector_load %arg12[%get3A_879, %get3A_880] {strides = array<i32>} : memref<160x64xf32, #tpu.memory_space<vmem>>, vector<16xf32>,
        %mul3A_882 = arith.mulf %get3A_777, %get3A_881 : vector<16xf32>
        %add3A_883 = arith.addf %mul3A_878, %mul3A_882 : vector<16xf32>
        %get3A_884 = arith.index_cast %add3A_874 : i32 to index
        %get3A_885 = arith.constant 32 : index
        %get3A_886 = tpu.vector_load %arg12[%get3A_884, %get3A_885] {strides = array<i32>} : memref<160x64xf32, #tpu.memory_space<vmem>>, vector<16xf32>,
        %mul3A_887 = arith.mulf %get3A_780, %get3A_886 : vector<16xf32>
        %add3A_888 = arith.addf %add3A_883, %mul3A_887 : vector<16xf32>
        %get3A_889 = arith.index_cast %add3A_874 : i32 to index
        %get3A_890 = arith.constant 48 : index
        %get3A_891 = tpu.vector_load %arg12[%get3A_889, %get3A_890] {strides = array<i32>} : memref<160x64xf32, #tpu.memory_space<vmem>>, vector<16xf32>,
        %mul3A_892 = arith.mulf %get3A_783, %get3A_891 : vector<16xf32>
        %add3A_893 = arith.addf %add3A_888, %mul3A_892 : vector<16xf32>
        %broadcast_in_dim3A_894 = arith.constant true
        %broadcast_in_dim3A_895 = vector.broadcast %broadcast_in_dim3A_894 : i1 to vector<16xi1>
        %masked_cumsum3A_896 = tpu.scan <sum>, %add3A_893 masked %broadcast_in_dim3A_895 : vector<16xf32>, vector<16xi1> -> vector<16xf32>
        %broadcast_in_dim3A_897 = arith.constant 3 : i32
        %broadcast_in_dim3A_898 = vector.broadcast %broadcast_in_dim3A_897 : i32 to vector<16xi32>
        tpu.vector_store_idx %arg19[%broadcast_in_dim3A_898, %add3A_787], %masked_cumsum3A_896 masked %eq3A_253 : memref<32x128xf32, #tpu.memory_space<vmem>>[vector<16xi32>, vector<16xi32>], vector<16xf32>, vector<16xi1>
        %mul3A_899 = arith.constant 5 : i32
        %mul3A_900 = arith.muli %scan3A_772, %mul3A_899 : i32
        %add3A_901 = arith.constant 4 : i32
        %add3A_902 = arith.addi %mul3A_900, %add3A_901 : i32
        %get3A_903 = arith.index_cast %add3A_902 : i32 to index
        %get3A_904 = arith.constant 0 : index
        %get3A_905 = tpu.vector_load %arg12[%get3A_903, %get3A_904] {strides = array<i32>} : memref<160x64xf32, #tpu.memory_space<vmem>>, vector<16xf32>,
        %mul3A_906 = arith.mulf %get3A_774, %get3A_905 : vector<16xf32>
        %get3A_907 = arith.index_cast %add3A_902 : i32 to index
        %get3A_908 = arith.constant 16 : index
        %get3A_909 = tpu.vector_load %arg12[%get3A_907, %get3A_908] {strides = array<i32>} : memref<160x64xf32, #tpu.memory_space<vmem>>, vector<16xf32>,
        %mul3A_910 = arith.mulf %get3A_777, %get3A_909 : vector<16xf32>
        %add3A_911 = arith.addf %mul3A_906, %mul3A_910 : vector<16xf32>
        %get3A_912 = arith.index_cast %add3A_902 : i32 to index
        %get3A_913 = arith.constant 32 : index
        %get3A_914 = tpu.vector_load %arg12[%get3A_912, %get3A_913] {strides = array<i32>} : memref<160x64xf32, #tpu.memory_space<vmem>>, vector<16xf32>,
        %mul3A_915 = arith.mulf %get3A_780, %get3A_914 : vector<16xf32>
        %add3A_916 = arith.addf %add3A_911, %mul3A_915 : vector<16xf32>
        %get3A_917 = arith.index_cast %add3A_902 : i32 to index
        %get3A_918 = arith.constant 48 : index
        %get3A_919 = tpu.vector_load %arg12[%get3A_917, %get3A_918] {strides = array<i32>} : memref<160x64xf32, #tpu.memory_space<vmem>>, vector<16xf32>,
        %mul3A_920 = arith.mulf %get3A_783, %get3A_919 : vector<16xf32>
        %add3A_921 = arith.addf %add3A_916, %mul3A_920 : vector<16xf32>
        %broadcast_in_dim3A_922 = arith.constant true
        %broadcast_in_dim3A_923 = vector.broadcast %broadcast_in_dim3A_922 : i1 to vector<16xi1>
        %masked_cumsum3A_924 = tpu.scan <sum>, %add3A_921 masked %broadcast_in_dim3A_923 : vector<16xf32>, vector<16xi1> -> vector<16xf32>
        %broadcast_in_dim3A_925 = arith.constant 4 : i32
        %broadcast_in_dim3A_926 = vector.broadcast %broadcast_in_dim3A_925 : i32 to vector<16xi32>
        tpu.vector_store_idx %arg19[%broadcast_in_dim3A_926, %add3A_787], %masked_cumsum3A_924 masked %eq3A_253 : memref<32x128xf32, #tpu.memory_space<vmem>>[vector<16xi32>, vector<16xi32>], vector<16xf32>, vector<16xi1>
        %mul3A_927 = arith.constant 20 : i32
        %mul3A_928 = arith.muli %scan3A_772, %mul3A_927 : i32
        %add3A_929 = arith.constant 0 : i32
        %add3A_930 = arith.addi %mul3A_928, %add3A_929 : i32
        %get3A_931 = arith.index_cast %add3A_930 : i32 to index
        %get3A_932 = arith.constant 0 : index
        %get3A_933 = tpu.vector_load %arg13[%get3A_931, %get3A_932] {strides = array<i32>} : memref<640x64xf32, #tpu.memory_space<vmem>>, vector<16xf32>,
        %mul3A_934 = arith.mulf %get3A_774, %get3A_933 : vector<16xf32>
        %get3A_935 = arith.index_cast %add3A_930 : i32 to index
        %get3A_936 = arith.constant 16 : index
        %get3A_937 = tpu.vector_load %arg13[%get3A_935, %get3A_936] {strides = array<i32>} : memref<640x64xf32, #tpu.memory_space<vmem>>, vector<16xf32>,
        %mul3A_938 = arith.mulf %get3A_777, %get3A_937 : vector<16xf32>
        %add3A_939 = arith.addf %mul3A_934, %mul3A_938 : vector<16xf32>
        %get3A_940 = arith.index_cast %add3A_930 : i32 to index
        %get3A_941 = arith.constant 32 : index
        %get3A_942 = tpu.vector_load %arg13[%get3A_940, %get3A_941] {strides = array<i32>} : memref<640x64xf32, #tpu.memory_space<vmem>>, vector<16xf32>,
        %mul3A_943 = arith.mulf %get3A_780, %get3A_942 : vector<16xf32>
        %add3A_944 = arith.addf %add3A_939, %mul3A_943 : vector<16xf32>
        %get3A_945 = arith.index_cast %add3A_930 : i32 to index
        %get3A_946 = arith.constant 48 : index
        %get3A_947 = tpu.vector_load %arg13[%get3A_945, %get3A_946] {strides = array<i32>} : memref<640x64xf32, #tpu.memory_space<vmem>>, vector<16xf32>,
        %mul3A_948 = arith.mulf %get3A_783, %get3A_947 : vector<16xf32>
        %add3A_949 = arith.addf %add3A_944, %mul3A_948 : vector<16xf32>
        %broadcast_in_dim3A_950 = arith.constant true
        %broadcast_in_dim3A_951 = vector.broadcast %broadcast_in_dim3A_950 : i1 to vector<16xi1>
        %masked_cumsum3A_952 = tpu.scan <sum>, %add3A_949 masked %broadcast_in_dim3A_951 : vector<16xf32>, vector<16xi1> -> vector<16xf32>
        %broadcast_in_dim3A_953 = arith.constant 5 : i32
        %broadcast_in_dim3A_954 = vector.broadcast %broadcast_in_dim3A_953 : i32 to vector<16xi32>
        tpu.vector_store_idx %arg19[%broadcast_in_dim3A_954, %add3A_787], %masked_cumsum3A_952 masked %eq3A_253 : memref<32x128xf32, #tpu.memory_space<vmem>>[vector<16xi32>, vector<16xi32>], vector<16xf32>, vector<16xi1>
        %mul3A_955 = arith.constant 20 : i32
        %mul3A_956 = arith.muli %scan3A_772, %mul3A_955 : i32
        %add3A_957 = arith.constant 1 : i32
        %add3A_958 = arith.addi %mul3A_956, %add3A_957 : i32
        %get3A_959 = arith.index_cast %add3A_958 : i32 to index
        %get3A_960 = arith.constant 0 : index
        %get3A_961 = tpu.vector_load %arg13[%get3A_959, %get3A_960] {strides = array<i32>} : memref<640x64xf32, #tpu.memory_space<vmem>>, vector<16xf32>,
        %mul3A_962 = arith.mulf %get3A_774, %get3A_961 : vector<16xf32>
        %get3A_963 = arith.index_cast %add3A_958 : i32 to index
        %get3A_964 = arith.constant 16 : index
        %get3A_965 = tpu.vector_load %arg13[%get3A_963, %get3A_964] {strides = array<i32>} : memref<640x64xf32, #tpu.memory_space<vmem>>, vector<16xf32>,
        %mul3A_966 = arith.mulf %get3A_777, %get3A_965 : vector<16xf32>
        %add3A_967 = arith.addf %mul3A_962, %mul3A_966 : vector<16xf32>
        %get3A_968 = arith.index_cast %add3A_958 : i32 to index
        %get3A_969 = arith.constant 32 : index
        %get3A_970 = tpu.vector_load %arg13[%get3A_968, %get3A_969] {strides = array<i32>} : memref<640x64xf32, #tpu.memory_space<vmem>>, vector<16xf32>,
        %mul3A_971 = arith.mulf %get3A_780, %get3A_970 : vector<16xf32>
        %add3A_972 = arith.addf %add3A_967, %mul3A_971 : vector<16xf32>
        %get3A_973 = arith.index_cast %add3A_958 : i32 to index
        %get3A_974 = arith.constant 48 : index
        %get3A_975 = tpu.vector_load %arg13[%get3A_973, %get3A_974] {strides = array<i32>} : memref<640x64xf32, #tpu.memory_space<vmem>>, vector<16xf32>,
        %mul3A_976 = arith.mulf %get3A_783, %get3A_975 : vector<16xf32>
        %add3A_977 = arith.addf %add3A_972, %mul3A_976 : vector<16xf32>
        %broadcast_in_dim3A_978 = arith.constant true
        %broadcast_in_dim3A_979 = vector.broadcast %broadcast_in_dim3A_978 : i1 to vector<16xi1>
        %masked_cumsum3A_980 = tpu.scan <sum>, %add3A_977 masked %broadcast_in_dim3A_979 : vector<16xf32>, vector<16xi1> -> vector<16xf32>
        %broadcast_in_dim3A_981 = arith.constant 6 : i32
        %broadcast_in_dim3A_982 = vector.broadcast %broadcast_in_dim3A_981 : i32 to vector<16xi32>
        tpu.vector_store_idx %arg19[%broadcast_in_dim3A_982, %add3A_787], %masked_cumsum3A_980 masked %eq3A_253 : memref<32x128xf32, #tpu.memory_space<vmem>>[vector<16xi32>, vector<16xi32>], vector<16xf32>, vector<16xi1>
        %mul3A_983 = arith.constant 20 : i32
        %mul3A_984 = arith.muli %scan3A_772, %mul3A_983 : i32
        %add3A_985 = arith.constant 2 : i32
        %add3A_986 = arith.addi %mul3A_984, %add3A_985 : i32
        %get3A_987 = arith.index_cast %add3A_986 : i32 to index
        %get3A_988 = arith.constant 0 : index
        %get3A_989 = tpu.vector_load %arg13[%get3A_987, %get3A_988] {strides = array<i32>} : memref<640x64xf32, #tpu.memory_space<vmem>>, vector<16xf32>,
        %mul3A_990 = arith.mulf %get3A_774, %get3A_989 : vector<16xf32>
        %get3A_991 = arith.index_cast %add3A_986 : i32 to index
        %get3A_992 = arith.constant 16 : index
        %get3A_993 = tpu.vector_load %arg13[%get3A_991, %get3A_992] {strides = array<i32>} : memref<640x64xf32, #tpu.memory_space<vmem>>, vector<16xf32>,
        %mul3A_994 = arith.mulf %get3A_777, %get3A_993 : vector<16xf32>
        %add3A_995 = arith.addf %mul3A_990, %mul3A_994 : vector<16xf32>
        %get3A_996 = arith.index_cast %add3A_986 : i32 to index
        %get3A_997 = arith.constant 32 : index
        %get3A_998 = tpu.vector_load %arg13[%get3A_996, %get3A_997] {strides = array<i32>} : memref<640x64xf32, #tpu.memory_space<vmem>>, vector<16xf32>,
        %mul3A_999 = arith.mulf %get3A_780, %get3A_998 : vector<16xf32>
        %add3A_1000 = arith.addf %add3A_995, %mul3A_999 : vector<16xf32>
        %get3A_1001 = arith.index_cast %add3A_986 : i32 to index
        %get3A_1002 = arith.constant 48 : index
        %get3A_1003 = tpu.vector_load %arg13[%get3A_1001, %get3A_1002] {strides = array<i32>} : memref<640x64xf32, #tpu.memory_space<vmem>>, vector<16xf32>,
        %mul3A_1004 = arith.mulf %get3A_783, %get3A_1003 : vector<16xf32>
        %add3A_1005 = arith.addf %add3A_1000, %mul3A_1004 : vector<16xf32>
        %broadcast_in_dim3A_1006 = arith.constant true
        %broadcast_in_dim3A_1007 = vector.broadcast %broadcast_in_dim3A_1006 : i1 to vector<16xi1>
        %masked_cumsum3A_1008 = tpu.scan <sum>, %add3A_1005 masked %broadcast_in_dim3A_1007 : vector<16xf32>, vector<16xi1> -> vector<16xf32>
        %broadcast_in_dim3A_1009 = arith.constant 7 : i32
        %broadcast_in_dim3A_1010 = vector.broadcast %broadcast_in_dim3A_1009 : i32 to vector<16xi32>
        tpu.vector_store_idx %arg19[%broadcast_in_dim3A_1010, %add3A_787], %masked_cumsum3A_1008 masked %eq3A_253 : memref<32x128xf32, #tpu.memory_space<vmem>>[vector<16xi32>, vector<16xi32>], vector<16xf32>, vector<16xi1>
        %mul3A_1011 = arith.constant 20 : i32
        %mul3A_1012 = arith.muli %scan3A_772, %mul3A_1011 : i32
        %add3A_1013 = arith.constant 3 : i32
        %add3A_1014 = arith.addi %mul3A_1012, %add3A_1013 : i32
        %get3A_1015 = arith.index_cast %add3A_1014 : i32 to index
        %get3A_1016 = arith.constant 0 : index
        %get3A_1017 = tpu.vector_load %arg13[%get3A_1015, %get3A_1016] {strides = array<i32>} : memref<640x64xf32, #tpu.memory_space<vmem>>, vector<16xf32>,
        %mul3A_1018 = arith.mulf %get3A_774, %get3A_1017 : vector<16xf32>
        %get3A_1019 = arith.index_cast %add3A_1014 : i32 to index
        %get3A_1020 = arith.constant 16 : index
        %get3A_1021 = tpu.vector_load %arg13[%get3A_1019, %get3A_1020] {strides = array<i32>} : memref<640x64xf32, #tpu.memory_space<vmem>>, vector<16xf32>,
        %mul3A_1022 = arith.mulf %get3A_777, %get3A_1021 : vector<16xf32>
        %add3A_1023 = arith.addf %mul3A_1018, %mul3A_1022 : vector<16xf32>
        %get3A_1024 = arith.index_cast %add3A_1014 : i32 to index
        %get3A_1025 = arith.constant 32 : index
        %get3A_1026 = tpu.vector_load %arg13[%get3A_1024, %get3A_1025] {strides = array<i32>} : memref<640x64xf32, #tpu.memory_space<vmem>>, vector<16xf32>,
        %mul3A_1027 = arith.mulf %get3A_780, %get3A_1026 : vector<16xf32>
        %add3A_1028 = arith.addf %add3A_1023, %mul3A_1027 : vector<16xf32>
        %get3A_1029 = arith.index_cast %add3A_1014 : i32 to index
        %get3A_1030 = arith.constant 48 : index
        %get3A_1031 = tpu.vector_load %arg13[%get3A_1029, %get3A_1030] {strides = array<i32>} : memref<640x64xf32, #tpu.memory_space<vmem>>, vector<16xf32>,
        %mul3A_1032 = arith.mulf %get3A_783, %get3A_1031 : vector<16xf32>
        %add3A_1033 = arith.addf %add3A_1028, %mul3A_1032 : vector<16xf32>
        %broadcast_in_dim3A_1034 = arith.constant true
        %broadcast_in_dim3A_1035 = vector.broadcast %broadcast_in_dim3A_1034 : i1 to vector<16xi1>
        %masked_cumsum3A_1036 = tpu.scan <sum>, %add3A_1033 masked %broadcast_in_dim3A_1035 : vector<16xf32>, vector<16xi1> -> vector<16xf32>
        %broadcast_in_dim3A_1037 = arith.constant 8 : i32
        %broadcast_in_dim3A_1038 = vector.broadcast %broadcast_in_dim3A_1037 : i32 to vector<16xi32>
        tpu.vector_store_idx %arg19[%broadcast_in_dim3A_1038, %add3A_787], %masked_cumsum3A_1036 masked %eq3A_253 : memref<32x128xf32, #tpu.memory_space<vmem>>[vector<16xi32>, vector<16xi32>], vector<16xf32>, vector<16xi1>
        %mul3A_1039 = arith.constant 20 : i32
        %mul3A_1040 = arith.muli %scan3A_772, %mul3A_1039 : i32
        %add3A_1041 = arith.constant 4 : i32
        %add3A_1042 = arith.addi %mul3A_1040, %add3A_1041 : i32
        %get3A_1043 = arith.index_cast %add3A_1042 : i32 to index
        %get3A_1044 = arith.constant 0 : index
        %get3A_1045 = tpu.vector_load %arg13[%get3A_1043, %get3A_1044] {strides = array<i32>} : memref<640x64xf32, #tpu.memory_space<vmem>>, vector<16xf32>,
        %mul3A_1046 = arith.mulf %get3A_774, %get3A_1045 : vector<16xf32>
        %get3A_1047 = arith.index_cast %add3A_1042 : i32 to index
        %get3A_1048 = arith.constant 16 : index
        %get3A_1049 = tpu.vector_load %arg13[%get3A_1047, %get3A_1048] {strides = array<i32>} : memref<640x64xf32, #tpu.memory_space<vmem>>, vector<16xf32>,
        %mul3A_1050 = arith.mulf %get3A_777, %get3A_1049 : vector<16xf32>
        %add3A_1051 = arith.addf %mul3A_1046, %mul3A_1050 : vector<16xf32>
        %get3A_1052 = arith.index_cast %add3A_1042 : i32 to index
        %get3A_1053 = arith.constant 32 : index
        %get3A_1054 = tpu.vector_load %arg13[%get3A_1052, %get3A_1053] {strides = array<i32>} : memref<640x64xf32, #tpu.memory_space<vmem>>, vector<16xf32>,
        %mul3A_1055 = arith.mulf %get3A_780, %get3A_1054 : vector<16xf32>
        %add3A_1056 = arith.addf %add3A_1051, %mul3A_1055 : vector<16xf32>
        %get3A_1057 = arith.index_cast %add3A_1042 : i32 to index
        %get3A_1058 = arith.constant 48 : index
        %get3A_1059 = tpu.vector_load %arg13[%get3A_1057, %get3A_1058] {strides = array<i32>} : memref<640x64xf32, #tpu.memory_space<vmem>>, vector<16xf32>,
        %mul3A_1060 = arith.mulf %get3A_783, %get3A_1059 : vector<16xf32>
        %add3A_1061 = arith.addf %add3A_1056, %mul3A_1060 : vector<16xf32>
        %broadcast_in_dim3A_1062 = arith.constant true
        %broadcast_in_dim3A_1063 = vector.broadcast %broadcast_in_dim3A_1062 : i1 to vector<16xi1>
        %masked_cumsum3A_1064 = tpu.scan <sum>, %add3A_1061 masked %broadcast_in_dim3A_1063 : vector<16xf32>, vector<16xi1> -> vector<16xf32>
        %broadcast_in_dim3A_1065 = arith.constant 9 : i32
        %broadcast_in_dim3A_1066 = vector.broadcast %broadcast_in_dim3A_1065 : i32 to vector<16xi32>
        tpu.vector_store_idx %arg19[%broadcast_in_dim3A_1066, %add3A_787], %masked_cumsum3A_1064 masked %eq3A_253 : memref<32x128xf32, #tpu.memory_space<vmem>>[vector<16xi32>, vector<16xi32>], vector<16xf32>, vector<16xi1>
        %mul3A_1067 = arith.constant 20 : i32
        %mul3A_1068 = arith.muli %scan3A_772, %mul3A_1067 : i32
        %add3A_1069 = arith.constant 5 : i32
        %add3A_1070 = arith.addi %mul3A_1068, %add3A_1069 : i32
        %get3A_1071 = arith.index_cast %add3A_1070 : i32 to index
        %get3A_1072 = arith.constant 0 : index
        %get3A_1073 = tpu.vector_load %arg13[%get3A_1071, %get3A_1072] {strides = array<i32>} : memref<640x64xf32, #tpu.memory_space<vmem>>, vector<16xf32>,
        %mul3A_1074 = arith.mulf %get3A_774, %get3A_1073 : vector<16xf32>
        %get3A_1075 = arith.index_cast %add3A_1070 : i32 to index
        %get3A_1076 = arith.constant 16 : index
        %get3A_1077 = tpu.vector_load %arg13[%get3A_1075, %get3A_1076] {strides = array<i32>} : memref<640x64xf32, #tpu.memory_space<vmem>>, vector<16xf32>,
        %mul3A_1078 = arith.mulf %get3A_777, %get3A_1077 : vector<16xf32>
        %add3A_1079 = arith.addf %mul3A_1074, %mul3A_1078 : vector<16xf32>
        %get3A_1080 = arith.index_cast %add3A_1070 : i32 to index
        %get3A_1081 = arith.constant 32 : index
        %get3A_1082 = tpu.vector_load %arg13[%get3A_1080, %get3A_1081] {strides = array<i32>} : memref<640x64xf32, #tpu.memory_space<vmem>>, vector<16xf32>,
        %mul3A_1083 = arith.mulf %get3A_780, %get3A_1082 : vector<16xf32>
        %add3A_1084 = arith.addf %add3A_1079, %mul3A_1083 : vector<16xf32>
        %get3A_1085 = arith.index_cast %add3A_1070 : i32 to index
        %get3A_1086 = arith.constant 48 : index
        %get3A_1087 = tpu.vector_load %arg13[%get3A_1085, %get3A_1086] {strides = array<i32>} : memref<640x64xf32, #tpu.memory_space<vmem>>, vector<16xf32>,
        %mul3A_1088 = arith.mulf %get3A_783, %get3A_1087 : vector<16xf32>
        %add3A_1089 = arith.addf %add3A_1084, %mul3A_1088 : vector<16xf32>
        %broadcast_in_dim3A_1090 = arith.constant true
        %broadcast_in_dim3A_1091 = vector.broadcast %broadcast_in_dim3A_1090 : i1 to vector<16xi1>
        %masked_cumsum3A_1092 = tpu.scan <sum>, %add3A_1089 masked %broadcast_in_dim3A_1091 : vector<16xf32>, vector<16xi1> -> vector<16xf32>
        %broadcast_in_dim3A_1093 = arith.constant 10 : i32
        %broadcast_in_dim3A_1094 = vector.broadcast %broadcast_in_dim3A_1093 : i32 to vector<16xi32>
        tpu.vector_store_idx %arg19[%broadcast_in_dim3A_1094, %add3A_787], %masked_cumsum3A_1092 masked %eq3A_253 : memref<32x128xf32, #tpu.memory_space<vmem>>[vector<16xi32>, vector<16xi32>], vector<16xf32>, vector<16xi1>
        %mul3A_1095 = arith.constant 20 : i32
        %mul3A_1096 = arith.muli %scan3A_772, %mul3A_1095 : i32
        %add3A_1097 = arith.constant 6 : i32
        %add3A_1098 = arith.addi %mul3A_1096, %add3A_1097 : i32
        %get3A_1099 = arith.index_cast %add3A_1098 : i32 to index
        %get3A_1100 = arith.constant 0 : index
        %get3A_1101 = tpu.vector_load %arg13[%get3A_1099, %get3A_1100] {strides = array<i32>} : memref<640x64xf32, #tpu.memory_space<vmem>>, vector<16xf32>,
        %mul3A_1102 = arith.mulf %get3A_774, %get3A_1101 : vector<16xf32>
        %get3A_1103 = arith.index_cast %add3A_1098 : i32 to index
        %get3A_1104 = arith.constant 16 : index
        %get3A_1105 = tpu.vector_load %arg13[%get3A_1103, %get3A_1104] {strides = array<i32>} : memref<640x64xf32, #tpu.memory_space<vmem>>, vector<16xf32>,
        %mul3A_1106 = arith.mulf %get3A_777, %get3A_1105 : vector<16xf32>
        %add3A_1107 = arith.addf %mul3A_1102, %mul3A_1106 : vector<16xf32>
        %get3A_1108 = arith.index_cast %add3A_1098 : i32 to index
        %get3A_1109 = arith.constant 32 : index
        %get3A_1110 = tpu.vector_load %arg13[%get3A_1108, %get3A_1109] {strides = array<i32>} : memref<640x64xf32, #tpu.memory_space<vmem>>, vector<16xf32>,
        %mul3A_1111 = arith.mulf %get3A_780, %get3A_1110 : vector<16xf32>
        %add3A_1112 = arith.addf %add3A_1107, %mul3A_1111 : vector<16xf32>
        %get3A_1113 = arith.index_cast %add3A_1098 : i32 to index
        %get3A_1114 = arith.constant 48 : index
        %get3A_1115 = tpu.vector_load %arg13[%get3A_1113, %get3A_1114] {strides = array<i32>} : memref<640x64xf32, #tpu.memory_space<vmem>>, vector<16xf32>,
        %mul3A_1116 = arith.mulf %get3A_783, %get3A_1115 : vector<16xf32>
        %add3A_1117 = arith.addf %add3A_1112, %mul3A_1116 : vector<16xf32>
        %broadcast_in_dim3A_1118 = arith.constant true
        %broadcast_in_dim3A_1119 = vector.broadcast %broadcast_in_dim3A_1118 : i1 to vector<16xi1>
        %masked_cumsum3A_1120 = tpu.scan <sum>, %add3A_1117 masked %broadcast_in_dim3A_1119 : vector<16xf32>, vector<16xi1> -> vector<16xf32>
        %broadcast_in_dim3A_1121 = arith.constant 11 : i32
        %broadcast_in_dim3A_1122 = vector.broadcast %broadcast_in_dim3A_1121 : i32 to vector<16xi32>
        tpu.vector_store_idx %arg19[%broadcast_in_dim3A_1122, %add3A_787], %masked_cumsum3A_1120 masked %eq3A_253 : memref<32x128xf32, #tpu.memory_space<vmem>>[vector<16xi32>, vector<16xi32>], vector<16xf32>, vector<16xi1>
        %mul3A_1123 = arith.constant 20 : i32
        %mul3A_1124 = arith.muli %scan3A_772, %mul3A_1123 : i32
        %add3A_1125 = arith.constant 7 : i32
        %add3A_1126 = arith.addi %mul3A_1124, %add3A_1125 : i32
        %get3A_1127 = arith.index_cast %add3A_1126 : i32 to index
        %get3A_1128 = arith.constant 0 : index
        %get3A_1129 = tpu.vector_load %arg13[%get3A_1127, %get3A_1128] {strides = array<i32>} : memref<640x64xf32, #tpu.memory_space<vmem>>, vector<16xf32>,
        %mul3A_1130 = arith.mulf %get3A_774, %get3A_1129 : vector<16xf32>
        %get3A_1131 = arith.index_cast %add3A_1126 : i32 to index
        %get3A_1132 = arith.constant 16 : index
        %get3A_1133 = tpu.vector_load %arg13[%get3A_1131, %get3A_1132] {strides = array<i32>} : memref<640x64xf32, #tpu.memory_space<vmem>>, vector<16xf32>,
        %mul3A_1134 = arith.mulf %get3A_777, %get3A_1133 : vector<16xf32>
        %add3A_1135 = arith.addf %mul3A_1130, %mul3A_1134 : vector<16xf32>
        %get3A_1136 = arith.index_cast %add3A_1126 : i32 to index
        %get3A_1137 = arith.constant 32 : index
        %get3A_1138 = tpu.vector_load %arg13[%get3A_1136, %get3A_1137] {strides = array<i32>} : memref<640x64xf32, #tpu.memory_space<vmem>>, vector<16xf32>,
        %mul3A_1139 = arith.mulf %get3A_780, %get3A_1138 : vector<16xf32>
        %add3A_1140 = arith.addf %add3A_1135, %mul3A_1139 : vector<16xf32>
        %get3A_1141 = arith.index_cast %add3A_1126 : i32 to index
        %get3A_1142 = arith.constant 48 : index
        %get3A_1143 = tpu.vector_load %arg13[%get3A_1141, %get3A_1142] {strides = array<i32>} : memref<640x64xf32, #tpu.memory_space<vmem>>, vector<16xf32>,
        %mul3A_1144 = arith.mulf %get3A_783, %get3A_1143 : vector<16xf32>
        %add3A_1145 = arith.addf %add3A_1140, %mul3A_1144 : vector<16xf32>
        %broadcast_in_dim3A_1146 = arith.constant true
        %broadcast_in_dim3A_1147 = vector.broadcast %broadcast_in_dim3A_1146 : i1 to vector<16xi1>
        %masked_cumsum3A_1148 = tpu.scan <sum>, %add3A_1145 masked %broadcast_in_dim3A_1147 : vector<16xf32>, vector<16xi1> -> vector<16xf32>
        %broadcast_in_dim3A_1149 = arith.constant 12 : i32
        %broadcast_in_dim3A_1150 = vector.broadcast %broadcast_in_dim3A_1149 : i32 to vector<16xi32>
        tpu.vector_store_idx %arg19[%broadcast_in_dim3A_1150, %add3A_787], %masked_cumsum3A_1148 masked %eq3A_253 : memref<32x128xf32, #tpu.memory_space<vmem>>[vector<16xi32>, vector<16xi32>], vector<16xf32>, vector<16xi1>
        %mul3A_1151 = arith.constant 20 : i32
        %mul3A_1152 = arith.muli %scan3A_772, %mul3A_1151 : i32
        %add3A_1153 = arith.constant 8 : i32
        %add3A_1154 = arith.addi %mul3A_1152, %add3A_1153 : i32
        %get3A_1155 = arith.index_cast %add3A_1154 : i32 to index
        %get3A_1156 = arith.constant 0 : index
        %get3A_1157 = tpu.vector_load %arg13[%get3A_1155, %get3A_1156] {strides = array<i32>} : memref<640x64xf32, #tpu.memory_space<vmem>>, vector<16xf32>,
        %mul3A_1158 = arith.mulf %get3A_774, %get3A_1157 : vector<16xf32>
        %get3A_1159 = arith.index_cast %add3A_1154 : i32 to index
        %get3A_1160 = arith.constant 16 : index
        %get3A_1161 = tpu.vector_load %arg13[%get3A_1159, %get3A_1160] {strides = array<i32>} : memref<640x64xf32, #tpu.memory_space<vmem>>, vector<16xf32>,
        %mul3A_1162 = arith.mulf %get3A_777, %get3A_1161 : vector<16xf32>
        %add3A_1163 = arith.addf %mul3A_1158, %mul3A_1162 : vector<16xf32>
        %get3A_1164 = arith.index_cast %add3A_1154 : i32 to index
        %get3A_1165 = arith.constant 32 : index
        %get3A_1166 = tpu.vector_load %arg13[%get3A_1164, %get3A_1165] {strides = array<i32>} : memref<640x64xf32, #tpu.memory_space<vmem>>, vector<16xf32>,
        %mul3A_1167 = arith.mulf %get3A_780, %get3A_1166 : vector<16xf32>
        %add3A_1168 = arith.addf %add3A_1163, %mul3A_1167 : vector<16xf32>
        %get3A_1169 = arith.index_cast %add3A_1154 : i32 to index
        %get3A_1170 = arith.constant 48 : index
        %get3A_1171 = tpu.vector_load %arg13[%get3A_1169, %get3A_1170] {strides = array<i32>} : memref<640x64xf32, #tpu.memory_space<vmem>>, vector<16xf32>,
        %mul3A_1172 = arith.mulf %get3A_783, %get3A_1171 : vector<16xf32>
        %add3A_1173 = arith.addf %add3A_1168, %mul3A_1172 : vector<16xf32>
        %broadcast_in_dim3A_1174 = arith.constant true
        %broadcast_in_dim3A_1175 = vector.broadcast %broadcast_in_dim3A_1174 : i1 to vector<16xi1>
        %masked_cumsum3A_1176 = tpu.scan <sum>, %add3A_1173 masked %broadcast_in_dim3A_1175 : vector<16xf32>, vector<16xi1> -> vector<16xf32>
        %broadcast_in_dim3A_1177 = arith.constant 13 : i32
        %broadcast_in_dim3A_1178 = vector.broadcast %broadcast_in_dim3A_1177 : i32 to vector<16xi32>
        tpu.vector_store_idx %arg19[%broadcast_in_dim3A_1178, %add3A_787], %masked_cumsum3A_1176 masked %eq3A_253 : memref<32x128xf32, #tpu.memory_space<vmem>>[vector<16xi32>, vector<16xi32>], vector<16xf32>, vector<16xi1>
        %mul3A_1179 = arith.constant 20 : i32
        %mul3A_1180 = arith.muli %scan3A_772, %mul3A_1179 : i32
        %add3A_1181 = arith.constant 9 : i32
        %add3A_1182 = arith.addi %mul3A_1180, %add3A_1181 : i32
        %get3A_1183 = arith.index_cast %add3A_1182 : i32 to index
        %get3A_1184 = arith.constant 0 : index
        %get3A_1185 = tpu.vector_load %arg13[%get3A_1183, %get3A_1184] {strides = array<i32>} : memref<640x64xf32, #tpu.memory_space<vmem>>, vector<16xf32>,
        %mul3A_1186 = arith.mulf %get3A_774, %get3A_1185 : vector<16xf32>
        %get3A_1187 = arith.index_cast %add3A_1182 : i32 to index
        %get3A_1188 = arith.constant 16 : index
        %get3A_1189 = tpu.vector_load %arg13[%get3A_1187, %get3A_1188] {strides = array<i32>} : memref<640x64xf32, #tpu.memory_space<vmem>>, vector<16xf32>,
        %mul3A_1190 = arith.mulf %get3A_777, %get3A_1189 : vector<16xf32>
        %add3A_1191 = arith.addf %mul3A_1186, %mul3A_1190 : vector<16xf32>
        %get3A_1192 = arith.index_cast %add3A_1182 : i32 to index
        %get3A_1193 = arith.constant 32 : index
        %get3A_1194 = tpu.vector_load %arg13[%get3A_1192, %get3A_1193] {strides = array<i32>} : memref<640x64xf32, #tpu.memory_space<vmem>>, vector<16xf32>,
        %mul3A_1195 = arith.mulf %get3A_780, %get3A_1194 : vector<16xf32>
        %add3A_1196 = arith.addf %add3A_1191, %mul3A_1195 : vector<16xf32>
        %get3A_1197 = arith.index_cast %add3A_1182 : i32 to index
        %get3A_1198 = arith.constant 48 : index
        %get3A_1199 = tpu.vector_load %arg13[%get3A_1197, %get3A_1198] {strides = array<i32>} : memref<640x64xf32, #tpu.memory_space<vmem>>, vector<16xf32>,
        %mul3A_1200 = arith.mulf %get3A_783, %get3A_1199 : vector<16xf32>
        %add3A_1201 = arith.addf %add3A_1196, %mul3A_1200 : vector<16xf32>
        %broadcast_in_dim3A_1202 = arith.constant true
        %broadcast_in_dim3A_1203 = vector.broadcast %broadcast_in_dim3A_1202 : i1 to vector<16xi1>
        %masked_cumsum3A_1204 = tpu.scan <sum>, %add3A_1201 masked %broadcast_in_dim3A_1203 : vector<16xf32>, vector<16xi1> -> vector<16xf32>
        %broadcast_in_dim3A_1205 = arith.constant 14 : i32
        %broadcast_in_dim3A_1206 = vector.broadcast %broadcast_in_dim3A_1205 : i32 to vector<16xi32>
        tpu.vector_store_idx %arg19[%broadcast_in_dim3A_1206, %add3A_787], %masked_cumsum3A_1204 masked %eq3A_253 : memref<32x128xf32, #tpu.memory_space<vmem>>[vector<16xi32>, vector<16xi32>], vector<16xf32>, vector<16xi1>
        %mul3A_1207 = arith.constant 20 : i32
        %mul3A_1208 = arith.muli %scan3A_772, %mul3A_1207 : i32
        %add3A_1209 = arith.constant 10 : i32
        %add3A_1210 = arith.addi %mul3A_1208, %add3A_1209 : i32
        %get3A_1211 = arith.index_cast %add3A_1210 : i32 to index
        %get3A_1212 = arith.constant 0 : index
        %get3A_1213 = tpu.vector_load %arg13[%get3A_1211, %get3A_1212] {strides = array<i32>} : memref<640x64xf32, #tpu.memory_space<vmem>>, vector<16xf32>,
        %mul3A_1214 = arith.mulf %get3A_774, %get3A_1213 : vector<16xf32>
        %get3A_1215 = arith.index_cast %add3A_1210 : i32 to index
        %get3A_1216 = arith.constant 16 : index
        %get3A_1217 = tpu.vector_load %arg13[%get3A_1215, %get3A_1216] {strides = array<i32>} : memref<640x64xf32, #tpu.memory_space<vmem>>, vector<16xf32>,
        %mul3A_1218 = arith.mulf %get3A_777, %get3A_1217 : vector<16xf32>
        %add3A_1219 = arith.addf %mul3A_1214, %mul3A_1218 : vector<16xf32>
        %get3A_1220 = arith.index_cast %add3A_1210 : i32 to index
        %get3A_1221 = arith.constant 32 : index
        %get3A_1222 = tpu.vector_load %arg13[%get3A_1220, %get3A_1221] {strides = array<i32>} : memref<640x64xf32, #tpu.memory_space<vmem>>, vector<16xf32>,
        %mul3A_1223 = arith.mulf %get3A_780, %get3A_1222 : vector<16xf32>
        %add3A_1224 = arith.addf %add3A_1219, %mul3A_1223 : vector<16xf32>
        %get3A_1225 = arith.index_cast %add3A_1210 : i32 to index
        %get3A_1226 = arith.constant 48 : index
        %get3A_1227 = tpu.vector_load %arg13[%get3A_1225, %get3A_1226] {strides = array<i32>} : memref<640x64xf32, #tpu.memory_space<vmem>>, vector<16xf32>,
        %mul3A_1228 = arith.mulf %get3A_783, %get3A_1227 : vector<16xf32>
        %add3A_1229 = arith.addf %add3A_1224, %mul3A_1228 : vector<16xf32>
        %broadcast_in_dim3A_1230 = arith.constant true
        %broadcast_in_dim3A_1231 = vector.broadcast %broadcast_in_dim3A_1230 : i1 to vector<16xi1>
        %masked_cumsum3A_1232 = tpu.scan <sum>, %add3A_1229 masked %broadcast_in_dim3A_1231 : vector<16xf32>, vector<16xi1> -> vector<16xf32>
        %broadcast_in_dim3A_1233 = arith.constant 15 : i32
        %broadcast_in_dim3A_1234 = vector.broadcast %broadcast_in_dim3A_1233 : i32 to vector<16xi32>
        tpu.vector_store_idx %arg19[%broadcast_in_dim3A_1234, %add3A_787], %masked_cumsum3A_1232 masked %eq3A_253 : memref<32x128xf32, #tpu.memory_space<vmem>>[vector<16xi32>, vector<16xi32>], vector<16xf32>, vector<16xi1>
        %mul3A_1235 = arith.constant 20 : i32
        %mul3A_1236 = arith.muli %scan3A_772, %mul3A_1235 : i32
        %add3A_1237 = arith.constant 11 : i32
        %add3A_1238 = arith.addi %mul3A_1236, %add3A_1237 : i32
        %get3A_1239 = arith.index_cast %add3A_1238 : i32 to index
        %get3A_1240 = arith.constant 0 : index
        %get3A_1241 = tpu.vector_load %arg13[%get3A_1239, %get3A_1240] {strides = array<i32>} : memref<640x64xf32, #tpu.memory_space<vmem>>, vector<16xf32>,
        %mul3A_1242 = arith.mulf %get3A_774, %get3A_1241 : vector<16xf32>
        %get3A_1243 = arith.index_cast %add3A_1238 : i32 to index
        %get3A_1244 = arith.constant 16 : index
        %get3A_1245 = tpu.vector_load %arg13[%get3A_1243, %get3A_1244] {strides = array<i32>} : memref<640x64xf32, #tpu.memory_space<vmem>>, vector<16xf32>,
        %mul3A_1246 = arith.mulf %get3A_777, %get3A_1245 : vector<16xf32>
        %add3A_1247 = arith.addf %mul3A_1242, %mul3A_1246 : vector<16xf32>
        %get3A_1248 = arith.index_cast %add3A_1238 : i32 to index
        %get3A_1249 = arith.constant 32 : index
        %get3A_1250 = tpu.vector_load %arg13[%get3A_1248, %get3A_1249] {strides = array<i32>} : memref<640x64xf32, #tpu.memory_space<vmem>>, vector<16xf32>,
        %mul3A_1251 = arith.mulf %get3A_780, %get3A_1250 : vector<16xf32>
        %add3A_1252 = arith.addf %add3A_1247, %mul3A_1251 : vector<16xf32>
        %get3A_1253 = arith.index_cast %add3A_1238 : i32 to index
        %get3A_1254 = arith.constant 48 : index
        %get3A_1255 = tpu.vector_load %arg13[%get3A_1253, %get3A_1254] {strides = array<i32>} : memref<640x64xf32, #tpu.memory_space<vmem>>, vector<16xf32>,
        %mul3A_1256 = arith.mulf %get3A_783, %get3A_1255 : vector<16xf32>
        %add3A_1257 = arith.addf %add3A_1252, %mul3A_1256 : vector<16xf32>
        %broadcast_in_dim3A_1258 = arith.constant true
        %broadcast_in_dim3A_1259 = vector.broadcast %broadcast_in_dim3A_1258 : i1 to vector<16xi1>
        %masked_cumsum3A_1260 = tpu.scan <sum>, %add3A_1257 masked %broadcast_in_dim3A_1259 : vector<16xf32>, vector<16xi1> -> vector<16xf32>
        %broadcast_in_dim3A_1261 = arith.constant 16 : i32
        %broadcast_in_dim3A_1262 = vector.broadcast %broadcast_in_dim3A_1261 : i32 to vector<16xi32>
        tpu.vector_store_idx %arg19[%broadcast_in_dim3A_1262, %add3A_787], %masked_cumsum3A_1260 masked %eq3A_253 : memref<32x128xf32, #tpu.memory_space<vmem>>[vector<16xi32>, vector<16xi32>], vector<16xf32>, vector<16xi1>
        %mul3A_1263 = arith.constant 20 : i32
        %mul3A_1264 = arith.muli %scan3A_772, %mul3A_1263 : i32
        %add3A_1265 = arith.constant 12 : i32
        %add3A_1266 = arith.addi %mul3A_1264, %add3A_1265 : i32
        %get3A_1267 = arith.index_cast %add3A_1266 : i32 to index
        %get3A_1268 = arith.constant 0 : index
        %get3A_1269 = tpu.vector_load %arg13[%get3A_1267, %get3A_1268] {strides = array<i32>} : memref<640x64xf32, #tpu.memory_space<vmem>>, vector<16xf32>,
        %mul3A_1270 = arith.mulf %get3A_774, %get3A_1269 : vector<16xf32>
        %get3A_1271 = arith.index_cast %add3A_1266 : i32 to index
        %get3A_1272 = arith.constant 16 : index
        %get3A_1273 = tpu.vector_load %arg13[%get3A_1271, %get3A_1272] {strides = array<i32>} : memref<640x64xf32, #tpu.memory_space<vmem>>, vector<16xf32>,
        %mul3A_1274 = arith.mulf %get3A_777, %get3A_1273 : vector<16xf32>
        %add3A_1275 = arith.addf %mul3A_1270, %mul3A_1274 : vector<16xf32>
        %get3A_1276 = arith.index_cast %add3A_1266 : i32 to index
        %get3A_1277 = arith.constant 32 : index
        %get3A_1278 = tpu.vector_load %arg13[%get3A_1276, %get3A_1277] {strides = array<i32>} : memref<640x64xf32, #tpu.memory_space<vmem>>, vector<16xf32>,
        %mul3A_1279 = arith.mulf %get3A_780, %get3A_1278 : vector<16xf32>
        %add3A_1280 = arith.addf %add3A_1275, %mul3A_1279 : vector<16xf32>
        %get3A_1281 = arith.index_cast %add3A_1266 : i32 to index
        %get3A_1282 = arith.constant 48 : index
        %get3A_1283 = tpu.vector_load %arg13[%get3A_1281, %get3A_1282] {strides = array<i32>} : memref<640x64xf32, #tpu.memory_space<vmem>>, vector<16xf32>,
        %mul3A_1284 = arith.mulf %get3A_783, %get3A_1283 : vector<16xf32>
        %add3A_1285 = arith.addf %add3A_1280, %mul3A_1284 : vector<16xf32>
        %broadcast_in_dim3A_1286 = arith.constant true
        %broadcast_in_dim3A_1287 = vector.broadcast %broadcast_in_dim3A_1286 : i1 to vector<16xi1>
        %masked_cumsum3A_1288 = tpu.scan <sum>, %add3A_1285 masked %broadcast_in_dim3A_1287 : vector<16xf32>, vector<16xi1> -> vector<16xf32>
        %broadcast_in_dim3A_1289 = arith.constant 17 : i32
        %broadcast_in_dim3A_1290 = vector.broadcast %broadcast_in_dim3A_1289 : i32 to vector<16xi32>
        tpu.vector_store_idx %arg19[%broadcast_in_dim3A_1290, %add3A_787], %masked_cumsum3A_1288 masked %eq3A_253 : memref<32x128xf32, #tpu.memory_space<vmem>>[vector<16xi32>, vector<16xi32>], vector<16xf32>, vector<16xi1>
        %mul3A_1291 = arith.constant 20 : i32
        %mul3A_1292 = arith.muli %scan3A_772, %mul3A_1291 : i32
        %add3A_1293 = arith.constant 13 : i32
        %add3A_1294 = arith.addi %mul3A_1292, %add3A_1293 : i32
        %get3A_1295 = arith.index_cast %add3A_1294 : i32 to index
        %get3A_1296 = arith.constant 0 : index
        %get3A_1297 = tpu.vector_load %arg13[%get3A_1295, %get3A_1296] {strides = array<i32>} : memref<640x64xf32, #tpu.memory_space<vmem>>, vector<16xf32>,
        %mul3A_1298 = arith.mulf %get3A_774, %get3A_1297 : vector<16xf32>
        %get3A_1299 = arith.index_cast %add3A_1294 : i32 to index
        %get3A_1300 = arith.constant 16 : index
        %get3A_1301 = tpu.vector_load %arg13[%get3A_1299, %get3A_1300] {strides = array<i32>} : memref<640x64xf32, #tpu.memory_space<vmem>>, vector<16xf32>,
        %mul3A_1302 = arith.mulf %get3A_777, %get3A_1301 : vector<16xf32>
        %add3A_1303 = arith.addf %mul3A_1298, %mul3A_1302 : vector<16xf32>
        %get3A_1304 = arith.index_cast %add3A_1294 : i32 to index
        %get3A_1305 = arith.constant 32 : index
        %get3A_1306 = tpu.vector_load %arg13[%get3A_1304, %get3A_1305] {strides = array<i32>} : memref<640x64xf32, #tpu.memory_space<vmem>>, vector<16xf32>,
        %mul3A_1307 = arith.mulf %get3A_780, %get3A_1306 : vector<16xf32>
        %add3A_1308 = arith.addf %add3A_1303, %mul3A_1307 : vector<16xf32>
        %get3A_1309 = arith.index_cast %add3A_1294 : i32 to index
        %get3A_1310 = arith.constant 48 : index
        %get3A_1311 = tpu.vector_load %arg13[%get3A_1309, %get3A_1310] {strides = array<i32>} : memref<640x64xf32, #tpu.memory_space<vmem>>, vector<16xf32>,
        %mul3A_1312 = arith.mulf %get3A_783, %get3A_1311 : vector<16xf32>
        %add3A_1313 = arith.addf %add3A_1308, %mul3A_1312 : vector<16xf32>
        %broadcast_in_dim3A_1314 = arith.constant true
        %broadcast_in_dim3A_1315 = vector.broadcast %broadcast_in_dim3A_1314 : i1 to vector<16xi1>
        %masked_cumsum3A_1316 = tpu.scan <sum>, %add3A_1313 masked %broadcast_in_dim3A_1315 : vector<16xf32>, vector<16xi1> -> vector<16xf32>
        %broadcast_in_dim3A_1317 = arith.constant 18 : i32
        %broadcast_in_dim3A_1318 = vector.broadcast %broadcast_in_dim3A_1317 : i32 to vector<16xi32>
        tpu.vector_store_idx %arg19[%broadcast_in_dim3A_1318, %add3A_787], %masked_cumsum3A_1316 masked %eq3A_253 : memref<32x128xf32, #tpu.memory_space<vmem>>[vector<16xi32>, vector<16xi32>], vector<16xf32>, vector<16xi1>
        %mul3A_1319 = arith.constant 20 : i32
        %mul3A_1320 = arith.muli %scan3A_772, %mul3A_1319 : i32
        %add3A_1321 = arith.constant 14 : i32
        %add3A_1322 = arith.addi %mul3A_1320, %add3A_1321 : i32
        %get3A_1323 = arith.index_cast %add3A_1322 : i32 to index
        %get3A_1324 = arith.constant 0 : index
        %get3A_1325 = tpu.vector_load %arg13[%get3A_1323, %get3A_1324] {strides = array<i32>} : memref<640x64xf32, #tpu.memory_space<vmem>>, vector<16xf32>,
        %mul3A_1326 = arith.mulf %get3A_774, %get3A_1325 : vector<16xf32>
        %get3A_1327 = arith.index_cast %add3A_1322 : i32 to index
        %get3A_1328 = arith.constant 16 : index
        %get3A_1329 = tpu.vector_load %arg13[%get3A_1327, %get3A_1328] {strides = array<i32>} : memref<640x64xf32, #tpu.memory_space<vmem>>, vector<16xf32>,
        %mul3A_1330 = arith.mulf %get3A_777, %get3A_1329 : vector<16xf32>
        %add3A_1331 = arith.addf %mul3A_1326, %mul3A_1330 : vector<16xf32>
        %get3A_1332 = arith.index_cast %add3A_1322 : i32 to index
        %get3A_1333 = arith.constant 32 : index
        %get3A_1334 = tpu.vector_load %arg13[%get3A_1332, %get3A_1333] {strides = array<i32>} : memref<640x64xf32, #tpu.memory_space<vmem>>, vector<16xf32>,
        %mul3A_1335 = arith.mulf %get3A_780, %get3A_1334 : vector<16xf32>
        %add3A_1336 = arith.addf %add3A_1331, %mul3A_1335 : vector<16xf32>
        %get3A_1337 = arith.index_cast %add3A_1322 : i32 to index
        %get3A_1338 = arith.constant 48 : index
        %get3A_1339 = tpu.vector_load %arg13[%get3A_1337, %get3A_1338] {strides = array<i32>} : memref<640x64xf32, #tpu.memory_space<vmem>>, vector<16xf32>,
        %mul3A_1340 = arith.mulf %get3A_783, %get3A_1339 : vector<16xf32>
        %add3A_1341 = arith.addf %add3A_1336, %mul3A_1340 : vector<16xf32>
        %broadcast_in_dim3A_1342 = arith.constant true
        %broadcast_in_dim3A_1343 = vector.broadcast %broadcast_in_dim3A_1342 : i1 to vector<16xi1>
        %masked_cumsum3A_1344 = tpu.scan <sum>, %add3A_1341 masked %broadcast_in_dim3A_1343 : vector<16xf32>, vector<16xi1> -> vector<16xf32>
        %broadcast_in_dim3A_1345 = arith.constant 19 : i32
        %broadcast_in_dim3A_1346 = vector.broadcast %broadcast_in_dim3A_1345 : i32 to vector<16xi32>
        tpu.vector_store_idx %arg19[%broadcast_in_dim3A_1346, %add3A_787], %masked_cumsum3A_1344 masked %eq3A_253 : memref<32x128xf32, #tpu.memory_space<vmem>>[vector<16xi32>, vector<16xi32>], vector<16xf32>, vector<16xi1>
        %mul3A_1347 = arith.constant 20 : i32
        %mul3A_1348 = arith.muli %scan3A_772, %mul3A_1347 : i32
        %add3A_1349 = arith.constant 15 : i32
        %add3A_1350 = arith.addi %mul3A_1348, %add3A_1349 : i32
        %get3A_1351 = arith.index_cast %add3A_1350 : i32 to index
        %get3A_1352 = arith.constant 0 : index
        %get3A_1353 = tpu.vector_load %arg13[%get3A_1351, %get3A_1352] {strides = array<i32>} : memref<640x64xf32, #tpu.memory_space<vmem>>, vector<16xf32>,
        %mul3A_1354 = arith.mulf %get3A_774, %get3A_1353 : vector<16xf32>
        %get3A_1355 = arith.index_cast %add3A_1350 : i32 to index
        %get3A_1356 = arith.constant 16 : index
        %get3A_1357 = tpu.vector_load %arg13[%get3A_1355, %get3A_1356] {strides = array<i32>} : memref<640x64xf32, #tpu.memory_space<vmem>>, vector<16xf32>,
        %mul3A_1358 = arith.mulf %get3A_777, %get3A_1357 : vector<16xf32>
        %add3A_1359 = arith.addf %mul3A_1354, %mul3A_1358 : vector<16xf32>
        %get3A_1360 = arith.index_cast %add3A_1350 : i32 to index
        %get3A_1361 = arith.constant 32 : index
        %get3A_1362 = tpu.vector_load %arg13[%get3A_1360, %get3A_1361] {strides = array<i32>} : memref<640x64xf32, #tpu.memory_space<vmem>>, vector<16xf32>,
        %mul3A_1363 = arith.mulf %get3A_780, %get3A_1362 : vector<16xf32>
        %add3A_1364 = arith.addf %add3A_1359, %mul3A_1363 : vector<16xf32>
        %get3A_1365 = arith.index_cast %add3A_1350 : i32 to index
        %get3A_1366 = arith.constant 48 : index
        %get3A_1367 = tpu.vector_load %arg13[%get3A_1365, %get3A_1366] {strides = array<i32>} : memref<640x64xf32, #tpu.memory_space<vmem>>, vector<16xf32>,
        %mul3A_1368 = arith.mulf %get3A_783, %get3A_1367 : vector<16xf32>
        %add3A_1369 = arith.addf %add3A_1364, %mul3A_1368 : vector<16xf32>
        %broadcast_in_dim3A_1370 = arith.constant true
        %broadcast_in_dim3A_1371 = vector.broadcast %broadcast_in_dim3A_1370 : i1 to vector<16xi1>
        %masked_cumsum3A_1372 = tpu.scan <sum>, %add3A_1369 masked %broadcast_in_dim3A_1371 : vector<16xf32>, vector<16xi1> -> vector<16xf32>
        %broadcast_in_dim3A_1373 = arith.constant 20 : i32
        %broadcast_in_dim3A_1374 = vector.broadcast %broadcast_in_dim3A_1373 : i32 to vector<16xi32>
        tpu.vector_store_idx %arg19[%broadcast_in_dim3A_1374, %add3A_787], %masked_cumsum3A_1372 masked %eq3A_253 : memref<32x128xf32, #tpu.memory_space<vmem>>[vector<16xi32>, vector<16xi32>], vector<16xf32>, vector<16xi1>
        %mul3A_1375 = arith.constant 20 : i32
        %mul3A_1376 = arith.muli %scan3A_772, %mul3A_1375 : i32
        %add3A_1377 = arith.constant 16 : i32
        %add3A_1378 = arith.addi %mul3A_1376, %add3A_1377 : i32
        %get3A_1379 = arith.index_cast %add3A_1378 : i32 to index
        %get3A_1380 = arith.constant 0 : index
        %get3A_1381 = tpu.vector_load %arg13[%get3A_1379, %get3A_1380] {strides = array<i32>} : memref<640x64xf32, #tpu.memory_space<vmem>>, vector<16xf32>,
        %mul3A_1382 = arith.mulf %get3A_774, %get3A_1381 : vector<16xf32>
        %get3A_1383 = arith.index_cast %add3A_1378 : i32 to index
        %get3A_1384 = arith.constant 16 : index
        %get3A_1385 = tpu.vector_load %arg13[%get3A_1383, %get3A_1384] {strides = array<i32>} : memref<640x64xf32, #tpu.memory_space<vmem>>, vector<16xf32>,
        %mul3A_1386 = arith.mulf %get3A_777, %get3A_1385 : vector<16xf32>
        %add3A_1387 = arith.addf %mul3A_1382, %mul3A_1386 : vector<16xf32>
        %get3A_1388 = arith.index_cast %add3A_1378 : i32 to index
        %get3A_1389 = arith.constant 32 : index
        %get3A_1390 = tpu.vector_load %arg13[%get3A_1388, %get3A_1389] {strides = array<i32>} : memref<640x64xf32, #tpu.memory_space<vmem>>, vector<16xf32>,
        %mul3A_1391 = arith.mulf %get3A_780, %get3A_1390 : vector<16xf32>
        %add3A_1392 = arith.addf %add3A_1387, %mul3A_1391 : vector<16xf32>
        %get3A_1393 = arith.index_cast %add3A_1378 : i32 to index
        %get3A_1394 = arith.constant 48 : index
        %get3A_1395 = tpu.vector_load %arg13[%get3A_1393, %get3A_1394] {strides = array<i32>} : memref<640x64xf32, #tpu.memory_space<vmem>>, vector<16xf32>,
        %mul3A_1396 = arith.mulf %get3A_783, %get3A_1395 : vector<16xf32>
        %add3A_1397 = arith.addf %add3A_1392, %mul3A_1396 : vector<16xf32>
        %broadcast_in_dim3A_1398 = arith.constant true
        %broadcast_in_dim3A_1399 = vector.broadcast %broadcast_in_dim3A_1398 : i1 to vector<16xi1>
        %masked_cumsum3A_1400 = tpu.scan <sum>, %add3A_1397 masked %broadcast_in_dim3A_1399 : vector<16xf32>, vector<16xi1> -> vector<16xf32>
        %broadcast_in_dim3A_1401 = arith.constant 21 : i32
        %broadcast_in_dim3A_1402 = vector.broadcast %broadcast_in_dim3A_1401 : i32 to vector<16xi32>
        tpu.vector_store_idx %arg19[%broadcast_in_dim3A_1402, %add3A_787], %masked_cumsum3A_1400 masked %eq3A_253 : memref<32x128xf32, #tpu.memory_space<vmem>>[vector<16xi32>, vector<16xi32>], vector<16xf32>, vector<16xi1>
        %mul3A_1403 = arith.constant 20 : i32
        %mul3A_1404 = arith.muli %scan3A_772, %mul3A_1403 : i32
        %add3A_1405 = arith.constant 17 : i32
        %add3A_1406 = arith.addi %mul3A_1404, %add3A_1405 : i32
        %get3A_1407 = arith.index_cast %add3A_1406 : i32 to index
        %get3A_1408 = arith.constant 0 : index
        %get3A_1409 = tpu.vector_load %arg13[%get3A_1407, %get3A_1408] {strides = array<i32>} : memref<640x64xf32, #tpu.memory_space<vmem>>, vector<16xf32>,
        %mul3A_1410 = arith.mulf %get3A_774, %get3A_1409 : vector<16xf32>
        %get3A_1411 = arith.index_cast %add3A_1406 : i32 to index
        %get3A_1412 = arith.constant 16 : index
        %get3A_1413 = tpu.vector_load %arg13[%get3A_1411, %get3A_1412] {strides = array<i32>} : memref<640x64xf32, #tpu.memory_space<vmem>>, vector<16xf32>,
        %mul3A_1414 = arith.mulf %get3A_777, %get3A_1413 : vector<16xf32>
        %add3A_1415 = arith.addf %mul3A_1410, %mul3A_1414 : vector<16xf32>
        %get3A_1416 = arith.index_cast %add3A_1406 : i32 to index
        %get3A_1417 = arith.constant 32 : index
        %get3A_1418 = tpu.vector_load %arg13[%get3A_1416, %get3A_1417] {strides = array<i32>} : memref<640x64xf32, #tpu.memory_space<vmem>>, vector<16xf32>,
        %mul3A_1419 = arith.mulf %get3A_780, %get3A_1418 : vector<16xf32>
        %add3A_1420 = arith.addf %add3A_1415, %mul3A_1419 : vector<16xf32>
        %get3A_1421 = arith.index_cast %add3A_1406 : i32 to index
        %get3A_1422 = arith.constant 48 : index
        %get3A_1423 = tpu.vector_load %arg13[%get3A_1421, %get3A_1422] {strides = array<i32>} : memref<640x64xf32, #tpu.memory_space<vmem>>, vector<16xf32>,
        %mul3A_1424 = arith.mulf %get3A_783, %get3A_1423 : vector<16xf32>
        %add3A_1425 = arith.addf %add3A_1420, %mul3A_1424 : vector<16xf32>
        %broadcast_in_dim3A_1426 = arith.constant true
        %broadcast_in_dim3A_1427 = vector.broadcast %broadcast_in_dim3A_1426 : i1 to vector<16xi1>
        %masked_cumsum3A_1428 = tpu.scan <sum>, %add3A_1425 masked %broadcast_in_dim3A_1427 : vector<16xf32>, vector<16xi1> -> vector<16xf32>
        %broadcast_in_dim3A_1429 = arith.constant 22 : i32
        %broadcast_in_dim3A_1430 = vector.broadcast %broadcast_in_dim3A_1429 : i32 to vector<16xi32>
        tpu.vector_store_idx %arg19[%broadcast_in_dim3A_1430, %add3A_787], %masked_cumsum3A_1428 masked %eq3A_253 : memref<32x128xf32, #tpu.memory_space<vmem>>[vector<16xi32>, vector<16xi32>], vector<16xf32>, vector<16xi1>
        %mul3A_1431 = arith.constant 20 : i32
        %mul3A_1432 = arith.muli %scan3A_772, %mul3A_1431 : i32
        %add3A_1433 = arith.constant 18 : i32
        %add3A_1434 = arith.addi %mul3A_1432, %add3A_1433 : i32
        %get3A_1435 = arith.index_cast %add3A_1434 : i32 to index
        %get3A_1436 = arith.constant 0 : index
        %get3A_1437 = tpu.vector_load %arg13[%get3A_1435, %get3A_1436] {strides = array<i32>} : memref<640x64xf32, #tpu.memory_space<vmem>>, vector<16xf32>,
        %mul3A_1438 = arith.mulf %get3A_774, %get3A_1437 : vector<16xf32>
        %get3A_1439 = arith.index_cast %add3A_1434 : i32 to index
        %get3A_1440 = arith.constant 16 : index
        %get3A_1441 = tpu.vector_load %arg13[%get3A_1439, %get3A_1440] {strides = array<i32>} : memref<640x64xf32, #tpu.memory_space<vmem>>, vector<16xf32>,
        %mul3A_1442 = arith.mulf %get3A_777, %get3A_1441 : vector<16xf32>
        %add3A_1443 = arith.addf %mul3A_1438, %mul3A_1442 : vector<16xf32>
        %get3A_1444 = arith.index_cast %add3A_1434 : i32 to index
        %get3A_1445 = arith.constant 32 : index
        %get3A_1446 = tpu.vector_load %arg13[%get3A_1444, %get3A_1445] {strides = array<i32>} : memref<640x64xf32, #tpu.memory_space<vmem>>, vector<16xf32>,
        %mul3A_1447 = arith.mulf %get3A_780, %get3A_1446 : vector<16xf32>
        %add3A_1448 = arith.addf %add3A_1443, %mul3A_1447 : vector<16xf32>
        %get3A_1449 = arith.index_cast %add3A_1434 : i32 to index
        %get3A_1450 = arith.constant 48 : index
        %get3A_1451 = tpu.vector_load %arg13[%get3A_1449, %get3A_1450] {strides = array<i32>} : memref<640x64xf32, #tpu.memory_space<vmem>>, vector<16xf32>,
        %mul3A_1452 = arith.mulf %get3A_783, %get3A_1451 : vector<16xf32>
        %add3A_1453 = arith.addf %add3A_1448, %mul3A_1452 : vector<16xf32>
        %broadcast_in_dim3A_1454 = arith.constant true
        %broadcast_in_dim3A_1455 = vector.broadcast %broadcast_in_dim3A_1454 : i1 to vector<16xi1>
        %masked_cumsum3A_1456 = tpu.scan <sum>, %add3A_1453 masked %broadcast_in_dim3A_1455 : vector<16xf32>, vector<16xi1> -> vector<16xf32>
        %broadcast_in_dim3A_1457 = arith.constant 23 : i32
        %broadcast_in_dim3A_1458 = vector.broadcast %broadcast_in_dim3A_1457 : i32 to vector<16xi32>
        tpu.vector_store_idx %arg19[%broadcast_in_dim3A_1458, %add3A_787], %masked_cumsum3A_1456 masked %eq3A_253 : memref<32x128xf32, #tpu.memory_space<vmem>>[vector<16xi32>, vector<16xi32>], vector<16xf32>, vector<16xi1>
        %mul3A_1459 = arith.constant 20 : i32
        %mul3A_1460 = arith.muli %scan3A_772, %mul3A_1459 : i32
        %add3A_1461 = arith.constant 19 : i32
        %add3A_1462 = arith.addi %mul3A_1460, %add3A_1461 : i32
        %get3A_1463 = arith.index_cast %add3A_1462 : i32 to index
        %get3A_1464 = arith.constant 0 : index
        %get3A_1465 = tpu.vector_load %arg13[%get3A_1463, %get3A_1464] {strides = array<i32>} : memref<640x64xf32, #tpu.memory_space<vmem>>, vector<16xf32>,
        %mul3A_1466 = arith.mulf %get3A_774, %get3A_1465 : vector<16xf32>
        %get3A_1467 = arith.index_cast %add3A_1462 : i32 to index
        %get3A_1468 = arith.constant 16 : index
        %get3A_1469 = tpu.vector_load %arg13[%get3A_1467, %get3A_1468] {strides = array<i32>} : memref<640x64xf32, #tpu.memory_space<vmem>>, vector<16xf32>,
        %mul3A_1470 = arith.mulf %get3A_777, %get3A_1469 : vector<16xf32>
        %add3A_1471 = arith.addf %mul3A_1466, %mul3A_1470 : vector<16xf32>
        %get3A_1472 = arith.index_cast %add3A_1462 : i32 to index
        %get3A_1473 = arith.constant 32 : index
        %get3A_1474 = tpu.vector_load %arg13[%get3A_1472, %get3A_1473] {strides = array<i32>} : memref<640x64xf32, #tpu.memory_space<vmem>>, vector<16xf32>,
        %mul3A_1475 = arith.mulf %get3A_780, %get3A_1474 : vector<16xf32>
        %add3A_1476 = arith.addf %add3A_1471, %mul3A_1475 : vector<16xf32>
        %get3A_1477 = arith.index_cast %add3A_1462 : i32 to index
        %get3A_1478 = arith.constant 48 : index
        %get3A_1479 = tpu.vector_load %arg13[%get3A_1477, %get3A_1478] {strides = array<i32>} : memref<640x64xf32, #tpu.memory_space<vmem>>, vector<16xf32>,
        %mul3A_1480 = arith.mulf %get3A_783, %get3A_1479 : vector<16xf32>
        %add3A_1481 = arith.addf %add3A_1476, %mul3A_1480 : vector<16xf32>
        %broadcast_in_dim3A_1482 = arith.constant true
        %broadcast_in_dim3A_1483 = vector.broadcast %broadcast_in_dim3A_1482 : i1 to vector<16xi1>
        %masked_cumsum3A_1484 = tpu.scan <sum>, %add3A_1481 masked %broadcast_in_dim3A_1483 : vector<16xf32>, vector<16xi1> -> vector<16xf32>
        %broadcast_in_dim3A_1485 = arith.constant 24 : i32
        %broadcast_in_dim3A_1486 = vector.broadcast %broadcast_in_dim3A_1485 : i32 to vector<16xi32>
        tpu.vector_store_idx %arg19[%broadcast_in_dim3A_1486, %add3A_787], %masked_cumsum3A_1484 masked %eq3A_253 : memref<32x128xf32, #tpu.memory_space<vmem>>[vector<16xi32>, vector<16xi32>], vector<16xf32>, vector<16xi1>
      }
      %scan3A_428 = arith.constant 32 : i32
      %mul3A_429 = arith.constant 4 : i32
      %mul3A_430 = arith.muli %scan3A_320, %mul3A_429 : i32
      %add3A_431 = arith.constant 1 : i32
      %add3A_432 = arith.addi %mul3A_430, %add3A_431 : i32
      %lt3A_433 = arith.constant 15 : i32
      %lt3A_434 = arith.cmpi slt, %add3A_432, %lt3A_433 : i32
      %convert_element_type3A_435 = arith.extui %lt3A_434 : i1 to i32
      %cond3A_436 = arith.constant 0 : i32
      %cond3A_437 = arith.cmpi ne, %convert_element_type3A_435, %cond3A_436 : i32
      scf.if %cond3A_437 {
        %add3A_772 = arith.constant 1 : i32
        %add3A_773 = arith.addi %add3A_432, %add3A_772 : i32
        %mul3A_774 = arith.constant 32 : i32
        %mul3A_775 = arith.muli %add3A_773, %mul3A_774 : i32
        %mul3A_776 = arith.constant 32 : i32
        %mul3A_777 = arith.muli %add3A_773, %mul3A_776 : i32
        %mul3A_778 = arith.constant 5 : i32
        %mul3A_779 = arith.muli %mul3A_777, %mul3A_778 : i32
        %add3A_780 = arith.constant 0 : i32
        %add3A_781 = arith.addi %mul3A_779, %add3A_780 : i32
        %mul3A_782 = arith.constant 32 : i32
        %mul3A_783 = arith.muli %add3A_773, %mul3A_782 : i32
        %mul3A_784 = arith.constant 5 : i32
        %mul3A_785 = arith.muli %mul3A_783, %mul3A_784 : i32
        %add3A_786 = arith.constant 128 : i32
        %add3A_787 = arith.addi %mul3A_785, %add3A_786 : i32
        %mul3A_788 = arith.constant 32 : i32
        %mul3A_789 = arith.muli %add3A_773, %mul3A_788 : i32
        %mul3A_790 = arith.constant 20 : i32
        %mul3A_791 = arith.muli %mul3A_789, %mul3A_790 : i32
        %add3A_792 = arith.constant 0 : i32
        %add3A_793 = arith.addi %mul3A_791, %add3A_792 : i32
        %mul3A_794 = arith.constant 32 : i32
        %mul3A_795 = arith.muli %add3A_773, %mul3A_794 : i32
        %mul3A_796 = arith.constant 20 : i32
        %mul3A_797 = arith.muli %mul3A_795, %mul3A_796 : i32
        %add3A_798 = arith.constant 128 : i32
        %add3A_799 = arith.addi %mul3A_797, %add3A_798 : i32
        %mul3A_800 = arith.constant 32 : i32
        %mul3A_801 = arith.muli %add3A_773, %mul3A_800 : i32
        %mul3A_802 = arith.constant 20 : i32
        %mul3A_803 = arith.muli %mul3A_801, %mul3A_802 : i32
        %add3A_804 = arith.constant 256 : i32
        %add3A_805 = arith.addi %mul3A_803, %add3A_804 : i32
        %mul3A_806 = arith.constant 32 : i32
        %mul3A_807 = arith.muli %add3A_773, %mul3A_806 : i32
        %mul3A_808 = arith.constant 20 : i32
        %mul3A_809 = arith.muli %mul3A_807, %mul3A_808 : i32
        %add3A_810 = arith.constant 384 : i32
        %add3A_811 = arith.addi %mul3A_809, %add3A_810 : i32
        %mul3A_812 = arith.constant 32 : i32
        %mul3A_813 = arith.muli %add3A_773, %mul3A_812 : i32
        %mul3A_814 = arith.constant 20 : i32
        %mul3A_815 = arith.muli %mul3A_813, %mul3A_814 : i32
        %add3A_816 = arith.constant 512 : i32
        %add3A_817 = arith.addi %mul3A_815, %add3A_816 : i32
        %dma_start3A_818 = tpu.memref_slice %arg8[%mul3A_775] : memref<512xi32, #tpu.memory_space<vmem>> -> memref<32xi32, #tpu.memory_space<vmem>>
        %dma_start3A_819 = arith.constant 0 : i32
        %dma_start3A_820 = arith.constant 0 : i32
        %dma_start3A_821 = tpu.memref_slice %arg5[%dma_start3A_819, %dma_start3A_820] : memref<1003520x64xf32, #tpu.memory_space<hbm>> -> memref<1003520x64xf32, #tpu.memory_space<hbm>>
        tpu.enqueue_indirect_dma source(%dma_start3A_821 : memref<1003520x64xf32, #tpu.memory_space<hbm>>) target(%arg11 : memref<32x64xf32, #tpu.memory_space<vmem>>) offsets(%dma_start3A_818 : memref<32xi32, #tpu.memory_space<vmem>>) semaphore(%arg14 : memref<!tpu.dma_semaphore, #tpu.memory_space<semaphore_mem>>)
        %dma_start3A_822 = arith.constant 0 : i32
        %dma_start3A_823 = arith.constant 0 : i32
        %dma_start3A_824 = tpu.memref_slice %arg12[%dma_start3A_822, %dma_start3A_823] : memref<160x64xf32, #tpu.memory_space<vmem>> -> memref<128x64xf32, #tpu.memory_space<vmem>>
        %dma_start3A_825 = tpu.memref_slice %arg9[%add3A_781] : memref<2560xi32, #tpu.memory_space<vmem>> -> memref<128xi32, #tpu.memory_space<vmem>>
        %dma_start3A_826 = arith.constant 0 : i32
        %dma_start3A_827 = arith.constant 0 : i32
        %dma_start3A_828 = tpu.memref_slice %arg6[%dma_start3A_826, %dma_start3A_827] : memref<1003520x64xf32, #tpu.memory_space<hbm>> -> memref<1003520x64xf32, #tpu.memory_space<hbm>>
        tpu.enqueue_indirect_dma source(%dma_start3A_828 : memref<1003520x64xf32, #tpu.memory_space<hbm>>) target(%dma_start3A_824 : memref<128x64xf32, #tpu.memory_space<vmem>>) offsets(%dma_start3A_825 : memref<128xi32, #tpu.memory_space<vmem>>) semaphore(%arg14 : memref<!tpu.dma_semaphore, #tpu.memory_space<semaphore_mem>>)
        %dma_start3A_829 = arith.constant 128 : i32
        %dma_start3A_830 = arith.constant 0 : i32
        %dma_start3A_831 = tpu.memref_slice %arg12[%dma_start3A_829, %dma_start3A_830] : memref<160x64xf32, #tpu.memory_space<vmem>> -> memref<32x64xf32, #tpu.memory_space<vmem>>
        %dma_start3A_832 = tpu.memref_slice %arg9[%add3A_787] : memref<2560xi32, #tpu.memory_space<vmem>> -> memref<32xi32, #tpu.memory_space<vmem>>
        %dma_start3A_833 = arith.constant 0 : i32
        %dma_start3A_834 = arith.constant 0 : i32
        %dma_start3A_835 = tpu.memref_slice %arg6[%dma_start3A_833, %dma_start3A_834] : memref<1003520x64xf32, #tpu.memory_space<hbm>> -> memref<1003520x64xf32, #tpu.memory_space<hbm>>
        tpu.enqueue_indirect_dma source(%dma_start3A_835 : memref<1003520x64xf32, #tpu.memory_space<hbm>>) target(%dma_start3A_831 : memref<32x64xf32, #tpu.memory_space<vmem>>) offsets(%dma_start3A_832 : memref<32xi32, #tpu.memory_space<vmem>>) semaphore(%arg14 : memref<!tpu.dma_semaphore, #tpu.memory_space<semaphore_mem>>)
        %dma_start3A_836 = arith.constant 0 : i32
        %dma_start3A_837 = arith.constant 0 : i32
        %dma_start3A_838 = tpu.memref_slice %arg13[%dma_start3A_836, %dma_start3A_837] : memref<640x64xf32, #tpu.memory_space<vmem>> -> memref<128x64xf32, #tpu.memory_space<vmem>>
        %dma_start3A_839 = tpu.memref_slice %arg10[%add3A_793] : memref<10240xi32, #tpu.memory_space<vmem>> -> memref<128xi32, #tpu.memory_space<vmem>>
        %dma_start3A_840 = arith.constant 0 : i32
        %dma_start3A_841 = arith.constant 0 : i32
        %dma_start3A_842 = tpu.memref_slice %arg6[%dma_start3A_840, %dma_start3A_841] : memref<1003520x64xf32, #tpu.memory_space<hbm>> -> memref<1003520x64xf32, #tpu.memory_space<hbm>>
        tpu.enqueue_indirect_dma source(%dma_start3A_842 : memref<1003520x64xf32, #tpu.memory_space<hbm>>) target(%dma_start3A_838 : memref<128x64xf32, #tpu.memory_space<vmem>>) offsets(%dma_start3A_839 : memref<128xi32, #tpu.memory_space<vmem>>) semaphore(%arg14 : memref<!tpu.dma_semaphore, #tpu.memory_space<semaphore_mem>>)
        %dma_start3A_843 = arith.constant 128 : i32
        %dma_start3A_844 = arith.constant 0 : i32
        %dma_start3A_845 = tpu.memref_slice %arg13[%dma_start3A_843, %dma_start3A_844] : memref<640x64xf32, #tpu.memory_space<vmem>> -> memref<128x64xf32, #tpu.memory_space<vmem>>
        %dma_start3A_846 = tpu.memref_slice %arg10[%add3A_799] : memref<10240xi32, #tpu.memory_space<vmem>> -> memref<128xi32, #tpu.memory_space<vmem>>
        %dma_start3A_847 = arith.constant 0 : i32
        %dma_start3A_848 = arith.constant 0 : i32
        %dma_start3A_849 = tpu.memref_slice %arg6[%dma_start3A_847, %dma_start3A_848] : memref<1003520x64xf32, #tpu.memory_space<hbm>> -> memref<1003520x64xf32, #tpu.memory_space<hbm>>
        tpu.enqueue_indirect_dma source(%dma_start3A_849 : memref<1003520x64xf32, #tpu.memory_space<hbm>>) target(%dma_start3A_845 : memref<128x64xf32, #tpu.memory_space<vmem>>) offsets(%dma_start3A_846 : memref<128xi32, #tpu.memory_space<vmem>>) semaphore(%arg14 : memref<!tpu.dma_semaphore, #tpu.memory_space<semaphore_mem>>)
        %dma_start3A_850 = arith.constant 256 : i32
        %dma_start3A_851 = arith.constant 0 : i32
        %dma_start3A_852 = tpu.memref_slice %arg13[%dma_start3A_850, %dma_start3A_851] : memref<640x64xf32, #tpu.memory_space<vmem>> -> memref<128x64xf32, #tpu.memory_space<vmem>>
        %dma_start3A_853 = tpu.memref_slice %arg10[%add3A_805] : memref<10240xi32, #tpu.memory_space<vmem>> -> memref<128xi32, #tpu.memory_space<vmem>>
        %dma_start3A_854 = arith.constant 0 : i32
        %dma_start3A_855 = arith.constant 0 : i32
        %dma_start3A_856 = tpu.memref_slice %arg6[%dma_start3A_854, %dma_start3A_855] : memref<1003520x64xf32, #tpu.memory_space<hbm>> -> memref<1003520x64xf32, #tpu.memory_space<hbm>>
        tpu.enqueue_indirect_dma source(%dma_start3A_856 : memref<1003520x64xf32, #tpu.memory_space<hbm>>) target(%dma_start3A_852 : memref<128x64xf32, #tpu.memory_space<vmem>>) offsets(%dma_start3A_853 : memref<128xi32, #tpu.memory_space<vmem>>) semaphore(%arg14 : memref<!tpu.dma_semaphore, #tpu.memory_space<semaphore_mem>>)
        %dma_start3A_857 = arith.constant 384 : i32
        %dma_start3A_858 = arith.constant 0 : i32
        %dma_start3A_859 = tpu.memref_slice %arg13[%dma_start3A_857, %dma_start3A_858] : memref<640x64xf32, #tpu.memory_space<vmem>> -> memref<128x64xf32, #tpu.memory_space<vmem>>
        %dma_start3A_860 = tpu.memref_slice %arg10[%add3A_811] : memref<10240xi32, #tpu.memory_space<vmem>> -> memref<128xi32, #tpu.memory_space<vmem>>
        %dma_start3A_861 = arith.constant 0 : i32
        %dma_start3A_862 = arith.constant 0 : i32
        %dma_start3A_863 = tpu.memref_slice %arg6[%dma_start3A_861, %dma_start3A_862] : memref<1003520x64xf32, #tpu.memory_space<hbm>> -> memref<1003520x64xf32, #tpu.memory_space<hbm>>
        tpu.enqueue_indirect_dma source(%dma_start3A_863 : memref<1003520x64xf32, #tpu.memory_space<hbm>>) target(%dma_start3A_859 : memref<128x64xf32, #tpu.memory_space<vmem>>) offsets(%dma_start3A_860 : memref<128xi32, #tpu.memory_space<vmem>>) semaphore(%arg14 : memref<!tpu.dma_semaphore, #tpu.memory_space<semaphore_mem>>)
        %dma_start3A_864 = arith.constant 512 : i32
        %dma_start3A_865 = arith.constant 0 : i32
        %dma_start3A_866 = tpu.memref_slice %arg13[%dma_start3A_864, %dma_start3A_865] : memref<640x64xf32, #tpu.memory_space<vmem>> -> memref<128x64xf32, #tpu.memory_space<vmem>>
        %dma_start3A_867 = tpu.memref_slice %arg10[%add3A_817] : memref<10240xi32, #tpu.memory_space<vmem>> -> memref<128xi32, #tpu.memory_space<vmem>>
        %dma_start3A_868 = arith.constant 0 : i32
        %dma_start3A_869 = arith.constant 0 : i32
        %dma_start3A_870 = tpu.memref_slice %arg6[%dma_start3A_868, %dma_start3A_869] : memref<1003520x64xf32, #tpu.memory_space<hbm>> -> memref<1003520x64xf32, #tpu.memory_space<hbm>>
        tpu.enqueue_indirect_dma source(%dma_start3A_870 : memref<1003520x64xf32, #tpu.memory_space<hbm>>) target(%dma_start3A_866 : memref<128x64xf32, #tpu.memory_space<vmem>>) offsets(%dma_start3A_867 : memref<128xi32, #tpu.memory_space<vmem>>) semaphore(%arg14 : memref<!tpu.dma_semaphore, #tpu.memory_space<semaphore_mem>>)
      } else {
      }
      %mul3A_438 = arith.constant 32 : i32
      %mul3A_439 = arith.muli %add3A_432, %mul3A_438 : i32
      %mul3A_440 = arith.constant 32 : i32
      %mul3A_441 = arith.muli %add3A_432, %mul3A_440 : i32
      %mul3A_442 = arith.constant 5 : i32
      %mul3A_443 = arith.muli %mul3A_441, %mul3A_442 : i32
      %add3A_444 = arith.constant 0 : i32
      %add3A_445 = arith.addi %mul3A_443, %add3A_444 : i32
      %mul3A_446 = arith.constant 32 : i32
      %mul3A_447 = arith.muli %add3A_432, %mul3A_446 : i32
      %mul3A_448 = arith.constant 5 : i32
      %mul3A_449 = arith.muli %mul3A_447, %mul3A_448 : i32
      %add3A_450 = arith.constant 128 : i32
      %add3A_451 = arith.addi %mul3A_449, %add3A_450 : i32
      %mul3A_452 = arith.constant 32 : i32
      %mul3A_453 = arith.muli %add3A_432, %mul3A_452 : i32
      %mul3A_454 = arith.constant 20 : i32
      %mul3A_455 = arith.muli %mul3A_453, %mul3A_454 : i32
      %add3A_456 = arith.constant 0 : i32
      %add3A_457 = arith.addi %mul3A_455, %add3A_456 : i32
      %mul3A_458 = arith.constant 32 : i32
      %mul3A_459 = arith.muli %add3A_432, %mul3A_458 : i32
      %mul3A_460 = arith.constant 20 : i32
      %mul3A_461 = arith.muli %mul3A_459, %mul3A_460 : i32
      %add3A_462 = arith.constant 128 : i32
      %add3A_463 = arith.addi %mul3A_461, %add3A_462 : i32
      %mul3A_464 = arith.constant 32 : i32
      %mul3A_465 = arith.muli %add3A_432, %mul3A_464 : i32
      %mul3A_466 = arith.constant 20 : i32
      %mul3A_467 = arith.muli %mul3A_465, %mul3A_466 : i32
      %add3A_468 = arith.constant 256 : i32
      %add3A_469 = arith.addi %mul3A_467, %add3A_468 : i32
      %mul3A_470 = arith.constant 32 : i32
      %mul3A_471 = arith.muli %add3A_432, %mul3A_470 : i32
      %mul3A_472 = arith.constant 20 : i32
      %mul3A_473 = arith.muli %mul3A_471, %mul3A_472 : i32
      %add3A_474 = arith.constant 384 : i32
      %add3A_475 = arith.addi %mul3A_473, %add3A_474 : i32
      %mul3A_476 = arith.constant 32 : i32
      %mul3A_477 = arith.muli %add3A_432, %mul3A_476 : i32
      %mul3A_478 = arith.constant 20 : i32
      %mul3A_479 = arith.muli %mul3A_477, %mul3A_478 : i32
      %add3A_480 = arith.constant 512 : i32
      %add3A_481 = arith.addi %mul3A_479, %add3A_480 : i32
      %dma_wait3A_482 = tpu.memref_slice %arg8[%mul3A_439] : memref<512xi32, #tpu.memory_space<vmem>> -> memref<32xi32, #tpu.memory_space<vmem>>
      %dma_wait3A_483 = arith.constant 0 : i32
      %dma_wait3A_484 = arith.constant 0 : i32
      %dma_wait3A_485 = tpu.memref_slice %arg5[%dma_wait3A_483, %dma_wait3A_484] : memref<1003520x64xf32, #tpu.memory_space<hbm>> -> memref<1003520x64xf32, #tpu.memory_space<hbm>>
      tpu.wait_indirect_dma semaphore(%arg18 : memref<!tpu.dma_semaphore, #tpu.memory_space<semaphore_mem>>) src(%dma_wait3A_485 : memref<1003520x64xf32, #tpu.memory_space<hbm>>) dst(%arg15 : memref<32x64xf32, #tpu.memory_space<vmem>>)
      %dma_wait3A_486 = arith.constant 0 : i32
      %dma_wait3A_487 = arith.constant 0 : i32
      %dma_wait3A_488 = tpu.memref_slice %arg16[%dma_wait3A_486, %dma_wait3A_487] : memref<160x64xf32, #tpu.memory_space<vmem>> -> memref<128x64xf32, #tpu.memory_space<vmem>>
      %dma_wait3A_489 = tpu.memref_slice %arg9[%add3A_445] : memref<2560xi32, #tpu.memory_space<vmem>> -> memref<128xi32, #tpu.memory_space<vmem>>
      %dma_wait3A_490 = arith.constant 0 : i32
      %dma_wait3A_491 = arith.constant 0 : i32
      %dma_wait3A_492 = tpu.memref_slice %arg6[%dma_wait3A_490, %dma_wait3A_491] : memref<1003520x64xf32, #tpu.memory_space<hbm>> -> memref<1003520x64xf32, #tpu.memory_space<hbm>>
      tpu.wait_indirect_dma semaphore(%arg18 : memref<!tpu.dma_semaphore, #tpu.memory_space<semaphore_mem>>) src(%dma_wait3A_492 : memref<1003520x64xf32, #tpu.memory_space<hbm>>) dst(%dma_wait3A_488 : memref<128x64xf32, #tpu.memory_space<vmem>>)
      %dma_wait3A_493 = arith.constant 128 : i32
      %dma_wait3A_494 = arith.constant 0 : i32
      %dma_wait3A_495 = tpu.memref_slice %arg16[%dma_wait3A_493, %dma_wait3A_494] : memref<160x64xf32, #tpu.memory_space<vmem>> -> memref<32x64xf32, #tpu.memory_space<vmem>>
      %dma_wait3A_496 = tpu.memref_slice %arg9[%add3A_451] : memref<2560xi32, #tpu.memory_space<vmem>> -> memref<32xi32, #tpu.memory_space<vmem>>
      %dma_wait3A_497 = arith.constant 0 : i32
      %dma_wait3A_498 = arith.constant 0 : i32
      %dma_wait3A_499 = tpu.memref_slice %arg6[%dma_wait3A_497, %dma_wait3A_498] : memref<1003520x64xf32, #tpu.memory_space<hbm>> -> memref<1003520x64xf32, #tpu.memory_space<hbm>>
      tpu.wait_indirect_dma semaphore(%arg18 : memref<!tpu.dma_semaphore, #tpu.memory_space<semaphore_mem>>) src(%dma_wait3A_499 : memref<1003520x64xf32, #tpu.memory_space<hbm>>) dst(%dma_wait3A_495 : memref<32x64xf32, #tpu.memory_space<vmem>>)
      %dma_wait3A_500 = arith.constant 0 : i32
      %dma_wait3A_501 = arith.constant 0 : i32
      %dma_wait3A_502 = tpu.memref_slice %arg17[%dma_wait3A_500, %dma_wait3A_501] : memref<640x64xf32, #tpu.memory_space<vmem>> -> memref<128x64xf32, #tpu.memory_space<vmem>>
      %dma_wait3A_503 = tpu.memref_slice %arg10[%add3A_457] : memref<10240xi32, #tpu.memory_space<vmem>> -> memref<128xi32, #tpu.memory_space<vmem>>
      %dma_wait3A_504 = arith.constant 0 : i32
      %dma_wait3A_505 = arith.constant 0 : i32
      %dma_wait3A_506 = tpu.memref_slice %arg6[%dma_wait3A_504, %dma_wait3A_505] : memref<1003520x64xf32, #tpu.memory_space<hbm>> -> memref<1003520x64xf32, #tpu.memory_space<hbm>>
      tpu.wait_indirect_dma semaphore(%arg18 : memref<!tpu.dma_semaphore, #tpu.memory_space<semaphore_mem>>) src(%dma_wait3A_506 : memref<1003520x64xf32, #tpu.memory_space<hbm>>) dst(%dma_wait3A_502 : memref<128x64xf32, #tpu.memory_space<vmem>>)
      %dma_wait3A_507 = arith.constant 128 : i32
      %dma_wait3A_508 = arith.constant 0 : i32
      %dma_wait3A_509 = tpu.memref_slice %arg17[%dma_wait3A_507, %dma_wait3A_508] : memref<640x64xf32, #tpu.memory_space<vmem>> -> memref<128x64xf32, #tpu.memory_space<vmem>>
      %dma_wait3A_510 = tpu.memref_slice %arg10[%add3A_463] : memref<10240xi32, #tpu.memory_space<vmem>> -> memref<128xi32, #tpu.memory_space<vmem>>
      %dma_wait3A_511 = arith.constant 0 : i32
      %dma_wait3A_512 = arith.constant 0 : i32
      %dma_wait3A_513 = tpu.memref_slice %arg6[%dma_wait3A_511, %dma_wait3A_512] : memref<1003520x64xf32, #tpu.memory_space<hbm>> -> memref<1003520x64xf32, #tpu.memory_space<hbm>>
      tpu.wait_indirect_dma semaphore(%arg18 : memref<!tpu.dma_semaphore, #tpu.memory_space<semaphore_mem>>) src(%dma_wait3A_513 : memref<1003520x64xf32, #tpu.memory_space<hbm>>) dst(%dma_wait3A_509 : memref<128x64xf32, #tpu.memory_space<vmem>>)
      %dma_wait3A_514 = arith.constant 256 : i32
      %dma_wait3A_515 = arith.constant 0 : i32
      %dma_wait3A_516 = tpu.memref_slice %arg17[%dma_wait3A_514, %dma_wait3A_515] : memref<640x64xf32, #tpu.memory_space<vmem>> -> memref<128x64xf32, #tpu.memory_space<vmem>>
      %dma_wait3A_517 = tpu.memref_slice %arg10[%add3A_469] : memref<10240xi32, #tpu.memory_space<vmem>> -> memref<128xi32, #tpu.memory_space<vmem>>
      %dma_wait3A_518 = arith.constant 0 : i32
      %dma_wait3A_519 = arith.constant 0 : i32
      %dma_wait3A_520 = tpu.memref_slice %arg6[%dma_wait3A_518, %dma_wait3A_519] : memref<1003520x64xf32, #tpu.memory_space<hbm>> -> memref<1003520x64xf32, #tpu.memory_space<hbm>>
      tpu.wait_indirect_dma semaphore(%arg18 : memref<!tpu.dma_semaphore, #tpu.memory_space<semaphore_mem>>) src(%dma_wait3A_520 : memref<1003520x64xf32, #tpu.memory_space<hbm>>) dst(%dma_wait3A_516 : memref<128x64xf32, #tpu.memory_space<vmem>>)
      %dma_wait3A_521 = arith.constant 384 : i32
      %dma_wait3A_522 = arith.constant 0 : i32
      %dma_wait3A_523 = tpu.memref_slice %arg17[%dma_wait3A_521, %dma_wait3A_522] : memref<640x64xf32, #tpu.memory_space<vmem>> -> memref<128x64xf32, #tpu.memory_space<vmem>>
      %dma_wait3A_524 = tpu.memref_slice %arg10[%add3A_475] : memref<10240xi32, #tpu.memory_space<vmem>> -> memref<128xi32, #tpu.memory_space<vmem>>
      %dma_wait3A_525 = arith.constant 0 : i32
      %dma_wait3A_526 = arith.constant 0 : i32
      %dma_wait3A_527 = tpu.memref_slice %arg6[%dma_wait3A_525, %dma_wait3A_526] : memref<1003520x64xf32, #tpu.memory_space<hbm>> -> memref<1003520x64xf32, #tpu.memory_space<hbm>>
      tpu.wait_indirect_dma semaphore(%arg18 : memref<!tpu.dma_semaphore, #tpu.memory_space<semaphore_mem>>) src(%dma_wait3A_527 : memref<1003520x64xf32, #tpu.memory_space<hbm>>) dst(%dma_wait3A_523 : memref<128x64xf32, #tpu.memory_space<vmem>>)
      %dma_wait3A_528 = arith.constant 512 : i32
      %dma_wait3A_529 = arith.constant 0 : i32
      %dma_wait3A_530 = tpu.memref_slice %arg17[%dma_wait3A_528, %dma_wait3A_529] : memref<640x64xf32, #tpu.memory_space<vmem>> -> memref<128x64xf32, #tpu.memory_space<vmem>>
      %dma_wait3A_531 = tpu.memref_slice %arg10[%add3A_481] : memref<10240xi32, #tpu.memory_space<vmem>> -> memref<128xi32, #tpu.memory_space<vmem>>
      %dma_wait3A_532 = arith.constant 0 : i32
      %dma_wait3A_533 = arith.constant 0 : i32
      %dma_wait3A_534 = tpu.memref_slice %arg6[%dma_wait3A_532, %dma_wait3A_533] : memref<1003520x64xf32, #tpu.memory_space<hbm>> -> memref<1003520x64xf32, #tpu.memory_space<hbm>>
      tpu.wait_indirect_dma semaphore(%arg18 : memref<!tpu.dma_semaphore, #tpu.memory_space<semaphore_mem>>) src(%dma_wait3A_534 : memref<1003520x64xf32, #tpu.memory_space<hbm>>) dst(%dma_wait3A_530 : memref<128x64xf32, #tpu.memory_space<vmem>>)
      %scan3A_535 = arith.constant 0 : i32
      %scan3A_536 = arith.constant 0 : i32
      %scan3A_537 = arith.constant 32 : i32
      %scan3A_538 = arith.addi %scan3A_536, %scan3A_537 : i32
      %scan3A_539 = arith.constant 1 : i32
      scf.for %scan3A_772 = %scan3A_536 to %scan3A_538 step %scan3A_539  : i32 {
        %get3A = arith.index_cast %scan3A_772 : i32 to index
        %get3A_773 = arith.constant 0 : index
        %get3A_774 = tpu.vector_load %arg15[%get3A, %get3A_773] {strides = array<i32>} : memref<32x64xf32, #tpu.memory_space<vmem>>, vector<16xf32>,
        %get3A_775 = arith.index_cast %scan3A_772 : i32 to index
        %get3A_776 = arith.constant 16 : index
        %get3A_777 = tpu.vector_load %arg15[%get3A_775, %get3A_776] {strides = array<i32>} : memref<32x64xf32, #tpu.memory_space<vmem>>, vector<16xf32>,
        %get3A_778 = arith.index_cast %scan3A_772 : i32 to index
        %get3A_779 = arith.constant 32 : index
        %get3A_780 = tpu.vector_load %arg15[%get3A_778, %get3A_779] {strides = array<i32>} : memref<32x64xf32, #tpu.memory_space<vmem>>, vector<16xf32>,
        %get3A_781 = arith.index_cast %scan3A_772 : i32 to index
        %get3A_782 = arith.constant 48 : index
        %get3A_783 = tpu.vector_load %arg15[%get3A_781, %get3A_782] {strides = array<i32>} : memref<32x64xf32, #tpu.memory_space<vmem>>, vector<16xf32>,
        %broadcast_in_dim3A_784 = arith.constant 32 : i32
        %broadcast_in_dim3A_785 = vector.broadcast %broadcast_in_dim3A_784 : i32 to vector<16xi32>
        %add3A_786 = vector.broadcast %scan3A_772 : i32 to vector<16xi32>
        %add3A_787 = arith.addi %broadcast_in_dim3A_785, %add3A_786 : vector<16xi32>
        %mul3A_788 = arith.constant 5 : i32
        %mul3A_789 = arith.muli %scan3A_772, %mul3A_788 : i32
        %add3A_790 = arith.constant 0 : i32
        %add3A_791 = arith.addi %mul3A_789, %add3A_790 : i32
        %get3A_792 = arith.index_cast %add3A_791 : i32 to index
        %get3A_793 = arith.constant 0 : index
        %get3A_794 = tpu.vector_load %arg16[%get3A_792, %get3A_793] {strides = array<i32>} : memref<160x64xf32, #tpu.memory_space<vmem>>, vector<16xf32>,
        %mul3A_795 = arith.mulf %get3A_774, %get3A_794 : vector<16xf32>
        %get3A_796 = arith.index_cast %add3A_791 : i32 to index
        %get3A_797 = arith.constant 16 : index
        %get3A_798 = tpu.vector_load %arg16[%get3A_796, %get3A_797] {strides = array<i32>} : memref<160x64xf32, #tpu.memory_space<vmem>>, vector<16xf32>,
        %mul3A_799 = arith.mulf %get3A_777, %get3A_798 : vector<16xf32>
        %add3A_800 = arith.addf %mul3A_795, %mul3A_799 : vector<16xf32>
        %get3A_801 = arith.index_cast %add3A_791 : i32 to index
        %get3A_802 = arith.constant 32 : index
        %get3A_803 = tpu.vector_load %arg16[%get3A_801, %get3A_802] {strides = array<i32>} : memref<160x64xf32, #tpu.memory_space<vmem>>, vector<16xf32>,
        %mul3A_804 = arith.mulf %get3A_780, %get3A_803 : vector<16xf32>
        %add3A_805 = arith.addf %add3A_800, %mul3A_804 : vector<16xf32>
        %get3A_806 = arith.index_cast %add3A_791 : i32 to index
        %get3A_807 = arith.constant 48 : index
        %get3A_808 = tpu.vector_load %arg16[%get3A_806, %get3A_807] {strides = array<i32>} : memref<160x64xf32, #tpu.memory_space<vmem>>, vector<16xf32>,
        %mul3A_809 = arith.mulf %get3A_783, %get3A_808 : vector<16xf32>
        %add3A_810 = arith.addf %add3A_805, %mul3A_809 : vector<16xf32>
        %broadcast_in_dim3A_811 = arith.constant true
        %broadcast_in_dim3A_812 = vector.broadcast %broadcast_in_dim3A_811 : i1 to vector<16xi1>
        %masked_cumsum3A = tpu.scan <sum>, %add3A_810 masked %broadcast_in_dim3A_812 : vector<16xf32>, vector<16xi1> -> vector<16xf32>
        %broadcast_in_dim3A_813 = arith.constant 0 : i32
        %broadcast_in_dim3A_814 = vector.broadcast %broadcast_in_dim3A_813 : i32 to vector<16xi32>
        tpu.vector_store_idx %arg19[%broadcast_in_dim3A_814, %add3A_787], %masked_cumsum3A masked %eq3A_253 : memref<32x128xf32, #tpu.memory_space<vmem>>[vector<16xi32>, vector<16xi32>], vector<16xf32>, vector<16xi1>
        %mul3A_815 = arith.constant 5 : i32
        %mul3A_816 = arith.muli %scan3A_772, %mul3A_815 : i32
        %add3A_817 = arith.constant 1 : i32
        %add3A_818 = arith.addi %mul3A_816, %add3A_817 : i32
        %get3A_819 = arith.index_cast %add3A_818 : i32 to index
        %get3A_820 = arith.constant 0 : index
        %get3A_821 = tpu.vector_load %arg16[%get3A_819, %get3A_820] {strides = array<i32>} : memref<160x64xf32, #tpu.memory_space<vmem>>, vector<16xf32>,
        %mul3A_822 = arith.mulf %get3A_774, %get3A_821 : vector<16xf32>
        %get3A_823 = arith.index_cast %add3A_818 : i32 to index
        %get3A_824 = arith.constant 16 : index
        %get3A_825 = tpu.vector_load %arg16[%get3A_823, %get3A_824] {strides = array<i32>} : memref<160x64xf32, #tpu.memory_space<vmem>>, vector<16xf32>,
        %mul3A_826 = arith.mulf %get3A_777, %get3A_825 : vector<16xf32>
        %add3A_827 = arith.addf %mul3A_822, %mul3A_826 : vector<16xf32>
        %get3A_828 = arith.index_cast %add3A_818 : i32 to index
        %get3A_829 = arith.constant 32 : index
        %get3A_830 = tpu.vector_load %arg16[%get3A_828, %get3A_829] {strides = array<i32>} : memref<160x64xf32, #tpu.memory_space<vmem>>, vector<16xf32>,
        %mul3A_831 = arith.mulf %get3A_780, %get3A_830 : vector<16xf32>
        %add3A_832 = arith.addf %add3A_827, %mul3A_831 : vector<16xf32>
        %get3A_833 = arith.index_cast %add3A_818 : i32 to index
        %get3A_834 = arith.constant 48 : index
        %get3A_835 = tpu.vector_load %arg16[%get3A_833, %get3A_834] {strides = array<i32>} : memref<160x64xf32, #tpu.memory_space<vmem>>, vector<16xf32>,
        %mul3A_836 = arith.mulf %get3A_783, %get3A_835 : vector<16xf32>
        %add3A_837 = arith.addf %add3A_832, %mul3A_836 : vector<16xf32>
        %broadcast_in_dim3A_838 = arith.constant true
        %broadcast_in_dim3A_839 = vector.broadcast %broadcast_in_dim3A_838 : i1 to vector<16xi1>
        %masked_cumsum3A_840 = tpu.scan <sum>, %add3A_837 masked %broadcast_in_dim3A_839 : vector<16xf32>, vector<16xi1> -> vector<16xf32>
        %broadcast_in_dim3A_841 = arith.constant 1 : i32
        %broadcast_in_dim3A_842 = vector.broadcast %broadcast_in_dim3A_841 : i32 to vector<16xi32>
        tpu.vector_store_idx %arg19[%broadcast_in_dim3A_842, %add3A_787], %masked_cumsum3A_840 masked %eq3A_253 : memref<32x128xf32, #tpu.memory_space<vmem>>[vector<16xi32>, vector<16xi32>], vector<16xf32>, vector<16xi1>
        %mul3A_843 = arith.constant 5 : i32
        %mul3A_844 = arith.muli %scan3A_772, %mul3A_843 : i32
        %add3A_845 = arith.constant 2 : i32
        %add3A_846 = arith.addi %mul3A_844, %add3A_845 : i32
        %get3A_847 = arith.index_cast %add3A_846 : i32 to index
        %get3A_848 = arith.constant 0 : index
        %get3A_849 = tpu.vector_load %arg16[%get3A_847, %get3A_848] {strides = array<i32>} : memref<160x64xf32, #tpu.memory_space<vmem>>, vector<16xf32>,
        %mul3A_850 = arith.mulf %get3A_774, %get3A_849 : vector<16xf32>
        %get3A_851 = arith.index_cast %add3A_846 : i32 to index
        %get3A_852 = arith.constant 16 : index
        %get3A_853 = tpu.vector_load %arg16[%get3A_851, %get3A_852] {strides = array<i32>} : memref<160x64xf32, #tpu.memory_space<vmem>>, vector<16xf32>,
        %mul3A_854 = arith.mulf %get3A_777, %get3A_853 : vector<16xf32>
        %add3A_855 = arith.addf %mul3A_850, %mul3A_854 : vector<16xf32>
        %get3A_856 = arith.index_cast %add3A_846 : i32 to index
        %get3A_857 = arith.constant 32 : index
        %get3A_858 = tpu.vector_load %arg16[%get3A_856, %get3A_857] {strides = array<i32>} : memref<160x64xf32, #tpu.memory_space<vmem>>, vector<16xf32>,
        %mul3A_859 = arith.mulf %get3A_780, %get3A_858 : vector<16xf32>
        %add3A_860 = arith.addf %add3A_855, %mul3A_859 : vector<16xf32>
        %get3A_861 = arith.index_cast %add3A_846 : i32 to index
        %get3A_862 = arith.constant 48 : index
        %get3A_863 = tpu.vector_load %arg16[%get3A_861, %get3A_862] {strides = array<i32>} : memref<160x64xf32, #tpu.memory_space<vmem>>, vector<16xf32>,
        %mul3A_864 = arith.mulf %get3A_783, %get3A_863 : vector<16xf32>
        %add3A_865 = arith.addf %add3A_860, %mul3A_864 : vector<16xf32>
        %broadcast_in_dim3A_866 = arith.constant true
        %broadcast_in_dim3A_867 = vector.broadcast %broadcast_in_dim3A_866 : i1 to vector<16xi1>
        %masked_cumsum3A_868 = tpu.scan <sum>, %add3A_865 masked %broadcast_in_dim3A_867 : vector<16xf32>, vector<16xi1> -> vector<16xf32>
        %broadcast_in_dim3A_869 = arith.constant 2 : i32
        %broadcast_in_dim3A_870 = vector.broadcast %broadcast_in_dim3A_869 : i32 to vector<16xi32>
        tpu.vector_store_idx %arg19[%broadcast_in_dim3A_870, %add3A_787], %masked_cumsum3A_868 masked %eq3A_253 : memref<32x128xf32, #tpu.memory_space<vmem>>[vector<16xi32>, vector<16xi32>], vector<16xf32>, vector<16xi1>
        %mul3A_871 = arith.constant 5 : i32
        %mul3A_872 = arith.muli %scan3A_772, %mul3A_871 : i32
        %add3A_873 = arith.constant 3 : i32
        %add3A_874 = arith.addi %mul3A_872, %add3A_873 : i32
        %get3A_875 = arith.index_cast %add3A_874 : i32 to index
        %get3A_876 = arith.constant 0 : index
        %get3A_877 = tpu.vector_load %arg16[%get3A_875, %get3A_876] {strides = array<i32>} : memref<160x64xf32, #tpu.memory_space<vmem>>, vector<16xf32>,
        %mul3A_878 = arith.mulf %get3A_774, %get3A_877 : vector<16xf32>
        %get3A_879 = arith.index_cast %add3A_874 : i32 to index
        %get3A_880 = arith.constant 16 : index
        %get3A_881 = tpu.vector_load %arg16[%get3A_879, %get3A_880] {strides = array<i32>} : memref<160x64xf32, #tpu.memory_space<vmem>>, vector<16xf32>,
        %mul3A_882 = arith.mulf %get3A_777, %get3A_881 : vector<16xf32>
        %add3A_883 = arith.addf %mul3A_878, %mul3A_882 : vector<16xf32>
        %get3A_884 = arith.index_cast %add3A_874 : i32 to index
        %get3A_885 = arith.constant 32 : index
        %get3A_886 = tpu.vector_load %arg16[%get3A_884, %get3A_885] {strides = array<i32>} : memref<160x64xf32, #tpu.memory_space<vmem>>, vector<16xf32>,
        %mul3A_887 = arith.mulf %get3A_780, %get3A_886 : vector<16xf32>
        %add3A_888 = arith.addf %add3A_883, %mul3A_887 : vector<16xf32>
        %get3A_889 = arith.index_cast %add3A_874 : i32 to index
        %get3A_890 = arith.constant 48 : index
        %get3A_891 = tpu.vector_load %arg16[%get3A_889, %get3A_890] {strides = array<i32>} : memref<160x64xf32, #tpu.memory_space<vmem>>, vector<16xf32>,
        %mul3A_892 = arith.mulf %get3A_783, %get3A_891 : vector<16xf32>
        %add3A_893 = arith.addf %add3A_888, %mul3A_892 : vector<16xf32>
        %broadcast_in_dim3A_894 = arith.constant true
        %broadcast_in_dim3A_895 = vector.broadcast %broadcast_in_dim3A_894 : i1 to vector<16xi1>
        %masked_cumsum3A_896 = tpu.scan <sum>, %add3A_893 masked %broadcast_in_dim3A_895 : vector<16xf32>, vector<16xi1> -> vector<16xf32>
        %broadcast_in_dim3A_897 = arith.constant 3 : i32
        %broadcast_in_dim3A_898 = vector.broadcast %broadcast_in_dim3A_897 : i32 to vector<16xi32>
        tpu.vector_store_idx %arg19[%broadcast_in_dim3A_898, %add3A_787], %masked_cumsum3A_896 masked %eq3A_253 : memref<32x128xf32, #tpu.memory_space<vmem>>[vector<16xi32>, vector<16xi32>], vector<16xf32>, vector<16xi1>
        %mul3A_899 = arith.constant 5 : i32
        %mul3A_900 = arith.muli %scan3A_772, %mul3A_899 : i32
        %add3A_901 = arith.constant 4 : i32
        %add3A_902 = arith.addi %mul3A_900, %add3A_901 : i32
        %get3A_903 = arith.index_cast %add3A_902 : i32 to index
        %get3A_904 = arith.constant 0 : index
        %get3A_905 = tpu.vector_load %arg16[%get3A_903, %get3A_904] {strides = array<i32>} : memref<160x64xf32, #tpu.memory_space<vmem>>, vector<16xf32>,
        %mul3A_906 = arith.mulf %get3A_774, %get3A_905 : vector<16xf32>
        %get3A_907 = arith.index_cast %add3A_902 : i32 to index
        %get3A_908 = arith.constant 16 : index
        %get3A_909 = tpu.vector_load %arg16[%get3A_907, %get3A_908] {strides = array<i32>} : memref<160x64xf32, #tpu.memory_space<vmem>>, vector<16xf32>,
        %mul3A_910 = arith.mulf %get3A_777, %get3A_909 : vector<16xf32>
        %add3A_911 = arith.addf %mul3A_906, %mul3A_910 : vector<16xf32>
        %get3A_912 = arith.index_cast %add3A_902 : i32 to index
        %get3A_913 = arith.constant 32 : index
        %get3A_914 = tpu.vector_load %arg16[%get3A_912, %get3A_913] {strides = array<i32>} : memref<160x64xf32, #tpu.memory_space<vmem>>, vector<16xf32>,
        %mul3A_915 = arith.mulf %get3A_780, %get3A_914 : vector<16xf32>
        %add3A_916 = arith.addf %add3A_911, %mul3A_915 : vector<16xf32>
        %get3A_917 = arith.index_cast %add3A_902 : i32 to index
        %get3A_918 = arith.constant 48 : index
        %get3A_919 = tpu.vector_load %arg16[%get3A_917, %get3A_918] {strides = array<i32>} : memref<160x64xf32, #tpu.memory_space<vmem>>, vector<16xf32>,
        %mul3A_920 = arith.mulf %get3A_783, %get3A_919 : vector<16xf32>
        %add3A_921 = arith.addf %add3A_916, %mul3A_920 : vector<16xf32>
        %broadcast_in_dim3A_922 = arith.constant true
        %broadcast_in_dim3A_923 = vector.broadcast %broadcast_in_dim3A_922 : i1 to vector<16xi1>
        %masked_cumsum3A_924 = tpu.scan <sum>, %add3A_921 masked %broadcast_in_dim3A_923 : vector<16xf32>, vector<16xi1> -> vector<16xf32>
        %broadcast_in_dim3A_925 = arith.constant 4 : i32
        %broadcast_in_dim3A_926 = vector.broadcast %broadcast_in_dim3A_925 : i32 to vector<16xi32>
        tpu.vector_store_idx %arg19[%broadcast_in_dim3A_926, %add3A_787], %masked_cumsum3A_924 masked %eq3A_253 : memref<32x128xf32, #tpu.memory_space<vmem>>[vector<16xi32>, vector<16xi32>], vector<16xf32>, vector<16xi1>
        %mul3A_927 = arith.constant 20 : i32
        %mul3A_928 = arith.muli %scan3A_772, %mul3A_927 : i32
        %add3A_929 = arith.constant 0 : i32
        %add3A_930 = arith.addi %mul3A_928, %add3A_929 : i32
        %get3A_931 = arith.index_cast %add3A_930 : i32 to index
        %get3A_932 = arith.constant 0 : index
        %get3A_933 = tpu.vector_load %arg17[%get3A_931, %get3A_932] {strides = array<i32>} : memref<640x64xf32, #tpu.memory_space<vmem>>, vector<16xf32>,
        %mul3A_934 = arith.mulf %get3A_774, %get3A_933 : vector<16xf32>
        %get3A_935 = arith.index_cast %add3A_930 : i32 to index
        %get3A_936 = arith.constant 16 : index
        %get3A_937 = tpu.vector_load %arg17[%get3A_935, %get3A_936] {strides = array<i32>} : memref<640x64xf32, #tpu.memory_space<vmem>>, vector<16xf32>,
        %mul3A_938 = arith.mulf %get3A_777, %get3A_937 : vector<16xf32>
        %add3A_939 = arith.addf %mul3A_934, %mul3A_938 : vector<16xf32>
        %get3A_940 = arith.index_cast %add3A_930 : i32 to index
        %get3A_941 = arith.constant 32 : index
        %get3A_942 = tpu.vector_load %arg17[%get3A_940, %get3A_941] {strides = array<i32>} : memref<640x64xf32, #tpu.memory_space<vmem>>, vector<16xf32>,
        %mul3A_943 = arith.mulf %get3A_780, %get3A_942 : vector<16xf32>
        %add3A_944 = arith.addf %add3A_939, %mul3A_943 : vector<16xf32>
        %get3A_945 = arith.index_cast %add3A_930 : i32 to index
        %get3A_946 = arith.constant 48 : index
        %get3A_947 = tpu.vector_load %arg17[%get3A_945, %get3A_946] {strides = array<i32>} : memref<640x64xf32, #tpu.memory_space<vmem>>, vector<16xf32>,
        %mul3A_948 = arith.mulf %get3A_783, %get3A_947 : vector<16xf32>
        %add3A_949 = arith.addf %add3A_944, %mul3A_948 : vector<16xf32>
        %broadcast_in_dim3A_950 = arith.constant true
        %broadcast_in_dim3A_951 = vector.broadcast %broadcast_in_dim3A_950 : i1 to vector<16xi1>
        %masked_cumsum3A_952 = tpu.scan <sum>, %add3A_949 masked %broadcast_in_dim3A_951 : vector<16xf32>, vector<16xi1> -> vector<16xf32>
        %broadcast_in_dim3A_953 = arith.constant 5 : i32
        %broadcast_in_dim3A_954 = vector.broadcast %broadcast_in_dim3A_953 : i32 to vector<16xi32>
        tpu.vector_store_idx %arg19[%broadcast_in_dim3A_954, %add3A_787], %masked_cumsum3A_952 masked %eq3A_253 : memref<32x128xf32, #tpu.memory_space<vmem>>[vector<16xi32>, vector<16xi32>], vector<16xf32>, vector<16xi1>
        %mul3A_955 = arith.constant 20 : i32
        %mul3A_956 = arith.muli %scan3A_772, %mul3A_955 : i32
        %add3A_957 = arith.constant 1 : i32
        %add3A_958 = arith.addi %mul3A_956, %add3A_957 : i32
        %get3A_959 = arith.index_cast %add3A_958 : i32 to index
        %get3A_960 = arith.constant 0 : index
        %get3A_961 = tpu.vector_load %arg17[%get3A_959, %get3A_960] {strides = array<i32>} : memref<640x64xf32, #tpu.memory_space<vmem>>, vector<16xf32>,
        %mul3A_962 = arith.mulf %get3A_774, %get3A_961 : vector<16xf32>
        %get3A_963 = arith.index_cast %add3A_958 : i32 to index
        %get3A_964 = arith.constant 16 : index
        %get3A_965 = tpu.vector_load %arg17[%get3A_963, %get3A_964] {strides = array<i32>} : memref<640x64xf32, #tpu.memory_space<vmem>>, vector<16xf32>,
        %mul3A_966 = arith.mulf %get3A_777, %get3A_965 : vector<16xf32>
        %add3A_967 = arith.addf %mul3A_962, %mul3A_966 : vector<16xf32>
        %get3A_968 = arith.index_cast %add3A_958 : i32 to index
        %get3A_969 = arith.constant 32 : index
        %get3A_970 = tpu.vector_load %arg17[%get3A_968, %get3A_969] {strides = array<i32>} : memref<640x64xf32, #tpu.memory_space<vmem>>, vector<16xf32>,
        %mul3A_971 = arith.mulf %get3A_780, %get3A_970 : vector<16xf32>
        %add3A_972 = arith.addf %add3A_967, %mul3A_971 : vector<16xf32>
        %get3A_973 = arith.index_cast %add3A_958 : i32 to index
        %get3A_974 = arith.constant 48 : index
        %get3A_975 = tpu.vector_load %arg17[%get3A_973, %get3A_974] {strides = array<i32>} : memref<640x64xf32, #tpu.memory_space<vmem>>, vector<16xf32>,
        %mul3A_976 = arith.mulf %get3A_783, %get3A_975 : vector<16xf32>
        %add3A_977 = arith.addf %add3A_972, %mul3A_976 : vector<16xf32>
        %broadcast_in_dim3A_978 = arith.constant true
        %broadcast_in_dim3A_979 = vector.broadcast %broadcast_in_dim3A_978 : i1 to vector<16xi1>
        %masked_cumsum3A_980 = tpu.scan <sum>, %add3A_977 masked %broadcast_in_dim3A_979 : vector<16xf32>, vector<16xi1> -> vector<16xf32>
        %broadcast_in_dim3A_981 = arith.constant 6 : i32
        %broadcast_in_dim3A_982 = vector.broadcast %broadcast_in_dim3A_981 : i32 to vector<16xi32>
        tpu.vector_store_idx %arg19[%broadcast_in_dim3A_982, %add3A_787], %masked_cumsum3A_980 masked %eq3A_253 : memref<32x128xf32, #tpu.memory_space<vmem>>[vector<16xi32>, vector<16xi32>], vector<16xf32>, vector<16xi1>
        %mul3A_983 = arith.constant 20 : i32
        %mul3A_984 = arith.muli %scan3A_772, %mul3A_983 : i32
        %add3A_985 = arith.constant 2 : i32
        %add3A_986 = arith.addi %mul3A_984, %add3A_985 : i32
        %get3A_987 = arith.index_cast %add3A_986 : i32 to index
        %get3A_988 = arith.constant 0 : index
        %get3A_989 = tpu.vector_load %arg17[%get3A_987, %get3A_988] {strides = array<i32>} : memref<640x64xf32, #tpu.memory_space<vmem>>, vector<16xf32>,
        %mul3A_990 = arith.mulf %get3A_774, %get3A_989 : vector<16xf32>
        %get3A_991 = arith.index_cast %add3A_986 : i32 to index
        %get3A_992 = arith.constant 16 : index
        %get3A_993 = tpu.vector_load %arg17[%get3A_991, %get3A_992] {strides = array<i32>} : memref<640x64xf32, #tpu.memory_space<vmem>>, vector<16xf32>,
        %mul3A_994 = arith.mulf %get3A_777, %get3A_993 : vector<16xf32>
        %add3A_995 = arith.addf %mul3A_990, %mul3A_994 : vector<16xf32>
        %get3A_996 = arith.index_cast %add3A_986 : i32 to index
        %get3A_997 = arith.constant 32 : index
        %get3A_998 = tpu.vector_load %arg17[%get3A_996, %get3A_997] {strides = array<i32>} : memref<640x64xf32, #tpu.memory_space<vmem>>, vector<16xf32>,
        %mul3A_999 = arith.mulf %get3A_780, %get3A_998 : vector<16xf32>
        %add3A_1000 = arith.addf %add3A_995, %mul3A_999 : vector<16xf32>
        %get3A_1001 = arith.index_cast %add3A_986 : i32 to index
        %get3A_1002 = arith.constant 48 : index
        %get3A_1003 = tpu.vector_load %arg17[%get3A_1001, %get3A_1002] {strides = array<i32>} : memref<640x64xf32, #tpu.memory_space<vmem>>, vector<16xf32>,
        %mul3A_1004 = arith.mulf %get3A_783, %get3A_1003 : vector<16xf32>
        %add3A_1005 = arith.addf %add3A_1000, %mul3A_1004 : vector<16xf32>
        %broadcast_in_dim3A_1006 = arith.constant true
        %broadcast_in_dim3A_1007 = vector.broadcast %broadcast_in_dim3A_1006 : i1 to vector<16xi1>
        %masked_cumsum3A_1008 = tpu.scan <sum>, %add3A_1005 masked %broadcast_in_dim3A_1007 : vector<16xf32>, vector<16xi1> -> vector<16xf32>
        %broadcast_in_dim3A_1009 = arith.constant 7 : i32
        %broadcast_in_dim3A_1010 = vector.broadcast %broadcast_in_dim3A_1009 : i32 to vector<16xi32>
        tpu.vector_store_idx %arg19[%broadcast_in_dim3A_1010, %add3A_787], %masked_cumsum3A_1008 masked %eq3A_253 : memref<32x128xf32, #tpu.memory_space<vmem>>[vector<16xi32>, vector<16xi32>], vector<16xf32>, vector<16xi1>
        %mul3A_1011 = arith.constant 20 : i32
        %mul3A_1012 = arith.muli %scan3A_772, %mul3A_1011 : i32
        %add3A_1013 = arith.constant 3 : i32
        %add3A_1014 = arith.addi %mul3A_1012, %add3A_1013 : i32
        %get3A_1015 = arith.index_cast %add3A_1014 : i32 to index
        %get3A_1016 = arith.constant 0 : index
        %get3A_1017 = tpu.vector_load %arg17[%get3A_1015, %get3A_1016] {strides = array<i32>} : memref<640x64xf32, #tpu.memory_space<vmem>>, vector<16xf32>,
        %mul3A_1018 = arith.mulf %get3A_774, %get3A_1017 : vector<16xf32>
        %get3A_1019 = arith.index_cast %add3A_1014 : i32 to index
        %get3A_1020 = arith.constant 16 : index
        %get3A_1021 = tpu.vector_load %arg17[%get3A_1019, %get3A_1020] {strides = array<i32>} : memref<640x64xf32, #tpu.memory_space<vmem>>, vector<16xf32>,
        %mul3A_1022 = arith.mulf %get3A_777, %get3A_1021 : vector<16xf32>
        %add3A_1023 = arith.addf %mul3A_1018, %mul3A_1022 : vector<16xf32>
        %get3A_1024 = arith.index_cast %add3A_1014 : i32 to index
        %get3A_1025 = arith.constant 32 : index
        %get3A_1026 = tpu.vector_load %arg17[%get3A_1024, %get3A_1025] {strides = array<i32>} : memref<640x64xf32, #tpu.memory_space<vmem>>, vector<16xf32>,
        %mul3A_1027 = arith.mulf %get3A_780, %get3A_1026 : vector<16xf32>
        %add3A_1028 = arith.addf %add3A_1023, %mul3A_1027 : vector<16xf32>
        %get3A_1029 = arith.index_cast %add3A_1014 : i32 to index
        %get3A_1030 = arith.constant 48 : index
        %get3A_1031 = tpu.vector_load %arg17[%get3A_1029, %get3A_1030] {strides = array<i32>} : memref<640x64xf32, #tpu.memory_space<vmem>>, vector<16xf32>,
        %mul3A_1032 = arith.mulf %get3A_783, %get3A_1031 : vector<16xf32>
        %add3A_1033 = arith.addf %add3A_1028, %mul3A_1032 : vector<16xf32>
        %broadcast_in_dim3A_1034 = arith.constant true
        %broadcast_in_dim3A_1035 = vector.broadcast %broadcast_in_dim3A_1034 : i1 to vector<16xi1>
        %masked_cumsum3A_1036 = tpu.scan <sum>, %add3A_1033 masked %broadcast_in_dim3A_1035 : vector<16xf32>, vector<16xi1> -> vector<16xf32>
        %broadcast_in_dim3A_1037 = arith.constant 8 : i32
        %broadcast_in_dim3A_1038 = vector.broadcast %broadcast_in_dim3A_1037 : i32 to vector<16xi32>
        tpu.vector_store_idx %arg19[%broadcast_in_dim3A_1038, %add3A_787], %masked_cumsum3A_1036 masked %eq3A_253 : memref<32x128xf32, #tpu.memory_space<vmem>>[vector<16xi32>, vector<16xi32>], vector<16xf32>, vector<16xi1>
        %mul3A_1039 = arith.constant 20 : i32
        %mul3A_1040 = arith.muli %scan3A_772, %mul3A_1039 : i32
        %add3A_1041 = arith.constant 4 : i32
        %add3A_1042 = arith.addi %mul3A_1040, %add3A_1041 : i32
        %get3A_1043 = arith.index_cast %add3A_1042 : i32 to index
        %get3A_1044 = arith.constant 0 : index
        %get3A_1045 = tpu.vector_load %arg17[%get3A_1043, %get3A_1044] {strides = array<i32>} : memref<640x64xf32, #tpu.memory_space<vmem>>, vector<16xf32>,
        %mul3A_1046 = arith.mulf %get3A_774, %get3A_1045 : vector<16xf32>
        %get3A_1047 = arith.index_cast %add3A_1042 : i32 to index
        %get3A_1048 = arith.constant 16 : index
        %get3A_1049 = tpu.vector_load %arg17[%get3A_1047, %get3A_1048] {strides = array<i32>} : memref<640x64xf32, #tpu.memory_space<vmem>>, vector<16xf32>,
        %mul3A_1050 = arith.mulf %get3A_777, %get3A_1049 : vector<16xf32>
        %add3A_1051 = arith.addf %mul3A_1046, %mul3A_1050 : vector<16xf32>
        %get3A_1052 = arith.index_cast %add3A_1042 : i32 to index
        %get3A_1053 = arith.constant 32 : index
        %get3A_1054 = tpu.vector_load %arg17[%get3A_1052, %get3A_1053] {strides = array<i32>} : memref<640x64xf32, #tpu.memory_space<vmem>>, vector<16xf32>,
        %mul3A_1055 = arith.mulf %get3A_780, %get3A_1054 : vector<16xf32>
        %add3A_1056 = arith.addf %add3A_1051, %mul3A_1055 : vector<16xf32>
        %get3A_1057 = arith.index_cast %add3A_1042 : i32 to index
        %get3A_1058 = arith.constant 48 : index
        %get3A_1059 = tpu.vector_load %arg17[%get3A_1057, %get3A_1058] {strides = array<i32>} : memref<640x64xf32, #tpu.memory_space<vmem>>, vector<16xf32>,
        %mul3A_1060 = arith.mulf %get3A_783, %get3A_1059 : vector<16xf32>
        %add3A_1061 = arith.addf %add3A_1056, %mul3A_1060 : vector<16xf32>
        %broadcast_in_dim3A_1062 = arith.constant true
        %broadcast_in_dim3A_1063 = vector.broadcast %broadcast_in_dim3A_1062 : i1 to vector<16xi1>
        %masked_cumsum3A_1064 = tpu.scan <sum>, %add3A_1061 masked %broadcast_in_dim3A_1063 : vector<16xf32>, vector<16xi1> -> vector<16xf32>
        %broadcast_in_dim3A_1065 = arith.constant 9 : i32
        %broadcast_in_dim3A_1066 = vector.broadcast %broadcast_in_dim3A_1065 : i32 to vector<16xi32>
        tpu.vector_store_idx %arg19[%broadcast_in_dim3A_1066, %add3A_787], %masked_cumsum3A_1064 masked %eq3A_253 : memref<32x128xf32, #tpu.memory_space<vmem>>[vector<16xi32>, vector<16xi32>], vector<16xf32>, vector<16xi1>
        %mul3A_1067 = arith.constant 20 : i32
        %mul3A_1068 = arith.muli %scan3A_772, %mul3A_1067 : i32
        %add3A_1069 = arith.constant 5 : i32
        %add3A_1070 = arith.addi %mul3A_1068, %add3A_1069 : i32
        %get3A_1071 = arith.index_cast %add3A_1070 : i32 to index
        %get3A_1072 = arith.constant 0 : index
        %get3A_1073 = tpu.vector_load %arg17[%get3A_1071, %get3A_1072] {strides = array<i32>} : memref<640x64xf32, #tpu.memory_space<vmem>>, vector<16xf32>,
        %mul3A_1074 = arith.mulf %get3A_774, %get3A_1073 : vector<16xf32>
        %get3A_1075 = arith.index_cast %add3A_1070 : i32 to index
        %get3A_1076 = arith.constant 16 : index
        %get3A_1077 = tpu.vector_load %arg17[%get3A_1075, %get3A_1076] {strides = array<i32>} : memref<640x64xf32, #tpu.memory_space<vmem>>, vector<16xf32>,
        %mul3A_1078 = arith.mulf %get3A_777, %get3A_1077 : vector<16xf32>
        %add3A_1079 = arith.addf %mul3A_1074, %mul3A_1078 : vector<16xf32>
        %get3A_1080 = arith.index_cast %add3A_1070 : i32 to index
        %get3A_1081 = arith.constant 32 : index
        %get3A_1082 = tpu.vector_load %arg17[%get3A_1080, %get3A_1081] {strides = array<i32>} : memref<640x64xf32, #tpu.memory_space<vmem>>, vector<16xf32>,
        %mul3A_1083 = arith.mulf %get3A_780, %get3A_1082 : vector<16xf32>
        %add3A_1084 = arith.addf %add3A_1079, %mul3A_1083 : vector<16xf32>
        %get3A_1085 = arith.index_cast %add3A_1070 : i32 to index
        %get3A_1086 = arith.constant 48 : index
        %get3A_1087 = tpu.vector_load %arg17[%get3A_1085, %get3A_1086] {strides = array<i32>} : memref<640x64xf32, #tpu.memory_space<vmem>>, vector<16xf32>,
        %mul3A_1088 = arith.mulf %get3A_783, %get3A_1087 : vector<16xf32>
        %add3A_1089 = arith.addf %add3A_1084, %mul3A_1088 : vector<16xf32>
        %broadcast_in_dim3A_1090 = arith.constant true
        %broadcast_in_dim3A_1091 = vector.broadcast %broadcast_in_dim3A_1090 : i1 to vector<16xi1>
        %masked_cumsum3A_1092 = tpu.scan <sum>, %add3A_1089 masked %broadcast_in_dim3A_1091 : vector<16xf32>, vector<16xi1> -> vector<16xf32>
        %broadcast_in_dim3A_1093 = arith.constant 10 : i32
        %broadcast_in_dim3A_1094 = vector.broadcast %broadcast_in_dim3A_1093 : i32 to vector<16xi32>
        tpu.vector_store_idx %arg19[%broadcast_in_dim3A_1094, %add3A_787], %masked_cumsum3A_1092 masked %eq3A_253 : memref<32x128xf32, #tpu.memory_space<vmem>>[vector<16xi32>, vector<16xi32>], vector<16xf32>, vector<16xi1>
        %mul3A_1095 = arith.constant 20 : i32
        %mul3A_1096 = arith.muli %scan3A_772, %mul3A_1095 : i32
        %add3A_1097 = arith.constant 6 : i32
        %add3A_1098 = arith.addi %mul3A_1096, %add3A_1097 : i32
        %get3A_1099 = arith.index_cast %add3A_1098 : i32 to index
        %get3A_1100 = arith.constant 0 : index
        %get3A_1101 = tpu.vector_load %arg17[%get3A_1099, %get3A_1100] {strides = array<i32>} : memref<640x64xf32, #tpu.memory_space<vmem>>, vector<16xf32>,
        %mul3A_1102 = arith.mulf %get3A_774, %get3A_1101 : vector<16xf32>
        %get3A_1103 = arith.index_cast %add3A_1098 : i32 to index
        %get3A_1104 = arith.constant 16 : index
        %get3A_1105 = tpu.vector_load %arg17[%get3A_1103, %get3A_1104] {strides = array<i32>} : memref<640x64xf32, #tpu.memory_space<vmem>>, vector<16xf32>,
        %mul3A_1106 = arith.mulf %get3A_777, %get3A_1105 : vector<16xf32>
        %add3A_1107 = arith.addf %mul3A_1102, %mul3A_1106 : vector<16xf32>
        %get3A_1108 = arith.index_cast %add3A_1098 : i32 to index
        %get3A_1109 = arith.constant 32 : index
        %get3A_1110 = tpu.vector_load %arg17[%get3A_1108, %get3A_1109] {strides = array<i32>} : memref<640x64xf32, #tpu.memory_space<vmem>>, vector<16xf32>,
        %mul3A_1111 = arith.mulf %get3A_780, %get3A_1110 : vector<16xf32>
        %add3A_1112 = arith.addf %add3A_1107, %mul3A_1111 : vector<16xf32>
        %get3A_1113 = arith.index_cast %add3A_1098 : i32 to index
        %get3A_1114 = arith.constant 48 : index
        %get3A_1115 = tpu.vector_load %arg17[%get3A_1113, %get3A_1114] {strides = array<i32>} : memref<640x64xf32, #tpu.memory_space<vmem>>, vector<16xf32>,
        %mul3A_1116 = arith.mulf %get3A_783, %get3A_1115 : vector<16xf32>
        %add3A_1117 = arith.addf %add3A_1112, %mul3A_1116 : vector<16xf32>
        %broadcast_in_dim3A_1118 = arith.constant true
        %broadcast_in_dim3A_1119 = vector.broadcast %broadcast_in_dim3A_1118 : i1 to vector<16xi1>
        %masked_cumsum3A_1120 = tpu.scan <sum>, %add3A_1117 masked %broadcast_in_dim3A_1119 : vector<16xf32>, vector<16xi1> -> vector<16xf32>
        %broadcast_in_dim3A_1121 = arith.constant 11 : i32
        %broadcast_in_dim3A_1122 = vector.broadcast %broadcast_in_dim3A_1121 : i32 to vector<16xi32>
        tpu.vector_store_idx %arg19[%broadcast_in_dim3A_1122, %add3A_787], %masked_cumsum3A_1120 masked %eq3A_253 : memref<32x128xf32, #tpu.memory_space<vmem>>[vector<16xi32>, vector<16xi32>], vector<16xf32>, vector<16xi1>
        %mul3A_1123 = arith.constant 20 : i32
        %mul3A_1124 = arith.muli %scan3A_772, %mul3A_1123 : i32
        %add3A_1125 = arith.constant 7 : i32
        %add3A_1126 = arith.addi %mul3A_1124, %add3A_1125 : i32
        %get3A_1127 = arith.index_cast %add3A_1126 : i32 to index
        %get3A_1128 = arith.constant 0 : index
        %get3A_1129 = tpu.vector_load %arg17[%get3A_1127, %get3A_1128] {strides = array<i32>} : memref<640x64xf32, #tpu.memory_space<vmem>>, vector<16xf32>,
        %mul3A_1130 = arith.mulf %get3A_774, %get3A_1129 : vector<16xf32>
        %get3A_1131 = arith.index_cast %add3A_1126 : i32 to index
        %get3A_1132 = arith.constant 16 : index
        %get3A_1133 = tpu.vector_load %arg17[%get3A_1131, %get3A_1132] {strides = array<i32>} : memref<640x64xf32, #tpu.memory_space<vmem>>, vector<16xf32>,
        %mul3A_1134 = arith.mulf %get3A_777, %get3A_1133 : vector<16xf32>
        %add3A_1135 = arith.addf %mul3A_1130, %mul3A_1134 : vector<16xf32>
        %get3A_1136 = arith.index_cast %add3A_1126 : i32 to index
        %get3A_1137 = arith.constant 32 : index
        %get3A_1138 = tpu.vector_load %arg17[%get3A_1136, %get3A_1137] {strides = array<i32>} : memref<640x64xf32, #tpu.memory_space<vmem>>, vector<16xf32>,
        %mul3A_1139 = arith.mulf %get3A_780, %get3A_1138 : vector<16xf32>
        %add3A_1140 = arith.addf %add3A_1135, %mul3A_1139 : vector<16xf32>
        %get3A_1141 = arith.index_cast %add3A_1126 : i32 to index
        %get3A_1142 = arith.constant 48 : index
        %get3A_1143 = tpu.vector_load %arg17[%get3A_1141, %get3A_1142] {strides = array<i32>} : memref<640x64xf32, #tpu.memory_space<vmem>>, vector<16xf32>,
        %mul3A_1144 = arith.mulf %get3A_783, %get3A_1143 : vector<16xf32>
        %add3A_1145 = arith.addf %add3A_1140, %mul3A_1144 : vector<16xf32>
        %broadcast_in_dim3A_1146 = arith.constant true
        %broadcast_in_dim3A_1147 = vector.broadcast %broadcast_in_dim3A_1146 : i1 to vector<16xi1>
        %masked_cumsum3A_1148 = tpu.scan <sum>, %add3A_1145 masked %broadcast_in_dim3A_1147 : vector<16xf32>, vector<16xi1> -> vector<16xf32>
        %broadcast_in_dim3A_1149 = arith.constant 12 : i32
        %broadcast_in_dim3A_1150 = vector.broadcast %broadcast_in_dim3A_1149 : i32 to vector<16xi32>
        tpu.vector_store_idx %arg19[%broadcast_in_dim3A_1150, %add3A_787], %masked_cumsum3A_1148 masked %eq3A_253 : memref<32x128xf32, #tpu.memory_space<vmem>>[vector<16xi32>, vector<16xi32>], vector<16xf32>, vector<16xi1>
        %mul3A_1151 = arith.constant 20 : i32
        %mul3A_1152 = arith.muli %scan3A_772, %mul3A_1151 : i32
        %add3A_1153 = arith.constant 8 : i32
        %add3A_1154 = arith.addi %mul3A_1152, %add3A_1153 : i32
        %get3A_1155 = arith.index_cast %add3A_1154 : i32 to index
        %get3A_1156 = arith.constant 0 : index
        %get3A_1157 = tpu.vector_load %arg17[%get3A_1155, %get3A_1156] {strides = array<i32>} : memref<640x64xf32, #tpu.memory_space<vmem>>, vector<16xf32>,
        %mul3A_1158 = arith.mulf %get3A_774, %get3A_1157 : vector<16xf32>
        %get3A_1159 = arith.index_cast %add3A_1154 : i32 to index
        %get3A_1160 = arith.constant 16 : index
        %get3A_1161 = tpu.vector_load %arg17[%get3A_1159, %get3A_1160] {strides = array<i32>} : memref<640x64xf32, #tpu.memory_space<vmem>>, vector<16xf32>,
        %mul3A_1162 = arith.mulf %get3A_777, %get3A_1161 : vector<16xf32>
        %add3A_1163 = arith.addf %mul3A_1158, %mul3A_1162 : vector<16xf32>
        %get3A_1164 = arith.index_cast %add3A_1154 : i32 to index
        %get3A_1165 = arith.constant 32 : index
        %get3A_1166 = tpu.vector_load %arg17[%get3A_1164, %get3A_1165] {strides = array<i32>} : memref<640x64xf32, #tpu.memory_space<vmem>>, vector<16xf32>,
        %mul3A_1167 = arith.mulf %get3A_780, %get3A_1166 : vector<16xf32>
        %add3A_1168 = arith.addf %add3A_1163, %mul3A_1167 : vector<16xf32>
        %get3A_1169 = arith.index_cast %add3A_1154 : i32 to index
        %get3A_1170 = arith.constant 48 : index
        %get3A_1171 = tpu.vector_load %arg17[%get3A_1169, %get3A_1170] {strides = array<i32>} : memref<640x64xf32, #tpu.memory_space<vmem>>, vector<16xf32>,
        %mul3A_1172 = arith.mulf %get3A_783, %get3A_1171 : vector<16xf32>
        %add3A_1173 = arith.addf %add3A_1168, %mul3A_1172 : vector<16xf32>
        %broadcast_in_dim3A_1174 = arith.constant true
        %broadcast_in_dim3A_1175 = vector.broadcast %broadcast_in_dim3A_1174 : i1 to vector<16xi1>
        %masked_cumsum3A_1176 = tpu.scan <sum>, %add3A_1173 masked %broadcast_in_dim3A_1175 : vector<16xf32>, vector<16xi1> -> vector<16xf32>
        %broadcast_in_dim3A_1177 = arith.constant 13 : i32
        %broadcast_in_dim3A_1178 = vector.broadcast %broadcast_in_dim3A_1177 : i32 to vector<16xi32>
        tpu.vector_store_idx %arg19[%broadcast_in_dim3A_1178, %add3A_787], %masked_cumsum3A_1176 masked %eq3A_253 : memref<32x128xf32, #tpu.memory_space<vmem>>[vector<16xi32>, vector<16xi32>], vector<16xf32>, vector<16xi1>
        %mul3A_1179 = arith.constant 20 : i32
        %mul3A_1180 = arith.muli %scan3A_772, %mul3A_1179 : i32
        %add3A_1181 = arith.constant 9 : i32
        %add3A_1182 = arith.addi %mul3A_1180, %add3A_1181 : i32
        %get3A_1183 = arith.index_cast %add3A_1182 : i32 to index
        %get3A_1184 = arith.constant 0 : index
        %get3A_1185 = tpu.vector_load %arg17[%get3A_1183, %get3A_1184] {strides = array<i32>} : memref<640x64xf32, #tpu.memory_space<vmem>>, vector<16xf32>,
        %mul3A_1186 = arith.mulf %get3A_774, %get3A_1185 : vector<16xf32>
        %get3A_1187 = arith.index_cast %add3A_1182 : i32 to index
        %get3A_1188 = arith.constant 16 : index
        %get3A_1189 = tpu.vector_load %arg17[%get3A_1187, %get3A_1188] {strides = array<i32>} : memref<640x64xf32, #tpu.memory_space<vmem>>, vector<16xf32>,
        %mul3A_1190 = arith.mulf %get3A_777, %get3A_1189 : vector<16xf32>
        %add3A_1191 = arith.addf %mul3A_1186, %mul3A_1190 : vector<16xf32>
        %get3A_1192 = arith.index_cast %add3A_1182 : i32 to index
        %get3A_1193 = arith.constant 32 : index
        %get3A_1194 = tpu.vector_load %arg17[%get3A_1192, %get3A_1193] {strides = array<i32>} : memref<640x64xf32, #tpu.memory_space<vmem>>, vector<16xf32>,
        %mul3A_1195 = arith.mulf %get3A_780, %get3A_1194 : vector<16xf32>
        %add3A_1196 = arith.addf %add3A_1191, %mul3A_1195 : vector<16xf32>
        %get3A_1197 = arith.index_cast %add3A_1182 : i32 to index
        %get3A_1198 = arith.constant 48 : index
        %get3A_1199 = tpu.vector_load %arg17[%get3A_1197, %get3A_1198] {strides = array<i32>} : memref<640x64xf32, #tpu.memory_space<vmem>>, vector<16xf32>,
        %mul3A_1200 = arith.mulf %get3A_783, %get3A_1199 : vector<16xf32>
        %add3A_1201 = arith.addf %add3A_1196, %mul3A_1200 : vector<16xf32>
        %broadcast_in_dim3A_1202 = arith.constant true
        %broadcast_in_dim3A_1203 = vector.broadcast %broadcast_in_dim3A_1202 : i1 to vector<16xi1>
        %masked_cumsum3A_1204 = tpu.scan <sum>, %add3A_1201 masked %broadcast_in_dim3A_1203 : vector<16xf32>, vector<16xi1> -> vector<16xf32>
        %broadcast_in_dim3A_1205 = arith.constant 14 : i32
        %broadcast_in_dim3A_1206 = vector.broadcast %broadcast_in_dim3A_1205 : i32 to vector<16xi32>
        tpu.vector_store_idx %arg19[%broadcast_in_dim3A_1206, %add3A_787], %masked_cumsum3A_1204 masked %eq3A_253 : memref<32x128xf32, #tpu.memory_space<vmem>>[vector<16xi32>, vector<16xi32>], vector<16xf32>, vector<16xi1>
        %mul3A_1207 = arith.constant 20 : i32
        %mul3A_1208 = arith.muli %scan3A_772, %mul3A_1207 : i32
        %add3A_1209 = arith.constant 10 : i32
        %add3A_1210 = arith.addi %mul3A_1208, %add3A_1209 : i32
        %get3A_1211 = arith.index_cast %add3A_1210 : i32 to index
        %get3A_1212 = arith.constant 0 : index
        %get3A_1213 = tpu.vector_load %arg17[%get3A_1211, %get3A_1212] {strides = array<i32>} : memref<640x64xf32, #tpu.memory_space<vmem>>, vector<16xf32>,
        %mul3A_1214 = arith.mulf %get3A_774, %get3A_1213 : vector<16xf32>
        %get3A_1215 = arith.index_cast %add3A_1210 : i32 to index
        %get3A_1216 = arith.constant 16 : index
        %get3A_1217 = tpu.vector_load %arg17[%get3A_1215, %get3A_1216] {strides = array<i32>} : memref<640x64xf32, #tpu.memory_space<vmem>>, vector<16xf32>,
        %mul3A_1218 = arith.mulf %get3A_777, %get3A_1217 : vector<16xf32>
        %add3A_1219 = arith.addf %mul3A_1214, %mul3A_1218 : vector<16xf32>
        %get3A_1220 = arith.index_cast %add3A_1210 : i32 to index
        %get3A_1221 = arith.constant 32 : index
        %get3A_1222 = tpu.vector_load %arg17[%get3A_1220, %get3A_1221] {strides = array<i32>} : memref<640x64xf32, #tpu.memory_space<vmem>>, vector<16xf32>,
        %mul3A_1223 = arith.mulf %get3A_780, %get3A_1222 : vector<16xf32>
        %add3A_1224 = arith.addf %add3A_1219, %mul3A_1223 : vector<16xf32>
        %get3A_1225 = arith.index_cast %add3A_1210 : i32 to index
        %get3A_1226 = arith.constant 48 : index
        %get3A_1227 = tpu.vector_load %arg17[%get3A_1225, %get3A_1226] {strides = array<i32>} : memref<640x64xf32, #tpu.memory_space<vmem>>, vector<16xf32>,
        %mul3A_1228 = arith.mulf %get3A_783, %get3A_1227 : vector<16xf32>
        %add3A_1229 = arith.addf %add3A_1224, %mul3A_1228 : vector<16xf32>
        %broadcast_in_dim3A_1230 = arith.constant true
        %broadcast_in_dim3A_1231 = vector.broadcast %broadcast_in_dim3A_1230 : i1 to vector<16xi1>
        %masked_cumsum3A_1232 = tpu.scan <sum>, %add3A_1229 masked %broadcast_in_dim3A_1231 : vector<16xf32>, vector<16xi1> -> vector<16xf32>
        %broadcast_in_dim3A_1233 = arith.constant 15 : i32
        %broadcast_in_dim3A_1234 = vector.broadcast %broadcast_in_dim3A_1233 : i32 to vector<16xi32>
        tpu.vector_store_idx %arg19[%broadcast_in_dim3A_1234, %add3A_787], %masked_cumsum3A_1232 masked %eq3A_253 : memref<32x128xf32, #tpu.memory_space<vmem>>[vector<16xi32>, vector<16xi32>], vector<16xf32>, vector<16xi1>
        %mul3A_1235 = arith.constant 20 : i32
        %mul3A_1236 = arith.muli %scan3A_772, %mul3A_1235 : i32
        %add3A_1237 = arith.constant 11 : i32
        %add3A_1238 = arith.addi %mul3A_1236, %add3A_1237 : i32
        %get3A_1239 = arith.index_cast %add3A_1238 : i32 to index
        %get3A_1240 = arith.constant 0 : index
        %get3A_1241 = tpu.vector_load %arg17[%get3A_1239, %get3A_1240] {strides = array<i32>} : memref<640x64xf32, #tpu.memory_space<vmem>>, vector<16xf32>,
        %mul3A_1242 = arith.mulf %get3A_774, %get3A_1241 : vector<16xf32>
        %get3A_1243 = arith.index_cast %add3A_1238 : i32 to index
        %get3A_1244 = arith.constant 16 : index
        %get3A_1245 = tpu.vector_load %arg17[%get3A_1243, %get3A_1244] {strides = array<i32>} : memref<640x64xf32, #tpu.memory_space<vmem>>, vector<16xf32>,
        %mul3A_1246 = arith.mulf %get3A_777, %get3A_1245 : vector<16xf32>
        %add3A_1247 = arith.addf %mul3A_1242, %mul3A_1246 : vector<16xf32>
        %get3A_1248 = arith.index_cast %add3A_1238 : i32 to index
        %get3A_1249 = arith.constant 32 : index
        %get3A_1250 = tpu.vector_load %arg17[%get3A_1248, %get3A_1249] {strides = array<i32>} : memref<640x64xf32, #tpu.memory_space<vmem>>, vector<16xf32>,
        %mul3A_1251 = arith.mulf %get3A_780, %get3A_1250 : vector<16xf32>
        %add3A_1252 = arith.addf %add3A_1247, %mul3A_1251 : vector<16xf32>
        %get3A_1253 = arith.index_cast %add3A_1238 : i32 to index
        %get3A_1254 = arith.constant 48 : index
        %get3A_1255 = tpu.vector_load %arg17[%get3A_1253, %get3A_1254] {strides = array<i32>} : memref<640x64xf32, #tpu.memory_space<vmem>>, vector<16xf32>,
        %mul3A_1256 = arith.mulf %get3A_783, %get3A_1255 : vector<16xf32>
        %add3A_1257 = arith.addf %add3A_1252, %mul3A_1256 : vector<16xf32>
        %broadcast_in_dim3A_1258 = arith.constant true
        %broadcast_in_dim3A_1259 = vector.broadcast %broadcast_in_dim3A_1258 : i1 to vector<16xi1>
        %masked_cumsum3A_1260 = tpu.scan <sum>, %add3A_1257 masked %broadcast_in_dim3A_1259 : vector<16xf32>, vector<16xi1> -> vector<16xf32>
        %broadcast_in_dim3A_1261 = arith.constant 16 : i32
        %broadcast_in_dim3A_1262 = vector.broadcast %broadcast_in_dim3A_1261 : i32 to vector<16xi32>
        tpu.vector_store_idx %arg19[%broadcast_in_dim3A_1262, %add3A_787], %masked_cumsum3A_1260 masked %eq3A_253 : memref<32x128xf32, #tpu.memory_space<vmem>>[vector<16xi32>, vector<16xi32>], vector<16xf32>, vector<16xi1>
        %mul3A_1263 = arith.constant 20 : i32
        %mul3A_1264 = arith.muli %scan3A_772, %mul3A_1263 : i32
        %add3A_1265 = arith.constant 12 : i32
        %add3A_1266 = arith.addi %mul3A_1264, %add3A_1265 : i32
        %get3A_1267 = arith.index_cast %add3A_1266 : i32 to index
        %get3A_1268 = arith.constant 0 : index
        %get3A_1269 = tpu.vector_load %arg17[%get3A_1267, %get3A_1268] {strides = array<i32>} : memref<640x64xf32, #tpu.memory_space<vmem>>, vector<16xf32>,
        %mul3A_1270 = arith.mulf %get3A_774, %get3A_1269 : vector<16xf32>
        %get3A_1271 = arith.index_cast %add3A_1266 : i32 to index
        %get3A_1272 = arith.constant 16 : index
        %get3A_1273 = tpu.vector_load %arg17[%get3A_1271, %get3A_1272] {strides = array<i32>} : memref<640x64xf32, #tpu.memory_space<vmem>>, vector<16xf32>,
        %mul3A_1274 = arith.mulf %get3A_777, %get3A_1273 : vector<16xf32>
        %add3A_1275 = arith.addf %mul3A_1270, %mul3A_1274 : vector<16xf32>
        %get3A_1276 = arith.index_cast %add3A_1266 : i32 to index
        %get3A_1277 = arith.constant 32 : index
        %get3A_1278 = tpu.vector_load %arg17[%get3A_1276, %get3A_1277] {strides = array<i32>} : memref<640x64xf32, #tpu.memory_space<vmem>>, vector<16xf32>,
        %mul3A_1279 = arith.mulf %get3A_780, %get3A_1278 : vector<16xf32>
        %add3A_1280 = arith.addf %add3A_1275, %mul3A_1279 : vector<16xf32>
        %get3A_1281 = arith.index_cast %add3A_1266 : i32 to index
        %get3A_1282 = arith.constant 48 : index
        %get3A_1283 = tpu.vector_load %arg17[%get3A_1281, %get3A_1282] {strides = array<i32>} : memref<640x64xf32, #tpu.memory_space<vmem>>, vector<16xf32>,
        %mul3A_1284 = arith.mulf %get3A_783, %get3A_1283 : vector<16xf32>
        %add3A_1285 = arith.addf %add3A_1280, %mul3A_1284 : vector<16xf32>
        %broadcast_in_dim3A_1286 = arith.constant true
        %broadcast_in_dim3A_1287 = vector.broadcast %broadcast_in_dim3A_1286 : i1 to vector<16xi1>
        %masked_cumsum3A_1288 = tpu.scan <sum>, %add3A_1285 masked %broadcast_in_dim3A_1287 : vector<16xf32>, vector<16xi1> -> vector<16xf32>
        %broadcast_in_dim3A_1289 = arith.constant 17 : i32
        %broadcast_in_dim3A_1290 = vector.broadcast %broadcast_in_dim3A_1289 : i32 to vector<16xi32>
        tpu.vector_store_idx %arg19[%broadcast_in_dim3A_1290, %add3A_787], %masked_cumsum3A_1288 masked %eq3A_253 : memref<32x128xf32, #tpu.memory_space<vmem>>[vector<16xi32>, vector<16xi32>], vector<16xf32>, vector<16xi1>
        %mul3A_1291 = arith.constant 20 : i32
        %mul3A_1292 = arith.muli %scan3A_772, %mul3A_1291 : i32
        %add3A_1293 = arith.constant 13 : i32
        %add3A_1294 = arith.addi %mul3A_1292, %add3A_1293 : i32
        %get3A_1295 = arith.index_cast %add3A_1294 : i32 to index
        %get3A_1296 = arith.constant 0 : index
        %get3A_1297 = tpu.vector_load %arg17[%get3A_1295, %get3A_1296] {strides = array<i32>} : memref<640x64xf32, #tpu.memory_space<vmem>>, vector<16xf32>,
        %mul3A_1298 = arith.mulf %get3A_774, %get3A_1297 : vector<16xf32>
        %get3A_1299 = arith.index_cast %add3A_1294 : i32 to index
        %get3A_1300 = arith.constant 16 : index
        %get3A_1301 = tpu.vector_load %arg17[%get3A_1299, %get3A_1300] {strides = array<i32>} : memref<640x64xf32, #tpu.memory_space<vmem>>, vector<16xf32>,
        %mul3A_1302 = arith.mulf %get3A_777, %get3A_1301 : vector<16xf32>
        %add3A_1303 = arith.addf %mul3A_1298, %mul3A_1302 : vector<16xf32>
        %get3A_1304 = arith.index_cast %add3A_1294 : i32 to index
        %get3A_1305 = arith.constant 32 : index
        %get3A_1306 = tpu.vector_load %arg17[%get3A_1304, %get3A_1305] {strides = array<i32>} : memref<640x64xf32, #tpu.memory_space<vmem>>, vector<16xf32>,
        %mul3A_1307 = arith.mulf %get3A_780, %get3A_1306 : vector<16xf32>
        %add3A_1308 = arith.addf %add3A_1303, %mul3A_1307 : vector<16xf32>
        %get3A_1309 = arith.index_cast %add3A_1294 : i32 to index
        %get3A_1310 = arith.constant 48 : index
        %get3A_1311 = tpu.vector_load %arg17[%get3A_1309, %get3A_1310] {strides = array<i32>} : memref<640x64xf32, #tpu.memory_space<vmem>>, vector<16xf32>,
        %mul3A_1312 = arith.mulf %get3A_783, %get3A_1311 : vector<16xf32>
        %add3A_1313 = arith.addf %add3A_1308, %mul3A_1312 : vector<16xf32>
        %broadcast_in_dim3A_1314 = arith.constant true
        %broadcast_in_dim3A_1315 = vector.broadcast %broadcast_in_dim3A_1314 : i1 to vector<16xi1>
        %masked_cumsum3A_1316 = tpu.scan <sum>, %add3A_1313 masked %broadcast_in_dim3A_1315 : vector<16xf32>, vector<16xi1> -> vector<16xf32>
        %broadcast_in_dim3A_1317 = arith.constant 18 : i32
        %broadcast_in_dim3A_1318 = vector.broadcast %broadcast_in_dim3A_1317 : i32 to vector<16xi32>
        tpu.vector_store_idx %arg19[%broadcast_in_dim3A_1318, %add3A_787], %masked_cumsum3A_1316 masked %eq3A_253 : memref<32x128xf32, #tpu.memory_space<vmem>>[vector<16xi32>, vector<16xi32>], vector<16xf32>, vector<16xi1>
        %mul3A_1319 = arith.constant 20 : i32
        %mul3A_1320 = arith.muli %scan3A_772, %mul3A_1319 : i32
        %add3A_1321 = arith.constant 14 : i32
        %add3A_1322 = arith.addi %mul3A_1320, %add3A_1321 : i32
        %get3A_1323 = arith.index_cast %add3A_1322 : i32 to index
        %get3A_1324 = arith.constant 0 : index
        %get3A_1325 = tpu.vector_load %arg17[%get3A_1323, %get3A_1324] {strides = array<i32>} : memref<640x64xf32, #tpu.memory_space<vmem>>, vector<16xf32>,
        %mul3A_1326 = arith.mulf %get3A_774, %get3A_1325 : vector<16xf32>
        %get3A_1327 = arith.index_cast %add3A_1322 : i32 to index
        %get3A_1328 = arith.constant 16 : index
        %get3A_1329 = tpu.vector_load %arg17[%get3A_1327, %get3A_1328] {strides = array<i32>} : memref<640x64xf32, #tpu.memory_space<vmem>>, vector<16xf32>,
        %mul3A_1330 = arith.mulf %get3A_777, %get3A_1329 : vector<16xf32>
        %add3A_1331 = arith.addf %mul3A_1326, %mul3A_1330 : vector<16xf32>
        %get3A_1332 = arith.index_cast %add3A_1322 : i32 to index
        %get3A_1333 = arith.constant 32 : index
        %get3A_1334 = tpu.vector_load %arg17[%get3A_1332, %get3A_1333] {strides = array<i32>} : memref<640x64xf32, #tpu.memory_space<vmem>>, vector<16xf32>,
        %mul3A_1335 = arith.mulf %get3A_780, %get3A_1334 : vector<16xf32>
        %add3A_1336 = arith.addf %add3A_1331, %mul3A_1335 : vector<16xf32>
        %get3A_1337 = arith.index_cast %add3A_1322 : i32 to index
        %get3A_1338 = arith.constant 48 : index
        %get3A_1339 = tpu.vector_load %arg17[%get3A_1337, %get3A_1338] {strides = array<i32>} : memref<640x64xf32, #tpu.memory_space<vmem>>, vector<16xf32>,
        %mul3A_1340 = arith.mulf %get3A_783, %get3A_1339 : vector<16xf32>
        %add3A_1341 = arith.addf %add3A_1336, %mul3A_1340 : vector<16xf32>
        %broadcast_in_dim3A_1342 = arith.constant true
        %broadcast_in_dim3A_1343 = vector.broadcast %broadcast_in_dim3A_1342 : i1 to vector<16xi1>
        %masked_cumsum3A_1344 = tpu.scan <sum>, %add3A_1341 masked %broadcast_in_dim3A_1343 : vector<16xf32>, vector<16xi1> -> vector<16xf32>
        %broadcast_in_dim3A_1345 = arith.constant 19 : i32
        %broadcast_in_dim3A_1346 = vector.broadcast %broadcast_in_dim3A_1345 : i32 to vector<16xi32>
        tpu.vector_store_idx %arg19[%broadcast_in_dim3A_1346, %add3A_787], %masked_cumsum3A_1344 masked %eq3A_253 : memref<32x128xf32, #tpu.memory_space<vmem>>[vector<16xi32>, vector<16xi32>], vector<16xf32>, vector<16xi1>
        %mul3A_1347 = arith.constant 20 : i32
        %mul3A_1348 = arith.muli %scan3A_772, %mul3A_1347 : i32
        %add3A_1349 = arith.constant 15 : i32
        %add3A_1350 = arith.addi %mul3A_1348, %add3A_1349 : i32
        %get3A_1351 = arith.index_cast %add3A_1350 : i32 to index
        %get3A_1352 = arith.constant 0 : index
        %get3A_1353 = tpu.vector_load %arg17[%get3A_1351, %get3A_1352] {strides = array<i32>} : memref<640x64xf32, #tpu.memory_space<vmem>>, vector<16xf32>,
        %mul3A_1354 = arith.mulf %get3A_774, %get3A_1353 : vector<16xf32>
        %get3A_1355 = arith.index_cast %add3A_1350 : i32 to index
        %get3A_1356 = arith.constant 16 : index
        %get3A_1357 = tpu.vector_load %arg17[%get3A_1355, %get3A_1356] {strides = array<i32>} : memref<640x64xf32, #tpu.memory_space<vmem>>, vector<16xf32>,
        %mul3A_1358 = arith.mulf %get3A_777, %get3A_1357 : vector<16xf32>
        %add3A_1359 = arith.addf %mul3A_1354, %mul3A_1358 : vector<16xf32>
        %get3A_1360 = arith.index_cast %add3A_1350 : i32 to index
        %get3A_1361 = arith.constant 32 : index
        %get3A_1362 = tpu.vector_load %arg17[%get3A_1360, %get3A_1361] {strides = array<i32>} : memref<640x64xf32, #tpu.memory_space<vmem>>, vector<16xf32>,
        %mul3A_1363 = arith.mulf %get3A_780, %get3A_1362 : vector<16xf32>
        %add3A_1364 = arith.addf %add3A_1359, %mul3A_1363 : vector<16xf32>
        %get3A_1365 = arith.index_cast %add3A_1350 : i32 to index
        %get3A_1366 = arith.constant 48 : index
        %get3A_1367 = tpu.vector_load %arg17[%get3A_1365, %get3A_1366] {strides = array<i32>} : memref<640x64xf32, #tpu.memory_space<vmem>>, vector<16xf32>,
        %mul3A_1368 = arith.mulf %get3A_783, %get3A_1367 : vector<16xf32>
        %add3A_1369 = arith.addf %add3A_1364, %mul3A_1368 : vector<16xf32>
        %broadcast_in_dim3A_1370 = arith.constant true
        %broadcast_in_dim3A_1371 = vector.broadcast %broadcast_in_dim3A_1370 : i1 to vector<16xi1>
        %masked_cumsum3A_1372 = tpu.scan <sum>, %add3A_1369 masked %broadcast_in_dim3A_1371 : vector<16xf32>, vector<16xi1> -> vector<16xf32>
        %broadcast_in_dim3A_1373 = arith.constant 20 : i32
        %broadcast_in_dim3A_1374 = vector.broadcast %broadcast_in_dim3A_1373 : i32 to vector<16xi32>
        tpu.vector_store_idx %arg19[%broadcast_in_dim3A_1374, %add3A_787], %masked_cumsum3A_1372 masked %eq3A_253 : memref<32x128xf32, #tpu.memory_space<vmem>>[vector<16xi32>, vector<16xi32>], vector<16xf32>, vector<16xi1>
        %mul3A_1375 = arith.constant 20 : i32
        %mul3A_1376 = arith.muli %scan3A_772, %mul3A_1375 : i32
        %add3A_1377 = arith.constant 16 : i32
        %add3A_1378 = arith.addi %mul3A_1376, %add3A_1377 : i32
        %get3A_1379 = arith.index_cast %add3A_1378 : i32 to index
        %get3A_1380 = arith.constant 0 : index
        %get3A_1381 = tpu.vector_load %arg17[%get3A_1379, %get3A_1380] {strides = array<i32>} : memref<640x64xf32, #tpu.memory_space<vmem>>, vector<16xf32>,
        %mul3A_1382 = arith.mulf %get3A_774, %get3A_1381 : vector<16xf32>
        %get3A_1383 = arith.index_cast %add3A_1378 : i32 to index
        %get3A_1384 = arith.constant 16 : index
        %get3A_1385 = tpu.vector_load %arg17[%get3A_1383, %get3A_1384] {strides = array<i32>} : memref<640x64xf32, #tpu.memory_space<vmem>>, vector<16xf32>,
        %mul3A_1386 = arith.mulf %get3A_777, %get3A_1385 : vector<16xf32>
        %add3A_1387 = arith.addf %mul3A_1382, %mul3A_1386 : vector<16xf32>
        %get3A_1388 = arith.index_cast %add3A_1378 : i32 to index
        %get3A_1389 = arith.constant 32 : index
        %get3A_1390 = tpu.vector_load %arg17[%get3A_1388, %get3A_1389] {strides = array<i32>} : memref<640x64xf32, #tpu.memory_space<vmem>>, vector<16xf32>,
        %mul3A_1391 = arith.mulf %get3A_780, %get3A_1390 : vector<16xf32>
        %add3A_1392 = arith.addf %add3A_1387, %mul3A_1391 : vector<16xf32>
        %get3A_1393 = arith.index_cast %add3A_1378 : i32 to index
        %get3A_1394 = arith.constant 48 : index
        %get3A_1395 = tpu.vector_load %arg17[%get3A_1393, %get3A_1394] {strides = array<i32>} : memref<640x64xf32, #tpu.memory_space<vmem>>, vector<16xf32>,
        %mul3A_1396 = arith.mulf %get3A_783, %get3A_1395 : vector<16xf32>
        %add3A_1397 = arith.addf %add3A_1392, %mul3A_1396 : vector<16xf32>
        %broadcast_in_dim3A_1398 = arith.constant true
        %broadcast_in_dim3A_1399 = vector.broadcast %broadcast_in_dim3A_1398 : i1 to vector<16xi1>
        %masked_cumsum3A_1400 = tpu.scan <sum>, %add3A_1397 masked %broadcast_in_dim3A_1399 : vector<16xf32>, vector<16xi1> -> vector<16xf32>
        %broadcast_in_dim3A_1401 = arith.constant 21 : i32
        %broadcast_in_dim3A_1402 = vector.broadcast %broadcast_in_dim3A_1401 : i32 to vector<16xi32>
        tpu.vector_store_idx %arg19[%broadcast_in_dim3A_1402, %add3A_787], %masked_cumsum3A_1400 masked %eq3A_253 : memref<32x128xf32, #tpu.memory_space<vmem>>[vector<16xi32>, vector<16xi32>], vector<16xf32>, vector<16xi1>
        %mul3A_1403 = arith.constant 20 : i32
        %mul3A_1404 = arith.muli %scan3A_772, %mul3A_1403 : i32
        %add3A_1405 = arith.constant 17 : i32
        %add3A_1406 = arith.addi %mul3A_1404, %add3A_1405 : i32
        %get3A_1407 = arith.index_cast %add3A_1406 : i32 to index
        %get3A_1408 = arith.constant 0 : index
        %get3A_1409 = tpu.vector_load %arg17[%get3A_1407, %get3A_1408] {strides = array<i32>} : memref<640x64xf32, #tpu.memory_space<vmem>>, vector<16xf32>,
        %mul3A_1410 = arith.mulf %get3A_774, %get3A_1409 : vector<16xf32>
        %get3A_1411 = arith.index_cast %add3A_1406 : i32 to index
        %get3A_1412 = arith.constant 16 : index
        %get3A_1413 = tpu.vector_load %arg17[%get3A_1411, %get3A_1412] {strides = array<i32>} : memref<640x64xf32, #tpu.memory_space<vmem>>, vector<16xf32>,
        %mul3A_1414 = arith.mulf %get3A_777, %get3A_1413 : vector<16xf32>
        %add3A_1415 = arith.addf %mul3A_1410, %mul3A_1414 : vector<16xf32>
        %get3A_1416 = arith.index_cast %add3A_1406 : i32 to index
        %get3A_1417 = arith.constant 32 : index
        %get3A_1418 = tpu.vector_load %arg17[%get3A_1416, %get3A_1417] {strides = array<i32>} : memref<640x64xf32, #tpu.memory_space<vmem>>, vector<16xf32>,
        %mul3A_1419 = arith.mulf %get3A_780, %get3A_1418 : vector<16xf32>
        %add3A_1420 = arith.addf %add3A_1415, %mul3A_1419 : vector<16xf32>
        %get3A_1421 = arith.index_cast %add3A_1406 : i32 to index
        %get3A_1422 = arith.constant 48 : index
        %get3A_1423 = tpu.vector_load %arg17[%get3A_1421, %get3A_1422] {strides = array<i32>} : memref<640x64xf32, #tpu.memory_space<vmem>>, vector<16xf32>,
        %mul3A_1424 = arith.mulf %get3A_783, %get3A_1423 : vector<16xf32>
        %add3A_1425 = arith.addf %add3A_1420, %mul3A_1424 : vector<16xf32>
        %broadcast_in_dim3A_1426 = arith.constant true
        %broadcast_in_dim3A_1427 = vector.broadcast %broadcast_in_dim3A_1426 : i1 to vector<16xi1>
        %masked_cumsum3A_1428 = tpu.scan <sum>, %add3A_1425 masked %broadcast_in_dim3A_1427 : vector<16xf32>, vector<16xi1> -> vector<16xf32>
        %broadcast_in_dim3A_1429 = arith.constant 22 : i32
        %broadcast_in_dim3A_1430 = vector.broadcast %broadcast_in_dim3A_1429 : i32 to vector<16xi32>
        tpu.vector_store_idx %arg19[%broadcast_in_dim3A_1430, %add3A_787], %masked_cumsum3A_1428 masked %eq3A_253 : memref<32x128xf32, #tpu.memory_space<vmem>>[vector<16xi32>, vector<16xi32>], vector<16xf32>, vector<16xi1>
        %mul3A_1431 = arith.constant 20 : i32
        %mul3A_1432 = arith.muli %scan3A_772, %mul3A_1431 : i32
        %add3A_1433 = arith.constant 18 : i32
        %add3A_1434 = arith.addi %mul3A_1432, %add3A_1433 : i32
        %get3A_1435 = arith.index_cast %add3A_1434 : i32 to index
        %get3A_1436 = arith.constant 0 : index
        %get3A_1437 = tpu.vector_load %arg17[%get3A_1435, %get3A_1436] {strides = array<i32>} : memref<640x64xf32, #tpu.memory_space<vmem>>, vector<16xf32>,
        %mul3A_1438 = arith.mulf %get3A_774, %get3A_1437 : vector<16xf32>
        %get3A_1439 = arith.index_cast %add3A_1434 : i32 to index
        %get3A_1440 = arith.constant 16 : index
        %get3A_1441 = tpu.vector_load %arg17[%get3A_1439, %get3A_1440] {strides = array<i32>} : memref<640x64xf32, #tpu.memory_space<vmem>>, vector<16xf32>,
        %mul3A_1442 = arith.mulf %get3A_777, %get3A_1441 : vector<16xf32>
        %add3A_1443 = arith.addf %mul3A_1438, %mul3A_1442 : vector<16xf32>
        %get3A_1444 = arith.index_cast %add3A_1434 : i32 to index
        %get3A_1445 = arith.constant 32 : index
        %get3A_1446 = tpu.vector_load %arg17[%get3A_1444, %get3A_1445] {strides = array<i32>} : memref<640x64xf32, #tpu.memory_space<vmem>>, vector<16xf32>,
        %mul3A_1447 = arith.mulf %get3A_780, %get3A_1446 : vector<16xf32>
        %add3A_1448 = arith.addf %add3A_1443, %mul3A_1447 : vector<16xf32>
        %get3A_1449 = arith.index_cast %add3A_1434 : i32 to index
        %get3A_1450 = arith.constant 48 : index
        %get3A_1451 = tpu.vector_load %arg17[%get3A_1449, %get3A_1450] {strides = array<i32>} : memref<640x64xf32, #tpu.memory_space<vmem>>, vector<16xf32>,
        %mul3A_1452 = arith.mulf %get3A_783, %get3A_1451 : vector<16xf32>
        %add3A_1453 = arith.addf %add3A_1448, %mul3A_1452 : vector<16xf32>
        %broadcast_in_dim3A_1454 = arith.constant true
        %broadcast_in_dim3A_1455 = vector.broadcast %broadcast_in_dim3A_1454 : i1 to vector<16xi1>
        %masked_cumsum3A_1456 = tpu.scan <sum>, %add3A_1453 masked %broadcast_in_dim3A_1455 : vector<16xf32>, vector<16xi1> -> vector<16xf32>
        %broadcast_in_dim3A_1457 = arith.constant 23 : i32
        %broadcast_in_dim3A_1458 = vector.broadcast %broadcast_in_dim3A_1457 : i32 to vector<16xi32>
        tpu.vector_store_idx %arg19[%broadcast_in_dim3A_1458, %add3A_787], %masked_cumsum3A_1456 masked %eq3A_253 : memref<32x128xf32, #tpu.memory_space<vmem>>[vector<16xi32>, vector<16xi32>], vector<16xf32>, vector<16xi1>
        %mul3A_1459 = arith.constant 20 : i32
        %mul3A_1460 = arith.muli %scan3A_772, %mul3A_1459 : i32
        %add3A_1461 = arith.constant 19 : i32
        %add3A_1462 = arith.addi %mul3A_1460, %add3A_1461 : i32
        %get3A_1463 = arith.index_cast %add3A_1462 : i32 to index
        %get3A_1464 = arith.constant 0 : index
        %get3A_1465 = tpu.vector_load %arg17[%get3A_1463, %get3A_1464] {strides = array<i32>} : memref<640x64xf32, #tpu.memory_space<vmem>>, vector<16xf32>,
        %mul3A_1466 = arith.mulf %get3A_774, %get3A_1465 : vector<16xf32>
        %get3A_1467 = arith.index_cast %add3A_1462 : i32 to index
        %get3A_1468 = arith.constant 16 : index
        %get3A_1469 = tpu.vector_load %arg17[%get3A_1467, %get3A_1468] {strides = array<i32>} : memref<640x64xf32, #tpu.memory_space<vmem>>, vector<16xf32>,
        %mul3A_1470 = arith.mulf %get3A_777, %get3A_1469 : vector<16xf32>
        %add3A_1471 = arith.addf %mul3A_1466, %mul3A_1470 : vector<16xf32>
        %get3A_1472 = arith.index_cast %add3A_1462 : i32 to index
        %get3A_1473 = arith.constant 32 : index
        %get3A_1474 = tpu.vector_load %arg17[%get3A_1472, %get3A_1473] {strides = array<i32>} : memref<640x64xf32, #tpu.memory_space<vmem>>, vector<16xf32>,
        %mul3A_1475 = arith.mulf %get3A_780, %get3A_1474 : vector<16xf32>
        %add3A_1476 = arith.addf %add3A_1471, %mul3A_1475 : vector<16xf32>
        %get3A_1477 = arith.index_cast %add3A_1462 : i32 to index
        %get3A_1478 = arith.constant 48 : index
        %get3A_1479 = tpu.vector_load %arg17[%get3A_1477, %get3A_1478] {strides = array<i32>} : memref<640x64xf32, #tpu.memory_space<vmem>>, vector<16xf32>,
        %mul3A_1480 = arith.mulf %get3A_783, %get3A_1479 : vector<16xf32>
        %add3A_1481 = arith.addf %add3A_1476, %mul3A_1480 : vector<16xf32>
        %broadcast_in_dim3A_1482 = arith.constant true
        %broadcast_in_dim3A_1483 = vector.broadcast %broadcast_in_dim3A_1482 : i1 to vector<16xi1>
        %masked_cumsum3A_1484 = tpu.scan <sum>, %add3A_1481 masked %broadcast_in_dim3A_1483 : vector<16xf32>, vector<16xi1> -> vector<16xf32>
        %broadcast_in_dim3A_1485 = arith.constant 24 : i32
        %broadcast_in_dim3A_1486 = vector.broadcast %broadcast_in_dim3A_1485 : i32 to vector<16xi32>
        tpu.vector_store_idx %arg19[%broadcast_in_dim3A_1486, %add3A_787], %masked_cumsum3A_1484 masked %eq3A_253 : memref<32x128xf32, #tpu.memory_space<vmem>>[vector<16xi32>, vector<16xi32>], vector<16xf32>, vector<16xi1>
      }
      %scan3A_540 = arith.constant 32 : i32
      %mul3A_541 = arith.constant 4 : i32
      %mul3A_542 = arith.muli %scan3A_320, %mul3A_541 : i32
      %add3A_543 = arith.constant 2 : i32
      %add3A_544 = arith.addi %mul3A_542, %add3A_543 : i32
      %lt3A_545 = arith.constant 15 : i32
      %lt3A_546 = arith.cmpi slt, %add3A_544, %lt3A_545 : i32
      %convert_element_type3A_547 = arith.extui %lt3A_546 : i1 to i32
      %cond3A_548 = arith.constant 0 : i32
      %cond3A_549 = arith.cmpi ne, %convert_element_type3A_547, %cond3A_548 : i32
      scf.if %cond3A_549 {
        %add3A_772 = arith.constant 1 : i32
        %add3A_773 = arith.addi %add3A_544, %add3A_772 : i32
        %mul3A_774 = arith.constant 32 : i32
        %mul3A_775 = arith.muli %add3A_773, %mul3A_774 : i32
        %mul3A_776 = arith.constant 32 : i32
        %mul3A_777 = arith.muli %add3A_773, %mul3A_776 : i32
        %mul3A_778 = arith.constant 5 : i32
        %mul3A_779 = arith.muli %mul3A_777, %mul3A_778 : i32
        %add3A_780 = arith.constant 0 : i32
        %add3A_781 = arith.addi %mul3A_779, %add3A_780 : i32
        %mul3A_782 = arith.constant 32 : i32
        %mul3A_783 = arith.muli %add3A_773, %mul3A_782 : i32
        %mul3A_784 = arith.constant 5 : i32
        %mul3A_785 = arith.muli %mul3A_783, %mul3A_784 : i32
        %add3A_786 = arith.constant 128 : i32
        %add3A_787 = arith.addi %mul3A_785, %add3A_786 : i32
        %mul3A_788 = arith.constant 32 : i32
        %mul3A_789 = arith.muli %add3A_773, %mul3A_788 : i32
        %mul3A_790 = arith.constant 20 : i32
        %mul3A_791 = arith.muli %mul3A_789, %mul3A_790 : i32
        %add3A_792 = arith.constant 0 : i32
        %add3A_793 = arith.addi %mul3A_791, %add3A_792 : i32
        %mul3A_794 = arith.constant 32 : i32
        %mul3A_795 = arith.muli %add3A_773, %mul3A_794 : i32
        %mul3A_796 = arith.constant 20 : i32
        %mul3A_797 = arith.muli %mul3A_795, %mul3A_796 : i32
        %add3A_798 = arith.constant 128 : i32
        %add3A_799 = arith.addi %mul3A_797, %add3A_798 : i32
        %mul3A_800 = arith.constant 32 : i32
        %mul3A_801 = arith.muli %add3A_773, %mul3A_800 : i32
        %mul3A_802 = arith.constant 20 : i32
        %mul3A_803 = arith.muli %mul3A_801, %mul3A_802 : i32
        %add3A_804 = arith.constant 256 : i32
        %add3A_805 = arith.addi %mul3A_803, %add3A_804 : i32
        %mul3A_806 = arith.constant 32 : i32
        %mul3A_807 = arith.muli %add3A_773, %mul3A_806 : i32
        %mul3A_808 = arith.constant 20 : i32
        %mul3A_809 = arith.muli %mul3A_807, %mul3A_808 : i32
        %add3A_810 = arith.constant 384 : i32
        %add3A_811 = arith.addi %mul3A_809, %add3A_810 : i32
        %mul3A_812 = arith.constant 32 : i32
        %mul3A_813 = arith.muli %add3A_773, %mul3A_812 : i32
        %mul3A_814 = arith.constant 20 : i32
        %mul3A_815 = arith.muli %mul3A_813, %mul3A_814 : i32
        %add3A_816 = arith.constant 512 : i32
        %add3A_817 = arith.addi %mul3A_815, %add3A_816 : i32
        %dma_start3A_818 = tpu.memref_slice %arg8[%mul3A_775] : memref<512xi32, #tpu.memory_space<vmem>> -> memref<32xi32, #tpu.memory_space<vmem>>
        %dma_start3A_819 = arith.constant 0 : i32
        %dma_start3A_820 = arith.constant 0 : i32
        %dma_start3A_821 = tpu.memref_slice %arg5[%dma_start3A_819, %dma_start3A_820] : memref<1003520x64xf32, #tpu.memory_space<hbm>> -> memref<1003520x64xf32, #tpu.memory_space<hbm>>
        tpu.enqueue_indirect_dma source(%dma_start3A_821 : memref<1003520x64xf32, #tpu.memory_space<hbm>>) target(%arg15 : memref<32x64xf32, #tpu.memory_space<vmem>>) offsets(%dma_start3A_818 : memref<32xi32, #tpu.memory_space<vmem>>) semaphore(%arg18 : memref<!tpu.dma_semaphore, #tpu.memory_space<semaphore_mem>>)
        %dma_start3A_822 = arith.constant 0 : i32
        %dma_start3A_823 = arith.constant 0 : i32
        %dma_start3A_824 = tpu.memref_slice %arg16[%dma_start3A_822, %dma_start3A_823] : memref<160x64xf32, #tpu.memory_space<vmem>> -> memref<128x64xf32, #tpu.memory_space<vmem>>
        %dma_start3A_825 = tpu.memref_slice %arg9[%add3A_781] : memref<2560xi32, #tpu.memory_space<vmem>> -> memref<128xi32, #tpu.memory_space<vmem>>
        %dma_start3A_826 = arith.constant 0 : i32
        %dma_start3A_827 = arith.constant 0 : i32
        %dma_start3A_828 = tpu.memref_slice %arg6[%dma_start3A_826, %dma_start3A_827] : memref<1003520x64xf32, #tpu.memory_space<hbm>> -> memref<1003520x64xf32, #tpu.memory_space<hbm>>
        tpu.enqueue_indirect_dma source(%dma_start3A_828 : memref<1003520x64xf32, #tpu.memory_space<hbm>>) target(%dma_start3A_824 : memref<128x64xf32, #tpu.memory_space<vmem>>) offsets(%dma_start3A_825 : memref<128xi32, #tpu.memory_space<vmem>>) semaphore(%arg18 : memref<!tpu.dma_semaphore, #tpu.memory_space<semaphore_mem>>)
        %dma_start3A_829 = arith.constant 128 : i32
        %dma_start3A_830 = arith.constant 0 : i32
        %dma_start3A_831 = tpu.memref_slice %arg16[%dma_start3A_829, %dma_start3A_830] : memref<160x64xf32, #tpu.memory_space<vmem>> -> memref<32x64xf32, #tpu.memory_space<vmem>>
        %dma_start3A_832 = tpu.memref_slice %arg9[%add3A_787] : memref<2560xi32, #tpu.memory_space<vmem>> -> memref<32xi32, #tpu.memory_space<vmem>>
        %dma_start3A_833 = arith.constant 0 : i32
        %dma_start3A_834 = arith.constant 0 : i32
        %dma_start3A_835 = tpu.memref_slice %arg6[%dma_start3A_833, %dma_start3A_834] : memref<1003520x64xf32, #tpu.memory_space<hbm>> -> memref<1003520x64xf32, #tpu.memory_space<hbm>>
        tpu.enqueue_indirect_dma source(%dma_start3A_835 : memref<1003520x64xf32, #tpu.memory_space<hbm>>) target(%dma_start3A_831 : memref<32x64xf32, #tpu.memory_space<vmem>>) offsets(%dma_start3A_832 : memref<32xi32, #tpu.memory_space<vmem>>) semaphore(%arg18 : memref<!tpu.dma_semaphore, #tpu.memory_space<semaphore_mem>>)
        %dma_start3A_836 = arith.constant 0 : i32
        %dma_start3A_837 = arith.constant 0 : i32
        %dma_start3A_838 = tpu.memref_slice %arg17[%dma_start3A_836, %dma_start3A_837] : memref<640x64xf32, #tpu.memory_space<vmem>> -> memref<128x64xf32, #tpu.memory_space<vmem>>
        %dma_start3A_839 = tpu.memref_slice %arg10[%add3A_793] : memref<10240xi32, #tpu.memory_space<vmem>> -> memref<128xi32, #tpu.memory_space<vmem>>
        %dma_start3A_840 = arith.constant 0 : i32
        %dma_start3A_841 = arith.constant 0 : i32
        %dma_start3A_842 = tpu.memref_slice %arg6[%dma_start3A_840, %dma_start3A_841] : memref<1003520x64xf32, #tpu.memory_space<hbm>> -> memref<1003520x64xf32, #tpu.memory_space<hbm>>
        tpu.enqueue_indirect_dma source(%dma_start3A_842 : memref<1003520x64xf32, #tpu.memory_space<hbm>>) target(%dma_start3A_838 : memref<128x64xf32, #tpu.memory_space<vmem>>) offsets(%dma_start3A_839 : memref<128xi32, #tpu.memory_space<vmem>>) semaphore(%arg18 : memref<!tpu.dma_semaphore, #tpu.memory_space<semaphore_mem>>)
        %dma_start3A_843 = arith.constant 128 : i32
        %dma_start3A_844 = arith.constant 0 : i32
        %dma_start3A_845 = tpu.memref_slice %arg17[%dma_start3A_843, %dma_start3A_844] : memref<640x64xf32, #tpu.memory_space<vmem>> -> memref<128x64xf32, #tpu.memory_space<vmem>>
        %dma_start3A_846 = tpu.memref_slice %arg10[%add3A_799] : memref<10240xi32, #tpu.memory_space<vmem>> -> memref<128xi32, #tpu.memory_space<vmem>>
        %dma_start3A_847 = arith.constant 0 : i32
        %dma_start3A_848 = arith.constant 0 : i32
        %dma_start3A_849 = tpu.memref_slice %arg6[%dma_start3A_847, %dma_start3A_848] : memref<1003520x64xf32, #tpu.memory_space<hbm>> -> memref<1003520x64xf32, #tpu.memory_space<hbm>>
        tpu.enqueue_indirect_dma source(%dma_start3A_849 : memref<1003520x64xf32, #tpu.memory_space<hbm>>) target(%dma_start3A_845 : memref<128x64xf32, #tpu.memory_space<vmem>>) offsets(%dma_start3A_846 : memref<128xi32, #tpu.memory_space<vmem>>) semaphore(%arg18 : memref<!tpu.dma_semaphore, #tpu.memory_space<semaphore_mem>>)
        %dma_start3A_850 = arith.constant 256 : i32
        %dma_start3A_851 = arith.constant 0 : i32
        %dma_start3A_852 = tpu.memref_slice %arg17[%dma_start3A_850, %dma_start3A_851] : memref<640x64xf32, #tpu.memory_space<vmem>> -> memref<128x64xf32, #tpu.memory_space<vmem>>
        %dma_start3A_853 = tpu.memref_slice %arg10[%add3A_805] : memref<10240xi32, #tpu.memory_space<vmem>> -> memref<128xi32, #tpu.memory_space<vmem>>
        %dma_start3A_854 = arith.constant 0 : i32
        %dma_start3A_855 = arith.constant 0 : i32
        %dma_start3A_856 = tpu.memref_slice %arg6[%dma_start3A_854, %dma_start3A_855] : memref<1003520x64xf32, #tpu.memory_space<hbm>> -> memref<1003520x64xf32, #tpu.memory_space<hbm>>
        tpu.enqueue_indirect_dma source(%dma_start3A_856 : memref<1003520x64xf32, #tpu.memory_space<hbm>>) target(%dma_start3A_852 : memref<128x64xf32, #tpu.memory_space<vmem>>) offsets(%dma_start3A_853 : memref<128xi32, #tpu.memory_space<vmem>>) semaphore(%arg18 : memref<!tpu.dma_semaphore, #tpu.memory_space<semaphore_mem>>)
        %dma_start3A_857 = arith.constant 384 : i32
        %dma_start3A_858 = arith.constant 0 : i32
        %dma_start3A_859 = tpu.memref_slice %arg17[%dma_start3A_857, %dma_start3A_858] : memref<640x64xf32, #tpu.memory_space<vmem>> -> memref<128x64xf32, #tpu.memory_space<vmem>>
        %dma_start3A_860 = tpu.memref_slice %arg10[%add3A_811] : memref<10240xi32, #tpu.memory_space<vmem>> -> memref<128xi32, #tpu.memory_space<vmem>>
        %dma_start3A_861 = arith.constant 0 : i32
        %dma_start3A_862 = arith.constant 0 : i32
        %dma_start3A_863 = tpu.memref_slice %arg6[%dma_start3A_861, %dma_start3A_862] : memref<1003520x64xf32, #tpu.memory_space<hbm>> -> memref<1003520x64xf32, #tpu.memory_space<hbm>>
        tpu.enqueue_indirect_dma source(%dma_start3A_863 : memref<1003520x64xf32, #tpu.memory_space<hbm>>) target(%dma_start3A_859 : memref<128x64xf32, #tpu.memory_space<vmem>>) offsets(%dma_start3A_860 : memref<128xi32, #tpu.memory_space<vmem>>) semaphore(%arg18 : memref<!tpu.dma_semaphore, #tpu.memory_space<semaphore_mem>>)
        %dma_start3A_864 = arith.constant 512 : i32
        %dma_start3A_865 = arith.constant 0 : i32
        %dma_start3A_866 = tpu.memref_slice %arg17[%dma_start3A_864, %dma_start3A_865] : memref<640x64xf32, #tpu.memory_space<vmem>> -> memref<128x64xf32, #tpu.memory_space<vmem>>
        %dma_start3A_867 = tpu.memref_slice %arg10[%add3A_817] : memref<10240xi32, #tpu.memory_space<vmem>> -> memref<128xi32, #tpu.memory_space<vmem>>
        %dma_start3A_868 = arith.constant 0 : i32
        %dma_start3A_869 = arith.constant 0 : i32
        %dma_start3A_870 = tpu.memref_slice %arg6[%dma_start3A_868, %dma_start3A_869] : memref<1003520x64xf32, #tpu.memory_space<hbm>> -> memref<1003520x64xf32, #tpu.memory_space<hbm>>
        tpu.enqueue_indirect_dma source(%dma_start3A_870 : memref<1003520x64xf32, #tpu.memory_space<hbm>>) target(%dma_start3A_866 : memref<128x64xf32, #tpu.memory_space<vmem>>) offsets(%dma_start3A_867 : memref<128xi32, #tpu.memory_space<vmem>>) semaphore(%arg18 : memref<!tpu.dma_semaphore, #tpu.memory_space<semaphore_mem>>)
      } else {
      }
      %mul3A_550 = arith.constant 32 : i32
      %mul3A_551 = arith.muli %add3A_544, %mul3A_550 : i32
      %mul3A_552 = arith.constant 32 : i32
      %mul3A_553 = arith.muli %add3A_544, %mul3A_552 : i32
      %mul3A_554 = arith.constant 5 : i32
      %mul3A_555 = arith.muli %mul3A_553, %mul3A_554 : i32
      %add3A_556 = arith.constant 0 : i32
      %add3A_557 = arith.addi %mul3A_555, %add3A_556 : i32
      %mul3A_558 = arith.constant 32 : i32
      %mul3A_559 = arith.muli %add3A_544, %mul3A_558 : i32
      %mul3A_560 = arith.constant 5 : i32
      %mul3A_561 = arith.muli %mul3A_559, %mul3A_560 : i32
      %add3A_562 = arith.constant 128 : i32
      %add3A_563 = arith.addi %mul3A_561, %add3A_562 : i32
      %mul3A_564 = arith.constant 32 : i32
      %mul3A_565 = arith.muli %add3A_544, %mul3A_564 : i32
      %mul3A_566 = arith.constant 20 : i32
      %mul3A_567 = arith.muli %mul3A_565, %mul3A_566 : i32
      %add3A_568 = arith.constant 0 : i32
      %add3A_569 = arith.addi %mul3A_567, %add3A_568 : i32
      %mul3A_570 = arith.constant 32 : i32
      %mul3A_571 = arith.muli %add3A_544, %mul3A_570 : i32
      %mul3A_572 = arith.constant 20 : i32
      %mul3A_573 = arith.muli %mul3A_571, %mul3A_572 : i32
      %add3A_574 = arith.constant 128 : i32
      %add3A_575 = arith.addi %mul3A_573, %add3A_574 : i32
      %mul3A_576 = arith.constant 32 : i32
      %mul3A_577 = arith.muli %add3A_544, %mul3A_576 : i32
      %mul3A_578 = arith.constant 20 : i32
      %mul3A_579 = arith.muli %mul3A_577, %mul3A_578 : i32
      %add3A_580 = arith.constant 256 : i32
      %add3A_581 = arith.addi %mul3A_579, %add3A_580 : i32
      %mul3A_582 = arith.constant 32 : i32
      %mul3A_583 = arith.muli %add3A_544, %mul3A_582 : i32
      %mul3A_584 = arith.constant 20 : i32
      %mul3A_585 = arith.muli %mul3A_583, %mul3A_584 : i32
      %add3A_586 = arith.constant 384 : i32
      %add3A_587 = arith.addi %mul3A_585, %add3A_586 : i32
      %mul3A_588 = arith.constant 32 : i32
      %mul3A_589 = arith.muli %add3A_544, %mul3A_588 : i32
      %mul3A_590 = arith.constant 20 : i32
      %mul3A_591 = arith.muli %mul3A_589, %mul3A_590 : i32
      %add3A_592 = arith.constant 512 : i32
      %add3A_593 = arith.addi %mul3A_591, %add3A_592 : i32
      %dma_wait3A_594 = tpu.memref_slice %arg8[%mul3A_551] : memref<512xi32, #tpu.memory_space<vmem>> -> memref<32xi32, #tpu.memory_space<vmem>>
      %dma_wait3A_595 = arith.constant 0 : i32
      %dma_wait3A_596 = arith.constant 0 : i32
      %dma_wait3A_597 = tpu.memref_slice %arg5[%dma_wait3A_595, %dma_wait3A_596] : memref<1003520x64xf32, #tpu.memory_space<hbm>> -> memref<1003520x64xf32, #tpu.memory_space<hbm>>
      tpu.wait_indirect_dma semaphore(%arg14 : memref<!tpu.dma_semaphore, #tpu.memory_space<semaphore_mem>>) src(%dma_wait3A_597 : memref<1003520x64xf32, #tpu.memory_space<hbm>>) dst(%arg11 : memref<32x64xf32, #tpu.memory_space<vmem>>)
      %dma_wait3A_598 = arith.constant 0 : i32
      %dma_wait3A_599 = arith.constant 0 : i32
      %dma_wait3A_600 = tpu.memref_slice %arg12[%dma_wait3A_598, %dma_wait3A_599] : memref<160x64xf32, #tpu.memory_space<vmem>> -> memref<128x64xf32, #tpu.memory_space<vmem>>
      %dma_wait3A_601 = tpu.memref_slice %arg9[%add3A_557] : memref<2560xi32, #tpu.memory_space<vmem>> -> memref<128xi32, #tpu.memory_space<vmem>>
      %dma_wait3A_602 = arith.constant 0 : i32
      %dma_wait3A_603 = arith.constant 0 : i32
      %dma_wait3A_604 = tpu.memref_slice %arg6[%dma_wait3A_602, %dma_wait3A_603] : memref<1003520x64xf32, #tpu.memory_space<hbm>> -> memref<1003520x64xf32, #tpu.memory_space<hbm>>
      tpu.wait_indirect_dma semaphore(%arg14 : memref<!tpu.dma_semaphore, #tpu.memory_space<semaphore_mem>>) src(%dma_wait3A_604 : memref<1003520x64xf32, #tpu.memory_space<hbm>>) dst(%dma_wait3A_600 : memref<128x64xf32, #tpu.memory_space<vmem>>)
      %dma_wait3A_605 = arith.constant 128 : i32
      %dma_wait3A_606 = arith.constant 0 : i32
      %dma_wait3A_607 = tpu.memref_slice %arg12[%dma_wait3A_605, %dma_wait3A_606] : memref<160x64xf32, #tpu.memory_space<vmem>> -> memref<32x64xf32, #tpu.memory_space<vmem>>
      %dma_wait3A_608 = tpu.memref_slice %arg9[%add3A_563] : memref<2560xi32, #tpu.memory_space<vmem>> -> memref<32xi32, #tpu.memory_space<vmem>>
      %dma_wait3A_609 = arith.constant 0 : i32
      %dma_wait3A_610 = arith.constant 0 : i32
      %dma_wait3A_611 = tpu.memref_slice %arg6[%dma_wait3A_609, %dma_wait3A_610] : memref<1003520x64xf32, #tpu.memory_space<hbm>> -> memref<1003520x64xf32, #tpu.memory_space<hbm>>
      tpu.wait_indirect_dma semaphore(%arg14 : memref<!tpu.dma_semaphore, #tpu.memory_space<semaphore_mem>>) src(%dma_wait3A_611 : memref<1003520x64xf32, #tpu.memory_space<hbm>>) dst(%dma_wait3A_607 : memref<32x64xf32, #tpu.memory_space<vmem>>)
      %dma_wait3A_612 = arith.constant 0 : i32
      %dma_wait3A_613 = arith.constant 0 : i32
      %dma_wait3A_614 = tpu.memref_slice %arg13[%dma_wait3A_612, %dma_wait3A_613] : memref<640x64xf32, #tpu.memory_space<vmem>> -> memref<128x64xf32, #tpu.memory_space<vmem>>
      %dma_wait3A_615 = tpu.memref_slice %arg10[%add3A_569] : memref<10240xi32, #tpu.memory_space<vmem>> -> memref<128xi32, #tpu.memory_space<vmem>>
      %dma_wait3A_616 = arith.constant 0 : i32
      %dma_wait3A_617 = arith.constant 0 : i32
      %dma_wait3A_618 = tpu.memref_slice %arg6[%dma_wait3A_616, %dma_wait3A_617] : memref<1003520x64xf32, #tpu.memory_space<hbm>> -> memref<1003520x64xf32, #tpu.memory_space<hbm>>
      tpu.wait_indirect_dma semaphore(%arg14 : memref<!tpu.dma_semaphore, #tpu.memory_space<semaphore_mem>>) src(%dma_wait3A_618 : memref<1003520x64xf32, #tpu.memory_space<hbm>>) dst(%dma_wait3A_614 : memref<128x64xf32, #tpu.memory_space<vmem>>)
      %dma_wait3A_619 = arith.constant 128 : i32
      %dma_wait3A_620 = arith.constant 0 : i32
      %dma_wait3A_621 = tpu.memref_slice %arg13[%dma_wait3A_619, %dma_wait3A_620] : memref<640x64xf32, #tpu.memory_space<vmem>> -> memref<128x64xf32, #tpu.memory_space<vmem>>
      %dma_wait3A_622 = tpu.memref_slice %arg10[%add3A_575] : memref<10240xi32, #tpu.memory_space<vmem>> -> memref<128xi32, #tpu.memory_space<vmem>>
      %dma_wait3A_623 = arith.constant 0 : i32
      %dma_wait3A_624 = arith.constant 0 : i32
      %dma_wait3A_625 = tpu.memref_slice %arg6[%dma_wait3A_623, %dma_wait3A_624] : memref<1003520x64xf32, #tpu.memory_space<hbm>> -> memref<1003520x64xf32, #tpu.memory_space<hbm>>
      tpu.wait_indirect_dma semaphore(%arg14 : memref<!tpu.dma_semaphore, #tpu.memory_space<semaphore_mem>>) src(%dma_wait3A_625 : memref<1003520x64xf32, #tpu.memory_space<hbm>>) dst(%dma_wait3A_621 : memref<128x64xf32, #tpu.memory_space<vmem>>)
      %dma_wait3A_626 = arith.constant 256 : i32
      %dma_wait3A_627 = arith.constant 0 : i32
      %dma_wait3A_628 = tpu.memref_slice %arg13[%dma_wait3A_626, %dma_wait3A_627] : memref<640x64xf32, #tpu.memory_space<vmem>> -> memref<128x64xf32, #tpu.memory_space<vmem>>
      %dma_wait3A_629 = tpu.memref_slice %arg10[%add3A_581] : memref<10240xi32, #tpu.memory_space<vmem>> -> memref<128xi32, #tpu.memory_space<vmem>>
      %dma_wait3A_630 = arith.constant 0 : i32
      %dma_wait3A_631 = arith.constant 0 : i32
      %dma_wait3A_632 = tpu.memref_slice %arg6[%dma_wait3A_630, %dma_wait3A_631] : memref<1003520x64xf32, #tpu.memory_space<hbm>> -> memref<1003520x64xf32, #tpu.memory_space<hbm>>
      tpu.wait_indirect_dma semaphore(%arg14 : memref<!tpu.dma_semaphore, #tpu.memory_space<semaphore_mem>>) src(%dma_wait3A_632 : memref<1003520x64xf32, #tpu.memory_space<hbm>>) dst(%dma_wait3A_628 : memref<128x64xf32, #tpu.memory_space<vmem>>)
      %dma_wait3A_633 = arith.constant 384 : i32
      %dma_wait3A_634 = arith.constant 0 : i32
      %dma_wait3A_635 = tpu.memref_slice %arg13[%dma_wait3A_633, %dma_wait3A_634] : memref<640x64xf32, #tpu.memory_space<vmem>> -> memref<128x64xf32, #tpu.memory_space<vmem>>
      %dma_wait3A_636 = tpu.memref_slice %arg10[%add3A_587] : memref<10240xi32, #tpu.memory_space<vmem>> -> memref<128xi32, #tpu.memory_space<vmem>>
      %dma_wait3A_637 = arith.constant 0 : i32
      %dma_wait3A_638 = arith.constant 0 : i32
      %dma_wait3A_639 = tpu.memref_slice %arg6[%dma_wait3A_637, %dma_wait3A_638] : memref<1003520x64xf32, #tpu.memory_space<hbm>> -> memref<1003520x64xf32, #tpu.memory_space<hbm>>
      tpu.wait_indirect_dma semaphore(%arg14 : memref<!tpu.dma_semaphore, #tpu.memory_space<semaphore_mem>>) src(%dma_wait3A_639 : memref<1003520x64xf32, #tpu.memory_space<hbm>>) dst(%dma_wait3A_635 : memref<128x64xf32, #tpu.memory_space<vmem>>)
      %dma_wait3A_640 = arith.constant 512 : i32
      %dma_wait3A_641 = arith.constant 0 : i32
      %dma_wait3A_642 = tpu.memref_slice %arg13[%dma_wait3A_640, %dma_wait3A_641] : memref<640x64xf32, #tpu.memory_space<vmem>> -> memref<128x64xf32, #tpu.memory_space<vmem>>
      %dma_wait3A_643 = tpu.memref_slice %arg10[%add3A_593] : memref<10240xi32, #tpu.memory_space<vmem>> -> memref<128xi32, #tpu.memory_space<vmem>>
      %dma_wait3A_644 = arith.constant 0 : i32
      %dma_wait3A_645 = arith.constant 0 : i32
      %dma_wait3A_646 = tpu.memref_slice %arg6[%dma_wait3A_644, %dma_wait3A_645] : memref<1003520x64xf32, #tpu.memory_space<hbm>> -> memref<1003520x64xf32, #tpu.memory_space<hbm>>
      tpu.wait_indirect_dma semaphore(%arg14 : memref<!tpu.dma_semaphore, #tpu.memory_space<semaphore_mem>>) src(%dma_wait3A_646 : memref<1003520x64xf32, #tpu.memory_space<hbm>>) dst(%dma_wait3A_642 : memref<128x64xf32, #tpu.memory_space<vmem>>)
      %scan3A_647 = arith.constant 0 : i32
      %scan3A_648 = arith.constant 0 : i32
      %scan3A_649 = arith.constant 32 : i32
      %scan3A_650 = arith.addi %scan3A_648, %scan3A_649 : i32
      %scan3A_651 = arith.constant 1 : i32
      scf.for %scan3A_772 = %scan3A_648 to %scan3A_650 step %scan3A_651  : i32 {
        %get3A = arith.index_cast %scan3A_772 : i32 to index
        %get3A_773 = arith.constant 0 : index
        %get3A_774 = tpu.vector_load %arg11[%get3A, %get3A_773] {strides = array<i32>} : memref<32x64xf32, #tpu.memory_space<vmem>>, vector<16xf32>,
        %get3A_775 = arith.index_cast %scan3A_772 : i32 to index
        %get3A_776 = arith.constant 16 : index
        %get3A_777 = tpu.vector_load %arg11[%get3A_775, %get3A_776] {strides = array<i32>} : memref<32x64xf32, #tpu.memory_space<vmem>>, vector<16xf32>,
        %get3A_778 = arith.index_cast %scan3A_772 : i32 to index
        %get3A_779 = arith.constant 32 : index
        %get3A_780 = tpu.vector_load %arg11[%get3A_778, %get3A_779] {strides = array<i32>} : memref<32x64xf32, #tpu.memory_space<vmem>>, vector<16xf32>,
        %get3A_781 = arith.index_cast %scan3A_772 : i32 to index
        %get3A_782 = arith.constant 48 : index
        %get3A_783 = tpu.vector_load %arg11[%get3A_781, %get3A_782] {strides = array<i32>} : memref<32x64xf32, #tpu.memory_space<vmem>>, vector<16xf32>,
        %broadcast_in_dim3A_784 = arith.constant 64 : i32
        %broadcast_in_dim3A_785 = vector.broadcast %broadcast_in_dim3A_784 : i32 to vector<16xi32>
        %add3A_786 = vector.broadcast %scan3A_772 : i32 to vector<16xi32>
        %add3A_787 = arith.addi %broadcast_in_dim3A_785, %add3A_786 : vector<16xi32>
        %mul3A_788 = arith.constant 5 : i32
        %mul3A_789 = arith.muli %scan3A_772, %mul3A_788 : i32
        %add3A_790 = arith.constant 0 : i32
        %add3A_791 = arith.addi %mul3A_789, %add3A_790 : i32
        %get3A_792 = arith.index_cast %add3A_791 : i32 to index
        %get3A_793 = arith.constant 0 : index
        %get3A_794 = tpu.vector_load %arg12[%get3A_792, %get3A_793] {strides = array<i32>} : memref<160x64xf32, #tpu.memory_space<vmem>>, vector<16xf32>,
        %mul3A_795 = arith.mulf %get3A_774, %get3A_794 : vector<16xf32>
        %get3A_796 = arith.index_cast %add3A_791 : i32 to index
        %get3A_797 = arith.constant 16 : index
        %get3A_798 = tpu.vector_load %arg12[%get3A_796, %get3A_797] {strides = array<i32>} : memref<160x64xf32, #tpu.memory_space<vmem>>, vector<16xf32>,
        %mul3A_799 = arith.mulf %get3A_777, %get3A_798 : vector<16xf32>
        %add3A_800 = arith.addf %mul3A_795, %mul3A_799 : vector<16xf32>
        %get3A_801 = arith.index_cast %add3A_791 : i32 to index
        %get3A_802 = arith.constant 32 : index
        %get3A_803 = tpu.vector_load %arg12[%get3A_801, %get3A_802] {strides = array<i32>} : memref<160x64xf32, #tpu.memory_space<vmem>>, vector<16xf32>,
        %mul3A_804 = arith.mulf %get3A_780, %get3A_803 : vector<16xf32>
        %add3A_805 = arith.addf %add3A_800, %mul3A_804 : vector<16xf32>
        %get3A_806 = arith.index_cast %add3A_791 : i32 to index
        %get3A_807 = arith.constant 48 : index
        %get3A_808 = tpu.vector_load %arg12[%get3A_806, %get3A_807] {strides = array<i32>} : memref<160x64xf32, #tpu.memory_space<vmem>>, vector<16xf32>,
        %mul3A_809 = arith.mulf %get3A_783, %get3A_808 : vector<16xf32>
        %add3A_810 = arith.addf %add3A_805, %mul3A_809 : vector<16xf32>
        %broadcast_in_dim3A_811 = arith.constant true
        %broadcast_in_dim3A_812 = vector.broadcast %broadcast_in_dim3A_811 : i1 to vector<16xi1>
        %masked_cumsum3A = tpu.scan <sum>, %add3A_810 masked %broadcast_in_dim3A_812 : vector<16xf32>, vector<16xi1> -> vector<16xf32>
        %broadcast_in_dim3A_813 = arith.constant 0 : i32
        %broadcast_in_dim3A_814 = vector.broadcast %broadcast_in_dim3A_813 : i32 to vector<16xi32>
        tpu.vector_store_idx %arg19[%broadcast_in_dim3A_814, %add3A_787], %masked_cumsum3A masked %eq3A_253 : memref<32x128xf32, #tpu.memory_space<vmem>>[vector<16xi32>, vector<16xi32>], vector<16xf32>, vector<16xi1>
        %mul3A_815 = arith.constant 5 : i32
        %mul3A_816 = arith.muli %scan3A_772, %mul3A_815 : i32
        %add3A_817 = arith.constant 1 : i32
        %add3A_818 = arith.addi %mul3A_816, %add3A_817 : i32
        %get3A_819 = arith.index_cast %add3A_818 : i32 to index
        %get3A_820 = arith.constant 0 : index
        %get3A_821 = tpu.vector_load %arg12[%get3A_819, %get3A_820] {strides = array<i32>} : memref<160x64xf32, #tpu.memory_space<vmem>>, vector<16xf32>,
        %mul3A_822 = arith.mulf %get3A_774, %get3A_821 : vector<16xf32>
        %get3A_823 = arith.index_cast %add3A_818 : i32 to index
        %get3A_824 = arith.constant 16 : index
        %get3A_825 = tpu.vector_load %arg12[%get3A_823, %get3A_824] {strides = array<i32>} : memref<160x64xf32, #tpu.memory_space<vmem>>, vector<16xf32>,
        %mul3A_826 = arith.mulf %get3A_777, %get3A_825 : vector<16xf32>
        %add3A_827 = arith.addf %mul3A_822, %mul3A_826 : vector<16xf32>
        %get3A_828 = arith.index_cast %add3A_818 : i32 to index
        %get3A_829 = arith.constant 32 : index
        %get3A_830 = tpu.vector_load %arg12[%get3A_828, %get3A_829] {strides = array<i32>} : memref<160x64xf32, #tpu.memory_space<vmem>>, vector<16xf32>,
        %mul3A_831 = arith.mulf %get3A_780, %get3A_830 : vector<16xf32>
        %add3A_832 = arith.addf %add3A_827, %mul3A_831 : vector<16xf32>
        %get3A_833 = arith.index_cast %add3A_818 : i32 to index
        %get3A_834 = arith.constant 48 : index
        %get3A_835 = tpu.vector_load %arg12[%get3A_833, %get3A_834] {strides = array<i32>} : memref<160x64xf32, #tpu.memory_space<vmem>>, vector<16xf32>,
        %mul3A_836 = arith.mulf %get3A_783, %get3A_835 : vector<16xf32>
        %add3A_837 = arith.addf %add3A_832, %mul3A_836 : vector<16xf32>
        %broadcast_in_dim3A_838 = arith.constant true
        %broadcast_in_dim3A_839 = vector.broadcast %broadcast_in_dim3A_838 : i1 to vector<16xi1>
        %masked_cumsum3A_840 = tpu.scan <sum>, %add3A_837 masked %broadcast_in_dim3A_839 : vector<16xf32>, vector<16xi1> -> vector<16xf32>
        %broadcast_in_dim3A_841 = arith.constant 1 : i32
        %broadcast_in_dim3A_842 = vector.broadcast %broadcast_in_dim3A_841 : i32 to vector<16xi32>
        tpu.vector_store_idx %arg19[%broadcast_in_dim3A_842, %add3A_787], %masked_cumsum3A_840 masked %eq3A_253 : memref<32x128xf32, #tpu.memory_space<vmem>>[vector<16xi32>, vector<16xi32>], vector<16xf32>, vector<16xi1>
        %mul3A_843 = arith.constant 5 : i32
        %mul3A_844 = arith.muli %scan3A_772, %mul3A_843 : i32
        %add3A_845 = arith.constant 2 : i32
        %add3A_846 = arith.addi %mul3A_844, %add3A_845 : i32
        %get3A_847 = arith.index_cast %add3A_846 : i32 to index
        %get3A_848 = arith.constant 0 : index
        %get3A_849 = tpu.vector_load %arg12[%get3A_847, %get3A_848] {strides = array<i32>} : memref<160x64xf32, #tpu.memory_space<vmem>>, vector<16xf32>,
        %mul3A_850 = arith.mulf %get3A_774, %get3A_849 : vector<16xf32>
        %get3A_851 = arith.index_cast %add3A_846 : i32 to index
        %get3A_852 = arith.constant 16 : index
        %get3A_853 = tpu.vector_load %arg12[%get3A_851, %get3A_852] {strides = array<i32>} : memref<160x64xf32, #tpu.memory_space<vmem>>, vector<16xf32>,
        %mul3A_854 = arith.mulf %get3A_777, %get3A_853 : vector<16xf32>
        %add3A_855 = arith.addf %mul3A_850, %mul3A_854 : vector<16xf32>
        %get3A_856 = arith.index_cast %add3A_846 : i32 to index
        %get3A_857 = arith.constant 32 : index
        %get3A_858 = tpu.vector_load %arg12[%get3A_856, %get3A_857] {strides = array<i32>} : memref<160x64xf32, #tpu.memory_space<vmem>>, vector<16xf32>,
        %mul3A_859 = arith.mulf %get3A_780, %get3A_858 : vector<16xf32>
        %add3A_860 = arith.addf %add3A_855, %mul3A_859 : vector<16xf32>
        %get3A_861 = arith.index_cast %add3A_846 : i32 to index
        %get3A_862 = arith.constant 48 : index
        %get3A_863 = tpu.vector_load %arg12[%get3A_861, %get3A_862] {strides = array<i32>} : memref<160x64xf32, #tpu.memory_space<vmem>>, vector<16xf32>,
        %mul3A_864 = arith.mulf %get3A_783, %get3A_863 : vector<16xf32>
        %add3A_865 = arith.addf %add3A_860, %mul3A_864 : vector<16xf32>
        %broadcast_in_dim3A_866 = arith.constant true
        %broadcast_in_dim3A_867 = vector.broadcast %broadcast_in_dim3A_866 : i1 to vector<16xi1>
        %masked_cumsum3A_868 = tpu.scan <sum>, %add3A_865 masked %broadcast_in_dim3A_867 : vector<16xf32>, vector<16xi1> -> vector<16xf32>
        %broadcast_in_dim3A_869 = arith.constant 2 : i32
        %broadcast_in_dim3A_870 = vector.broadcast %broadcast_in_dim3A_869 : i32 to vector<16xi32>
        tpu.vector_store_idx %arg19[%broadcast_in_dim3A_870, %add3A_787], %masked_cumsum3A_868 masked %eq3A_253 : memref<32x128xf32, #tpu.memory_space<vmem>>[vector<16xi32>, vector<16xi32>], vector<16xf32>, vector<16xi1>
        %mul3A_871 = arith.constant 5 : i32
        %mul3A_872 = arith.muli %scan3A_772, %mul3A_871 : i32
        %add3A_873 = arith.constant 3 : i32
        %add3A_874 = arith.addi %mul3A_872, %add3A_873 : i32
        %get3A_875 = arith.index_cast %add3A_874 : i32 to index
        %get3A_876 = arith.constant 0 : index
        %get3A_877 = tpu.vector_load %arg12[%get3A_875, %get3A_876] {strides = array<i32>} : memref<160x64xf32, #tpu.memory_space<vmem>>, vector<16xf32>,
        %mul3A_878 = arith.mulf %get3A_774, %get3A_877 : vector<16xf32>
        %get3A_879 = arith.index_cast %add3A_874 : i32 to index
        %get3A_880 = arith.constant 16 : index
        %get3A_881 = tpu.vector_load %arg12[%get3A_879, %get3A_880] {strides = array<i32>} : memref<160x64xf32, #tpu.memory_space<vmem>>, vector<16xf32>,
        %mul3A_882 = arith.mulf %get3A_777, %get3A_881 : vector<16xf32>
        %add3A_883 = arith.addf %mul3A_878, %mul3A_882 : vector<16xf32>
        %get3A_884 = arith.index_cast %add3A_874 : i32 to index
        %get3A_885 = arith.constant 32 : index
        %get3A_886 = tpu.vector_load %arg12[%get3A_884, %get3A_885] {strides = array<i32>} : memref<160x64xf32, #tpu.memory_space<vmem>>, vector<16xf32>,
        %mul3A_887 = arith.mulf %get3A_780, %get3A_886 : vector<16xf32>
        %add3A_888 = arith.addf %add3A_883, %mul3A_887 : vector<16xf32>
        %get3A_889 = arith.index_cast %add3A_874 : i32 to index
        %get3A_890 = arith.constant 48 : index
        %get3A_891 = tpu.vector_load %arg12[%get3A_889, %get3A_890] {strides = array<i32>} : memref<160x64xf32, #tpu.memory_space<vmem>>, vector<16xf32>,
        %mul3A_892 = arith.mulf %get3A_783, %get3A_891 : vector<16xf32>
        %add3A_893 = arith.addf %add3A_888, %mul3A_892 : vector<16xf32>
        %broadcast_in_dim3A_894 = arith.constant true
        %broadcast_in_dim3A_895 = vector.broadcast %broadcast_in_dim3A_894 : i1 to vector<16xi1>
        %masked_cumsum3A_896 = tpu.scan <sum>, %add3A_893 masked %broadcast_in_dim3A_895 : vector<16xf32>, vector<16xi1> -> vector<16xf32>
        %broadcast_in_dim3A_897 = arith.constant 3 : i32
        %broadcast_in_dim3A_898 = vector.broadcast %broadcast_in_dim3A_897 : i32 to vector<16xi32>
        tpu.vector_store_idx %arg19[%broadcast_in_dim3A_898, %add3A_787], %masked_cumsum3A_896 masked %eq3A_253 : memref<32x128xf32, #tpu.memory_space<vmem>>[vector<16xi32>, vector<16xi32>], vector<16xf32>, vector<16xi1>
        %mul3A_899 = arith.constant 5 : i32
        %mul3A_900 = arith.muli %scan3A_772, %mul3A_899 : i32
        %add3A_901 = arith.constant 4 : i32
        %add3A_902 = arith.addi %mul3A_900, %add3A_901 : i32
        %get3A_903 = arith.index_cast %add3A_902 : i32 to index
        %get3A_904 = arith.constant 0 : index
        %get3A_905 = tpu.vector_load %arg12[%get3A_903, %get3A_904] {strides = array<i32>} : memref<160x64xf32, #tpu.memory_space<vmem>>, vector<16xf32>,
        %mul3A_906 = arith.mulf %get3A_774, %get3A_905 : vector<16xf32>
        %get3A_907 = arith.index_cast %add3A_902 : i32 to index
        %get3A_908 = arith.constant 16 : index
        %get3A_909 = tpu.vector_load %arg12[%get3A_907, %get3A_908] {strides = array<i32>} : memref<160x64xf32, #tpu.memory_space<vmem>>, vector<16xf32>,
        %mul3A_910 = arith.mulf %get3A_777, %get3A_909 : vector<16xf32>
        %add3A_911 = arith.addf %mul3A_906, %mul3A_910 : vector<16xf32>
        %get3A_912 = arith.index_cast %add3A_902 : i32 to index
        %get3A_913 = arith.constant 32 : index
        %get3A_914 = tpu.vector_load %arg12[%get3A_912, %get3A_913] {strides = array<i32>} : memref<160x64xf32, #tpu.memory_space<vmem>>, vector<16xf32>,
        %mul3A_915 = arith.mulf %get3A_780, %get3A_914 : vector<16xf32>
        %add3A_916 = arith.addf %add3A_911, %mul3A_915 : vector<16xf32>
        %get3A_917 = arith.index_cast %add3A_902 : i32 to index
        %get3A_918 = arith.constant 48 : index
        %get3A_919 = tpu.vector_load %arg12[%get3A_917, %get3A_918] {strides = array<i32>} : memref<160x64xf32, #tpu.memory_space<vmem>>, vector<16xf32>,
        %mul3A_920 = arith.mulf %get3A_783, %get3A_919 : vector<16xf32>
        %add3A_921 = arith.addf %add3A_916, %mul3A_920 : vector<16xf32>
        %broadcast_in_dim3A_922 = arith.constant true
        %broadcast_in_dim3A_923 = vector.broadcast %broadcast_in_dim3A_922 : i1 to vector<16xi1>
        %masked_cumsum3A_924 = tpu.scan <sum>, %add3A_921 masked %broadcast_in_dim3A_923 : vector<16xf32>, vector<16xi1> -> vector<16xf32>
        %broadcast_in_dim3A_925 = arith.constant 4 : i32
        %broadcast_in_dim3A_926 = vector.broadcast %broadcast_in_dim3A_925 : i32 to vector<16xi32>
        tpu.vector_store_idx %arg19[%broadcast_in_dim3A_926, %add3A_787], %masked_cumsum3A_924 masked %eq3A_253 : memref<32x128xf32, #tpu.memory_space<vmem>>[vector<16xi32>, vector<16xi32>], vector<16xf32>, vector<16xi1>
        %mul3A_927 = arith.constant 20 : i32
        %mul3A_928 = arith.muli %scan3A_772, %mul3A_927 : i32
        %add3A_929 = arith.constant 0 : i32
        %add3A_930 = arith.addi %mul3A_928, %add3A_929 : i32
        %get3A_931 = arith.index_cast %add3A_930 : i32 to index
        %get3A_932 = arith.constant 0 : index
        %get3A_933 = tpu.vector_load %arg13[%get3A_931, %get3A_932] {strides = array<i32>} : memref<640x64xf32, #tpu.memory_space<vmem>>, vector<16xf32>,
        %mul3A_934 = arith.mulf %get3A_774, %get3A_933 : vector<16xf32>
        %get3A_935 = arith.index_cast %add3A_930 : i32 to index
        %get3A_936 = arith.constant 16 : index
        %get3A_937 = tpu.vector_load %arg13[%get3A_935, %get3A_936] {strides = array<i32>} : memref<640x64xf32, #tpu.memory_space<vmem>>, vector<16xf32>,
        %mul3A_938 = arith.mulf %get3A_777, %get3A_937 : vector<16xf32>
        %add3A_939 = arith.addf %mul3A_934, %mul3A_938 : vector<16xf32>
        %get3A_940 = arith.index_cast %add3A_930 : i32 to index
        %get3A_941 = arith.constant 32 : index
        %get3A_942 = tpu.vector_load %arg13[%get3A_940, %get3A_941] {strides = array<i32>} : memref<640x64xf32, #tpu.memory_space<vmem>>, vector<16xf32>,
        %mul3A_943 = arith.mulf %get3A_780, %get3A_942 : vector<16xf32>
        %add3A_944 = arith.addf %add3A_939, %mul3A_943 : vector<16xf32>
        %get3A_945 = arith.index_cast %add3A_930 : i32 to index
        %get3A_946 = arith.constant 48 : index
        %get3A_947 = tpu.vector_load %arg13[%get3A_945, %get3A_946] {strides = array<i32>} : memref<640x64xf32, #tpu.memory_space<vmem>>, vector<16xf32>,
        %mul3A_948 = arith.mulf %get3A_783, %get3A_947 : vector<16xf32>
        %add3A_949 = arith.addf %add3A_944, %mul3A_948 : vector<16xf32>
        %broadcast_in_dim3A_950 = arith.constant true
        %broadcast_in_dim3A_951 = vector.broadcast %broadcast_in_dim3A_950 : i1 to vector<16xi1>
        %masked_cumsum3A_952 = tpu.scan <sum>, %add3A_949 masked %broadcast_in_dim3A_951 : vector<16xf32>, vector<16xi1> -> vector<16xf32>
        %broadcast_in_dim3A_953 = arith.constant 5 : i32
        %broadcast_in_dim3A_954 = vector.broadcast %broadcast_in_dim3A_953 : i32 to vector<16xi32>
        tpu.vector_store_idx %arg19[%broadcast_in_dim3A_954, %add3A_787], %masked_cumsum3A_952 masked %eq3A_253 : memref<32x128xf32, #tpu.memory_space<vmem>>[vector<16xi32>, vector<16xi32>], vector<16xf32>, vector<16xi1>
        %mul3A_955 = arith.constant 20 : i32
        %mul3A_956 = arith.muli %scan3A_772, %mul3A_955 : i32
        %add3A_957 = arith.constant 1 : i32
        %add3A_958 = arith.addi %mul3A_956, %add3A_957 : i32
        %get3A_959 = arith.index_cast %add3A_958 : i32 to index
        %get3A_960 = arith.constant 0 : index
        %get3A_961 = tpu.vector_load %arg13[%get3A_959, %get3A_960] {strides = array<i32>} : memref<640x64xf32, #tpu.memory_space<vmem>>, vector<16xf32>,
        %mul3A_962 = arith.mulf %get3A_774, %get3A_961 : vector<16xf32>
        %get3A_963 = arith.index_cast %add3A_958 : i32 to index
        %get3A_964 = arith.constant 16 : index
        %get3A_965 = tpu.vector_load %arg13[%get3A_963, %get3A_964] {strides = array<i32>} : memref<640x64xf32, #tpu.memory_space<vmem>>, vector<16xf32>,
        %mul3A_966 = arith.mulf %get3A_777, %get3A_965 : vector<16xf32>
        %add3A_967 = arith.addf %mul3A_962, %mul3A_966 : vector<16xf32>
        %get3A_968 = arith.index_cast %add3A_958 : i32 to index
        %get3A_969 = arith.constant 32 : index
        %get3A_970 = tpu.vector_load %arg13[%get3A_968, %get3A_969] {strides = array<i32>} : memref<640x64xf32, #tpu.memory_space<vmem>>, vector<16xf32>,
        %mul3A_971 = arith.mulf %get3A_780, %get3A_970 : vector<16xf32>
        %add3A_972 = arith.addf %add3A_967, %mul3A_971 : vector<16xf32>
        %get3A_973 = arith.index_cast %add3A_958 : i32 to index
        %get3A_974 = arith.constant 48 : index
        %get3A_975 = tpu.vector_load %arg13[%get3A_973, %get3A_974] {strides = array<i32>} : memref<640x64xf32, #tpu.memory_space<vmem>>, vector<16xf32>,
        %mul3A_976 = arith.mulf %get3A_783, %get3A_975 : vector<16xf32>
        %add3A_977 = arith.addf %add3A_972, %mul3A_976 : vector<16xf32>
        %broadcast_in_dim3A_978 = arith.constant true
        %broadcast_in_dim3A_979 = vector.broadcast %broadcast_in_dim3A_978 : i1 to vector<16xi1>
        %masked_cumsum3A_980 = tpu.scan <sum>, %add3A_977 masked %broadcast_in_dim3A_979 : vector<16xf32>, vector<16xi1> -> vector<16xf32>
        %broadcast_in_dim3A_981 = arith.constant 6 : i32
        %broadcast_in_dim3A_982 = vector.broadcast %broadcast_in_dim3A_981 : i32 to vector<16xi32>
        tpu.vector_store_idx %arg19[%broadcast_in_dim3A_982, %add3A_787], %masked_cumsum3A_980 masked %eq3A_253 : memref<32x128xf32, #tpu.memory_space<vmem>>[vector<16xi32>, vector<16xi32>], vector<16xf32>, vector<16xi1>
        %mul3A_983 = arith.constant 20 : i32
        %mul3A_984 = arith.muli %scan3A_772, %mul3A_983 : i32
        %add3A_985 = arith.constant 2 : i32
        %add3A_986 = arith.addi %mul3A_984, %add3A_985 : i32
        %get3A_987 = arith.index_cast %add3A_986 : i32 to index
        %get3A_988 = arith.constant 0 : index
        %get3A_989 = tpu.vector_load %arg13[%get3A_987, %get3A_988] {strides = array<i32>} : memref<640x64xf32, #tpu.memory_space<vmem>>, vector<16xf32>,
        %mul3A_990 = arith.mulf %get3A_774, %get3A_989 : vector<16xf32>
        %get3A_991 = arith.index_cast %add3A_986 : i32 to index
        %get3A_992 = arith.constant 16 : index
        %get3A_993 = tpu.vector_load %arg13[%get3A_991, %get3A_992] {strides = array<i32>} : memref<640x64xf32, #tpu.memory_space<vmem>>, vector<16xf32>,
        %mul3A_994 = arith.mulf %get3A_777, %get3A_993 : vector<16xf32>
        %add3A_995 = arith.addf %mul3A_990, %mul3A_994 : vector<16xf32>
        %get3A_996 = arith.index_cast %add3A_986 : i32 to index
        %get3A_997 = arith.constant 32 : index
        %get3A_998 = tpu.vector_load %arg13[%get3A_996, %get3A_997] {strides = array<i32>} : memref<640x64xf32, #tpu.memory_space<vmem>>, vector<16xf32>,
        %mul3A_999 = arith.mulf %get3A_780, %get3A_998 : vector<16xf32>
        %add3A_1000 = arith.addf %add3A_995, %mul3A_999 : vector<16xf32>
        %get3A_1001 = arith.index_cast %add3A_986 : i32 to index
        %get3A_1002 = arith.constant 48 : index
        %get3A_1003 = tpu.vector_load %arg13[%get3A_1001, %get3A_1002] {strides = array<i32>} : memref<640x64xf32, #tpu.memory_space<vmem>>, vector<16xf32>,
        %mul3A_1004 = arith.mulf %get3A_783, %get3A_1003 : vector<16xf32>
        %add3A_1005 = arith.addf %add3A_1000, %mul3A_1004 : vector<16xf32>
        %broadcast_in_dim3A_1006 = arith.constant true
        %broadcast_in_dim3A_1007 = vector.broadcast %broadcast_in_dim3A_1006 : i1 to vector<16xi1>
        %masked_cumsum3A_1008 = tpu.scan <sum>, %add3A_1005 masked %broadcast_in_dim3A_1007 : vector<16xf32>, vector<16xi1> -> vector<16xf32>
        %broadcast_in_dim3A_1009 = arith.constant 7 : i32
        %broadcast_in_dim3A_1010 = vector.broadcast %broadcast_in_dim3A_1009 : i32 to vector<16xi32>
        tpu.vector_store_idx %arg19[%broadcast_in_dim3A_1010, %add3A_787], %masked_cumsum3A_1008 masked %eq3A_253 : memref<32x128xf32, #tpu.memory_space<vmem>>[vector<16xi32>, vector<16xi32>], vector<16xf32>, vector<16xi1>
        %mul3A_1011 = arith.constant 20 : i32
        %mul3A_1012 = arith.muli %scan3A_772, %mul3A_1011 : i32
        %add3A_1013 = arith.constant 3 : i32
        %add3A_1014 = arith.addi %mul3A_1012, %add3A_1013 : i32
        %get3A_1015 = arith.index_cast %add3A_1014 : i32 to index
        %get3A_1016 = arith.constant 0 : index
        %get3A_1017 = tpu.vector_load %arg13[%get3A_1015, %get3A_1016] {strides = array<i32>} : memref<640x64xf32, #tpu.memory_space<vmem>>, vector<16xf32>,
        %mul3A_1018 = arith.mulf %get3A_774, %get3A_1017 : vector<16xf32>
        %get3A_1019 = arith.index_cast %add3A_1014 : i32 to index
        %get3A_1020 = arith.constant 16 : index
        %get3A_1021 = tpu.vector_load %arg13[%get3A_1019, %get3A_1020] {strides = array<i32>} : memref<640x64xf32, #tpu.memory_space<vmem>>, vector<16xf32>,
        %mul3A_1022 = arith.mulf %get3A_777, %get3A_1021 : vector<16xf32>
        %add3A_1023 = arith.addf %mul3A_1018, %mul3A_1022 : vector<16xf32>
        %get3A_1024 = arith.index_cast %add3A_1014 : i32 to index
        %get3A_1025 = arith.constant 32 : index
        %get3A_1026 = tpu.vector_load %arg13[%get3A_1024, %get3A_1025] {strides = array<i32>} : memref<640x64xf32, #tpu.memory_space<vmem>>, vector<16xf32>,
        %mul3A_1027 = arith.mulf %get3A_780, %get3A_1026 : vector<16xf32>
        %add3A_1028 = arith.addf %add3A_1023, %mul3A_1027 : vector<16xf32>
        %get3A_1029 = arith.index_cast %add3A_1014 : i32 to index
        %get3A_1030 = arith.constant 48 : index
        %get3A_1031 = tpu.vector_load %arg13[%get3A_1029, %get3A_1030] {strides = array<i32>} : memref<640x64xf32, #tpu.memory_space<vmem>>, vector<16xf32>,
        %mul3A_1032 = arith.mulf %get3A_783, %get3A_1031 : vector<16xf32>
        %add3A_1033 = arith.addf %add3A_1028, %mul3A_1032 : vector<16xf32>
        %broadcast_in_dim3A_1034 = arith.constant true
        %broadcast_in_dim3A_1035 = vector.broadcast %broadcast_in_dim3A_1034 : i1 to vector<16xi1>
        %masked_cumsum3A_1036 = tpu.scan <sum>, %add3A_1033 masked %broadcast_in_dim3A_1035 : vector<16xf32>, vector<16xi1> -> vector<16xf32>
        %broadcast_in_dim3A_1037 = arith.constant 8 : i32
        %broadcast_in_dim3A_1038 = vector.broadcast %broadcast_in_dim3A_1037 : i32 to vector<16xi32>
        tpu.vector_store_idx %arg19[%broadcast_in_dim3A_1038, %add3A_787], %masked_cumsum3A_1036 masked %eq3A_253 : memref<32x128xf32, #tpu.memory_space<vmem>>[vector<16xi32>, vector<16xi32>], vector<16xf32>, vector<16xi1>
        %mul3A_1039 = arith.constant 20 : i32
        %mul3A_1040 = arith.muli %scan3A_772, %mul3A_1039 : i32
        %add3A_1041 = arith.constant 4 : i32
        %add3A_1042 = arith.addi %mul3A_1040, %add3A_1041 : i32
        %get3A_1043 = arith.index_cast %add3A_1042 : i32 to index
        %get3A_1044 = arith.constant 0 : index
        %get3A_1045 = tpu.vector_load %arg13[%get3A_1043, %get3A_1044] {strides = array<i32>} : memref<640x64xf32, #tpu.memory_space<vmem>>, vector<16xf32>,
        %mul3A_1046 = arith.mulf %get3A_774, %get3A_1045 : vector<16xf32>
        %get3A_1047 = arith.index_cast %add3A_1042 : i32 to index
        %get3A_1048 = arith.constant 16 : index
        %get3A_1049 = tpu.vector_load %arg13[%get3A_1047, %get3A_1048] {strides = array<i32>} : memref<640x64xf32, #tpu.memory_space<vmem>>, vector<16xf32>,
        %mul3A_1050 = arith.mulf %get3A_777, %get3A_1049 : vector<16xf32>
        %add3A_1051 = arith.addf %mul3A_1046, %mul3A_1050 : vector<16xf32>
        %get3A_1052 = arith.index_cast %add3A_1042 : i32 to index
        %get3A_1053 = arith.constant 32 : index
        %get3A_1054 = tpu.vector_load %arg13[%get3A_1052, %get3A_1053] {strides = array<i32>} : memref<640x64xf32, #tpu.memory_space<vmem>>, vector<16xf32>,
        %mul3A_1055 = arith.mulf %get3A_780, %get3A_1054 : vector<16xf32>
        %add3A_1056 = arith.addf %add3A_1051, %mul3A_1055 : vector<16xf32>
        %get3A_1057 = arith.index_cast %add3A_1042 : i32 to index
        %get3A_1058 = arith.constant 48 : index
        %get3A_1059 = tpu.vector_load %arg13[%get3A_1057, %get3A_1058] {strides = array<i32>} : memref<640x64xf32, #tpu.memory_space<vmem>>, vector<16xf32>,
        %mul3A_1060 = arith.mulf %get3A_783, %get3A_1059 : vector<16xf32>
        %add3A_1061 = arith.addf %add3A_1056, %mul3A_1060 : vector<16xf32>
        %broadcast_in_dim3A_1062 = arith.constant true
        %broadcast_in_dim3A_1063 = vector.broadcast %broadcast_in_dim3A_1062 : i1 to vector<16xi1>
        %masked_cumsum3A_1064 = tpu.scan <sum>, %add3A_1061 masked %broadcast_in_dim3A_1063 : vector<16xf32>, vector<16xi1> -> vector<16xf32>
        %broadcast_in_dim3A_1065 = arith.constant 9 : i32
        %broadcast_in_dim3A_1066 = vector.broadcast %broadcast_in_dim3A_1065 : i32 to vector<16xi32>
        tpu.vector_store_idx %arg19[%broadcast_in_dim3A_1066, %add3A_787], %masked_cumsum3A_1064 masked %eq3A_253 : memref<32x128xf32, #tpu.memory_space<vmem>>[vector<16xi32>, vector<16xi32>], vector<16xf32>, vector<16xi1>
        %mul3A_1067 = arith.constant 20 : i32
        %mul3A_1068 = arith.muli %scan3A_772, %mul3A_1067 : i32
        %add3A_1069 = arith.constant 5 : i32
        %add3A_1070 = arith.addi %mul3A_1068, %add3A_1069 : i32
        %get3A_1071 = arith.index_cast %add3A_1070 : i32 to index
        %get3A_1072 = arith.constant 0 : index
        %get3A_1073 = tpu.vector_load %arg13[%get3A_1071, %get3A_1072] {strides = array<i32>} : memref<640x64xf32, #tpu.memory_space<vmem>>, vector<16xf32>,
        %mul3A_1074 = arith.mulf %get3A_774, %get3A_1073 : vector<16xf32>
        %get3A_1075 = arith.index_cast %add3A_1070 : i32 to index
        %get3A_1076 = arith.constant 16 : index
        %get3A_1077 = tpu.vector_load %arg13[%get3A_1075, %get3A_1076] {strides = array<i32>} : memref<640x64xf32, #tpu.memory_space<vmem>>, vector<16xf32>,
        %mul3A_1078 = arith.mulf %get3A_777, %get3A_1077 : vector<16xf32>
        %add3A_1079 = arith.addf %mul3A_1074, %mul3A_1078 : vector<16xf32>
        %get3A_1080 = arith.index_cast %add3A_1070 : i32 to index
        %get3A_1081 = arith.constant 32 : index
        %get3A_1082 = tpu.vector_load %arg13[%get3A_1080, %get3A_1081] {strides = array<i32>} : memref<640x64xf32, #tpu.memory_space<vmem>>, vector<16xf32>,
        %mul3A_1083 = arith.mulf %get3A_780, %get3A_1082 : vector<16xf32>
        %add3A_1084 = arith.addf %add3A_1079, %mul3A_1083 : vector<16xf32>
        %get3A_1085 = arith.index_cast %add3A_1070 : i32 to index
        %get3A_1086 = arith.constant 48 : index
        %get3A_1087 = tpu.vector_load %arg13[%get3A_1085, %get3A_1086] {strides = array<i32>} : memref<640x64xf32, #tpu.memory_space<vmem>>, vector<16xf32>,
        %mul3A_1088 = arith.mulf %get3A_783, %get3A_1087 : vector<16xf32>
        %add3A_1089 = arith.addf %add3A_1084, %mul3A_1088 : vector<16xf32>
        %broadcast_in_dim3A_1090 = arith.constant true
        %broadcast_in_dim3A_1091 = vector.broadcast %broadcast_in_dim3A_1090 : i1 to vector<16xi1>
        %masked_cumsum3A_1092 = tpu.scan <sum>, %add3A_1089 masked %broadcast_in_dim3A_1091 : vector<16xf32>, vector<16xi1> -> vector<16xf32>
        %broadcast_in_dim3A_1093 = arith.constant 10 : i32
        %broadcast_in_dim3A_1094 = vector.broadcast %broadcast_in_dim3A_1093 : i32 to vector<16xi32>
        tpu.vector_store_idx %arg19[%broadcast_in_dim3A_1094, %add3A_787], %masked_cumsum3A_1092 masked %eq3A_253 : memref<32x128xf32, #tpu.memory_space<vmem>>[vector<16xi32>, vector<16xi32>], vector<16xf32>, vector<16xi1>
        %mul3A_1095 = arith.constant 20 : i32
        %mul3A_1096 = arith.muli %scan3A_772, %mul3A_1095 : i32
        %add3A_1097 = arith.constant 6 : i32
        %add3A_1098 = arith.addi %mul3A_1096, %add3A_1097 : i32
        %get3A_1099 = arith.index_cast %add3A_1098 : i32 to index
        %get3A_1100 = arith.constant 0 : index
        %get3A_1101 = tpu.vector_load %arg13[%get3A_1099, %get3A_1100] {strides = array<i32>} : memref<640x64xf32, #tpu.memory_space<vmem>>, vector<16xf32>,
        %mul3A_1102 = arith.mulf %get3A_774, %get3A_1101 : vector<16xf32>
        %get3A_1103 = arith.index_cast %add3A_1098 : i32 to index
        %get3A_1104 = arith.constant 16 : index
        %get3A_1105 = tpu.vector_load %arg13[%get3A_1103, %get3A_1104] {strides = array<i32>} : memref<640x64xf32, #tpu.memory_space<vmem>>, vector<16xf32>,
        %mul3A_1106 = arith.mulf %get3A_777, %get3A_1105 : vector<16xf32>
        %add3A_1107 = arith.addf %mul3A_1102, %mul3A_1106 : vector<16xf32>
        %get3A_1108 = arith.index_cast %add3A_1098 : i32 to index
        %get3A_1109 = arith.constant 32 : index
        %get3A_1110 = tpu.vector_load %arg13[%get3A_1108, %get3A_1109] {strides = array<i32>} : memref<640x64xf32, #tpu.memory_space<vmem>>, vector<16xf32>,
        %mul3A_1111 = arith.mulf %get3A_780, %get3A_1110 : vector<16xf32>
        %add3A_1112 = arith.addf %add3A_1107, %mul3A_1111 : vector<16xf32>
        %get3A_1113 = arith.index_cast %add3A_1098 : i32 to index
        %get3A_1114 = arith.constant 48 : index
        %get3A_1115 = tpu.vector_load %arg13[%get3A_1113, %get3A_1114] {strides = array<i32>} : memref<640x64xf32, #tpu.memory_space<vmem>>, vector<16xf32>,
        %mul3A_1116 = arith.mulf %get3A_783, %get3A_1115 : vector<16xf32>
        %add3A_1117 = arith.addf %add3A_1112, %mul3A_1116 : vector<16xf32>
        %broadcast_in_dim3A_1118 = arith.constant true
        %broadcast_in_dim3A_1119 = vector.broadcast %broadcast_in_dim3A_1118 : i1 to vector<16xi1>
        %masked_cumsum3A_1120 = tpu.scan <sum>, %add3A_1117 masked %broadcast_in_dim3A_1119 : vector<16xf32>, vector<16xi1> -> vector<16xf32>
        %broadcast_in_dim3A_1121 = arith.constant 11 : i32
        %broadcast_in_dim3A_1122 = vector.broadcast %broadcast_in_dim3A_1121 : i32 to vector<16xi32>
        tpu.vector_store_idx %arg19[%broadcast_in_dim3A_1122, %add3A_787], %masked_cumsum3A_1120 masked %eq3A_253 : memref<32x128xf32, #tpu.memory_space<vmem>>[vector<16xi32>, vector<16xi32>], vector<16xf32>, vector<16xi1>
        %mul3A_1123 = arith.constant 20 : i32
        %mul3A_1124 = arith.muli %scan3A_772, %mul3A_1123 : i32
        %add3A_1125 = arith.constant 7 : i32
        %add3A_1126 = arith.addi %mul3A_1124, %add3A_1125 : i32
        %get3A_1127 = arith.index_cast %add3A_1126 : i32 to index
        %get3A_1128 = arith.constant 0 : index
        %get3A_1129 = tpu.vector_load %arg13[%get3A_1127, %get3A_1128] {strides = array<i32>} : memref<640x64xf32, #tpu.memory_space<vmem>>, vector<16xf32>,
        %mul3A_1130 = arith.mulf %get3A_774, %get3A_1129 : vector<16xf32>
        %get3A_1131 = arith.index_cast %add3A_1126 : i32 to index
        %get3A_1132 = arith.constant 16 : index
        %get3A_1133 = tpu.vector_load %arg13[%get3A_1131, %get3A_1132] {strides = array<i32>} : memref<640x64xf32, #tpu.memory_space<vmem>>, vector<16xf32>,
        %mul3A_1134 = arith.mulf %get3A_777, %get3A_1133 : vector<16xf32>
        %add3A_1135 = arith.addf %mul3A_1130, %mul3A_1134 : vector<16xf32>
        %get3A_1136 = arith.index_cast %add3A_1126 : i32 to index
        %get3A_1137 = arith.constant 32 : index
        %get3A_1138 = tpu.vector_load %arg13[%get3A_1136, %get3A_1137] {strides = array<i32>} : memref<640x64xf32, #tpu.memory_space<vmem>>, vector<16xf32>,
        %mul3A_1139 = arith.mulf %get3A_780, %get3A_1138 : vector<16xf32>
        %add3A_1140 = arith.addf %add3A_1135, %mul3A_1139 : vector<16xf32>
        %get3A_1141 = arith.index_cast %add3A_1126 : i32 to index
        %get3A_1142 = arith.constant 48 : index
        %get3A_1143 = tpu.vector_load %arg13[%get3A_1141, %get3A_1142] {strides = array<i32>} : memref<640x64xf32, #tpu.memory_space<vmem>>, vector<16xf32>,
        %mul3A_1144 = arith.mulf %get3A_783, %get3A_1143 : vector<16xf32>
        %add3A_1145 = arith.addf %add3A_1140, %mul3A_1144 : vector<16xf32>
        %broadcast_in_dim3A_1146 = arith.constant true
        %broadcast_in_dim3A_1147 = vector.broadcast %broadcast_in_dim3A_1146 : i1 to vector<16xi1>
        %masked_cumsum3A_1148 = tpu.scan <sum>, %add3A_1145 masked %broadcast_in_dim3A_1147 : vector<16xf32>, vector<16xi1> -> vector<16xf32>
        %broadcast_in_dim3A_1149 = arith.constant 12 : i32
        %broadcast_in_dim3A_1150 = vector.broadcast %broadcast_in_dim3A_1149 : i32 to vector<16xi32>
        tpu.vector_store_idx %arg19[%broadcast_in_dim3A_1150, %add3A_787], %masked_cumsum3A_1148 masked %eq3A_253 : memref<32x128xf32, #tpu.memory_space<vmem>>[vector<16xi32>, vector<16xi32>], vector<16xf32>, vector<16xi1>
        %mul3A_1151 = arith.constant 20 : i32
        %mul3A_1152 = arith.muli %scan3A_772, %mul3A_1151 : i32
        %add3A_1153 = arith.constant 8 : i32
        %add3A_1154 = arith.addi %mul3A_1152, %add3A_1153 : i32
        %get3A_1155 = arith.index_cast %add3A_1154 : i32 to index
        %get3A_1156 = arith.constant 0 : index
        %get3A_1157 = tpu.vector_load %arg13[%get3A_1155, %get3A_1156] {strides = array<i32>} : memref<640x64xf32, #tpu.memory_space<vmem>>, vector<16xf32>,
        %mul3A_1158 = arith.mulf %get3A_774, %get3A_1157 : vector<16xf32>
        %get3A_1159 = arith.index_cast %add3A_1154 : i32 to index
        %get3A_1160 = arith.constant 16 : index
        %get3A_1161 = tpu.vector_load %arg13[%get3A_1159, %get3A_1160] {strides = array<i32>} : memref<640x64xf32, #tpu.memory_space<vmem>>, vector<16xf32>,
        %mul3A_1162 = arith.mulf %get3A_777, %get3A_1161 : vector<16xf32>
        %add3A_1163 = arith.addf %mul3A_1158, %mul3A_1162 : vector<16xf32>
        %get3A_1164 = arith.index_cast %add3A_1154 : i32 to index
        %get3A_1165 = arith.constant 32 : index
        %get3A_1166 = tpu.vector_load %arg13[%get3A_1164, %get3A_1165] {strides = array<i32>} : memref<640x64xf32, #tpu.memory_space<vmem>>, vector<16xf32>,
        %mul3A_1167 = arith.mulf %get3A_780, %get3A_1166 : vector<16xf32>
        %add3A_1168 = arith.addf %add3A_1163, %mul3A_1167 : vector<16xf32>
        %get3A_1169 = arith.index_cast %add3A_1154 : i32 to index
        %get3A_1170 = arith.constant 48 : index
        %get3A_1171 = tpu.vector_load %arg13[%get3A_1169, %get3A_1170] {strides = array<i32>} : memref<640x64xf32, #tpu.memory_space<vmem>>, vector<16xf32>,
        %mul3A_1172 = arith.mulf %get3A_783, %get3A_1171 : vector<16xf32>
        %add3A_1173 = arith.addf %add3A_1168, %mul3A_1172 : vector<16xf32>
        %broadcast_in_dim3A_1174 = arith.constant true
        %broadcast_in_dim3A_1175 = vector.broadcast %broadcast_in_dim3A_1174 : i1 to vector<16xi1>
        %masked_cumsum3A_1176 = tpu.scan <sum>, %add3A_1173 masked %broadcast_in_dim3A_1175 : vector<16xf32>, vector<16xi1> -> vector<16xf32>
        %broadcast_in_dim3A_1177 = arith.constant 13 : i32
        %broadcast_in_dim3A_1178 = vector.broadcast %broadcast_in_dim3A_1177 : i32 to vector<16xi32>
        tpu.vector_store_idx %arg19[%broadcast_in_dim3A_1178, %add3A_787], %masked_cumsum3A_1176 masked %eq3A_253 : memref<32x128xf32, #tpu.memory_space<vmem>>[vector<16xi32>, vector<16xi32>], vector<16xf32>, vector<16xi1>
        %mul3A_1179 = arith.constant 20 : i32
        %mul3A_1180 = arith.muli %scan3A_772, %mul3A_1179 : i32
        %add3A_1181 = arith.constant 9 : i32
        %add3A_1182 = arith.addi %mul3A_1180, %add3A_1181 : i32
        %get3A_1183 = arith.index_cast %add3A_1182 : i32 to index
        %get3A_1184 = arith.constant 0 : index
        %get3A_1185 = tpu.vector_load %arg13[%get3A_1183, %get3A_1184] {strides = array<i32>} : memref<640x64xf32, #tpu.memory_space<vmem>>, vector<16xf32>,
        %mul3A_1186 = arith.mulf %get3A_774, %get3A_1185 : vector<16xf32>
        %get3A_1187 = arith.index_cast %add3A_1182 : i32 to index
        %get3A_1188 = arith.constant 16 : index
        %get3A_1189 = tpu.vector_load %arg13[%get3A_1187, %get3A_1188] {strides = array<i32>} : memref<640x64xf32, #tpu.memory_space<vmem>>, vector<16xf32>,
        %mul3A_1190 = arith.mulf %get3A_777, %get3A_1189 : vector<16xf32>
        %add3A_1191 = arith.addf %mul3A_1186, %mul3A_1190 : vector<16xf32>
        %get3A_1192 = arith.index_cast %add3A_1182 : i32 to index
        %get3A_1193 = arith.constant 32 : index
        %get3A_1194 = tpu.vector_load %arg13[%get3A_1192, %get3A_1193] {strides = array<i32>} : memref<640x64xf32, #tpu.memory_space<vmem>>, vector<16xf32>,
        %mul3A_1195 = arith.mulf %get3A_780, %get3A_1194 : vector<16xf32>
        %add3A_1196 = arith.addf %add3A_1191, %mul3A_1195 : vector<16xf32>
        %get3A_1197 = arith.index_cast %add3A_1182 : i32 to index
        %get3A_1198 = arith.constant 48 : index
        %get3A_1199 = tpu.vector_load %arg13[%get3A_1197, %get3A_1198] {strides = array<i32>} : memref<640x64xf32, #tpu.memory_space<vmem>>, vector<16xf32>,
        %mul3A_1200 = arith.mulf %get3A_783, %get3A_1199 : vector<16xf32>
        %add3A_1201 = arith.addf %add3A_1196, %mul3A_1200 : vector<16xf32>
        %broadcast_in_dim3A_1202 = arith.constant true
        %broadcast_in_dim3A_1203 = vector.broadcast %broadcast_in_dim3A_1202 : i1 to vector<16xi1>
        %masked_cumsum3A_1204 = tpu.scan <sum>, %add3A_1201 masked %broadcast_in_dim3A_1203 : vector<16xf32>, vector<16xi1> -> vector<16xf32>
        %broadcast_in_dim3A_1205 = arith.constant 14 : i32
        %broadcast_in_dim3A_1206 = vector.broadcast %broadcast_in_dim3A_1205 : i32 to vector<16xi32>
        tpu.vector_store_idx %arg19[%broadcast_in_dim3A_1206, %add3A_787], %masked_cumsum3A_1204 masked %eq3A_253 : memref<32x128xf32, #tpu.memory_space<vmem>>[vector<16xi32>, vector<16xi32>], vector<16xf32>, vector<16xi1>
        %mul3A_1207 = arith.constant 20 : i32
        %mul3A_1208 = arith.muli %scan3A_772, %mul3A_1207 : i32
        %add3A_1209 = arith.constant 10 : i32
        %add3A_1210 = arith.addi %mul3A_1208, %add3A_1209 : i32
        %get3A_1211 = arith.index_cast %add3A_1210 : i32 to index
        %get3A_1212 = arith.constant 0 : index
        %get3A_1213 = tpu.vector_load %arg13[%get3A_1211, %get3A_1212] {strides = array<i32>} : memref<640x64xf32, #tpu.memory_space<vmem>>, vector<16xf32>,
        %mul3A_1214 = arith.mulf %get3A_774, %get3A_1213 : vector<16xf32>
        %get3A_1215 = arith.index_cast %add3A_1210 : i32 to index
        %get3A_1216 = arith.constant 16 : index
        %get3A_1217 = tpu.vector_load %arg13[%get3A_1215, %get3A_1216] {strides = array<i32>} : memref<640x64xf32, #tpu.memory_space<vmem>>, vector<16xf32>,
        %mul3A_1218 = arith.mulf %get3A_777, %get3A_1217 : vector<16xf32>
        %add3A_1219 = arith.addf %mul3A_1214, %mul3A_1218 : vector<16xf32>
        %get3A_1220 = arith.index_cast %add3A_1210 : i32 to index
        %get3A_1221 = arith.constant 32 : index
        %get3A_1222 = tpu.vector_load %arg13[%get3A_1220, %get3A_1221] {strides = array<i32>} : memref<640x64xf32, #tpu.memory_space<vmem>>, vector<16xf32>,
        %mul3A_1223 = arith.mulf %get3A_780, %get3A_1222 : vector<16xf32>
        %add3A_1224 = arith.addf %add3A_1219, %mul3A_1223 : vector<16xf32>
        %get3A_1225 = arith.index_cast %add3A_1210 : i32 to index
        %get3A_1226 = arith.constant 48 : index
        %get3A_1227 = tpu.vector_load %arg13[%get3A_1225, %get3A_1226] {strides = array<i32>} : memref<640x64xf32, #tpu.memory_space<vmem>>, vector<16xf32>,
        %mul3A_1228 = arith.mulf %get3A_783, %get3A_1227 : vector<16xf32>
        %add3A_1229 = arith.addf %add3A_1224, %mul3A_1228 : vector<16xf32>
        %broadcast_in_dim3A_1230 = arith.constant true
        %broadcast_in_dim3A_1231 = vector.broadcast %broadcast_in_dim3A_1230 : i1 to vector<16xi1>
        %masked_cumsum3A_1232 = tpu.scan <sum>, %add3A_1229 masked %broadcast_in_dim3A_1231 : vector<16xf32>, vector<16xi1> -> vector<16xf32>
        %broadcast_in_dim3A_1233 = arith.constant 15 : i32
        %broadcast_in_dim3A_1234 = vector.broadcast %broadcast_in_dim3A_1233 : i32 to vector<16xi32>
        tpu.vector_store_idx %arg19[%broadcast_in_dim3A_1234, %add3A_787], %masked_cumsum3A_1232 masked %eq3A_253 : memref<32x128xf32, #tpu.memory_space<vmem>>[vector<16xi32>, vector<16xi32>], vector<16xf32>, vector<16xi1>
        %mul3A_1235 = arith.constant 20 : i32
        %mul3A_1236 = arith.muli %scan3A_772, %mul3A_1235 : i32
        %add3A_1237 = arith.constant 11 : i32
        %add3A_1238 = arith.addi %mul3A_1236, %add3A_1237 : i32
        %get3A_1239 = arith.index_cast %add3A_1238 : i32 to index
        %get3A_1240 = arith.constant 0 : index
        %get3A_1241 = tpu.vector_load %arg13[%get3A_1239, %get3A_1240] {strides = array<i32>} : memref<640x64xf32, #tpu.memory_space<vmem>>, vector<16xf32>,
        %mul3A_1242 = arith.mulf %get3A_774, %get3A_1241 : vector<16xf32>
        %get3A_1243 = arith.index_cast %add3A_1238 : i32 to index
        %get3A_1244 = arith.constant 16 : index
        %get3A_1245 = tpu.vector_load %arg13[%get3A_1243, %get3A_1244] {strides = array<i32>} : memref<640x64xf32, #tpu.memory_space<vmem>>, vector<16xf32>,
        %mul3A_1246 = arith.mulf %get3A_777, %get3A_1245 : vector<16xf32>
        %add3A_1247 = arith.addf %mul3A_1242, %mul3A_1246 : vector<16xf32>
        %get3A_1248 = arith.index_cast %add3A_1238 : i32 to index
        %get3A_1249 = arith.constant 32 : index
        %get3A_1250 = tpu.vector_load %arg13[%get3A_1248, %get3A_1249] {strides = array<i32>} : memref<640x64xf32, #tpu.memory_space<vmem>>, vector<16xf32>,
        %mul3A_1251 = arith.mulf %get3A_780, %get3A_1250 : vector<16xf32>
        %add3A_1252 = arith.addf %add3A_1247, %mul3A_1251 : vector<16xf32>
        %get3A_1253 = arith.index_cast %add3A_1238 : i32 to index
        %get3A_1254 = arith.constant 48 : index
        %get3A_1255 = tpu.vector_load %arg13[%get3A_1253, %get3A_1254] {strides = array<i32>} : memref<640x64xf32, #tpu.memory_space<vmem>>, vector<16xf32>,
        %mul3A_1256 = arith.mulf %get3A_783, %get3A_1255 : vector<16xf32>
        %add3A_1257 = arith.addf %add3A_1252, %mul3A_1256 : vector<16xf32>
        %broadcast_in_dim3A_1258 = arith.constant true
        %broadcast_in_dim3A_1259 = vector.broadcast %broadcast_in_dim3A_1258 : i1 to vector<16xi1>
        %masked_cumsum3A_1260 = tpu.scan <sum>, %add3A_1257 masked %broadcast_in_dim3A_1259 : vector<16xf32>, vector<16xi1> -> vector<16xf32>
        %broadcast_in_dim3A_1261 = arith.constant 16 : i32
        %broadcast_in_dim3A_1262 = vector.broadcast %broadcast_in_dim3A_1261 : i32 to vector<16xi32>
        tpu.vector_store_idx %arg19[%broadcast_in_dim3A_1262, %add3A_787], %masked_cumsum3A_1260 masked %eq3A_253 : memref<32x128xf32, #tpu.memory_space<vmem>>[vector<16xi32>, vector<16xi32>], vector<16xf32>, vector<16xi1>
        %mul3A_1263 = arith.constant 20 : i32
        %mul3A_1264 = arith.muli %scan3A_772, %mul3A_1263 : i32
        %add3A_1265 = arith.constant 12 : i32
        %add3A_1266 = arith.addi %mul3A_1264, %add3A_1265 : i32
        %get3A_1267 = arith.index_cast %add3A_1266 : i32 to index
        %get3A_1268 = arith.constant 0 : index
        %get3A_1269 = tpu.vector_load %arg13[%get3A_1267, %get3A_1268] {strides = array<i32>} : memref<640x64xf32, #tpu.memory_space<vmem>>, vector<16xf32>,
        %mul3A_1270 = arith.mulf %get3A_774, %get3A_1269 : vector<16xf32>
        %get3A_1271 = arith.index_cast %add3A_1266 : i32 to index
        %get3A_1272 = arith.constant 16 : index
        %get3A_1273 = tpu.vector_load %arg13[%get3A_1271, %get3A_1272] {strides = array<i32>} : memref<640x64xf32, #tpu.memory_space<vmem>>, vector<16xf32>,
        %mul3A_1274 = arith.mulf %get3A_777, %get3A_1273 : vector<16xf32>
        %add3A_1275 = arith.addf %mul3A_1270, %mul3A_1274 : vector<16xf32>
        %get3A_1276 = arith.index_cast %add3A_1266 : i32 to index
        %get3A_1277 = arith.constant 32 : index
        %get3A_1278 = tpu.vector_load %arg13[%get3A_1276, %get3A_1277] {strides = array<i32>} : memref<640x64xf32, #tpu.memory_space<vmem>>, vector<16xf32>,
        %mul3A_1279 = arith.mulf %get3A_780, %get3A_1278 : vector<16xf32>
        %add3A_1280 = arith.addf %add3A_1275, %mul3A_1279 : vector<16xf32>
        %get3A_1281 = arith.index_cast %add3A_1266 : i32 to index
        %get3A_1282 = arith.constant 48 : index
        %get3A_1283 = tpu.vector_load %arg13[%get3A_1281, %get3A_1282] {strides = array<i32>} : memref<640x64xf32, #tpu.memory_space<vmem>>, vector<16xf32>,
        %mul3A_1284 = arith.mulf %get3A_783, %get3A_1283 : vector<16xf32>
        %add3A_1285 = arith.addf %add3A_1280, %mul3A_1284 : vector<16xf32>
        %broadcast_in_dim3A_1286 = arith.constant true
        %broadcast_in_dim3A_1287 = vector.broadcast %broadcast_in_dim3A_1286 : i1 to vector<16xi1>
        %masked_cumsum3A_1288 = tpu.scan <sum>, %add3A_1285 masked %broadcast_in_dim3A_1287 : vector<16xf32>, vector<16xi1> -> vector<16xf32>
        %broadcast_in_dim3A_1289 = arith.constant 17 : i32
        %broadcast_in_dim3A_1290 = vector.broadcast %broadcast_in_dim3A_1289 : i32 to vector<16xi32>
        tpu.vector_store_idx %arg19[%broadcast_in_dim3A_1290, %add3A_787], %masked_cumsum3A_1288 masked %eq3A_253 : memref<32x128xf32, #tpu.memory_space<vmem>>[vector<16xi32>, vector<16xi32>], vector<16xf32>, vector<16xi1>
        %mul3A_1291 = arith.constant 20 : i32
        %mul3A_1292 = arith.muli %scan3A_772, %mul3A_1291 : i32
        %add3A_1293 = arith.constant 13 : i32
        %add3A_1294 = arith.addi %mul3A_1292, %add3A_1293 : i32
        %get3A_1295 = arith.index_cast %add3A_1294 : i32 to index
        %get3A_1296 = arith.constant 0 : index
        %get3A_1297 = tpu.vector_load %arg13[%get3A_1295, %get3A_1296] {strides = array<i32>} : memref<640x64xf32, #tpu.memory_space<vmem>>, vector<16xf32>,
        %mul3A_1298 = arith.mulf %get3A_774, %get3A_1297 : vector<16xf32>
        %get3A_1299 = arith.index_cast %add3A_1294 : i32 to index
        %get3A_1300 = arith.constant 16 : index
        %get3A_1301 = tpu.vector_load %arg13[%get3A_1299, %get3A_1300] {strides = array<i32>} : memref<640x64xf32, #tpu.memory_space<vmem>>, vector<16xf32>,
        %mul3A_1302 = arith.mulf %get3A_777, %get3A_1301 : vector<16xf32>
        %add3A_1303 = arith.addf %mul3A_1298, %mul3A_1302 : vector<16xf32>
        %get3A_1304 = arith.index_cast %add3A_1294 : i32 to index
        %get3A_1305 = arith.constant 32 : index
        %get3A_1306 = tpu.vector_load %arg13[%get3A_1304, %get3A_1305] {strides = array<i32>} : memref<640x64xf32, #tpu.memory_space<vmem>>, vector<16xf32>,
        %mul3A_1307 = arith.mulf %get3A_780, %get3A_1306 : vector<16xf32>
        %add3A_1308 = arith.addf %add3A_1303, %mul3A_1307 : vector<16xf32>
        %get3A_1309 = arith.index_cast %add3A_1294 : i32 to index
        %get3A_1310 = arith.constant 48 : index
        %get3A_1311 = tpu.vector_load %arg13[%get3A_1309, %get3A_1310] {strides = array<i32>} : memref<640x64xf32, #tpu.memory_space<vmem>>, vector<16xf32>,
        %mul3A_1312 = arith.mulf %get3A_783, %get3A_1311 : vector<16xf32>
        %add3A_1313 = arith.addf %add3A_1308, %mul3A_1312 : vector<16xf32>
        %broadcast_in_dim3A_1314 = arith.constant true
        %broadcast_in_dim3A_1315 = vector.broadcast %broadcast_in_dim3A_1314 : i1 to vector<16xi1>
        %masked_cumsum3A_1316 = tpu.scan <sum>, %add3A_1313 masked %broadcast_in_dim3A_1315 : vector<16xf32>, vector<16xi1> -> vector<16xf32>
        %broadcast_in_dim3A_1317 = arith.constant 18 : i32
        %broadcast_in_dim3A_1318 = vector.broadcast %broadcast_in_dim3A_1317 : i32 to vector<16xi32>
        tpu.vector_store_idx %arg19[%broadcast_in_dim3A_1318, %add3A_787], %masked_cumsum3A_1316 masked %eq3A_253 : memref<32x128xf32, #tpu.memory_space<vmem>>[vector<16xi32>, vector<16xi32>], vector<16xf32>, vector<16xi1>
        %mul3A_1319 = arith.constant 20 : i32
        %mul3A_1320 = arith.muli %scan3A_772, %mul3A_1319 : i32
        %add3A_1321 = arith.constant 14 : i32
        %add3A_1322 = arith.addi %mul3A_1320, %add3A_1321 : i32
        %get3A_1323 = arith.index_cast %add3A_1322 : i32 to index
        %get3A_1324 = arith.constant 0 : index
        %get3A_1325 = tpu.vector_load %arg13[%get3A_1323, %get3A_1324] {strides = array<i32>} : memref<640x64xf32, #tpu.memory_space<vmem>>, vector<16xf32>,
        %mul3A_1326 = arith.mulf %get3A_774, %get3A_1325 : vector<16xf32>
        %get3A_1327 = arith.index_cast %add3A_1322 : i32 to index
        %get3A_1328 = arith.constant 16 : index
        %get3A_1329 = tpu.vector_load %arg13[%get3A_1327, %get3A_1328] {strides = array<i32>} : memref<640x64xf32, #tpu.memory_space<vmem>>, vector<16xf32>,
        %mul3A_1330 = arith.mulf %get3A_777, %get3A_1329 : vector<16xf32>
        %add3A_1331 = arith.addf %mul3A_1326, %mul3A_1330 : vector<16xf32>
        %get3A_1332 = arith.index_cast %add3A_1322 : i32 to index
        %get3A_1333 = arith.constant 32 : index
        %get3A_1334 = tpu.vector_load %arg13[%get3A_1332, %get3A_1333] {strides = array<i32>} : memref<640x64xf32, #tpu.memory_space<vmem>>, vector<16xf32>,
        %mul3A_1335 = arith.mulf %get3A_780, %get3A_1334 : vector<16xf32>
        %add3A_1336 = arith.addf %add3A_1331, %mul3A_1335 : vector<16xf32>
        %get3A_1337 = arith.index_cast %add3A_1322 : i32 to index
        %get3A_1338 = arith.constant 48 : index
        %get3A_1339 = tpu.vector_load %arg13[%get3A_1337, %get3A_1338] {strides = array<i32>} : memref<640x64xf32, #tpu.memory_space<vmem>>, vector<16xf32>,
        %mul3A_1340 = arith.mulf %get3A_783, %get3A_1339 : vector<16xf32>
        %add3A_1341 = arith.addf %add3A_1336, %mul3A_1340 : vector<16xf32>
        %broadcast_in_dim3A_1342 = arith.constant true
        %broadcast_in_dim3A_1343 = vector.broadcast %broadcast_in_dim3A_1342 : i1 to vector<16xi1>
        %masked_cumsum3A_1344 = tpu.scan <sum>, %add3A_1341 masked %broadcast_in_dim3A_1343 : vector<16xf32>, vector<16xi1> -> vector<16xf32>
        %broadcast_in_dim3A_1345 = arith.constant 19 : i32
        %broadcast_in_dim3A_1346 = vector.broadcast %broadcast_in_dim3A_1345 : i32 to vector<16xi32>
        tpu.vector_store_idx %arg19[%broadcast_in_dim3A_1346, %add3A_787], %masked_cumsum3A_1344 masked %eq3A_253 : memref<32x128xf32, #tpu.memory_space<vmem>>[vector<16xi32>, vector<16xi32>], vector<16xf32>, vector<16xi1>
        %mul3A_1347 = arith.constant 20 : i32
        %mul3A_1348 = arith.muli %scan3A_772, %mul3A_1347 : i32
        %add3A_1349 = arith.constant 15 : i32
        %add3A_1350 = arith.addi %mul3A_1348, %add3A_1349 : i32
        %get3A_1351 = arith.index_cast %add3A_1350 : i32 to index
        %get3A_1352 = arith.constant 0 : index
        %get3A_1353 = tpu.vector_load %arg13[%get3A_1351, %get3A_1352] {strides = array<i32>} : memref<640x64xf32, #tpu.memory_space<vmem>>, vector<16xf32>,
        %mul3A_1354 = arith.mulf %get3A_774, %get3A_1353 : vector<16xf32>
        %get3A_1355 = arith.index_cast %add3A_1350 : i32 to index
        %get3A_1356 = arith.constant 16 : index
        %get3A_1357 = tpu.vector_load %arg13[%get3A_1355, %get3A_1356] {strides = array<i32>} : memref<640x64xf32, #tpu.memory_space<vmem>>, vector<16xf32>,
        %mul3A_1358 = arith.mulf %get3A_777, %get3A_1357 : vector<16xf32>
        %add3A_1359 = arith.addf %mul3A_1354, %mul3A_1358 : vector<16xf32>
        %get3A_1360 = arith.index_cast %add3A_1350 : i32 to index
        %get3A_1361 = arith.constant 32 : index
        %get3A_1362 = tpu.vector_load %arg13[%get3A_1360, %get3A_1361] {strides = array<i32>} : memref<640x64xf32, #tpu.memory_space<vmem>>, vector<16xf32>,
        %mul3A_1363 = arith.mulf %get3A_780, %get3A_1362 : vector<16xf32>
        %add3A_1364 = arith.addf %add3A_1359, %mul3A_1363 : vector<16xf32>
        %get3A_1365 = arith.index_cast %add3A_1350 : i32 to index
        %get3A_1366 = arith.constant 48 : index
        %get3A_1367 = tpu.vector_load %arg13[%get3A_1365, %get3A_1366] {strides = array<i32>} : memref<640x64xf32, #tpu.memory_space<vmem>>, vector<16xf32>,
        %mul3A_1368 = arith.mulf %get3A_783, %get3A_1367 : vector<16xf32>
        %add3A_1369 = arith.addf %add3A_1364, %mul3A_1368 : vector<16xf32>
        %broadcast_in_dim3A_1370 = arith.constant true
        %broadcast_in_dim3A_1371 = vector.broadcast %broadcast_in_dim3A_1370 : i1 to vector<16xi1>
        %masked_cumsum3A_1372 = tpu.scan <sum>, %add3A_1369 masked %broadcast_in_dim3A_1371 : vector<16xf32>, vector<16xi1> -> vector<16xf32>
        %broadcast_in_dim3A_1373 = arith.constant 20 : i32
        %broadcast_in_dim3A_1374 = vector.broadcast %broadcast_in_dim3A_1373 : i32 to vector<16xi32>
        tpu.vector_store_idx %arg19[%broadcast_in_dim3A_1374, %add3A_787], %masked_cumsum3A_1372 masked %eq3A_253 : memref<32x128xf32, #tpu.memory_space<vmem>>[vector<16xi32>, vector<16xi32>], vector<16xf32>, vector<16xi1>
        %mul3A_1375 = arith.constant 20 : i32
        %mul3A_1376 = arith.muli %scan3A_772, %mul3A_1375 : i32
        %add3A_1377 = arith.constant 16 : i32
        %add3A_1378 = arith.addi %mul3A_1376, %add3A_1377 : i32
        %get3A_1379 = arith.index_cast %add3A_1378 : i32 to index
        %get3A_1380 = arith.constant 0 : index
        %get3A_1381 = tpu.vector_load %arg13[%get3A_1379, %get3A_1380] {strides = array<i32>} : memref<640x64xf32, #tpu.memory_space<vmem>>, vector<16xf32>,
        %mul3A_1382 = arith.mulf %get3A_774, %get3A_1381 : vector<16xf32>
        %get3A_1383 = arith.index_cast %add3A_1378 : i32 to index
        %get3A_1384 = arith.constant 16 : index
        %get3A_1385 = tpu.vector_load %arg13[%get3A_1383, %get3A_1384] {strides = array<i32>} : memref<640x64xf32, #tpu.memory_space<vmem>>, vector<16xf32>,
        %mul3A_1386 = arith.mulf %get3A_777, %get3A_1385 : vector<16xf32>
        %add3A_1387 = arith.addf %mul3A_1382, %mul3A_1386 : vector<16xf32>
        %get3A_1388 = arith.index_cast %add3A_1378 : i32 to index
        %get3A_1389 = arith.constant 32 : index
        %get3A_1390 = tpu.vector_load %arg13[%get3A_1388, %get3A_1389] {strides = array<i32>} : memref<640x64xf32, #tpu.memory_space<vmem>>, vector<16xf32>,
        %mul3A_1391 = arith.mulf %get3A_780, %get3A_1390 : vector<16xf32>
        %add3A_1392 = arith.addf %add3A_1387, %mul3A_1391 : vector<16xf32>
        %get3A_1393 = arith.index_cast %add3A_1378 : i32 to index
        %get3A_1394 = arith.constant 48 : index
        %get3A_1395 = tpu.vector_load %arg13[%get3A_1393, %get3A_1394] {strides = array<i32>} : memref<640x64xf32, #tpu.memory_space<vmem>>, vector<16xf32>,
        %mul3A_1396 = arith.mulf %get3A_783, %get3A_1395 : vector<16xf32>
        %add3A_1397 = arith.addf %add3A_1392, %mul3A_1396 : vector<16xf32>
        %broadcast_in_dim3A_1398 = arith.constant true
        %broadcast_in_dim3A_1399 = vector.broadcast %broadcast_in_dim3A_1398 : i1 to vector<16xi1>
        %masked_cumsum3A_1400 = tpu.scan <sum>, %add3A_1397 masked %broadcast_in_dim3A_1399 : vector<16xf32>, vector<16xi1> -> vector<16xf32>
        %broadcast_in_dim3A_1401 = arith.constant 21 : i32
        %broadcast_in_dim3A_1402 = vector.broadcast %broadcast_in_dim3A_1401 : i32 to vector<16xi32>
        tpu.vector_store_idx %arg19[%broadcast_in_dim3A_1402, %add3A_787], %masked_cumsum3A_1400 masked %eq3A_253 : memref<32x128xf32, #tpu.memory_space<vmem>>[vector<16xi32>, vector<16xi32>], vector<16xf32>, vector<16xi1>
        %mul3A_1403 = arith.constant 20 : i32
        %mul3A_1404 = arith.muli %scan3A_772, %mul3A_1403 : i32
        %add3A_1405 = arith.constant 17 : i32
        %add3A_1406 = arith.addi %mul3A_1404, %add3A_1405 : i32
        %get3A_1407 = arith.index_cast %add3A_1406 : i32 to index
        %get3A_1408 = arith.constant 0 : index
        %get3A_1409 = tpu.vector_load %arg13[%get3A_1407, %get3A_1408] {strides = array<i32>} : memref<640x64xf32, #tpu.memory_space<vmem>>, vector<16xf32>,
        %mul3A_1410 = arith.mulf %get3A_774, %get3A_1409 : vector<16xf32>
        %get3A_1411 = arith.index_cast %add3A_1406 : i32 to index
        %get3A_1412 = arith.constant 16 : index
        %get3A_1413 = tpu.vector_load %arg13[%get3A_1411, %get3A_1412] {strides = array<i32>} : memref<640x64xf32, #tpu.memory_space<vmem>>, vector<16xf32>,
        %mul3A_1414 = arith.mulf %get3A_777, %get3A_1413 : vector<16xf32>
        %add3A_1415 = arith.addf %mul3A_1410, %mul3A_1414 : vector<16xf32>
        %get3A_1416 = arith.index_cast %add3A_1406 : i32 to index
        %get3A_1417 = arith.constant 32 : index
        %get3A_1418 = tpu.vector_load %arg13[%get3A_1416, %get3A_1417] {strides = array<i32>} : memref<640x64xf32, #tpu.memory_space<vmem>>, vector<16xf32>,
        %mul3A_1419 = arith.mulf %get3A_780, %get3A_1418 : vector<16xf32>
        %add3A_1420 = arith.addf %add3A_1415, %mul3A_1419 : vector<16xf32>
        %get3A_1421 = arith.index_cast %add3A_1406 : i32 to index
        %get3A_1422 = arith.constant 48 : index
        %get3A_1423 = tpu.vector_load %arg13[%get3A_1421, %get3A_1422] {strides = array<i32>} : memref<640x64xf32, #tpu.memory_space<vmem>>, vector<16xf32>,
        %mul3A_1424 = arith.mulf %get3A_783, %get3A_1423 : vector<16xf32>
        %add3A_1425 = arith.addf %add3A_1420, %mul3A_1424 : vector<16xf32>
        %broadcast_in_dim3A_1426 = arith.constant true
        %broadcast_in_dim3A_1427 = vector.broadcast %broadcast_in_dim3A_1426 : i1 to vector<16xi1>
        %masked_cumsum3A_1428 = tpu.scan <sum>, %add3A_1425 masked %broadcast_in_dim3A_1427 : vector<16xf32>, vector<16xi1> -> vector<16xf32>
        %broadcast_in_dim3A_1429 = arith.constant 22 : i32
        %broadcast_in_dim3A_1430 = vector.broadcast %broadcast_in_dim3A_1429 : i32 to vector<16xi32>
        tpu.vector_store_idx %arg19[%broadcast_in_dim3A_1430, %add3A_787], %masked_cumsum3A_1428 masked %eq3A_253 : memref<32x128xf32, #tpu.memory_space<vmem>>[vector<16xi32>, vector<16xi32>], vector<16xf32>, vector<16xi1>
        %mul3A_1431 = arith.constant 20 : i32
        %mul3A_1432 = arith.muli %scan3A_772, %mul3A_1431 : i32
        %add3A_1433 = arith.constant 18 : i32
        %add3A_1434 = arith.addi %mul3A_1432, %add3A_1433 : i32
        %get3A_1435 = arith.index_cast %add3A_1434 : i32 to index
        %get3A_1436 = arith.constant 0 : index
        %get3A_1437 = tpu.vector_load %arg13[%get3A_1435, %get3A_1436] {strides = array<i32>} : memref<640x64xf32, #tpu.memory_space<vmem>>, vector<16xf32>,
        %mul3A_1438 = arith.mulf %get3A_774, %get3A_1437 : vector<16xf32>
        %get3A_1439 = arith.index_cast %add3A_1434 : i32 to index
        %get3A_1440 = arith.constant 16 : index
        %get3A_1441 = tpu.vector_load %arg13[%get3A_1439, %get3A_1440] {strides = array<i32>} : memref<640x64xf32, #tpu.memory_space<vmem>>, vector<16xf32>,
        %mul3A_1442 = arith.mulf %get3A_777, %get3A_1441 : vector<16xf32>
        %add3A_1443 = arith.addf %mul3A_1438, %mul3A_1442 : vector<16xf32>
        %get3A_1444 = arith.index_cast %add3A_1434 : i32 to index
        %get3A_1445 = arith.constant 32 : index
        %get3A_1446 = tpu.vector_load %arg13[%get3A_1444, %get3A_1445] {strides = array<i32>} : memref<640x64xf32, #tpu.memory_space<vmem>>, vector<16xf32>,
        %mul3A_1447 = arith.mulf %get3A_780, %get3A_1446 : vector<16xf32>
        %add3A_1448 = arith.addf %add3A_1443, %mul3A_1447 : vector<16xf32>
        %get3A_1449 = arith.index_cast %add3A_1434 : i32 to index
        %get3A_1450 = arith.constant 48 : index
        %get3A_1451 = tpu.vector_load %arg13[%get3A_1449, %get3A_1450] {strides = array<i32>} : memref<640x64xf32, #tpu.memory_space<vmem>>, vector<16xf32>,
        %mul3A_1452 = arith.mulf %get3A_783, %get3A_1451 : vector<16xf32>
        %add3A_1453 = arith.addf %add3A_1448, %mul3A_1452 : vector<16xf32>
        %broadcast_in_dim3A_1454 = arith.constant true
        %broadcast_in_dim3A_1455 = vector.broadcast %broadcast_in_dim3A_1454 : i1 to vector<16xi1>
        %masked_cumsum3A_1456 = tpu.scan <sum>, %add3A_1453 masked %broadcast_in_dim3A_1455 : vector<16xf32>, vector<16xi1> -> vector<16xf32>
        %broadcast_in_dim3A_1457 = arith.constant 23 : i32
        %broadcast_in_dim3A_1458 = vector.broadcast %broadcast_in_dim3A_1457 : i32 to vector<16xi32>
        tpu.vector_store_idx %arg19[%broadcast_in_dim3A_1458, %add3A_787], %masked_cumsum3A_1456 masked %eq3A_253 : memref<32x128xf32, #tpu.memory_space<vmem>>[vector<16xi32>, vector<16xi32>], vector<16xf32>, vector<16xi1>
        %mul3A_1459 = arith.constant 20 : i32
        %mul3A_1460 = arith.muli %scan3A_772, %mul3A_1459 : i32
        %add3A_1461 = arith.constant 19 : i32
        %add3A_1462 = arith.addi %mul3A_1460, %add3A_1461 : i32
        %get3A_1463 = arith.index_cast %add3A_1462 : i32 to index
        %get3A_1464 = arith.constant 0 : index
        %get3A_1465 = tpu.vector_load %arg13[%get3A_1463, %get3A_1464] {strides = array<i32>} : memref<640x64xf32, #tpu.memory_space<vmem>>, vector<16xf32>,
        %mul3A_1466 = arith.mulf %get3A_774, %get3A_1465 : vector<16xf32>
        %get3A_1467 = arith.index_cast %add3A_1462 : i32 to index
        %get3A_1468 = arith.constant 16 : index
        %get3A_1469 = tpu.vector_load %arg13[%get3A_1467, %get3A_1468] {strides = array<i32>} : memref<640x64xf32, #tpu.memory_space<vmem>>, vector<16xf32>,
        %mul3A_1470 = arith.mulf %get3A_777, %get3A_1469 : vector<16xf32>
        %add3A_1471 = arith.addf %mul3A_1466, %mul3A_1470 : vector<16xf32>
        %get3A_1472 = arith.index_cast %add3A_1462 : i32 to index
        %get3A_1473 = arith.constant 32 : index
        %get3A_1474 = tpu.vector_load %arg13[%get3A_1472, %get3A_1473] {strides = array<i32>} : memref<640x64xf32, #tpu.memory_space<vmem>>, vector<16xf32>,
        %mul3A_1475 = arith.mulf %get3A_780, %get3A_1474 : vector<16xf32>
        %add3A_1476 = arith.addf %add3A_1471, %mul3A_1475 : vector<16xf32>
        %get3A_1477 = arith.index_cast %add3A_1462 : i32 to index
        %get3A_1478 = arith.constant 48 : index
        %get3A_1479 = tpu.vector_load %arg13[%get3A_1477, %get3A_1478] {strides = array<i32>} : memref<640x64xf32, #tpu.memory_space<vmem>>, vector<16xf32>,
        %mul3A_1480 = arith.mulf %get3A_783, %get3A_1479 : vector<16xf32>
        %add3A_1481 = arith.addf %add3A_1476, %mul3A_1480 : vector<16xf32>
        %broadcast_in_dim3A_1482 = arith.constant true
        %broadcast_in_dim3A_1483 = vector.broadcast %broadcast_in_dim3A_1482 : i1 to vector<16xi1>
        %masked_cumsum3A_1484 = tpu.scan <sum>, %add3A_1481 masked %broadcast_in_dim3A_1483 : vector<16xf32>, vector<16xi1> -> vector<16xf32>
        %broadcast_in_dim3A_1485 = arith.constant 24 : i32
        %broadcast_in_dim3A_1486 = vector.broadcast %broadcast_in_dim3A_1485 : i32 to vector<16xi32>
        tpu.vector_store_idx %arg19[%broadcast_in_dim3A_1486, %add3A_787], %masked_cumsum3A_1484 masked %eq3A_253 : memref<32x128xf32, #tpu.memory_space<vmem>>[vector<16xi32>, vector<16xi32>], vector<16xf32>, vector<16xi1>
      }
      %scan3A_652 = arith.constant 32 : i32
      %mul3A_653 = arith.constant 4 : i32
      %mul3A_654 = arith.muli %scan3A_320, %mul3A_653 : i32
      %add3A_655 = arith.constant 3 : i32
      %add3A_656 = arith.addi %mul3A_654, %add3A_655 : i32
      %lt3A_657 = arith.constant 15 : i32
      %lt3A_658 = arith.cmpi slt, %add3A_656, %lt3A_657 : i32
      %convert_element_type3A_659 = arith.extui %lt3A_658 : i1 to i32
      %cond3A_660 = arith.constant 0 : i32
      %cond3A_661 = arith.cmpi ne, %convert_element_type3A_659, %cond3A_660 : i32
      scf.if %cond3A_661 {
        %add3A_772 = arith.constant 1 : i32
        %add3A_773 = arith.addi %add3A_656, %add3A_772 : i32
        %mul3A_774 = arith.constant 32 : i32
        %mul3A_775 = arith.muli %add3A_773, %mul3A_774 : i32
        %mul3A_776 = arith.constant 32 : i32
        %mul3A_777 = arith.muli %add3A_773, %mul3A_776 : i32
        %mul3A_778 = arith.constant 5 : i32
        %mul3A_779 = arith.muli %mul3A_777, %mul3A_778 : i32
        %add3A_780 = arith.constant 0 : i32
        %add3A_781 = arith.addi %mul3A_779, %add3A_780 : i32
        %mul3A_782 = arith.constant 32 : i32
        %mul3A_783 = arith.muli %add3A_773, %mul3A_782 : i32
        %mul3A_784 = arith.constant 5 : i32
        %mul3A_785 = arith.muli %mul3A_783, %mul3A_784 : i32
        %add3A_786 = arith.constant 128 : i32
        %add3A_787 = arith.addi %mul3A_785, %add3A_786 : i32
        %mul3A_788 = arith.constant 32 : i32
        %mul3A_789 = arith.muli %add3A_773, %mul3A_788 : i32
        %mul3A_790 = arith.constant 20 : i32
        %mul3A_791 = arith.muli %mul3A_789, %mul3A_790 : i32
        %add3A_792 = arith.constant 0 : i32
        %add3A_793 = arith.addi %mul3A_791, %add3A_792 : i32
        %mul3A_794 = arith.constant 32 : i32
        %mul3A_795 = arith.muli %add3A_773, %mul3A_794 : i32
        %mul3A_796 = arith.constant 20 : i32
        %mul3A_797 = arith.muli %mul3A_795, %mul3A_796 : i32
        %add3A_798 = arith.constant 128 : i32
        %add3A_799 = arith.addi %mul3A_797, %add3A_798 : i32
        %mul3A_800 = arith.constant 32 : i32
        %mul3A_801 = arith.muli %add3A_773, %mul3A_800 : i32
        %mul3A_802 = arith.constant 20 : i32
        %mul3A_803 = arith.muli %mul3A_801, %mul3A_802 : i32
        %add3A_804 = arith.constant 256 : i32
        %add3A_805 = arith.addi %mul3A_803, %add3A_804 : i32
        %mul3A_806 = arith.constant 32 : i32
        %mul3A_807 = arith.muli %add3A_773, %mul3A_806 : i32
        %mul3A_808 = arith.constant 20 : i32
        %mul3A_809 = arith.muli %mul3A_807, %mul3A_808 : i32
        %add3A_810 = arith.constant 384 : i32
        %add3A_811 = arith.addi %mul3A_809, %add3A_810 : i32
        %mul3A_812 = arith.constant 32 : i32
        %mul3A_813 = arith.muli %add3A_773, %mul3A_812 : i32
        %mul3A_814 = arith.constant 20 : i32
        %mul3A_815 = arith.muli %mul3A_813, %mul3A_814 : i32
        %add3A_816 = arith.constant 512 : i32
        %add3A_817 = arith.addi %mul3A_815, %add3A_816 : i32
        %dma_start3A_818 = tpu.memref_slice %arg8[%mul3A_775] : memref<512xi32, #tpu.memory_space<vmem>> -> memref<32xi32, #tpu.memory_space<vmem>>
        %dma_start3A_819 = arith.constant 0 : i32
        %dma_start3A_820 = arith.constant 0 : i32
        %dma_start3A_821 = tpu.memref_slice %arg5[%dma_start3A_819, %dma_start3A_820] : memref<1003520x64xf32, #tpu.memory_space<hbm>> -> memref<1003520x64xf32, #tpu.memory_space<hbm>>
        tpu.enqueue_indirect_dma source(%dma_start3A_821 : memref<1003520x64xf32, #tpu.memory_space<hbm>>) target(%arg11 : memref<32x64xf32, #tpu.memory_space<vmem>>) offsets(%dma_start3A_818 : memref<32xi32, #tpu.memory_space<vmem>>) semaphore(%arg14 : memref<!tpu.dma_semaphore, #tpu.memory_space<semaphore_mem>>)
        %dma_start3A_822 = arith.constant 0 : i32
        %dma_start3A_823 = arith.constant 0 : i32
        %dma_start3A_824 = tpu.memref_slice %arg12[%dma_start3A_822, %dma_start3A_823] : memref<160x64xf32, #tpu.memory_space<vmem>> -> memref<128x64xf32, #tpu.memory_space<vmem>>
        %dma_start3A_825 = tpu.memref_slice %arg9[%add3A_781] : memref<2560xi32, #tpu.memory_space<vmem>> -> memref<128xi32, #tpu.memory_space<vmem>>
        %dma_start3A_826 = arith.constant 0 : i32
        %dma_start3A_827 = arith.constant 0 : i32
        %dma_start3A_828 = tpu.memref_slice %arg6[%dma_start3A_826, %dma_start3A_827] : memref<1003520x64xf32, #tpu.memory_space<hbm>> -> memref<1003520x64xf32, #tpu.memory_space<hbm>>
        tpu.enqueue_indirect_dma source(%dma_start3A_828 : memref<1003520x64xf32, #tpu.memory_space<hbm>>) target(%dma_start3A_824 : memref<128x64xf32, #tpu.memory_space<vmem>>) offsets(%dma_start3A_825 : memref<128xi32, #tpu.memory_space<vmem>>) semaphore(%arg14 : memref<!tpu.dma_semaphore, #tpu.memory_space<semaphore_mem>>)
        %dma_start3A_829 = arith.constant 128 : i32
        %dma_start3A_830 = arith.constant 0 : i32
        %dma_start3A_831 = tpu.memref_slice %arg12[%dma_start3A_829, %dma_start3A_830] : memref<160x64xf32, #tpu.memory_space<vmem>> -> memref<32x64xf32, #tpu.memory_space<vmem>>
        %dma_start3A_832 = tpu.memref_slice %arg9[%add3A_787] : memref<2560xi32, #tpu.memory_space<vmem>> -> memref<32xi32, #tpu.memory_space<vmem>>
        %dma_start3A_833 = arith.constant 0 : i32
        %dma_start3A_834 = arith.constant 0 : i32
        %dma_start3A_835 = tpu.memref_slice %arg6[%dma_start3A_833, %dma_start3A_834] : memref<1003520x64xf32, #tpu.memory_space<hbm>> -> memref<1003520x64xf32, #tpu.memory_space<hbm>>
        tpu.enqueue_indirect_dma source(%dma_start3A_835 : memref<1003520x64xf32, #tpu.memory_space<hbm>>) target(%dma_start3A_831 : memref<32x64xf32, #tpu.memory_space<vmem>>) offsets(%dma_start3A_832 : memref<32xi32, #tpu.memory_space<vmem>>) semaphore(%arg14 : memref<!tpu.dma_semaphore, #tpu.memory_space<semaphore_mem>>)
        %dma_start3A_836 = arith.constant 0 : i32
        %dma_start3A_837 = arith.constant 0 : i32
        %dma_start3A_838 = tpu.memref_slice %arg13[%dma_start3A_836, %dma_start3A_837] : memref<640x64xf32, #tpu.memory_space<vmem>> -> memref<128x64xf32, #tpu.memory_space<vmem>>
        %dma_start3A_839 = tpu.memref_slice %arg10[%add3A_793] : memref<10240xi32, #tpu.memory_space<vmem>> -> memref<128xi32, #tpu.memory_space<vmem>>
        %dma_start3A_840 = arith.constant 0 : i32
        %dma_start3A_841 = arith.constant 0 : i32
        %dma_start3A_842 = tpu.memref_slice %arg6[%dma_start3A_840, %dma_start3A_841] : memref<1003520x64xf32, #tpu.memory_space<hbm>> -> memref<1003520x64xf32, #tpu.memory_space<hbm>>
        tpu.enqueue_indirect_dma source(%dma_start3A_842 : memref<1003520x64xf32, #tpu.memory_space<hbm>>) target(%dma_start3A_838 : memref<128x64xf32, #tpu.memory_space<vmem>>) offsets(%dma_start3A_839 : memref<128xi32, #tpu.memory_space<vmem>>) semaphore(%arg14 : memref<!tpu.dma_semaphore, #tpu.memory_space<semaphore_mem>>)
        %dma_start3A_843 = arith.constant 128 : i32
        %dma_start3A_844 = arith.constant 0 : i32
        %dma_start3A_845 = tpu.memref_slice %arg13[%dma_start3A_843, %dma_start3A_844] : memref<640x64xf32, #tpu.memory_space<vmem>> -> memref<128x64xf32, #tpu.memory_space<vmem>>
        %dma_start3A_846 = tpu.memref_slice %arg10[%add3A_799] : memref<10240xi32, #tpu.memory_space<vmem>> -> memref<128xi32, #tpu.memory_space<vmem>>
        %dma_start3A_847 = arith.constant 0 : i32
        %dma_start3A_848 = arith.constant 0 : i32
        %dma_start3A_849 = tpu.memref_slice %arg6[%dma_start3A_847, %dma_start3A_848] : memref<1003520x64xf32, #tpu.memory_space<hbm>> -> memref<1003520x64xf32, #tpu.memory_space<hbm>>
        tpu.enqueue_indirect_dma source(%dma_start3A_849 : memref<1003520x64xf32, #tpu.memory_space<hbm>>) target(%dma_start3A_845 : memref<128x64xf32, #tpu.memory_space<vmem>>) offsets(%dma_start3A_846 : memref<128xi32, #tpu.memory_space<vmem>>) semaphore(%arg14 : memref<!tpu.dma_semaphore, #tpu.memory_space<semaphore_mem>>)
        %dma_start3A_850 = arith.constant 256 : i32
        %dma_start3A_851 = arith.constant 0 : i32
        %dma_start3A_852 = tpu.memref_slice %arg13[%dma_start3A_850, %dma_start3A_851] : memref<640x64xf32, #tpu.memory_space<vmem>> -> memref<128x64xf32, #tpu.memory_space<vmem>>
        %dma_start3A_853 = tpu.memref_slice %arg10[%add3A_805] : memref<10240xi32, #tpu.memory_space<vmem>> -> memref<128xi32, #tpu.memory_space<vmem>>
        %dma_start3A_854 = arith.constant 0 : i32
        %dma_start3A_855 = arith.constant 0 : i32
        %dma_start3A_856 = tpu.memref_slice %arg6[%dma_start3A_854, %dma_start3A_855] : memref<1003520x64xf32, #tpu.memory_space<hbm>> -> memref<1003520x64xf32, #tpu.memory_space<hbm>>
        tpu.enqueue_indirect_dma source(%dma_start3A_856 : memref<1003520x64xf32, #tpu.memory_space<hbm>>) target(%dma_start3A_852 : memref<128x64xf32, #tpu.memory_space<vmem>>) offsets(%dma_start3A_853 : memref<128xi32, #tpu.memory_space<vmem>>) semaphore(%arg14 : memref<!tpu.dma_semaphore, #tpu.memory_space<semaphore_mem>>)
        %dma_start3A_857 = arith.constant 384 : i32
        %dma_start3A_858 = arith.constant 0 : i32
        %dma_start3A_859 = tpu.memref_slice %arg13[%dma_start3A_857, %dma_start3A_858] : memref<640x64xf32, #tpu.memory_space<vmem>> -> memref<128x64xf32, #tpu.memory_space<vmem>>
        %dma_start3A_860 = tpu.memref_slice %arg10[%add3A_811] : memref<10240xi32, #tpu.memory_space<vmem>> -> memref<128xi32, #tpu.memory_space<vmem>>
        %dma_start3A_861 = arith.constant 0 : i32
        %dma_start3A_862 = arith.constant 0 : i32
        %dma_start3A_863 = tpu.memref_slice %arg6[%dma_start3A_861, %dma_start3A_862] : memref<1003520x64xf32, #tpu.memory_space<hbm>> -> memref<1003520x64xf32, #tpu.memory_space<hbm>>
        tpu.enqueue_indirect_dma source(%dma_start3A_863 : memref<1003520x64xf32, #tpu.memory_space<hbm>>) target(%dma_start3A_859 : memref<128x64xf32, #tpu.memory_space<vmem>>) offsets(%dma_start3A_860 : memref<128xi32, #tpu.memory_space<vmem>>) semaphore(%arg14 : memref<!tpu.dma_semaphore, #tpu.memory_space<semaphore_mem>>)
        %dma_start3A_864 = arith.constant 512 : i32
        %dma_start3A_865 = arith.constant 0 : i32
        %dma_start3A_866 = tpu.memref_slice %arg13[%dma_start3A_864, %dma_start3A_865] : memref<640x64xf32, #tpu.memory_space<vmem>> -> memref<128x64xf32, #tpu.memory_space<vmem>>
        %dma_start3A_867 = tpu.memref_slice %arg10[%add3A_817] : memref<10240xi32, #tpu.memory_space<vmem>> -> memref<128xi32, #tpu.memory_space<vmem>>
        %dma_start3A_868 = arith.constant 0 : i32
        %dma_start3A_869 = arith.constant 0 : i32
        %dma_start3A_870 = tpu.memref_slice %arg6[%dma_start3A_868, %dma_start3A_869] : memref<1003520x64xf32, #tpu.memory_space<hbm>> -> memref<1003520x64xf32, #tpu.memory_space<hbm>>
        tpu.enqueue_indirect_dma source(%dma_start3A_870 : memref<1003520x64xf32, #tpu.memory_space<hbm>>) target(%dma_start3A_866 : memref<128x64xf32, #tpu.memory_space<vmem>>) offsets(%dma_start3A_867 : memref<128xi32, #tpu.memory_space<vmem>>) semaphore(%arg14 : memref<!tpu.dma_semaphore, #tpu.memory_space<semaphore_mem>>)
      } else {
      }
      %mul3A_662 = arith.constant 32 : i32
      %mul3A_663 = arith.muli %add3A_656, %mul3A_662 : i32
      %mul3A_664 = arith.constant 32 : i32
      %mul3A_665 = arith.muli %add3A_656, %mul3A_664 : i32
      %mul3A_666 = arith.constant 5 : i32
      %mul3A_667 = arith.muli %mul3A_665, %mul3A_666 : i32
      %add3A_668 = arith.constant 0 : i32
      %add3A_669 = arith.addi %mul3A_667, %add3A_668 : i32
      %mul3A_670 = arith.constant 32 : i32
      %mul3A_671 = arith.muli %add3A_656, %mul3A_670 : i32
      %mul3A_672 = arith.constant 5 : i32
      %mul3A_673 = arith.muli %mul3A_671, %mul3A_672 : i32
      %add3A_674 = arith.constant 128 : i32
      %add3A_675 = arith.addi %mul3A_673, %add3A_674 : i32
      %mul3A_676 = arith.constant 32 : i32
      %mul3A_677 = arith.muli %add3A_656, %mul3A_676 : i32
      %mul3A_678 = arith.constant 20 : i32
      %mul3A_679 = arith.muli %mul3A_677, %mul3A_678 : i32
      %add3A_680 = arith.constant 0 : i32
      %add3A_681 = arith.addi %mul3A_679, %add3A_680 : i32
      %mul3A_682 = arith.constant 32 : i32
      %mul3A_683 = arith.muli %add3A_656, %mul3A_682 : i32
      %mul3A_684 = arith.constant 20 : i32
      %mul3A_685 = arith.muli %mul3A_683, %mul3A_684 : i32
      %add3A_686 = arith.constant 128 : i32
      %add3A_687 = arith.addi %mul3A_685, %add3A_686 : i32
      %mul3A_688 = arith.constant 32 : i32
      %mul3A_689 = arith.muli %add3A_656, %mul3A_688 : i32
      %mul3A_690 = arith.constant 20 : i32
      %mul3A_691 = arith.muli %mul3A_689, %mul3A_690 : i32
      %add3A_692 = arith.constant 256 : i32
      %add3A_693 = arith.addi %mul3A_691, %add3A_692 : i32
      %mul3A_694 = arith.constant 32 : i32
      %mul3A_695 = arith.muli %add3A_656, %mul3A_694 : i32
      %mul3A_696 = arith.constant 20 : i32
      %mul3A_697 = arith.muli %mul3A_695, %mul3A_696 : i32
      %add3A_698 = arith.constant 384 : i32
      %add3A_699 = arith.addi %mul3A_697, %add3A_698 : i32
      %mul3A_700 = arith.constant 32 : i32
      %mul3A_701 = arith.muli %add3A_656, %mul3A_700 : i32
      %mul3A_702 = arith.constant 20 : i32
      %mul3A_703 = arith.muli %mul3A_701, %mul3A_702 : i32
      %add3A_704 = arith.constant 512 : i32
      %add3A_705 = arith.addi %mul3A_703, %add3A_704 : i32
      %dma_wait3A_706 = tpu.memref_slice %arg8[%mul3A_663] : memref<512xi32, #tpu.memory_space<vmem>> -> memref<32xi32, #tpu.memory_space<vmem>>
      %dma_wait3A_707 = arith.constant 0 : i32
      %dma_wait3A_708 = arith.constant 0 : i32
      %dma_wait3A_709 = tpu.memref_slice %arg5[%dma_wait3A_707, %dma_wait3A_708] : memref<1003520x64xf32, #tpu.memory_space<hbm>> -> memref<1003520x64xf32, #tpu.memory_space<hbm>>
      tpu.wait_indirect_dma semaphore(%arg18 : memref<!tpu.dma_semaphore, #tpu.memory_space<semaphore_mem>>) src(%dma_wait3A_709 : memref<1003520x64xf32, #tpu.memory_space<hbm>>) dst(%arg15 : memref<32x64xf32, #tpu.memory_space<vmem>>)
      %dma_wait3A_710 = arith.constant 0 : i32
      %dma_wait3A_711 = arith.constant 0 : i32
      %dma_wait3A_712 = tpu.memref_slice %arg16[%dma_wait3A_710, %dma_wait3A_711] : memref<160x64xf32, #tpu.memory_space<vmem>> -> memref<128x64xf32, #tpu.memory_space<vmem>>
      %dma_wait3A_713 = tpu.memref_slice %arg9[%add3A_669] : memref<2560xi32, #tpu.memory_space<vmem>> -> memref<128xi32, #tpu.memory_space<vmem>>
      %dma_wait3A_714 = arith.constant 0 : i32
      %dma_wait3A_715 = arith.constant 0 : i32
      %dma_wait3A_716 = tpu.memref_slice %arg6[%dma_wait3A_714, %dma_wait3A_715] : memref<1003520x64xf32, #tpu.memory_space<hbm>> -> memref<1003520x64xf32, #tpu.memory_space<hbm>>
      tpu.wait_indirect_dma semaphore(%arg18 : memref<!tpu.dma_semaphore, #tpu.memory_space<semaphore_mem>>) src(%dma_wait3A_716 : memref<1003520x64xf32, #tpu.memory_space<hbm>>) dst(%dma_wait3A_712 : memref<128x64xf32, #tpu.memory_space<vmem>>)
      %dma_wait3A_717 = arith.constant 128 : i32
      %dma_wait3A_718 = arith.constant 0 : i32
      %dma_wait3A_719 = tpu.memref_slice %arg16[%dma_wait3A_717, %dma_wait3A_718] : memref<160x64xf32, #tpu.memory_space<vmem>> -> memref<32x64xf32, #tpu.memory_space<vmem>>
      %dma_wait3A_720 = tpu.memref_slice %arg9[%add3A_675] : memref<2560xi32, #tpu.memory_space<vmem>> -> memref<32xi32, #tpu.memory_space<vmem>>
      %dma_wait3A_721 = arith.constant 0 : i32
      %dma_wait3A_722 = arith.constant 0 : i32
      %dma_wait3A_723 = tpu.memref_slice %arg6[%dma_wait3A_721, %dma_wait3A_722] : memref<1003520x64xf32, #tpu.memory_space<hbm>> -> memref<1003520x64xf32, #tpu.memory_space<hbm>>
      tpu.wait_indirect_dma semaphore(%arg18 : memref<!tpu.dma_semaphore, #tpu.memory_space<semaphore_mem>>) src(%dma_wait3A_723 : memref<1003520x64xf32, #tpu.memory_space<hbm>>) dst(%dma_wait3A_719 : memref<32x64xf32, #tpu.memory_space<vmem>>)
      %dma_wait3A_724 = arith.constant 0 : i32
      %dma_wait3A_725 = arith.constant 0 : i32
      %dma_wait3A_726 = tpu.memref_slice %arg17[%dma_wait3A_724, %dma_wait3A_725] : memref<640x64xf32, #tpu.memory_space<vmem>> -> memref<128x64xf32, #tpu.memory_space<vmem>>
      %dma_wait3A_727 = tpu.memref_slice %arg10[%add3A_681] : memref<10240xi32, #tpu.memory_space<vmem>> -> memref<128xi32, #tpu.memory_space<vmem>>
      %dma_wait3A_728 = arith.constant 0 : i32
      %dma_wait3A_729 = arith.constant 0 : i32
      %dma_wait3A_730 = tpu.memref_slice %arg6[%dma_wait3A_728, %dma_wait3A_729] : memref<1003520x64xf32, #tpu.memory_space<hbm>> -> memref<1003520x64xf32, #tpu.memory_space<hbm>>
      tpu.wait_indirect_dma semaphore(%arg18 : memref<!tpu.dma_semaphore, #tpu.memory_space<semaphore_mem>>) src(%dma_wait3A_730 : memref<1003520x64xf32, #tpu.memory_space<hbm>>) dst(%dma_wait3A_726 : memref<128x64xf32, #tpu.memory_space<vmem>>)
      %dma_wait3A_731 = arith.constant 128 : i32
      %dma_wait3A_732 = arith.constant 0 : i32
      %dma_wait3A_733 = tpu.memref_slice %arg17[%dma_wait3A_731, %dma_wait3A_732] : memref<640x64xf32, #tpu.memory_space<vmem>> -> memref<128x64xf32, #tpu.memory_space<vmem>>
      %dma_wait3A_734 = tpu.memref_slice %arg10[%add3A_687] : memref<10240xi32, #tpu.memory_space<vmem>> -> memref<128xi32, #tpu.memory_space<vmem>>
      %dma_wait3A_735 = arith.constant 0 : i32
      %dma_wait3A_736 = arith.constant 0 : i32
      %dma_wait3A_737 = tpu.memref_slice %arg6[%dma_wait3A_735, %dma_wait3A_736] : memref<1003520x64xf32, #tpu.memory_space<hbm>> -> memref<1003520x64xf32, #tpu.memory_space<hbm>>
      tpu.wait_indirect_dma semaphore(%arg18 : memref<!tpu.dma_semaphore, #tpu.memory_space<semaphore_mem>>) src(%dma_wait3A_737 : memref<1003520x64xf32, #tpu.memory_space<hbm>>) dst(%dma_wait3A_733 : memref<128x64xf32, #tpu.memory_space<vmem>>)
      %dma_wait3A_738 = arith.constant 256 : i32
      %dma_wait3A_739 = arith.constant 0 : i32
      %dma_wait3A_740 = tpu.memref_slice %arg17[%dma_wait3A_738, %dma_wait3A_739] : memref<640x64xf32, #tpu.memory_space<vmem>> -> memref<128x64xf32, #tpu.memory_space<vmem>>
      %dma_wait3A_741 = tpu.memref_slice %arg10[%add3A_693] : memref<10240xi32, #tpu.memory_space<vmem>> -> memref<128xi32, #tpu.memory_space<vmem>>
      %dma_wait3A_742 = arith.constant 0 : i32
      %dma_wait3A_743 = arith.constant 0 : i32
      %dma_wait3A_744 = tpu.memref_slice %arg6[%dma_wait3A_742, %dma_wait3A_743] : memref<1003520x64xf32, #tpu.memory_space<hbm>> -> memref<1003520x64xf32, #tpu.memory_space<hbm>>
      tpu.wait_indirect_dma semaphore(%arg18 : memref<!tpu.dma_semaphore, #tpu.memory_space<semaphore_mem>>) src(%dma_wait3A_744 : memref<1003520x64xf32, #tpu.memory_space<hbm>>) dst(%dma_wait3A_740 : memref<128x64xf32, #tpu.memory_space<vmem>>)
      %dma_wait3A_745 = arith.constant 384 : i32
      %dma_wait3A_746 = arith.constant 0 : i32
      %dma_wait3A_747 = tpu.memref_slice %arg17[%dma_wait3A_745, %dma_wait3A_746] : memref<640x64xf32, #tpu.memory_space<vmem>> -> memref<128x64xf32, #tpu.memory_space<vmem>>
      %dma_wait3A_748 = tpu.memref_slice %arg10[%add3A_699] : memref<10240xi32, #tpu.memory_space<vmem>> -> memref<128xi32, #tpu.memory_space<vmem>>
      %dma_wait3A_749 = arith.constant 0 : i32
      %dma_wait3A_750 = arith.constant 0 : i32
      %dma_wait3A_751 = tpu.memref_slice %arg6[%dma_wait3A_749, %dma_wait3A_750] : memref<1003520x64xf32, #tpu.memory_space<hbm>> -> memref<1003520x64xf32, #tpu.memory_space<hbm>>
      tpu.wait_indirect_dma semaphore(%arg18 : memref<!tpu.dma_semaphore, #tpu.memory_space<semaphore_mem>>) src(%dma_wait3A_751 : memref<1003520x64xf32, #tpu.memory_space<hbm>>) dst(%dma_wait3A_747 : memref<128x64xf32, #tpu.memory_space<vmem>>)
      %dma_wait3A_752 = arith.constant 512 : i32
      %dma_wait3A_753 = arith.constant 0 : i32
      %dma_wait3A_754 = tpu.memref_slice %arg17[%dma_wait3A_752, %dma_wait3A_753] : memref<640x64xf32, #tpu.memory_space<vmem>> -> memref<128x64xf32, #tpu.memory_space<vmem>>
      %dma_wait3A_755 = tpu.memref_slice %arg10[%add3A_705] : memref<10240xi32, #tpu.memory_space<vmem>> -> memref<128xi32, #tpu.memory_space<vmem>>
      %dma_wait3A_756 = arith.constant 0 : i32
      %dma_wait3A_757 = arith.constant 0 : i32
      %dma_wait3A_758 = tpu.memref_slice %arg6[%dma_wait3A_756, %dma_wait3A_757] : memref<1003520x64xf32, #tpu.memory_space<hbm>> -> memref<1003520x64xf32, #tpu.memory_space<hbm>>
      tpu.wait_indirect_dma semaphore(%arg18 : memref<!tpu.dma_semaphore, #tpu.memory_space<semaphore_mem>>) src(%dma_wait3A_758 : memref<1003520x64xf32, #tpu.memory_space<hbm>>) dst(%dma_wait3A_754 : memref<128x64xf32, #tpu.memory_space<vmem>>)
      %scan3A_759 = arith.constant 0 : i32
      %scan3A_760 = arith.constant 0 : i32
      %scan3A_761 = arith.constant 32 : i32
      %scan3A_762 = arith.addi %scan3A_760, %scan3A_761 : i32
      %scan3A_763 = arith.constant 1 : i32
      scf.for %scan3A_772 = %scan3A_760 to %scan3A_762 step %scan3A_763  : i32 {
        %get3A = arith.index_cast %scan3A_772 : i32 to index
        %get3A_773 = arith.constant 0 : index
        %get3A_774 = tpu.vector_load %arg15[%get3A, %get3A_773] {strides = array<i32>} : memref<32x64xf32, #tpu.memory_space<vmem>>, vector<16xf32>,
        %get3A_775 = arith.index_cast %scan3A_772 : i32 to index
        %get3A_776 = arith.constant 16 : index
        %get3A_777 = tpu.vector_load %arg15[%get3A_775, %get3A_776] {strides = array<i32>} : memref<32x64xf32, #tpu.memory_space<vmem>>, vector<16xf32>,
        %get3A_778 = arith.index_cast %scan3A_772 : i32 to index
        %get3A_779 = arith.constant 32 : index
        %get3A_780 = tpu.vector_load %arg15[%get3A_778, %get3A_779] {strides = array<i32>} : memref<32x64xf32, #tpu.memory_space<vmem>>, vector<16xf32>,
        %get3A_781 = arith.index_cast %scan3A_772 : i32 to index
        %get3A_782 = arith.constant 48 : index
        %get3A_783 = tpu.vector_load %arg15[%get3A_781, %get3A_782] {strides = array<i32>} : memref<32x64xf32, #tpu.memory_space<vmem>>, vector<16xf32>,
        %broadcast_in_dim3A_784 = arith.constant 96 : i32
        %broadcast_in_dim3A_785 = vector.broadcast %broadcast_in_dim3A_784 : i32 to vector<16xi32>
        %add3A_786 = vector.broadcast %scan3A_772 : i32 to vector<16xi32>
        %add3A_787 = arith.addi %broadcast_in_dim3A_785, %add3A_786 : vector<16xi32>
        %mul3A_788 = arith.constant 5 : i32
        %mul3A_789 = arith.muli %scan3A_772, %mul3A_788 : i32
        %add3A_790 = arith.constant 0 : i32
        %add3A_791 = arith.addi %mul3A_789, %add3A_790 : i32
        %get3A_792 = arith.index_cast %add3A_791 : i32 to index
        %get3A_793 = arith.constant 0 : index
        %get3A_794 = tpu.vector_load %arg16[%get3A_792, %get3A_793] {strides = array<i32>} : memref<160x64xf32, #tpu.memory_space<vmem>>, vector<16xf32>,
        %mul3A_795 = arith.mulf %get3A_774, %get3A_794 : vector<16xf32>
        %get3A_796 = arith.index_cast %add3A_791 : i32 to index
        %get3A_797 = arith.constant 16 : index
        %get3A_798 = tpu.vector_load %arg16[%get3A_796, %get3A_797] {strides = array<i32>} : memref<160x64xf32, #tpu.memory_space<vmem>>, vector<16xf32>,
        %mul3A_799 = arith.mulf %get3A_777, %get3A_798 : vector<16xf32>
        %add3A_800 = arith.addf %mul3A_795, %mul3A_799 : vector<16xf32>
        %get3A_801 = arith.index_cast %add3A_791 : i32 to index
        %get3A_802 = arith.constant 32 : index
        %get3A_803 = tpu.vector_load %arg16[%get3A_801, %get3A_802] {strides = array<i32>} : memref<160x64xf32, #tpu.memory_space<vmem>>, vector<16xf32>,
        %mul3A_804 = arith.mulf %get3A_780, %get3A_803 : vector<16xf32>
        %add3A_805 = arith.addf %add3A_800, %mul3A_804 : vector<16xf32>
        %get3A_806 = arith.index_cast %add3A_791 : i32 to index
        %get3A_807 = arith.constant 48 : index
        %get3A_808 = tpu.vector_load %arg16[%get3A_806, %get3A_807] {strides = array<i32>} : memref<160x64xf32, #tpu.memory_space<vmem>>, vector<16xf32>,
        %mul3A_809 = arith.mulf %get3A_783, %get3A_808 : vector<16xf32>
        %add3A_810 = arith.addf %add3A_805, %mul3A_809 : vector<16xf32>
        %broadcast_in_dim3A_811 = arith.constant true
        %broadcast_in_dim3A_812 = vector.broadcast %broadcast_in_dim3A_811 : i1 to vector<16xi1>
        %masked_cumsum3A = tpu.scan <sum>, %add3A_810 masked %broadcast_in_dim3A_812 : vector<16xf32>, vector<16xi1> -> vector<16xf32>
        %broadcast_in_dim3A_813 = arith.constant 0 : i32
        %broadcast_in_dim3A_814 = vector.broadcast %broadcast_in_dim3A_813 : i32 to vector<16xi32>
        tpu.vector_store_idx %arg19[%broadcast_in_dim3A_814, %add3A_787], %masked_cumsum3A masked %eq3A_253 : memref<32x128xf32, #tpu.memory_space<vmem>>[vector<16xi32>, vector<16xi32>], vector<16xf32>, vector<16xi1>
        %mul3A_815 = arith.constant 5 : i32
        %mul3A_816 = arith.muli %scan3A_772, %mul3A_815 : i32
        %add3A_817 = arith.constant 1 : i32
        %add3A_818 = arith.addi %mul3A_816, %add3A_817 : i32
        %get3A_819 = arith.index_cast %add3A_818 : i32 to index
        %get3A_820 = arith.constant 0 : index
        %get3A_821 = tpu.vector_load %arg16[%get3A_819, %get3A_820] {strides = array<i32>} : memref<160x64xf32, #tpu.memory_space<vmem>>, vector<16xf32>,
        %mul3A_822 = arith.mulf %get3A_774, %get3A_821 : vector<16xf32>
        %get3A_823 = arith.index_cast %add3A_818 : i32 to index
        %get3A_824 = arith.constant 16 : index
        %get3A_825 = tpu.vector_load %arg16[%get3A_823, %get3A_824] {strides = array<i32>} : memref<160x64xf32, #tpu.memory_space<vmem>>, vector<16xf32>,
        %mul3A_826 = arith.mulf %get3A_777, %get3A_825 : vector<16xf32>
        %add3A_827 = arith.addf %mul3A_822, %mul3A_826 : vector<16xf32>
        %get3A_828 = arith.index_cast %add3A_818 : i32 to index
        %get3A_829 = arith.constant 32 : index
        %get3A_830 = tpu.vector_load %arg16[%get3A_828, %get3A_829] {strides = array<i32>} : memref<160x64xf32, #tpu.memory_space<vmem>>, vector<16xf32>,
        %mul3A_831 = arith.mulf %get3A_780, %get3A_830 : vector<16xf32>
        %add3A_832 = arith.addf %add3A_827, %mul3A_831 : vector<16xf32>
        %get3A_833 = arith.index_cast %add3A_818 : i32 to index
        %get3A_834 = arith.constant 48 : index
        %get3A_835 = tpu.vector_load %arg16[%get3A_833, %get3A_834] {strides = array<i32>} : memref<160x64xf32, #tpu.memory_space<vmem>>, vector<16xf32>,
        %mul3A_836 = arith.mulf %get3A_783, %get3A_835 : vector<16xf32>
        %add3A_837 = arith.addf %add3A_832, %mul3A_836 : vector<16xf32>
        %broadcast_in_dim3A_838 = arith.constant true
        %broadcast_in_dim3A_839 = vector.broadcast %broadcast_in_dim3A_838 : i1 to vector<16xi1>
        %masked_cumsum3A_840 = tpu.scan <sum>, %add3A_837 masked %broadcast_in_dim3A_839 : vector<16xf32>, vector<16xi1> -> vector<16xf32>
        %broadcast_in_dim3A_841 = arith.constant 1 : i32
        %broadcast_in_dim3A_842 = vector.broadcast %broadcast_in_dim3A_841 : i32 to vector<16xi32>
        tpu.vector_store_idx %arg19[%broadcast_in_dim3A_842, %add3A_787], %masked_cumsum3A_840 masked %eq3A_253 : memref<32x128xf32, #tpu.memory_space<vmem>>[vector<16xi32>, vector<16xi32>], vector<16xf32>, vector<16xi1>
        %mul3A_843 = arith.constant 5 : i32
        %mul3A_844 = arith.muli %scan3A_772, %mul3A_843 : i32
        %add3A_845 = arith.constant 2 : i32
        %add3A_846 = arith.addi %mul3A_844, %add3A_845 : i32
        %get3A_847 = arith.index_cast %add3A_846 : i32 to index
        %get3A_848 = arith.constant 0 : index
        %get3A_849 = tpu.vector_load %arg16[%get3A_847, %get3A_848] {strides = array<i32>} : memref<160x64xf32, #tpu.memory_space<vmem>>, vector<16xf32>,
        %mul3A_850 = arith.mulf %get3A_774, %get3A_849 : vector<16xf32>
        %get3A_851 = arith.index_cast %add3A_846 : i32 to index
        %get3A_852 = arith.constant 16 : index
        %get3A_853 = tpu.vector_load %arg16[%get3A_851, %get3A_852] {strides = array<i32>} : memref<160x64xf32, #tpu.memory_space<vmem>>, vector<16xf32>,
        %mul3A_854 = arith.mulf %get3A_777, %get3A_853 : vector<16xf32>
        %add3A_855 = arith.addf %mul3A_850, %mul3A_854 : vector<16xf32>
        %get3A_856 = arith.index_cast %add3A_846 : i32 to index
        %get3A_857 = arith.constant 32 : index
        %get3A_858 = tpu.vector_load %arg16[%get3A_856, %get3A_857] {strides = array<i32>} : memref<160x64xf32, #tpu.memory_space<vmem>>, vector<16xf32>,
        %mul3A_859 = arith.mulf %get3A_780, %get3A_858 : vector<16xf32>
        %add3A_860 = arith.addf %add3A_855, %mul3A_859 : vector<16xf32>
        %get3A_861 = arith.index_cast %add3A_846 : i32 to index
        %get3A_862 = arith.constant 48 : index
        %get3A_863 = tpu.vector_load %arg16[%get3A_861, %get3A_862] {strides = array<i32>} : memref<160x64xf32, #tpu.memory_space<vmem>>, vector<16xf32>,
        %mul3A_864 = arith.mulf %get3A_783, %get3A_863 : vector<16xf32>
        %add3A_865 = arith.addf %add3A_860, %mul3A_864 : vector<16xf32>
        %broadcast_in_dim3A_866 = arith.constant true
        %broadcast_in_dim3A_867 = vector.broadcast %broadcast_in_dim3A_866 : i1 to vector<16xi1>
        %masked_cumsum3A_868 = tpu.scan <sum>, %add3A_865 masked %broadcast_in_dim3A_867 : vector<16xf32>, vector<16xi1> -> vector<16xf32>
        %broadcast_in_dim3A_869 = arith.constant 2 : i32
        %broadcast_in_dim3A_870 = vector.broadcast %broadcast_in_dim3A_869 : i32 to vector<16xi32>
        tpu.vector_store_idx %arg19[%broadcast_in_dim3A_870, %add3A_787], %masked_cumsum3A_868 masked %eq3A_253 : memref<32x128xf32, #tpu.memory_space<vmem>>[vector<16xi32>, vector<16xi32>], vector<16xf32>, vector<16xi1>
        %mul3A_871 = arith.constant 5 : i32
        %mul3A_872 = arith.muli %scan3A_772, %mul3A_871 : i32
        %add3A_873 = arith.constant 3 : i32
        %add3A_874 = arith.addi %mul3A_872, %add3A_873 : i32
        %get3A_875 = arith.index_cast %add3A_874 : i32 to index
        %get3A_876 = arith.constant 0 : index
        %get3A_877 = tpu.vector_load %arg16[%get3A_875, %get3A_876] {strides = array<i32>} : memref<160x64xf32, #tpu.memory_space<vmem>>, vector<16xf32>,
        %mul3A_878 = arith.mulf %get3A_774, %get3A_877 : vector<16xf32>
        %get3A_879 = arith.index_cast %add3A_874 : i32 to index
        %get3A_880 = arith.constant 16 : index
        %get3A_881 = tpu.vector_load %arg16[%get3A_879, %get3A_880] {strides = array<i32>} : memref<160x64xf32, #tpu.memory_space<vmem>>, vector<16xf32>,
        %mul3A_882 = arith.mulf %get3A_777, %get3A_881 : vector<16xf32>
        %add3A_883 = arith.addf %mul3A_878, %mul3A_882 : vector<16xf32>
        %get3A_884 = arith.index_cast %add3A_874 : i32 to index
        %get3A_885 = arith.constant 32 : index
        %get3A_886 = tpu.vector_load %arg16[%get3A_884, %get3A_885] {strides = array<i32>} : memref<160x64xf32, #tpu.memory_space<vmem>>, vector<16xf32>,
        %mul3A_887 = arith.mulf %get3A_780, %get3A_886 : vector<16xf32>
        %add3A_888 = arith.addf %add3A_883, %mul3A_887 : vector<16xf32>
        %get3A_889 = arith.index_cast %add3A_874 : i32 to index
        %get3A_890 = arith.constant 48 : index
        %get3A_891 = tpu.vector_load %arg16[%get3A_889, %get3A_890] {strides = array<i32>} : memref<160x64xf32, #tpu.memory_space<vmem>>, vector<16xf32>,
        %mul3A_892 = arith.mulf %get3A_783, %get3A_891 : vector<16xf32>
        %add3A_893 = arith.addf %add3A_888, %mul3A_892 : vector<16xf32>
        %broadcast_in_dim3A_894 = arith.constant true
        %broadcast_in_dim3A_895 = vector.broadcast %broadcast_in_dim3A_894 : i1 to vector<16xi1>
        %masked_cumsum3A_896 = tpu.scan <sum>, %add3A_893 masked %broadcast_in_dim3A_895 : vector<16xf32>, vector<16xi1> -> vector<16xf32>
        %broadcast_in_dim3A_897 = arith.constant 3 : i32
        %broadcast_in_dim3A_898 = vector.broadcast %broadcast_in_dim3A_897 : i32 to vector<16xi32>
        tpu.vector_store_idx %arg19[%broadcast_in_dim3A_898, %add3A_787], %masked_cumsum3A_896 masked %eq3A_253 : memref<32x128xf32, #tpu.memory_space<vmem>>[vector<16xi32>, vector<16xi32>], vector<16xf32>, vector<16xi1>
        %mul3A_899 = arith.constant 5 : i32
        %mul3A_900 = arith.muli %scan3A_772, %mul3A_899 : i32
        %add3A_901 = arith.constant 4 : i32
        %add3A_902 = arith.addi %mul3A_900, %add3A_901 : i32
        %get3A_903 = arith.index_cast %add3A_902 : i32 to index
        %get3A_904 = arith.constant 0 : index
        %get3A_905 = tpu.vector_load %arg16[%get3A_903, %get3A_904] {strides = array<i32>} : memref<160x64xf32, #tpu.memory_space<vmem>>, vector<16xf32>,
        %mul3A_906 = arith.mulf %get3A_774, %get3A_905 : vector<16xf32>
        %get3A_907 = arith.index_cast %add3A_902 : i32 to index
        %get3A_908 = arith.constant 16 : index
        %get3A_909 = tpu.vector_load %arg16[%get3A_907, %get3A_908] {strides = array<i32>} : memref<160x64xf32, #tpu.memory_space<vmem>>, vector<16xf32>,
        %mul3A_910 = arith.mulf %get3A_777, %get3A_909 : vector<16xf32>
        %add3A_911 = arith.addf %mul3A_906, %mul3A_910 : vector<16xf32>
        %get3A_912 = arith.index_cast %add3A_902 : i32 to index
        %get3A_913 = arith.constant 32 : index
        %get3A_914 = tpu.vector_load %arg16[%get3A_912, %get3A_913] {strides = array<i32>} : memref<160x64xf32, #tpu.memory_space<vmem>>, vector<16xf32>,
        %mul3A_915 = arith.mulf %get3A_780, %get3A_914 : vector<16xf32>
        %add3A_916 = arith.addf %add3A_911, %mul3A_915 : vector<16xf32>
        %get3A_917 = arith.index_cast %add3A_902 : i32 to index
        %get3A_918 = arith.constant 48 : index
        %get3A_919 = tpu.vector_load %arg16[%get3A_917, %get3A_918] {strides = array<i32>} : memref<160x64xf32, #tpu.memory_space<vmem>>, vector<16xf32>,
        %mul3A_920 = arith.mulf %get3A_783, %get3A_919 : vector<16xf32>
        %add3A_921 = arith.addf %add3A_916, %mul3A_920 : vector<16xf32>
        %broadcast_in_dim3A_922 = arith.constant true
        %broadcast_in_dim3A_923 = vector.broadcast %broadcast_in_dim3A_922 : i1 to vector<16xi1>
        %masked_cumsum3A_924 = tpu.scan <sum>, %add3A_921 masked %broadcast_in_dim3A_923 : vector<16xf32>, vector<16xi1> -> vector<16xf32>
        %broadcast_in_dim3A_925 = arith.constant 4 : i32
        %broadcast_in_dim3A_926 = vector.broadcast %broadcast_in_dim3A_925 : i32 to vector<16xi32>
        tpu.vector_store_idx %arg19[%broadcast_in_dim3A_926, %add3A_787], %masked_cumsum3A_924 masked %eq3A_253 : memref<32x128xf32, #tpu.memory_space<vmem>>[vector<16xi32>, vector<16xi32>], vector<16xf32>, vector<16xi1>
        %mul3A_927 = arith.constant 20 : i32
        %mul3A_928 = arith.muli %scan3A_772, %mul3A_927 : i32
        %add3A_929 = arith.constant 0 : i32
        %add3A_930 = arith.addi %mul3A_928, %add3A_929 : i32
        %get3A_931 = arith.index_cast %add3A_930 : i32 to index
        %get3A_932 = arith.constant 0 : index
        %get3A_933 = tpu.vector_load %arg17[%get3A_931, %get3A_932] {strides = array<i32>} : memref<640x64xf32, #tpu.memory_space<vmem>>, vector<16xf32>,
        %mul3A_934 = arith.mulf %get3A_774, %get3A_933 : vector<16xf32>
        %get3A_935 = arith.index_cast %add3A_930 : i32 to index
        %get3A_936 = arith.constant 16 : index
        %get3A_937 = tpu.vector_load %arg17[%get3A_935, %get3A_936] {strides = array<i32>} : memref<640x64xf32, #tpu.memory_space<vmem>>, vector<16xf32>,
        %mul3A_938 = arith.mulf %get3A_777, %get3A_937 : vector<16xf32>
        %add3A_939 = arith.addf %mul3A_934, %mul3A_938 : vector<16xf32>
        %get3A_940 = arith.index_cast %add3A_930 : i32 to index
        %get3A_941 = arith.constant 32 : index
        %get3A_942 = tpu.vector_load %arg17[%get3A_940, %get3A_941] {strides = array<i32>} : memref<640x64xf32, #tpu.memory_space<vmem>>, vector<16xf32>,
        %mul3A_943 = arith.mulf %get3A_780, %get3A_942 : vector<16xf32>
        %add3A_944 = arith.addf %add3A_939, %mul3A_943 : vector<16xf32>
        %get3A_945 = arith.index_cast %add3A_930 : i32 to index
        %get3A_946 = arith.constant 48 : index
        %get3A_947 = tpu.vector_load %arg17[%get3A_945, %get3A_946] {strides = array<i32>} : memref<640x64xf32, #tpu.memory_space<vmem>>, vector<16xf32>,
        %mul3A_948 = arith.mulf %get3A_783, %get3A_947 : vector<16xf32>
        %add3A_949 = arith.addf %add3A_944, %mul3A_948 : vector<16xf32>
        %broadcast_in_dim3A_950 = arith.constant true
        %broadcast_in_dim3A_951 = vector.broadcast %broadcast_in_dim3A_950 : i1 to vector<16xi1>
        %masked_cumsum3A_952 = tpu.scan <sum>, %add3A_949 masked %broadcast_in_dim3A_951 : vector<16xf32>, vector<16xi1> -> vector<16xf32>
        %broadcast_in_dim3A_953 = arith.constant 5 : i32
        %broadcast_in_dim3A_954 = vector.broadcast %broadcast_in_dim3A_953 : i32 to vector<16xi32>
        tpu.vector_store_idx %arg19[%broadcast_in_dim3A_954, %add3A_787], %masked_cumsum3A_952 masked %eq3A_253 : memref<32x128xf32, #tpu.memory_space<vmem>>[vector<16xi32>, vector<16xi32>], vector<16xf32>, vector<16xi1>
        %mul3A_955 = arith.constant 20 : i32
        %mul3A_956 = arith.muli %scan3A_772, %mul3A_955 : i32
        %add3A_957 = arith.constant 1 : i32
        %add3A_958 = arith.addi %mul3A_956, %add3A_957 : i32
        %get3A_959 = arith.index_cast %add3A_958 : i32 to index
        %get3A_960 = arith.constant 0 : index
        %get3A_961 = tpu.vector_load %arg17[%get3A_959, %get3A_960] {strides = array<i32>} : memref<640x64xf32, #tpu.memory_space<vmem>>, vector<16xf32>,
        %mul3A_962 = arith.mulf %get3A_774, %get3A_961 : vector<16xf32>
        %get3A_963 = arith.index_cast %add3A_958 : i32 to index
        %get3A_964 = arith.constant 16 : index
        %get3A_965 = tpu.vector_load %arg17[%get3A_963, %get3A_964] {strides = array<i32>} : memref<640x64xf32, #tpu.memory_space<vmem>>, vector<16xf32>,
        %mul3A_966 = arith.mulf %get3A_777, %get3A_965 : vector<16xf32>
        %add3A_967 = arith.addf %mul3A_962, %mul3A_966 : vector<16xf32>
        %get3A_968 = arith.index_cast %add3A_958 : i32 to index
        %get3A_969 = arith.constant 32 : index
        %get3A_970 = tpu.vector_load %arg17[%get3A_968, %get3A_969] {strides = array<i32>} : memref<640x64xf32, #tpu.memory_space<vmem>>, vector<16xf32>,
        %mul3A_971 = arith.mulf %get3A_780, %get3A_970 : vector<16xf32>
        %add3A_972 = arith.addf %add3A_967, %mul3A_971 : vector<16xf32>
        %get3A_973 = arith.index_cast %add3A_958 : i32 to index
        %get3A_974 = arith.constant 48 : index
        %get3A_975 = tpu.vector_load %arg17[%get3A_973, %get3A_974] {strides = array<i32>} : memref<640x64xf32, #tpu.memory_space<vmem>>, vector<16xf32>,
        %mul3A_976 = arith.mulf %get3A_783, %get3A_975 : vector<16xf32>
        %add3A_977 = arith.addf %add3A_972, %mul3A_976 : vector<16xf32>
        %broadcast_in_dim3A_978 = arith.constant true
        %broadcast_in_dim3A_979 = vector.broadcast %broadcast_in_dim3A_978 : i1 to vector<16xi1>
        %masked_cumsum3A_980 = tpu.scan <sum>, %add3A_977 masked %broadcast_in_dim3A_979 : vector<16xf32>, vector<16xi1> -> vector<16xf32>
        %broadcast_in_dim3A_981 = arith.constant 6 : i32
        %broadcast_in_dim3A_982 = vector.broadcast %broadcast_in_dim3A_981 : i32 to vector<16xi32>
        tpu.vector_store_idx %arg19[%broadcast_in_dim3A_982, %add3A_787], %masked_cumsum3A_980 masked %eq3A_253 : memref<32x128xf32, #tpu.memory_space<vmem>>[vector<16xi32>, vector<16xi32>], vector<16xf32>, vector<16xi1>
        %mul3A_983 = arith.constant 20 : i32
        %mul3A_984 = arith.muli %scan3A_772, %mul3A_983 : i32
        %add3A_985 = arith.constant 2 : i32
        %add3A_986 = arith.addi %mul3A_984, %add3A_985 : i32
        %get3A_987 = arith.index_cast %add3A_986 : i32 to index
        %get3A_988 = arith.constant 0 : index
        %get3A_989 = tpu.vector_load %arg17[%get3A_987, %get3A_988] {strides = array<i32>} : memref<640x64xf32, #tpu.memory_space<vmem>>, vector<16xf32>,
        %mul3A_990 = arith.mulf %get3A_774, %get3A_989 : vector<16xf32>
        %get3A_991 = arith.index_cast %add3A_986 : i32 to index
        %get3A_992 = arith.constant 16 : index
        %get3A_993 = tpu.vector_load %arg17[%get3A_991, %get3A_992] {strides = array<i32>} : memref<640x64xf32, #tpu.memory_space<vmem>>, vector<16xf32>,
        %mul3A_994 = arith.mulf %get3A_777, %get3A_993 : vector<16xf32>
        %add3A_995 = arith.addf %mul3A_990, %mul3A_994 : vector<16xf32>
        %get3A_996 = arith.index_cast %add3A_986 : i32 to index
        %get3A_997 = arith.constant 32 : index
        %get3A_998 = tpu.vector_load %arg17[%get3A_996, %get3A_997] {strides = array<i32>} : memref<640x64xf32, #tpu.memory_space<vmem>>, vector<16xf32>,
        %mul3A_999 = arith.mulf %get3A_780, %get3A_998 : vector<16xf32>
        %add3A_1000 = arith.addf %add3A_995, %mul3A_999 : vector<16xf32>
        %get3A_1001 = arith.index_cast %add3A_986 : i32 to index
        %get3A_1002 = arith.constant 48 : index
        %get3A_1003 = tpu.vector_load %arg17[%get3A_1001, %get3A_1002] {strides = array<i32>} : memref<640x64xf32, #tpu.memory_space<vmem>>, vector<16xf32>,
        %mul3A_1004 = arith.mulf %get3A_783, %get3A_1003 : vector<16xf32>
        %add3A_1005 = arith.addf %add3A_1000, %mul3A_1004 : vector<16xf32>
        %broadcast_in_dim3A_1006 = arith.constant true
        %broadcast_in_dim3A_1007 = vector.broadcast %broadcast_in_dim3A_1006 : i1 to vector<16xi1>
        %masked_cumsum3A_1008 = tpu.scan <sum>, %add3A_1005 masked %broadcast_in_dim3A_1007 : vector<16xf32>, vector<16xi1> -> vector<16xf32>
        %broadcast_in_dim3A_1009 = arith.constant 7 : i32
        %broadcast_in_dim3A_1010 = vector.broadcast %broadcast_in_dim3A_1009 : i32 to vector<16xi32>
        tpu.vector_store_idx %arg19[%broadcast_in_dim3A_1010, %add3A_787], %masked_cumsum3A_1008 masked %eq3A_253 : memref<32x128xf32, #tpu.memory_space<vmem>>[vector<16xi32>, vector<16xi32>], vector<16xf32>, vector<16xi1>
        %mul3A_1011 = arith.constant 20 : i32
        %mul3A_1012 = arith.muli %scan3A_772, %mul3A_1011 : i32
        %add3A_1013 = arith.constant 3 : i32
        %add3A_1014 = arith.addi %mul3A_1012, %add3A_1013 : i32
        %get3A_1015 = arith.index_cast %add3A_1014 : i32 to index
        %get3A_1016 = arith.constant 0 : index
        %get3A_1017 = tpu.vector_load %arg17[%get3A_1015, %get3A_1016] {strides = array<i32>} : memref<640x64xf32, #tpu.memory_space<vmem>>, vector<16xf32>,
        %mul3A_1018 = arith.mulf %get3A_774, %get3A_1017 : vector<16xf32>
        %get3A_1019 = arith.index_cast %add3A_1014 : i32 to index
        %get3A_1020 = arith.constant 16 : index
        %get3A_1021 = tpu.vector_load %arg17[%get3A_1019, %get3A_1020] {strides = array<i32>} : memref<640x64xf32, #tpu.memory_space<vmem>>, vector<16xf32>,
        %mul3A_1022 = arith.mulf %get3A_777, %get3A_1021 : vector<16xf32>
        %add3A_1023 = arith.addf %mul3A_1018, %mul3A_1022 : vector<16xf32>
        %get3A_1024 = arith.index_cast %add3A_1014 : i32 to index
        %get3A_1025 = arith.constant 32 : index
        %get3A_1026 = tpu.vector_load %arg17[%get3A_1024, %get3A_1025] {strides = array<i32>} : memref<640x64xf32, #tpu.memory_space<vmem>>, vector<16xf32>,
        %mul3A_1027 = arith.mulf %get3A_780, %get3A_1026 : vector<16xf32>
        %add3A_1028 = arith.addf %add3A_1023, %mul3A_1027 : vector<16xf32>
        %get3A_1029 = arith.index_cast %add3A_1014 : i32 to index
        %get3A_1030 = arith.constant 48 : index
        %get3A_1031 = tpu.vector_load %arg17[%get3A_1029, %get3A_1030] {strides = array<i32>} : memref<640x64xf32, #tpu.memory_space<vmem>>, vector<16xf32>,
        %mul3A_1032 = arith.mulf %get3A_783, %get3A_1031 : vector<16xf32>
        %add3A_1033 = arith.addf %add3A_1028, %mul3A_1032 : vector<16xf32>
        %broadcast_in_dim3A_1034 = arith.constant true
        %broadcast_in_dim3A_1035 = vector.broadcast %broadcast_in_dim3A_1034 : i1 to vector<16xi1>
        %masked_cumsum3A_1036 = tpu.scan <sum>, %add3A_1033 masked %broadcast_in_dim3A_1035 : vector<16xf32>, vector<16xi1> -> vector<16xf32>
        %broadcast_in_dim3A_1037 = arith.constant 8 : i32
        %broadcast_in_dim3A_1038 = vector.broadcast %broadcast_in_dim3A_1037 : i32 to vector<16xi32>
        tpu.vector_store_idx %arg19[%broadcast_in_dim3A_1038, %add3A_787], %masked_cumsum3A_1036 masked %eq3A_253 : memref<32x128xf32, #tpu.memory_space<vmem>>[vector<16xi32>, vector<16xi32>], vector<16xf32>, vector<16xi1>
        %mul3A_1039 = arith.constant 20 : i32
        %mul3A_1040 = arith.muli %scan3A_772, %mul3A_1039 : i32
        %add3A_1041 = arith.constant 4 : i32
        %add3A_1042 = arith.addi %mul3A_1040, %add3A_1041 : i32
        %get3A_1043 = arith.index_cast %add3A_1042 : i32 to index
        %get3A_1044 = arith.constant 0 : index
        %get3A_1045 = tpu.vector_load %arg17[%get3A_1043, %get3A_1044] {strides = array<i32>} : memref<640x64xf32, #tpu.memory_space<vmem>>, vector<16xf32>,
        %mul3A_1046 = arith.mulf %get3A_774, %get3A_1045 : vector<16xf32>
        %get3A_1047 = arith.index_cast %add3A_1042 : i32 to index
        %get3A_1048 = arith.constant 16 : index
        %get3A_1049 = tpu.vector_load %arg17[%get3A_1047, %get3A_1048] {strides = array<i32>} : memref<640x64xf32, #tpu.memory_space<vmem>>, vector<16xf32>,
        %mul3A_1050 = arith.mulf %get3A_777, %get3A_1049 : vector<16xf32>
        %add3A_1051 = arith.addf %mul3A_1046, %mul3A_1050 : vector<16xf32>
        %get3A_1052 = arith.index_cast %add3A_1042 : i32 to index
        %get3A_1053 = arith.constant 32 : index
        %get3A_1054 = tpu.vector_load %arg17[%get3A_1052, %get3A_1053] {strides = array<i32>} : memref<640x64xf32, #tpu.memory_space<vmem>>, vector<16xf32>,
        %mul3A_1055 = arith.mulf %get3A_780, %get3A_1054 : vector<16xf32>
        %add3A_1056 = arith.addf %add3A_1051, %mul3A_1055 : vector<16xf32>
        %get3A_1057 = arith.index_cast %add3A_1042 : i32 to index
        %get3A_1058 = arith.constant 48 : index
        %get3A_1059 = tpu.vector_load %arg17[%get3A_1057, %get3A_1058] {strides = array<i32>} : memref<640x64xf32, #tpu.memory_space<vmem>>, vector<16xf32>,
        %mul3A_1060 = arith.mulf %get3A_783, %get3A_1059 : vector<16xf32>
        %add3A_1061 = arith.addf %add3A_1056, %mul3A_1060 : vector<16xf32>
        %broadcast_in_dim3A_1062 = arith.constant true
        %broadcast_in_dim3A_1063 = vector.broadcast %broadcast_in_dim3A_1062 : i1 to vector<16xi1>
        %masked_cumsum3A_1064 = tpu.scan <sum>, %add3A_1061 masked %broadcast_in_dim3A_1063 : vector<16xf32>, vector<16xi1> -> vector<16xf32>
        %broadcast_in_dim3A_1065 = arith.constant 9 : i32
        %broadcast_in_dim3A_1066 = vector.broadcast %broadcast_in_dim3A_1065 : i32 to vector<16xi32>
        tpu.vector_store_idx %arg19[%broadcast_in_dim3A_1066, %add3A_787], %masked_cumsum3A_1064 masked %eq3A_253 : memref<32x128xf32, #tpu.memory_space<vmem>>[vector<16xi32>, vector<16xi32>], vector<16xf32>, vector<16xi1>
        %mul3A_1067 = arith.constant 20 : i32
        %mul3A_1068 = arith.muli %scan3A_772, %mul3A_1067 : i32
        %add3A_1069 = arith.constant 5 : i32
        %add3A_1070 = arith.addi %mul3A_1068, %add3A_1069 : i32
        %get3A_1071 = arith.index_cast %add3A_1070 : i32 to index
        %get3A_1072 = arith.constant 0 : index
        %get3A_1073 = tpu.vector_load %arg17[%get3A_1071, %get3A_1072] {strides = array<i32>} : memref<640x64xf32, #tpu.memory_space<vmem>>, vector<16xf32>,
        %mul3A_1074 = arith.mulf %get3A_774, %get3A_1073 : vector<16xf32>
        %get3A_1075 = arith.index_cast %add3A_1070 : i32 to index
        %get3A_1076 = arith.constant 16 : index
        %get3A_1077 = tpu.vector_load %arg17[%get3A_1075, %get3A_1076] {strides = array<i32>} : memref<640x64xf32, #tpu.memory_space<vmem>>, vector<16xf32>,
        %mul3A_1078 = arith.mulf %get3A_777, %get3A_1077 : vector<16xf32>
        %add3A_1079 = arith.addf %mul3A_1074, %mul3A_1078 : vector<16xf32>
        %get3A_1080 = arith.index_cast %add3A_1070 : i32 to index
        %get3A_1081 = arith.constant 32 : index
        %get3A_1082 = tpu.vector_load %arg17[%get3A_1080, %get3A_1081] {strides = array<i32>} : memref<640x64xf32, #tpu.memory_space<vmem>>, vector<16xf32>,
        %mul3A_1083 = arith.mulf %get3A_780, %get3A_1082 : vector<16xf32>
        %add3A_1084 = arith.addf %add3A_1079, %mul3A_1083 : vector<16xf32>
        %get3A_1085 = arith.index_cast %add3A_1070 : i32 to index
        %get3A_1086 = arith.constant 48 : index
        %get3A_1087 = tpu.vector_load %arg17[%get3A_1085, %get3A_1086] {strides = array<i32>} : memref<640x64xf32, #tpu.memory_space<vmem>>, vector<16xf32>,
        %mul3A_1088 = arith.mulf %get3A_783, %get3A_1087 : vector<16xf32>
        %add3A_1089 = arith.addf %add3A_1084, %mul3A_1088 : vector<16xf32>
        %broadcast_in_dim3A_1090 = arith.constant true
        %broadcast_in_dim3A_1091 = vector.broadcast %broadcast_in_dim3A_1090 : i1 to vector<16xi1>
        %masked_cumsum3A_1092 = tpu.scan <sum>, %add3A_1089 masked %broadcast_in_dim3A_1091 : vector<16xf32>, vector<16xi1> -> vector<16xf32>
        %broadcast_in_dim3A_1093 = arith.constant 10 : i32
        %broadcast_in_dim3A_1094 = vector.broadcast %broadcast_in_dim3A_1093 : i32 to vector<16xi32>
        tpu.vector_store_idx %arg19[%broadcast_in_dim3A_1094, %add3A_787], %masked_cumsum3A_1092 masked %eq3A_253 : memref<32x128xf32, #tpu.memory_space<vmem>>[vector<16xi32>, vector<16xi32>], vector<16xf32>, vector<16xi1>
        %mul3A_1095 = arith.constant 20 : i32
        %mul3A_1096 = arith.muli %scan3A_772, %mul3A_1095 : i32
        %add3A_1097 = arith.constant 6 : i32
        %add3A_1098 = arith.addi %mul3A_1096, %add3A_1097 : i32
        %get3A_1099 = arith.index_cast %add3A_1098 : i32 to index
        %get3A_1100 = arith.constant 0 : index
        %get3A_1101 = tpu.vector_load %arg17[%get3A_1099, %get3A_1100] {strides = array<i32>} : memref<640x64xf32, #tpu.memory_space<vmem>>, vector<16xf32>,
        %mul3A_1102 = arith.mulf %get3A_774, %get3A_1101 : vector<16xf32>
        %get3A_1103 = arith.index_cast %add3A_1098 : i32 to index
        %get3A_1104 = arith.constant 16 : index
        %get3A_1105 = tpu.vector_load %arg17[%get3A_1103, %get3A_1104] {strides = array<i32>} : memref<640x64xf32, #tpu.memory_space<vmem>>, vector<16xf32>,
        %mul3A_1106 = arith.mulf %get3A_777, %get3A_1105 : vector<16xf32>
        %add3A_1107 = arith.addf %mul3A_1102, %mul3A_1106 : vector<16xf32>
        %get3A_1108 = arith.index_cast %add3A_1098 : i32 to index
        %get3A_1109 = arith.constant 32 : index
        %get3A_1110 = tpu.vector_load %arg17[%get3A_1108, %get3A_1109] {strides = array<i32>} : memref<640x64xf32, #tpu.memory_space<vmem>>, vector<16xf32>,
        %mul3A_1111 = arith.mulf %get3A_780, %get3A_1110 : vector<16xf32>
        %add3A_1112 = arith.addf %add3A_1107, %mul3A_1111 : vector<16xf32>
        %get3A_1113 = arith.index_cast %add3A_1098 : i32 to index
        %get3A_1114 = arith.constant 48 : index
        %get3A_1115 = tpu.vector_load %arg17[%get3A_1113, %get3A_1114] {strides = array<i32>} : memref<640x64xf32, #tpu.memory_space<vmem>>, vector<16xf32>,
        %mul3A_1116 = arith.mulf %get3A_783, %get3A_1115 : vector<16xf32>
        %add3A_1117 = arith.addf %add3A_1112, %mul3A_1116 : vector<16xf32>
        %broadcast_in_dim3A_1118 = arith.constant true
        %broadcast_in_dim3A_1119 = vector.broadcast %broadcast_in_dim3A_1118 : i1 to vector<16xi1>
        %masked_cumsum3A_1120 = tpu.scan <sum>, %add3A_1117 masked %broadcast_in_dim3A_1119 : vector<16xf32>, vector<16xi1> -> vector<16xf32>
        %broadcast_in_dim3A_1121 = arith.constant 11 : i32
        %broadcast_in_dim3A_1122 = vector.broadcast %broadcast_in_dim3A_1121 : i32 to vector<16xi32>
        tpu.vector_store_idx %arg19[%broadcast_in_dim3A_1122, %add3A_787], %masked_cumsum3A_1120 masked %eq3A_253 : memref<32x128xf32, #tpu.memory_space<vmem>>[vector<16xi32>, vector<16xi32>], vector<16xf32>, vector<16xi1>
        %mul3A_1123 = arith.constant 20 : i32
        %mul3A_1124 = arith.muli %scan3A_772, %mul3A_1123 : i32
        %add3A_1125 = arith.constant 7 : i32
        %add3A_1126 = arith.addi %mul3A_1124, %add3A_1125 : i32
        %get3A_1127 = arith.index_cast %add3A_1126 : i32 to index
        %get3A_1128 = arith.constant 0 : index
        %get3A_1129 = tpu.vector_load %arg17[%get3A_1127, %get3A_1128] {strides = array<i32>} : memref<640x64xf32, #tpu.memory_space<vmem>>, vector<16xf32>,
        %mul3A_1130 = arith.mulf %get3A_774, %get3A_1129 : vector<16xf32>
        %get3A_1131 = arith.index_cast %add3A_1126 : i32 to index
        %get3A_1132 = arith.constant 16 : index
        %get3A_1133 = tpu.vector_load %arg17[%get3A_1131, %get3A_1132] {strides = array<i32>} : memref<640x64xf32, #tpu.memory_space<vmem>>, vector<16xf32>,
        %mul3A_1134 = arith.mulf %get3A_777, %get3A_1133 : vector<16xf32>
        %add3A_1135 = arith.addf %mul3A_1130, %mul3A_1134 : vector<16xf32>
        %get3A_1136 = arith.index_cast %add3A_1126 : i32 to index
        %get3A_1137 = arith.constant 32 : index
        %get3A_1138 = tpu.vector_load %arg17[%get3A_1136, %get3A_1137] {strides = array<i32>} : memref<640x64xf32, #tpu.memory_space<vmem>>, vector<16xf32>,
        %mul3A_1139 = arith.mulf %get3A_780, %get3A_1138 : vector<16xf32>
        %add3A_1140 = arith.addf %add3A_1135, %mul3A_1139 : vector<16xf32>
        %get3A_1141 = arith.index_cast %add3A_1126 : i32 to index
        %get3A_1142 = arith.constant 48 : index
        %get3A_1143 = tpu.vector_load %arg17[%get3A_1141, %get3A_1142] {strides = array<i32>} : memref<640x64xf32, #tpu.memory_space<vmem>>, vector<16xf32>,
        %mul3A_1144 = arith.mulf %get3A_783, %get3A_1143 : vector<16xf32>
        %add3A_1145 = arith.addf %add3A_1140, %mul3A_1144 : vector<16xf32>
        %broadcast_in_dim3A_1146 = arith.constant true
        %broadcast_in_dim3A_1147 = vector.broadcast %broadcast_in_dim3A_1146 : i1 to vector<16xi1>
        %masked_cumsum3A_1148 = tpu.scan <sum>, %add3A_1145 masked %broadcast_in_dim3A_1147 : vector<16xf32>, vector<16xi1> -> vector<16xf32>
        %broadcast_in_dim3A_1149 = arith.constant 12 : i32
        %broadcast_in_dim3A_1150 = vector.broadcast %broadcast_in_dim3A_1149 : i32 to vector<16xi32>
        tpu.vector_store_idx %arg19[%broadcast_in_dim3A_1150, %add3A_787], %masked_cumsum3A_1148 masked %eq3A_253 : memref<32x128xf32, #tpu.memory_space<vmem>>[vector<16xi32>, vector<16xi32>], vector<16xf32>, vector<16xi1>
        %mul3A_1151 = arith.constant 20 : i32
        %mul3A_1152 = arith.muli %scan3A_772, %mul3A_1151 : i32
        %add3A_1153 = arith.constant 8 : i32
        %add3A_1154 = arith.addi %mul3A_1152, %add3A_1153 : i32
        %get3A_1155 = arith.index_cast %add3A_1154 : i32 to index
        %get3A_1156 = arith.constant 0 : index
        %get3A_1157 = tpu.vector_load %arg17[%get3A_1155, %get3A_1156] {strides = array<i32>} : memref<640x64xf32, #tpu.memory_space<vmem>>, vector<16xf32>,
        %mul3A_1158 = arith.mulf %get3A_774, %get3A_1157 : vector<16xf32>
        %get3A_1159 = arith.index_cast %add3A_1154 : i32 to index
        %get3A_1160 = arith.constant 16 : index
        %get3A_1161 = tpu.vector_load %arg17[%get3A_1159, %get3A_1160] {strides = array<i32>} : memref<640x64xf32, #tpu.memory_space<vmem>>, vector<16xf32>,
        %mul3A_1162 = arith.mulf %get3A_777, %get3A_1161 : vector<16xf32>
        %add3A_1163 = arith.addf %mul3A_1158, %mul3A_1162 : vector<16xf32>
        %get3A_1164 = arith.index_cast %add3A_1154 : i32 to index
        %get3A_1165 = arith.constant 32 : index
        %get3A_1166 = tpu.vector_load %arg17[%get3A_1164, %get3A_1165] {strides = array<i32>} : memref<640x64xf32, #tpu.memory_space<vmem>>, vector<16xf32>,
        %mul3A_1167 = arith.mulf %get3A_780, %get3A_1166 : vector<16xf32>
        %add3A_1168 = arith.addf %add3A_1163, %mul3A_1167 : vector<16xf32>
        %get3A_1169 = arith.index_cast %add3A_1154 : i32 to index
        %get3A_1170 = arith.constant 48 : index
        %get3A_1171 = tpu.vector_load %arg17[%get3A_1169, %get3A_1170] {strides = array<i32>} : memref<640x64xf32, #tpu.memory_space<vmem>>, vector<16xf32>,
        %mul3A_1172 = arith.mulf %get3A_783, %get3A_1171 : vector<16xf32>
        %add3A_1173 = arith.addf %add3A_1168, %mul3A_1172 : vector<16xf32>
        %broadcast_in_dim3A_1174 = arith.constant true
        %broadcast_in_dim3A_1175 = vector.broadcast %broadcast_in_dim3A_1174 : i1 to vector<16xi1>
        %masked_cumsum3A_1176 = tpu.scan <sum>, %add3A_1173 masked %broadcast_in_dim3A_1175 : vector<16xf32>, vector<16xi1> -> vector<16xf32>
        %broadcast_in_dim3A_1177 = arith.constant 13 : i32
        %broadcast_in_dim3A_1178 = vector.broadcast %broadcast_in_dim3A_1177 : i32 to vector<16xi32>
        tpu.vector_store_idx %arg19[%broadcast_in_dim3A_1178, %add3A_787], %masked_cumsum3A_1176 masked %eq3A_253 : memref<32x128xf32, #tpu.memory_space<vmem>>[vector<16xi32>, vector<16xi32>], vector<16xf32>, vector<16xi1>
        %mul3A_1179 = arith.constant 20 : i32
        %mul3A_1180 = arith.muli %scan3A_772, %mul3A_1179 : i32
        %add3A_1181 = arith.constant 9 : i32
        %add3A_1182 = arith.addi %mul3A_1180, %add3A_1181 : i32
        %get3A_1183 = arith.index_cast %add3A_1182 : i32 to index
        %get3A_1184 = arith.constant 0 : index
        %get3A_1185 = tpu.vector_load %arg17[%get3A_1183, %get3A_1184] {strides = array<i32>} : memref<640x64xf32, #tpu.memory_space<vmem>>, vector<16xf32>,
        %mul3A_1186 = arith.mulf %get3A_774, %get3A_1185 : vector<16xf32>
        %get3A_1187 = arith.index_cast %add3A_1182 : i32 to index
        %get3A_1188 = arith.constant 16 : index
        %get3A_1189 = tpu.vector_load %arg17[%get3A_1187, %get3A_1188] {strides = array<i32>} : memref<640x64xf32, #tpu.memory_space<vmem>>, vector<16xf32>,
        %mul3A_1190 = arith.mulf %get3A_777, %get3A_1189 : vector<16xf32>
        %add3A_1191 = arith.addf %mul3A_1186, %mul3A_1190 : vector<16xf32>
        %get3A_1192 = arith.index_cast %add3A_1182 : i32 to index
        %get3A_1193 = arith.constant 32 : index
        %get3A_1194 = tpu.vector_load %arg17[%get3A_1192, %get3A_1193] {strides = array<i32>} : memref<640x64xf32, #tpu.memory_space<vmem>>, vector<16xf32>,
        %mul3A_1195 = arith.mulf %get3A_780, %get3A_1194 : vector<16xf32>
        %add3A_1196 = arith.addf %add3A_1191, %mul3A_1195 : vector<16xf32>
        %get3A_1197 = arith.index_cast %add3A_1182 : i32 to index
        %get3A_1198 = arith.constant 48 : index
        %get3A_1199 = tpu.vector_load %arg17[%get3A_1197, %get3A_1198] {strides = array<i32>} : memref<640x64xf32, #tpu.memory_space<vmem>>, vector<16xf32>,
        %mul3A_1200 = arith.mulf %get3A_783, %get3A_1199 : vector<16xf32>
        %add3A_1201 = arith.addf %add3A_1196, %mul3A_1200 : vector<16xf32>
        %broadcast_in_dim3A_1202 = arith.constant true
        %broadcast_in_dim3A_1203 = vector.broadcast %broadcast_in_dim3A_1202 : i1 to vector<16xi1>
        %masked_cumsum3A_1204 = tpu.scan <sum>, %add3A_1201 masked %broadcast_in_dim3A_1203 : vector<16xf32>, vector<16xi1> -> vector<16xf32>
        %broadcast_in_dim3A_1205 = arith.constant 14 : i32
        %broadcast_in_dim3A_1206 = vector.broadcast %broadcast_in_dim3A_1205 : i32 to vector<16xi32>
        tpu.vector_store_idx %arg19[%broadcast_in_dim3A_1206, %add3A_787], %masked_cumsum3A_1204 masked %eq3A_253 : memref<32x128xf32, #tpu.memory_space<vmem>>[vector<16xi32>, vector<16xi32>], vector<16xf32>, vector<16xi1>
        %mul3A_1207 = arith.constant 20 : i32
        %mul3A_1208 = arith.muli %scan3A_772, %mul3A_1207 : i32
        %add3A_1209 = arith.constant 10 : i32
        %add3A_1210 = arith.addi %mul3A_1208, %add3A_1209 : i32
        %get3A_1211 = arith.index_cast %add3A_1210 : i32 to index
        %get3A_1212 = arith.constant 0 : index
        %get3A_1213 = tpu.vector_load %arg17[%get3A_1211, %get3A_1212] {strides = array<i32>} : memref<640x64xf32, #tpu.memory_space<vmem>>, vector<16xf32>,
        %mul3A_1214 = arith.mulf %get3A_774, %get3A_1213 : vector<16xf32>
        %get3A_1215 = arith.index_cast %add3A_1210 : i32 to index
        %get3A_1216 = arith.constant 16 : index
        %get3A_1217 = tpu.vector_load %arg17[%get3A_1215, %get3A_1216] {strides = array<i32>} : memref<640x64xf32, #tpu.memory_space<vmem>>, vector<16xf32>,
        %mul3A_1218 = arith.mulf %get3A_777, %get3A_1217 : vector<16xf32>
        %add3A_1219 = arith.addf %mul3A_1214, %mul3A_1218 : vector<16xf32>
        %get3A_1220 = arith.index_cast %add3A_1210 : i32 to index
        %get3A_1221 = arith.constant 32 : index
        %get3A_1222 = tpu.vector_load %arg17[%get3A_1220, %get3A_1221] {strides = array<i32>} : memref<640x64xf32, #tpu.memory_space<vmem>>, vector<16xf32>,
        %mul3A_1223 = arith.mulf %get3A_780, %get3A_1222 : vector<16xf32>
        %add3A_1224 = arith.addf %add3A_1219, %mul3A_1223 : vector<16xf32>
        %get3A_1225 = arith.index_cast %add3A_1210 : i32 to index
        %get3A_1226 = arith.constant 48 : index
        %get3A_1227 = tpu.vector_load %arg17[%get3A_1225, %get3A_1226] {strides = array<i32>} : memref<640x64xf32, #tpu.memory_space<vmem>>, vector<16xf32>,
        %mul3A_1228 = arith.mulf %get3A_783, %get3A_1227 : vector<16xf32>
        %add3A_1229 = arith.addf %add3A_1224, %mul3A_1228 : vector<16xf32>
        %broadcast_in_dim3A_1230 = arith.constant true
        %broadcast_in_dim3A_1231 = vector.broadcast %broadcast_in_dim3A_1230 : i1 to vector<16xi1>
        %masked_cumsum3A_1232 = tpu.scan <sum>, %add3A_1229 masked %broadcast_in_dim3A_1231 : vector<16xf32>, vector<16xi1> -> vector<16xf32>
        %broadcast_in_dim3A_1233 = arith.constant 15 : i32
        %broadcast_in_dim3A_1234 = vector.broadcast %broadcast_in_dim3A_1233 : i32 to vector<16xi32>
        tpu.vector_store_idx %arg19[%broadcast_in_dim3A_1234, %add3A_787], %masked_cumsum3A_1232 masked %eq3A_253 : memref<32x128xf32, #tpu.memory_space<vmem>>[vector<16xi32>, vector<16xi32>], vector<16xf32>, vector<16xi1>
        %mul3A_1235 = arith.constant 20 : i32
        %mul3A_1236 = arith.muli %scan3A_772, %mul3A_1235 : i32
        %add3A_1237 = arith.constant 11 : i32
        %add3A_1238 = arith.addi %mul3A_1236, %add3A_1237 : i32
        %get3A_1239 = arith.index_cast %add3A_1238 : i32 to index
        %get3A_1240 = arith.constant 0 : index
        %get3A_1241 = tpu.vector_load %arg17[%get3A_1239, %get3A_1240] {strides = array<i32>} : memref<640x64xf32, #tpu.memory_space<vmem>>, vector<16xf32>,
        %mul3A_1242 = arith.mulf %get3A_774, %get3A_1241 : vector<16xf32>
        %get3A_1243 = arith.index_cast %add3A_1238 : i32 to index
        %get3A_1244 = arith.constant 16 : index
        %get3A_1245 = tpu.vector_load %arg17[%get3A_1243, %get3A_1244] {strides = array<i32>} : memref<640x64xf32, #tpu.memory_space<vmem>>, vector<16xf32>,
        %mul3A_1246 = arith.mulf %get3A_777, %get3A_1245 : vector<16xf32>
        %add3A_1247 = arith.addf %mul3A_1242, %mul3A_1246 : vector<16xf32>
        %get3A_1248 = arith.index_cast %add3A_1238 : i32 to index
        %get3A_1249 = arith.constant 32 : index
        %get3A_1250 = tpu.vector_load %arg17[%get3A_1248, %get3A_1249] {strides = array<i32>} : memref<640x64xf32, #tpu.memory_space<vmem>>, vector<16xf32>,
        %mul3A_1251 = arith.mulf %get3A_780, %get3A_1250 : vector<16xf32>
        %add3A_1252 = arith.addf %add3A_1247, %mul3A_1251 : vector<16xf32>
        %get3A_1253 = arith.index_cast %add3A_1238 : i32 to index
        %get3A_1254 = arith.constant 48 : index
        %get3A_1255 = tpu.vector_load %arg17[%get3A_1253, %get3A_1254] {strides = array<i32>} : memref<640x64xf32, #tpu.memory_space<vmem>>, vector<16xf32>,
        %mul3A_1256 = arith.mulf %get3A_783, %get3A_1255 : vector<16xf32>
        %add3A_1257 = arith.addf %add3A_1252, %mul3A_1256 : vector<16xf32>
        %broadcast_in_dim3A_1258 = arith.constant true
        %broadcast_in_dim3A_1259 = vector.broadcast %broadcast_in_dim3A_1258 : i1 to vector<16xi1>
        %masked_cumsum3A_1260 = tpu.scan <sum>, %add3A_1257 masked %broadcast_in_dim3A_1259 : vector<16xf32>, vector<16xi1> -> vector<16xf32>
        %broadcast_in_dim3A_1261 = arith.constant 16 : i32
        %broadcast_in_dim3A_1262 = vector.broadcast %broadcast_in_dim3A_1261 : i32 to vector<16xi32>
        tpu.vector_store_idx %arg19[%broadcast_in_dim3A_1262, %add3A_787], %masked_cumsum3A_1260 masked %eq3A_253 : memref<32x128xf32, #tpu.memory_space<vmem>>[vector<16xi32>, vector<16xi32>], vector<16xf32>, vector<16xi1>
        %mul3A_1263 = arith.constant 20 : i32
        %mul3A_1264 = arith.muli %scan3A_772, %mul3A_1263 : i32
        %add3A_1265 = arith.constant 12 : i32
        %add3A_1266 = arith.addi %mul3A_1264, %add3A_1265 : i32
        %get3A_1267 = arith.index_cast %add3A_1266 : i32 to index
        %get3A_1268 = arith.constant 0 : index
        %get3A_1269 = tpu.vector_load %arg17[%get3A_1267, %get3A_1268] {strides = array<i32>} : memref<640x64xf32, #tpu.memory_space<vmem>>, vector<16xf32>,
        %mul3A_1270 = arith.mulf %get3A_774, %get3A_1269 : vector<16xf32>
        %get3A_1271 = arith.index_cast %add3A_1266 : i32 to index
        %get3A_1272 = arith.constant 16 : index
        %get3A_1273 = tpu.vector_load %arg17[%get3A_1271, %get3A_1272] {strides = array<i32>} : memref<640x64xf32, #tpu.memory_space<vmem>>, vector<16xf32>,
        %mul3A_1274 = arith.mulf %get3A_777, %get3A_1273 : vector<16xf32>
        %add3A_1275 = arith.addf %mul3A_1270, %mul3A_1274 : vector<16xf32>
        %get3A_1276 = arith.index_cast %add3A_1266 : i32 to index
        %get3A_1277 = arith.constant 32 : index
        %get3A_1278 = tpu.vector_load %arg17[%get3A_1276, %get3A_1277] {strides = array<i32>} : memref<640x64xf32, #tpu.memory_space<vmem>>, vector<16xf32>,
        %mul3A_1279 = arith.mulf %get3A_780, %get3A_1278 : vector<16xf32>
        %add3A_1280 = arith.addf %add3A_1275, %mul3A_1279 : vector<16xf32>
        %get3A_1281 = arith.index_cast %add3A_1266 : i32 to index
        %get3A_1282 = arith.constant 48 : index
        %get3A_1283 = tpu.vector_load %arg17[%get3A_1281, %get3A_1282] {strides = array<i32>} : memref<640x64xf32, #tpu.memory_space<vmem>>, vector<16xf32>,
        %mul3A_1284 = arith.mulf %get3A_783, %get3A_1283 : vector<16xf32>
        %add3A_1285 = arith.addf %add3A_1280, %mul3A_1284 : vector<16xf32>
        %broadcast_in_dim3A_1286 = arith.constant true
        %broadcast_in_dim3A_1287 = vector.broadcast %broadcast_in_dim3A_1286 : i1 to vector<16xi1>
        %masked_cumsum3A_1288 = tpu.scan <sum>, %add3A_1285 masked %broadcast_in_dim3A_1287 : vector<16xf32>, vector<16xi1> -> vector<16xf32>
        %broadcast_in_dim3A_1289 = arith.constant 17 : i32
        %broadcast_in_dim3A_1290 = vector.broadcast %broadcast_in_dim3A_1289 : i32 to vector<16xi32>
        tpu.vector_store_idx %arg19[%broadcast_in_dim3A_1290, %add3A_787], %masked_cumsum3A_1288 masked %eq3A_253 : memref<32x128xf32, #tpu.memory_space<vmem>>[vector<16xi32>, vector<16xi32>], vector<16xf32>, vector<16xi1>
        %mul3A_1291 = arith.constant 20 : i32
        %mul3A_1292 = arith.muli %scan3A_772, %mul3A_1291 : i32
        %add3A_1293 = arith.constant 13 : i32
        %add3A_1294 = arith.addi %mul3A_1292, %add3A_1293 : i32
        %get3A_1295 = arith.index_cast %add3A_1294 : i32 to index
        %get3A_1296 = arith.constant 0 : index
        %get3A_1297 = tpu.vector_load %arg17[%get3A_1295, %get3A_1296] {strides = array<i32>} : memref<640x64xf32, #tpu.memory_space<vmem>>, vector<16xf32>,
        %mul3A_1298 = arith.mulf %get3A_774, %get3A_1297 : vector<16xf32>
        %get3A_1299 = arith.index_cast %add3A_1294 : i32 to index
        %get3A_1300 = arith.constant 16 : index
        %get3A_1301 = tpu.vector_load %arg17[%get3A_1299, %get3A_1300] {strides = array<i32>} : memref<640x64xf32, #tpu.memory_space<vmem>>, vector<16xf32>,
        %mul3A_1302 = arith.mulf %get3A_777, %get3A_1301 : vector<16xf32>
        %add3A_1303 = arith.addf %mul3A_1298, %mul3A_1302 : vector<16xf32>
        %get3A_1304 = arith.index_cast %add3A_1294 : i32 to index
        %get3A_1305 = arith.constant 32 : index
        %get3A_1306 = tpu.vector_load %arg17[%get3A_1304, %get3A_1305] {strides = array<i32>} : memref<640x64xf32, #tpu.memory_space<vmem>>, vector<16xf32>,
        %mul3A_1307 = arith.mulf %get3A_780, %get3A_1306 : vector<16xf32>
        %add3A_1308 = arith.addf %add3A_1303, %mul3A_1307 : vector<16xf32>
        %get3A_1309 = arith.index_cast %add3A_1294 : i32 to index
        %get3A_1310 = arith.constant 48 : index
        %get3A_1311 = tpu.vector_load %arg17[%get3A_1309, %get3A_1310] {strides = array<i32>} : memref<640x64xf32, #tpu.memory_space<vmem>>, vector<16xf32>,
        %mul3A_1312 = arith.mulf %get3A_783, %get3A_1311 : vector<16xf32>
        %add3A_1313 = arith.addf %add3A_1308, %mul3A_1312 : vector<16xf32>
        %broadcast_in_dim3A_1314 = arith.constant true
        %broadcast_in_dim3A_1315 = vector.broadcast %broadcast_in_dim3A_1314 : i1 to vector<16xi1>
        %masked_cumsum3A_1316 = tpu.scan <sum>, %add3A_1313 masked %broadcast_in_dim3A_1315 : vector<16xf32>, vector<16xi1> -> vector<16xf32>
        %broadcast_in_dim3A_1317 = arith.constant 18 : i32
        %broadcast_in_dim3A_1318 = vector.broadcast %broadcast_in_dim3A_1317 : i32 to vector<16xi32>
        tpu.vector_store_idx %arg19[%broadcast_in_dim3A_1318, %add3A_787], %masked_cumsum3A_1316 masked %eq3A_253 : memref<32x128xf32, #tpu.memory_space<vmem>>[vector<16xi32>, vector<16xi32>], vector<16xf32>, vector<16xi1>
        %mul3A_1319 = arith.constant 20 : i32
        %mul3A_1320 = arith.muli %scan3A_772, %mul3A_1319 : i32
        %add3A_1321 = arith.constant 14 : i32
        %add3A_1322 = arith.addi %mul3A_1320, %add3A_1321 : i32
        %get3A_1323 = arith.index_cast %add3A_1322 : i32 to index
        %get3A_1324 = arith.constant 0 : index
        %get3A_1325 = tpu.vector_load %arg17[%get3A_1323, %get3A_1324] {strides = array<i32>} : memref<640x64xf32, #tpu.memory_space<vmem>>, vector<16xf32>,
        %mul3A_1326 = arith.mulf %get3A_774, %get3A_1325 : vector<16xf32>
        %get3A_1327 = arith.index_cast %add3A_1322 : i32 to index
        %get3A_1328 = arith.constant 16 : index
        %get3A_1329 = tpu.vector_load %arg17[%get3A_1327, %get3A_1328] {strides = array<i32>} : memref<640x64xf32, #tpu.memory_space<vmem>>, vector<16xf32>,
        %mul3A_1330 = arith.mulf %get3A_777, %get3A_1329 : vector<16xf32>
        %add3A_1331 = arith.addf %mul3A_1326, %mul3A_1330 : vector<16xf32>
        %get3A_1332 = arith.index_cast %add3A_1322 : i32 to index
        %get3A_1333 = arith.constant 32 : index
        %get3A_1334 = tpu.vector_load %arg17[%get3A_1332, %get3A_1333] {strides = array<i32>} : memref<640x64xf32, #tpu.memory_space<vmem>>, vector<16xf32>,
        %mul3A_1335 = arith.mulf %get3A_780, %get3A_1334 : vector<16xf32>
        %add3A_1336 = arith.addf %add3A_1331, %mul3A_1335 : vector<16xf32>
        %get3A_1337 = arith.index_cast %add3A_1322 : i32 to index
        %get3A_1338 = arith.constant 48 : index
        %get3A_1339 = tpu.vector_load %arg17[%get3A_1337, %get3A_1338] {strides = array<i32>} : memref<640x64xf32, #tpu.memory_space<vmem>>, vector<16xf32>,
        %mul3A_1340 = arith.mulf %get3A_783, %get3A_1339 : vector<16xf32>
        %add3A_1341 = arith.addf %add3A_1336, %mul3A_1340 : vector<16xf32>
        %broadcast_in_dim3A_1342 = arith.constant true
        %broadcast_in_dim3A_1343 = vector.broadcast %broadcast_in_dim3A_1342 : i1 to vector<16xi1>
        %masked_cumsum3A_1344 = tpu.scan <sum>, %add3A_1341 masked %broadcast_in_dim3A_1343 : vector<16xf32>, vector<16xi1> -> vector<16xf32>
        %broadcast_in_dim3A_1345 = arith.constant 19 : i32
        %broadcast_in_dim3A_1346 = vector.broadcast %broadcast_in_dim3A_1345 : i32 to vector<16xi32>
        tpu.vector_store_idx %arg19[%broadcast_in_dim3A_1346, %add3A_787], %masked_cumsum3A_1344 masked %eq3A_253 : memref<32x128xf32, #tpu.memory_space<vmem>>[vector<16xi32>, vector<16xi32>], vector<16xf32>, vector<16xi1>
        %mul3A_1347 = arith.constant 20 : i32
        %mul3A_1348 = arith.muli %scan3A_772, %mul3A_1347 : i32
        %add3A_1349 = arith.constant 15 : i32
        %add3A_1350 = arith.addi %mul3A_1348, %add3A_1349 : i32
        %get3A_1351 = arith.index_cast %add3A_1350 : i32 to index
        %get3A_1352 = arith.constant 0 : index
        %get3A_1353 = tpu.vector_load %arg17[%get3A_1351, %get3A_1352] {strides = array<i32>} : memref<640x64xf32, #tpu.memory_space<vmem>>, vector<16xf32>,
        %mul3A_1354 = arith.mulf %get3A_774, %get3A_1353 : vector<16xf32>
        %get3A_1355 = arith.index_cast %add3A_1350 : i32 to index
        %get3A_1356 = arith.constant 16 : index
        %get3A_1357 = tpu.vector_load %arg17[%get3A_1355, %get3A_1356] {strides = array<i32>} : memref<640x64xf32, #tpu.memory_space<vmem>>, vector<16xf32>,
        %mul3A_1358 = arith.mulf %get3A_777, %get3A_1357 : vector<16xf32>
        %add3A_1359 = arith.addf %mul3A_1354, %mul3A_1358 : vector<16xf32>
        %get3A_1360 = arith.index_cast %add3A_1350 : i32 to index
        %get3A_1361 = arith.constant 32 : index
        %get3A_1362 = tpu.vector_load %arg17[%get3A_1360, %get3A_1361] {strides = array<i32>} : memref<640x64xf32, #tpu.memory_space<vmem>>, vector<16xf32>,
        %mul3A_1363 = arith.mulf %get3A_780, %get3A_1362 : vector<16xf32>
        %add3A_1364 = arith.addf %add3A_1359, %mul3A_1363 : vector<16xf32>
        %get3A_1365 = arith.index_cast %add3A_1350 : i32 to index
        %get3A_1366 = arith.constant 48 : index
        %get3A_1367 = tpu.vector_load %arg17[%get3A_1365, %get3A_1366] {strides = array<i32>} : memref<640x64xf32, #tpu.memory_space<vmem>>, vector<16xf32>,
        %mul3A_1368 = arith.mulf %get3A_783, %get3A_1367 : vector<16xf32>
        %add3A_1369 = arith.addf %add3A_1364, %mul3A_1368 : vector<16xf32>
        %broadcast_in_dim3A_1370 = arith.constant true
        %broadcast_in_dim3A_1371 = vector.broadcast %broadcast_in_dim3A_1370 : i1 to vector<16xi1>
        %masked_cumsum3A_1372 = tpu.scan <sum>, %add3A_1369 masked %broadcast_in_dim3A_1371 : vector<16xf32>, vector<16xi1> -> vector<16xf32>
        %broadcast_in_dim3A_1373 = arith.constant 20 : i32
        %broadcast_in_dim3A_1374 = vector.broadcast %broadcast_in_dim3A_1373 : i32 to vector<16xi32>
        tpu.vector_store_idx %arg19[%broadcast_in_dim3A_1374, %add3A_787], %masked_cumsum3A_1372 masked %eq3A_253 : memref<32x128xf32, #tpu.memory_space<vmem>>[vector<16xi32>, vector<16xi32>], vector<16xf32>, vector<16xi1>
        %mul3A_1375 = arith.constant 20 : i32
        %mul3A_1376 = arith.muli %scan3A_772, %mul3A_1375 : i32
        %add3A_1377 = arith.constant 16 : i32
        %add3A_1378 = arith.addi %mul3A_1376, %add3A_1377 : i32
        %get3A_1379 = arith.index_cast %add3A_1378 : i32 to index
        %get3A_1380 = arith.constant 0 : index
        %get3A_1381 = tpu.vector_load %arg17[%get3A_1379, %get3A_1380] {strides = array<i32>} : memref<640x64xf32, #tpu.memory_space<vmem>>, vector<16xf32>,
        %mul3A_1382 = arith.mulf %get3A_774, %get3A_1381 : vector<16xf32>
        %get3A_1383 = arith.index_cast %add3A_1378 : i32 to index
        %get3A_1384 = arith.constant 16 : index
        %get3A_1385 = tpu.vector_load %arg17[%get3A_1383, %get3A_1384] {strides = array<i32>} : memref<640x64xf32, #tpu.memory_space<vmem>>, vector<16xf32>,
        %mul3A_1386 = arith.mulf %get3A_777, %get3A_1385 : vector<16xf32>
        %add3A_1387 = arith.addf %mul3A_1382, %mul3A_1386 : vector<16xf32>
        %get3A_1388 = arith.index_cast %add3A_1378 : i32 to index
        %get3A_1389 = arith.constant 32 : index
        %get3A_1390 = tpu.vector_load %arg17[%get3A_1388, %get3A_1389] {strides = array<i32>} : memref<640x64xf32, #tpu.memory_space<vmem>>, vector<16xf32>,
        %mul3A_1391 = arith.mulf %get3A_780, %get3A_1390 : vector<16xf32>
        %add3A_1392 = arith.addf %add3A_1387, %mul3A_1391 : vector<16xf32>
        %get3A_1393 = arith.index_cast %add3A_1378 : i32 to index
        %get3A_1394 = arith.constant 48 : index
        %get3A_1395 = tpu.vector_load %arg17[%get3A_1393, %get3A_1394] {strides = array<i32>} : memref<640x64xf32, #tpu.memory_space<vmem>>, vector<16xf32>,
        %mul3A_1396 = arith.mulf %get3A_783, %get3A_1395 : vector<16xf32>
        %add3A_1397 = arith.addf %add3A_1392, %mul3A_1396 : vector<16xf32>
        %broadcast_in_dim3A_1398 = arith.constant true
        %broadcast_in_dim3A_1399 = vector.broadcast %broadcast_in_dim3A_1398 : i1 to vector<16xi1>
        %masked_cumsum3A_1400 = tpu.scan <sum>, %add3A_1397 masked %broadcast_in_dim3A_1399 : vector<16xf32>, vector<16xi1> -> vector<16xf32>
        %broadcast_in_dim3A_1401 = arith.constant 21 : i32
        %broadcast_in_dim3A_1402 = vector.broadcast %broadcast_in_dim3A_1401 : i32 to vector<16xi32>
        tpu.vector_store_idx %arg19[%broadcast_in_dim3A_1402, %add3A_787], %masked_cumsum3A_1400 masked %eq3A_253 : memref<32x128xf32, #tpu.memory_space<vmem>>[vector<16xi32>, vector<16xi32>], vector<16xf32>, vector<16xi1>
        %mul3A_1403 = arith.constant 20 : i32
        %mul3A_1404 = arith.muli %scan3A_772, %mul3A_1403 : i32
        %add3A_1405 = arith.constant 17 : i32
        %add3A_1406 = arith.addi %mul3A_1404, %add3A_1405 : i32
        %get3A_1407 = arith.index_cast %add3A_1406 : i32 to index
        %get3A_1408 = arith.constant 0 : index
        %get3A_1409 = tpu.vector_load %arg17[%get3A_1407, %get3A_1408] {strides = array<i32>} : memref<640x64xf32, #tpu.memory_space<vmem>>, vector<16xf32>,
        %mul3A_1410 = arith.mulf %get3A_774, %get3A_1409 : vector<16xf32>
        %get3A_1411 = arith.index_cast %add3A_1406 : i32 to index
        %get3A_1412 = arith.constant 16 : index
        %get3A_1413 = tpu.vector_load %arg17[%get3A_1411, %get3A_1412] {strides = array<i32>} : memref<640x64xf32, #tpu.memory_space<vmem>>, vector<16xf32>,
        %mul3A_1414 = arith.mulf %get3A_777, %get3A_1413 : vector<16xf32>
        %add3A_1415 = arith.addf %mul3A_1410, %mul3A_1414 : vector<16xf32>
        %get3A_1416 = arith.index_cast %add3A_1406 : i32 to index
        %get3A_1417 = arith.constant 32 : index
        %get3A_1418 = tpu.vector_load %arg17[%get3A_1416, %get3A_1417] {strides = array<i32>} : memref<640x64xf32, #tpu.memory_space<vmem>>, vector<16xf32>,
        %mul3A_1419 = arith.mulf %get3A_780, %get3A_1418 : vector<16xf32>
        %add3A_1420 = arith.addf %add3A_1415, %mul3A_1419 : vector<16xf32>
        %get3A_1421 = arith.index_cast %add3A_1406 : i32 to index
        %get3A_1422 = arith.constant 48 : index
        %get3A_1423 = tpu.vector_load %arg17[%get3A_1421, %get3A_1422] {strides = array<i32>} : memref<640x64xf32, #tpu.memory_space<vmem>>, vector<16xf32>,
        %mul3A_1424 = arith.mulf %get3A_783, %get3A_1423 : vector<16xf32>
        %add3A_1425 = arith.addf %add3A_1420, %mul3A_1424 : vector<16xf32>
        %broadcast_in_dim3A_1426 = arith.constant true
        %broadcast_in_dim3A_1427 = vector.broadcast %broadcast_in_dim3A_1426 : i1 to vector<16xi1>
        %masked_cumsum3A_1428 = tpu.scan <sum>, %add3A_1425 masked %broadcast_in_dim3A_1427 : vector<16xf32>, vector<16xi1> -> vector<16xf32>
        %broadcast_in_dim3A_1429 = arith.constant 22 : i32
        %broadcast_in_dim3A_1430 = vector.broadcast %broadcast_in_dim3A_1429 : i32 to vector<16xi32>
        tpu.vector_store_idx %arg19[%broadcast_in_dim3A_1430, %add3A_787], %masked_cumsum3A_1428 masked %eq3A_253 : memref<32x128xf32, #tpu.memory_space<vmem>>[vector<16xi32>, vector<16xi32>], vector<16xf32>, vector<16xi1>
        %mul3A_1431 = arith.constant 20 : i32
        %mul3A_1432 = arith.muli %scan3A_772, %mul3A_1431 : i32
        %add3A_1433 = arith.constant 18 : i32
        %add3A_1434 = arith.addi %mul3A_1432, %add3A_1433 : i32
        %get3A_1435 = arith.index_cast %add3A_1434 : i32 to index
        %get3A_1436 = arith.constant 0 : index
        %get3A_1437 = tpu.vector_load %arg17[%get3A_1435, %get3A_1436] {strides = array<i32>} : memref<640x64xf32, #tpu.memory_space<vmem>>, vector<16xf32>,
        %mul3A_1438 = arith.mulf %get3A_774, %get3A_1437 : vector<16xf32>
        %get3A_1439 = arith.index_cast %add3A_1434 : i32 to index
        %get3A_1440 = arith.constant 16 : index
        %get3A_1441 = tpu.vector_load %arg17[%get3A_1439, %get3A_1440] {strides = array<i32>} : memref<640x64xf32, #tpu.memory_space<vmem>>, vector<16xf32>,
        %mul3A_1442 = arith.mulf %get3A_777, %get3A_1441 : vector<16xf32>
        %add3A_1443 = arith.addf %mul3A_1438, %mul3A_1442 : vector<16xf32>
        %get3A_1444 = arith.index_cast %add3A_1434 : i32 to index
        %get3A_1445 = arith.constant 32 : index
        %get3A_1446 = tpu.vector_load %arg17[%get3A_1444, %get3A_1445] {strides = array<i32>} : memref<640x64xf32, #tpu.memory_space<vmem>>, vector<16xf32>,
        %mul3A_1447 = arith.mulf %get3A_780, %get3A_1446 : vector<16xf32>
        %add3A_1448 = arith.addf %add3A_1443, %mul3A_1447 : vector<16xf32>
        %get3A_1449 = arith.index_cast %add3A_1434 : i32 to index
        %get3A_1450 = arith.constant 48 : index
        %get3A_1451 = tpu.vector_load %arg17[%get3A_1449, %get3A_1450] {strides = array<i32>} : memref<640x64xf32, #tpu.memory_space<vmem>>, vector<16xf32>,
        %mul3A_1452 = arith.mulf %get3A_783, %get3A_1451 : vector<16xf32>
        %add3A_1453 = arith.addf %add3A_1448, %mul3A_1452 : vector<16xf32>
        %broadcast_in_dim3A_1454 = arith.constant true
        %broadcast_in_dim3A_1455 = vector.broadcast %broadcast_in_dim3A_1454 : i1 to vector<16xi1>
        %masked_cumsum3A_1456 = tpu.scan <sum>, %add3A_1453 masked %broadcast_in_dim3A_1455 : vector<16xf32>, vector<16xi1> -> vector<16xf32>
        %broadcast_in_dim3A_1457 = arith.constant 23 : i32
        %broadcast_in_dim3A_1458 = vector.broadcast %broadcast_in_dim3A_1457 : i32 to vector<16xi32>
        tpu.vector_store_idx %arg19[%broadcast_in_dim3A_1458, %add3A_787], %masked_cumsum3A_1456 masked %eq3A_253 : memref<32x128xf32, #tpu.memory_space<vmem>>[vector<16xi32>, vector<16xi32>], vector<16xf32>, vector<16xi1>
        %mul3A_1459 = arith.constant 20 : i32
        %mul3A_1460 = arith.muli %scan3A_772, %mul3A_1459 : i32
        %add3A_1461 = arith.constant 19 : i32
        %add3A_1462 = arith.addi %mul3A_1460, %add3A_1461 : i32
        %get3A_1463 = arith.index_cast %add3A_1462 : i32 to index
        %get3A_1464 = arith.constant 0 : index
        %get3A_1465 = tpu.vector_load %arg17[%get3A_1463, %get3A_1464] {strides = array<i32>} : memref<640x64xf32, #tpu.memory_space<vmem>>, vector<16xf32>,
        %mul3A_1466 = arith.mulf %get3A_774, %get3A_1465 : vector<16xf32>
        %get3A_1467 = arith.index_cast %add3A_1462 : i32 to index
        %get3A_1468 = arith.constant 16 : index
        %get3A_1469 = tpu.vector_load %arg17[%get3A_1467, %get3A_1468] {strides = array<i32>} : memref<640x64xf32, #tpu.memory_space<vmem>>, vector<16xf32>,
        %mul3A_1470 = arith.mulf %get3A_777, %get3A_1469 : vector<16xf32>
        %add3A_1471 = arith.addf %mul3A_1466, %mul3A_1470 : vector<16xf32>
        %get3A_1472 = arith.index_cast %add3A_1462 : i32 to index
        %get3A_1473 = arith.constant 32 : index
        %get3A_1474 = tpu.vector_load %arg17[%get3A_1472, %get3A_1473] {strides = array<i32>} : memref<640x64xf32, #tpu.memory_space<vmem>>, vector<16xf32>,
        %mul3A_1475 = arith.mulf %get3A_780, %get3A_1474 : vector<16xf32>
        %add3A_1476 = arith.addf %add3A_1471, %mul3A_1475 : vector<16xf32>
        %get3A_1477 = arith.index_cast %add3A_1462 : i32 to index
        %get3A_1478 = arith.constant 48 : index
        %get3A_1479 = tpu.vector_load %arg17[%get3A_1477, %get3A_1478] {strides = array<i32>} : memref<640x64xf32, #tpu.memory_space<vmem>>, vector<16xf32>,
        %mul3A_1480 = arith.mulf %get3A_783, %get3A_1479 : vector<16xf32>
        %add3A_1481 = arith.addf %add3A_1476, %mul3A_1480 : vector<16xf32>
        %broadcast_in_dim3A_1482 = arith.constant true
        %broadcast_in_dim3A_1483 = vector.broadcast %broadcast_in_dim3A_1482 : i1 to vector<16xi1>
        %masked_cumsum3A_1484 = tpu.scan <sum>, %add3A_1481 masked %broadcast_in_dim3A_1483 : vector<16xf32>, vector<16xi1> -> vector<16xf32>
        %broadcast_in_dim3A_1485 = arith.constant 24 : i32
        %broadcast_in_dim3A_1486 = vector.broadcast %broadcast_in_dim3A_1485 : i32 to vector<16xi32>
        tpu.vector_store_idx %arg19[%broadcast_in_dim3A_1486, %add3A_787], %masked_cumsum3A_1484 masked %eq3A_253 : memref<32x128xf32, #tpu.memory_space<vmem>>[vector<16xi32>, vector<16xi32>], vector<16xf32>, vector<16xi1>
      }
      %scan3A_764 = arith.constant 32 : i32
      %mul3A_765 = arith.constant 512 : i32
      %mul3A_766 = arith.muli %add3A, %mul3A_765 : i32
      %mul3A_767 = arith.constant 4 : i32
      %mul3A_768 = arith.muli %scan3A_320, %mul3A_767 : i32
      %mul3A_769 = arith.constant 32 : i32
      %mul3A_770 = arith.muli %mul3A_768, %mul3A_769 : i32
      %add3A_771 = arith.addi %mul3A_766, %mul3A_770 : i32
      %multiple_of3A = tpu.assume_multiple %add3A_771, 128 : i32
      "tpu.region"() ({
        %run_scoped3A = tpu.sem_alloc : memref<!tpu.dma_semaphore, #tpu.memory_space<semaphore_mem>>
        %dma_start3A_772 = arith.constant 0 : i32
        %dma_start3A_773 = tpu.memref_slice %arg7[%dma_start3A_772, %multiple_of3A] : memref<32x16384xf32, #tpu.memory_space<hbm>> -> memref<32x128xf32, #tpu.memory_space<hbm>>
        %dma_start3A_774 = arith.constant 0 : i32
        %dma_start3A_775 = tpu.memref_slice %arg7[%dma_start3A_774, %multiple_of3A] : memref<32x16384xf32, #tpu.memory_space<hbm>> -> memref<32x128xf32, #tpu.memory_space<hbm>>
        tpu.enqueue_dma source(%arg19 : memref<32x128xf32, #tpu.memory_space<vmem>>) target(%dma_start3A_775 : memref<32x128xf32, #tpu.memory_space<hbm>>) target_semaphore(%run_scoped3A : memref<!tpu.dma_semaphore, #tpu.memory_space<semaphore_mem>>)
        %dma_wait3A_776 = arith.constant 0 : i32
        %dma_wait3A_777 = tpu.memref_slice %arg7[%dma_wait3A_776, %multiple_of3A] : memref<32x16384xf32, #tpu.memory_space<hbm>> -> memref<32x128xf32, #tpu.memory_space<hbm>>
        %dma_wait3A_778 = arith.constant 0 : i32
        %dma_wait3A_779 = tpu.memref_slice %arg7[%dma_wait3A_778, %multiple_of3A] : memref<32x16384xf32, #tpu.memory_space<hbm>> -> memref<32x128xf32, #tpu.memory_space<hbm>>
        tpu.wait_dma2 semaphore(%run_scoped3A : memref<!tpu.dma_semaphore, #tpu.memory_space<semaphore_mem>>) src(%arg19 : memref<32x128xf32, #tpu.memory_space<vmem>>) dst(%dma_wait3A_779 : memref<32x128xf32, #tpu.memory_space<hbm>>)
        tpu.yield
      }) : () -> ()
    }
    %scan3A_319 = arith.constant 4 : i32
    return
  }
}

module attributes {stable_mosaic.version = 14 : i64} {
  func.func @_tr_kernel(%arg0: i32, %arg1: memref<64x10240xf32, #tpu.memory_space<vmem>>, %arg2: memref<64x10240xf32, #tpu.memory_space<vmem>>, %arg3: memref<64x10240xf32, #tpu.memory_space<vmem>>, %arg4: memref<64x10240xf32, #tpu.memory_space<vmem>>, %arg5: memref<10240x128xf32, #tpu.memory_space<vmem>>, %arg6: memref<10240x128xf32, #tpu.memory_space<vmem>>) attributes {dimension_semantics = [#tpu.dimension_semantics<arbitrary>], iteration_bounds = array<i64: 49>, scalar_prefetch = 0 : i64, scratch_operands = 0 : i64, tpu.core_type = #tpu.core_type<tc>, window_params = [{transform_indices = @transform_0, window_bounds = array<i64: 64, 10240>}, {transform_indices = @transform_1, window_bounds = array<i64: 64, 10240>}, {transform_indices = @transform_2, window_bounds = array<i64: 64, 10240>}, {transform_indices = @transform_3, window_bounds = array<i64: 64, 10240>}, {transform_indices = @transform_4, window_bounds = array<i64: 10240, 128>}, {transform_indices = @transform_5, window_bounds = array<i64: 10240, 128>}]} {
    %get3A = arith.constant 0 : index
    %get3A_0 = arith.constant 0 : index
    %get3A_1 = vector.load %arg1[%get3A, %get3A_0] : memref<64x10240xf32, #tpu.memory_space<vmem>>, vector<64x10240xf32>
    %transpose3A = tpu.transpose %get3A_1, [1, 0] : vector<64x10240xf32> -> vector<10240x64xf32>
    %get3A_2 = arith.constant 0 : index
    %get3A_3 = arith.constant 0 : index
    %get3A_4 = vector.load %arg2[%get3A_2, %get3A_3] : memref<64x10240xf32, #tpu.memory_space<vmem>>, vector<64x10240xf32>
    %transpose3A_5 = tpu.transpose %get3A_4, [1, 0] : vector<64x10240xf32> -> vector<10240x64xf32>
    %concatenate3A = tpu.concatenate %transpose3A, %transpose3A_5 in 1 : vector<10240x64xf32>, vector<10240x64xf32> -> vector<10240x128xf32>
    %swap3A = arith.constant 0 : index
    %swap3A_6 = arith.constant 0 : index
    %swap3A_7 = vector.load %arg5[%swap3A, %swap3A_6] : memref<10240x128xf32, #tpu.memory_space<vmem>>, vector<10240x128xf32>
    tpu.vector_store %arg5[%swap3A, %swap3A_6], %concatenate3A {strides = array<i32>} : memref<10240x128xf32, #tpu.memory_space<vmem>>, vector<10240x128xf32>,
    %get3A_8 = arith.constant 0 : index
    %get3A_9 = arith.constant 0 : index
    %get3A_10 = vector.load %arg3[%get3A_8, %get3A_9] : memref<64x10240xf32, #tpu.memory_space<vmem>>, vector<64x10240xf32>
    %transpose3A_11 = tpu.transpose %get3A_10, [1, 0] : vector<64x10240xf32> -> vector<10240x64xf32>
    %get3A_12 = arith.constant 0 : index
    %get3A_13 = arith.constant 0 : index
    %get3A_14 = vector.load %arg4[%get3A_12, %get3A_13] : memref<64x10240xf32, #tpu.memory_space<vmem>>, vector<64x10240xf32>
    %transpose3A_15 = tpu.transpose %get3A_14, [1, 0] : vector<64x10240xf32> -> vector<10240x64xf32>
    %concatenate3A_16 = tpu.concatenate %transpose3A_11, %transpose3A_15 in 1 : vector<10240x64xf32>, vector<10240x64xf32> -> vector<10240x128xf32>
    %swap3A_17 = arith.constant 0 : index
    %swap3A_18 = arith.constant 0 : index
    %swap3A_19 = vector.load %arg6[%swap3A_17, %swap3A_18] : memref<10240x128xf32, #tpu.memory_space<vmem>>, vector<10240x128xf32>
    tpu.vector_store %arg6[%swap3A_17, %swap3A_18], %concatenate3A_16 {strides = array<i32>} : memref<10240x128xf32, #tpu.memory_space<vmem>>, vector<10240x128xf32>,
    return
  }
  func.func @transform_0(%arg0: i32) -> (i32, i32) {
    %c0_i32 = arith.constant 0 : i32
    %c0_i32_0 = arith.constant 0 : i32
    return %c0_i32, %arg0 : i32, i32
  }
  func.func @transform_1(%arg0: i32) -> (i32, i32) {
    %add3A = arith.constant 49 : i32
    %add3A_0 = arith.addi %add3A, %arg0 : i32
    %min3A = arith.constant 97 : i32
    %min3A_1 = arith.minsi %add3A_0, %min3A : i32
    %c0_i32 = arith.constant 0 : i32
    %c0_i32_2 = arith.constant 0 : i32
    return %c0_i32, %min3A_1 : i32, i32
  }
  func.func @transform_2(%arg0: i32) -> (i32, i32) {
    %c0_i32 = arith.constant 0 : i32
    %c0_i32_0 = arith.constant 0 : i32
    return %c0_i32, %arg0 : i32, i32
  }
  func.func @transform_3(%arg0: i32) -> (i32, i32) {
    %add3A = arith.constant 49 : i32
    %add3A_0 = arith.addi %add3A, %arg0 : i32
    %min3A = arith.constant 97 : i32
    %min3A_1 = arith.minsi %add3A_0, %min3A : i32
    %c0_i32 = arith.constant 0 : i32
    %c0_i32_2 = arith.constant 0 : i32
    return %c0_i32, %min3A_1 : i32, i32
  }
  func.func @transform_4(%arg0: i32) -> (i32, i32) {
    %c0_i32 = arith.constant 0 : i32
    %c0_i32_0 = arith.constant 0 : i32
    return %arg0, %c0_i32 : i32, i32
  }
  func.func @transform_5(%arg0: i32) -> (i32, i32) {
    %c0_i32 = arith.constant 0 : i32
    %c0_i32_0 = arith.constant 0 : i32
    return %arg0, %c0_i32 : i32, i32
  }
}

module attributes {stable_mosaic.version = 14 : i64} {
  func.func @_tc_loss_kernel(%arg0: memref<32x16384xf32, #tpu.memory_space<vmem>>, %arg1: memref<1x1xf32, #tpu.memory_space<smem>>) attributes {dimension_semantics = [], scalar_prefetch = 0 : i64, scratch_operands = 0 : i64, tpu.core_type = #tpu.core_type<tc>} {
    %get3A = arith.constant 0 : index
    %get3A_0 = arith.constant 0 : index
    %get3A_1 = vector.load %arg0[%get3A, %get3A_0] : memref<32x16384xf32, #tpu.memory_space<vmem>>, vector<32x16384xf32>
    %iota3A = tpu.iota {dimensions = array<i32: 0>} : vector<32x16384xi32>
    %lt3A = arith.constant 5 : i32
    %lt3A_2 = vector.broadcast %lt3A : i32 to vector<32x16384xi32>
    %lt3A_3 = arith.cmpi slt, %iota3A, %lt3A_2 : vector<32x16384xi32>
    %neg3A = arith.constant 0.000000e+00 : f32
    %neg3A_4 = vector.broadcast %neg3A : f32 to vector<32x16384xf32>
    %neg3A_5 = arith.subf %neg3A_4, %get3A_1 : vector<32x16384xf32>
    %select_n3A = arith.select %lt3A_3, %get3A_1, %neg3A_5 : vector<32x16384xi1>, vector<32x16384xf32>
    %lt3A_6 = arith.constant 25 : i32
    %lt3A_7 = vector.broadcast %lt3A_6 : i32 to vector<32x16384xi32>
    %lt3A_8 = arith.cmpi slt, %iota3A, %lt3A_7 : vector<32x16384xi32>
    %neg3A_9 = arith.constant 0.000000e+00 : f32
    %neg3A_10 = vector.broadcast %neg3A_9 : f32 to vector<32x16384xf32>
    %neg3A_11 = arith.subf %neg3A_10, %select_n3A : vector<32x16384xf32>
    %custom_jvp_call3A = arith.constant 0.000000e+00 : f32
    %max3A = vector.broadcast %custom_jvp_call3A : f32 to vector<32x16384xf32>
    %max3A_12 = arith.maximumf %neg3A_11, %max3A : vector<32x16384xf32>
    %sub3A = vector.broadcast %custom_jvp_call3A : f32 to vector<32x16384xf32>
    %sub3A_13 = arith.subf %neg3A_11, %sub3A : vector<32x16384xf32>
    %ne3A = arith.cmpf one, %sub3A_13, %sub3A_13 : vector<32x16384xf32>
    %add3A = vector.broadcast %custom_jvp_call3A : f32 to vector<32x16384xf32>
    %add3A_14 = arith.addf %neg3A_11, %add3A : vector<32x16384xf32>
    %abs3A = math.absf %sub3A_13 : vector<32x16384xf32>
    %neg3A_15 = arith.constant 0.000000e+00 : f32
    %neg3A_16 = vector.broadcast %neg3A_15 : f32 to vector<32x16384xf32>
    %neg3A_17 = arith.subf %neg3A_16, %abs3A : vector<32x16384xf32>
    %exp3A = math.exp %neg3A_17 : vector<32x16384xf32>
    %log1p3A = math.log1p %exp3A : vector<32x16384xf32>
    %add3A_18 = arith.addf %max3A_12, %log1p3A : vector<32x16384xf32>
    %select_n3A_19 = arith.select %ne3A, %add3A_14, %add3A_18 : vector<32x16384xi1>, vector<32x16384xf32>
    %neg3A_20 = arith.constant 0.000000e+00 : f32
    %neg3A_21 = vector.broadcast %neg3A_20 : f32 to vector<32x16384xf32>
    %neg3A_22 = arith.subf %neg3A_21, %select_n3A_19 : vector<32x16384xf32>
    %jit3A = arith.constant 0.000000e+00 : f32
    %broadcast_in_dim3A = vector.broadcast %jit3A : f32 to vector<32x16384xf32>
    %select_n3A_23 = arith.select %lt3A_8, %neg3A_22, %broadcast_in_dim3A : vector<32x16384xi1>, vector<32x16384xf32>
    %reduce_sum3A = vector.shape_cast %select_n3A_23 : vector<32x16384xf32> to vector<1x32x16384xf32>
    %reduce_sum3A_24 = arith.constant dense<0.000000e+00> : vector<1xf32>
    %reduce_sum3A_25 = vector.multi_reduction <add>, %reduce_sum3A, %reduce_sum3A_24 [1, 2] : vector<1x32x16384xf32> to vector<1xf32>
    %reduce_sum3A_26 = vector.shape_cast %reduce_sum3A_25 : vector<1xf32> to vector<1x1x1xf32>
    %reduce_sum3A_27 = vector.extract %reduce_sum3A_26[0, 0, 0] : f32 from vector<1x1x1xf32>
    %neg3A_28 = arith.constant 0.000000e+00 : f32
    %neg3A_29 = arith.subf %neg3A_28, %reduce_sum3A_27 : f32
    %div3A = arith.constant 1.638400e+04 : f32
    %div3A_30 = arith.divf %neg3A_29, %div3A : f32
    %swap3A = arith.constant 0 : index
    %swap3A_31 = arith.constant 0 : index
    %swap3A_32 = memref.load %arg1[%swap3A, %swap3A_31] : memref<1x1xf32, #tpu.memory_space<smem>>
    memref.store %div3A_30, %arg1[%swap3A, %swap3A_31] : memref<1x1xf32, #tpu.memory_space<smem>>
    return
  }
}

</mosaic_0001>

<sc_bundles>
// kernel: kernel.5.cloned.1.call-start
scs
__scs_entry_jumppad:
0x0: {  	(pc) =	sbr.rel $0x88, $3  }
0x1: {  	(tag) =	ssettag $0x0;
	lr =	simm.s32 $0x1  }
0x2: {  	[smem:$0x3F9C] =	sst lr;
	_ =	strace $0xD0000000  }
0x3: {  	_ = 	snop  }
0x4: {  	_ = 	snop  }
0x5: {  	_ = 	snop  }
0x6: {  	_ = 	snop  }
0x7: {  	_ = 	snop  }
__scs_overlays_trampoline_lowered:
0x8: {  	[smem:$0x3FAB] =	sst s0  }
0x9: {  	[smem:$0x3FAC] =	sst s1  }
0xa: {  	[smem:$0x3FAD] =	sst s2  }
0xb: {  	[smem:$0x3FAE] =	sst s3  }
0xc: {  	[smem:$0x3FAF] =	sst s4  }
0xd: {  	[smem:$0x3FB0] =	sst s5  }
0xe: {  	[smem:$0x3FB1] =	sst s6  }
0xf: {  	[smem:$0x3FB2] =	sst s7  }
0x10: {  	[smem:$0x3FB3] =	sst s8  }
0x11: {  	[smem:$0x3FB4] =	sst s9;
	s0 =	simm.s32 @!p0 $0x0  }
0x12: {  	s1 =	sld [smem:$0x3F9A];
	s0 =	simm.s32 @p0 $0x1  }
0x13: {  	[smem:$0x3FB5] =	sst s0;
	s0 =	simm.s32 @!p1 $0x0  }
0x14: {  	s2 =	sld [smem:$0x3F99];
	s0 =	simm.s32 @p1 $0x1  }
0x15: {  	[smem:$0x3FB6] =	sst s0;
	s0 =	simm.s32 @!p2 $0x0  }
0x16: {  	s3 =	sld [smem:$0x3FDB];
	s0 =	simm.s32 @p2 $0x1  }
0x17: {  	s4 =	simm.s32 $0x1BF5;
	[smem:$0x3FB8] =	sst s0  }
0x18: {  	s0 =	sld [smem:$0x3F9B];
	_ =	swait.ge [sflag:s4], $0x0  }
0x19: {  	s7 =	sld [smem:$0x3F9C]  }
0x1a: {  	s8 =	sadd.s32 $0xFFFFE003, lr  }
0x1b: {  	s9 =	sadd.s32 $0xFFFFFEF7, lr;
	s5 =	simm.s32 $0xFFFFFFFF;
	p2 =	slt.u32 s8, $0xFFFFF086  }
0x1c: {  	p1 =	slt.u32 s9, $0xF7A;
	s5 =	simm.s32 @!p2 $0x0  }
0x1d: {  	s5 =	simm.s32 @p1 $0x1;
	p0 =	seq.s32 s7, s2  }
0x1e: {  	s7 =	smul.u32 @!p0 $0xF7A, s2;
	p2 =	seq.s32 @!p0 s5, $0x0  }
0x1f: {  	s9 =	smul.u32 $0xF7A, s1;
	s8 =	simm.s32 @!p0 $0x1BF5;
	p2 =	por !p2, p0  }
0x20: {  	[sflag:s8] =	ssyncset.s32 @!p0 $0xFFFFF086;
	s6 =	sadd.s32 @!p0 s3, s7;
	s7 =	simm.s32 @!p0 $0x108  }
0x21: {  	s3 =	sadd.s32 s3, s9;
	s6 =	sadd.s32 @!p0 $0x88, s6;
	s7 =	simm.s32 @p2 $0x1082  }
0x22: {  	[simem:s7], [sflag:s8] =	dma.local @!p0 [hbm:s6], $0xF7A  }
0x23: {  	s9 =	sor.u32 $0xD0000000, s2;
	s6 =	simm.s32 $0x108;
	_ =	swait.ge @!p0 [sflag:s8], $0x0  }
0x24: {  	s3 =	sadd.s32 $0x88, s3;
	s6 =	simm.s32 @!p1 $0x1082;
	[sflag:s4] =	ssyncset.s32 $0xFFFFF086  }
0x25: {  	[simem:s6], [sflag:s4] =	dma.local [hbm:s3], $0xF7A  }
0x26: {  	[smem:$0x3F9C] =	sst s1;
	(tag) =	ssettag s2;
	_ =	strace s9  }
0x27: {  	s1 =	sld [smem:$0x3FAC]  }
0x28: {  	s2 =	sld [smem:$0x3FAD]  }
0x29: {  	s4 =	sld [smem:$0x3FAF]  }
0x2a: {  	p0 =	seq.s32 s5, $0x0;
	s5 =	sld [smem:$0x3FB0]  }
0x2b: {  	s6 =	sld [smem:$0x3FB1]  }
0x2c: {  	s7 =	sld [smem:$0x3FB2]  }
0x2d: {  	s3 =	simm.s32 $0x108;
	s8 =	sld [smem:$0x3FB3]  }
0x2e: {  	s3 =	simm.s32 @!p0 $0x1082;
	s9 =	sld [smem:$0x3FB4]  }
0x2f: {  	lr =	sadd.s32 s0, s3;
	s0 =	sld [smem:$0x3FAB]  }
0x30: {  	s3 =	sld [smem:$0x3FAE]  }
0x31: {  	[smem:$0x3FB7] =	sst s10  }
0x32: {  	s10 =	sld [smem:$0x3FB5];
	_ =	sdelay $0x3  }
0x33: {  	p0 =	seq.s32 s10, $0x1;
	s10 =	sld [smem:$0x3FB7];
	_ =	sdelay $0x3  }
0x34: {  	[smem:$0x3FB7] =	sst s10  }
0x35: {  	s10 =	sld [smem:$0x3FB6];
	_ =	sdelay $0x3  }
0x36: {  	p1 =	seq.s32 s10, $0x1;
	s10 =	sld [smem:$0x3FB7];
	_ =	sdelay $0x3  }
0x37: {  	[smem:$0x3FB7] =	sst s10  }
0x38: {  	s10 =	sld [smem:$0x3FB8]  }
0x39: {  	_ = 	snop;
	(pc) =	sbr.ind lr, $3  }
0x3a: {  	_ = 	snop  }
0x3b: {  	_ = 	snop  }
0x3c: {  	p2 =	seq.s32 s10, $0x1;
	s10 =	sld [smem:$0x3FB7]  }
0x3d: {  	_ =	shalt  }
0x3e: {  	_ =	shalt  }
0x3f: {  	_ =	shalt  }
0x40: {  	_ =	shalt  }
0x41: {  	_ =	shalt  }
0x42: {  	_ =	shalt  }
0x43: {  	_ =	shalt  }
0x44: {  	_ =	shalt  }
0x45: {  	_ =	shalt  }
0x46: {  	_ =	shalt  }
0x47: {  	_ =	shalt  }
0x48: {  	_ =	shalt  }
0x49: {  	_ =	shalt  }
0x4a: {  	_ =	shalt  }
0x4b: {  	_ =	shalt  }
0x4c: {  	_ =	shalt  }
0x4d: {  	_ =	shalt  }
0x4e: {  	_ =	shalt  }
0x4f: {  	_ =	shalt  }
0x50: {  	_ =	shalt  }
0x51: {  	_ =	shalt  }
0x52: {  	_ =	shalt  }
0x53: {  	_ =	shalt  }
0x54: {  	_ =	shalt  }
0x55: {  	_ =	shalt  }
0x56: {  	_ =	shalt  }
0x57: {  	_ =	shalt  }
0x58: {  	_ =	shalt  }
0x59: {  	_ =	shalt  }
0x5a: {  	_ =	shalt  }
0x5b: {  	_ =	shalt  }
0x5c: {  	_ =	shalt  }
0x5d: {  	_ =	shalt  }
0x5e: {  	_ =	shalt  }
0x5f: {  	_ =	shalt  }
0x60: {  	_ =	shalt  }
0x61: {  	_ =	shalt  }
0x62: {  	_ =	shalt  }
0x63: {  	_ =	shalt  }
0x64: {  	_ =	shalt  }
0x65: {  	_ =	shalt  }
0x66: {  	_ =	shalt  }
0x67: {  	_ =	shalt  }
0x68: {  	_ =	shalt  }
0x69: {  	_ =	shalt  }
0x6a: {  	_ =	shalt  }
0x6b: {  	_ =	shalt  }
0x6c: {  	_ =	shalt  }
0x6d: {  	_ =	shalt  }
0x6e: {  	_ =	shalt  }
0x6f: {  	_ =	shalt  }
0x70: {  	_ =	shalt  }
0x71: {  	_ =	shalt  }
0x72: {  	_ =	shalt  }
0x73: {  	_ =	shalt  }
0x74: {  	_ =	shalt  }
0x75: {  	_ =	shalt  }
0x76: {  	_ =	shalt  }
0x77: {  	_ =	shalt  }
0x78: {  	_ =	shalt  }
0x79: {  	_ =	shalt  }
0x7a: {  	_ =	shalt  }
0x7b: {  	_ =	shalt  }
0x7c: {  	_ =	shalt  }
0x7d: {  	_ =	shalt  }
0x7e: {  	_ =	shalt  }
0x7f: {  	_ =	shalt  }
0x80: {  	_ =	shalt  }
0x81: {  	_ =	shalt  }
0x82: {  	_ =	shalt  }
0x83: {  	_ =	shalt  }
0x84: {  	_ =	shalt  }
0x85: {  	_ =	shalt  }
0x86: {  	_ =	shalt  }
0x87: {  	_ =	shalt  }
.Lfunc_end0:
.L_simem_size_0:
called_computation_lowered:
.L_overlay_start_0:
0x88: {  	s2 =	sld [smem:$0x3FD9]  }
0x89: {  	s3 =	sld [smem:$0x3FFE];
	_ =	sdelay $0x1  }
0x8a: {  	s1 =	srdreg.scid  }
0x8b: {  	s0 =	sand.u32 $0x1, s1  }
0x8c: {  	s17 =	sshll.u32 s0, $0xA;
	s2 =	sadd.s32 s3, s2  }
0x8d: {  	s2 =	sadd.s32 s2, s17  }
0x8e: {  	[smem:$0x3FC3] =	sst s2  }
0x8f: {  	_ = 	snop  }
0x90: {  	s2 =	sld [smem:$0x3FC9];
	(tm) =	ssettm $0x1  }
0x91: {  	s18 =	sld [smem:$0x3FFB];
	_ =	sdelay $0x3  }
0x92: {  	_ =	strace s18  }
0x93: {  	s3 =	sld [smem:$0x3FFC];
	_ =	sdelay $0x3  }
0x94: {  	_ =	strace s3  }
0x95: {  	s3 =	sld [smem:$0x3FFD];
	_ =	sdelay $0x3  }
0x96: {  	_ =	strace s3  }
0x97: {  	_ =	strace $0x8FFFFFFF  }
0x98: {  	s19 =	sld [smem:$0x3FDB];
	_ =	sdelay $0x1  }
0x99: {  	s4 =	simm.s32 $_scs_section_size  }
0x9a: {  	s5 =	simm.s32 $_size__tile_overlayer_lowered;
	s6 =	simm.s32 $_tile_overlayer_lowered  }
0x9b: {  	s22 =	simm.s32 $0x1BFF;
	s21 =	sshll.u32 s6, $0x1;
	s3 =	sadd.s32 s4, s19  }
0x9c: {  	s7 =	simm.s32 $0x0;
	s20 =	sshll.u32 s5, $0x1;
	s5 =	sadd.s32 s21, s3  }
0x9d: {  	[timem:s7], [sflag:s22] =	dma.local [hbm:s5], s20  }
0x9e: {  	_ =	swait.ge [sflag:s22], s20  }
0x9f: {  	s4 =	ssub.s32 $0x0, s20;
	[sflag:s22] =	ssyncset.done $0x0  }
0xa0: {  	[sflag:s22] =	ssyncadd.s32 s4;
	_ =	sdelay $0x1  }
0xa1: {  	s23 =	simm.s32 $0x1B8B  }
0xa2: {  	_ =	swait.ge [sflag:s23], $0x1  }
0xa3: {  	[sflag:s23] =	ssyncset.done $0x0  }
0xa4: {  	s25 =	simm.s32 $0x1B8E;
	s24 =	sld [smem:$0x3FFE];
	[sflag:s23] =	ssyncadd.s32 $0xFFFFFFFF  }
0xa5: {  	s26 =	simm.s32 $execute0_lowered;
	[smem:$0x3FD2] =	sst s25  }
0xa6: {  	s5 =	sshll.u32 s26, $0x1;
	_ =	strace $0x80000046;
	[dreg:$0x1] =	wrdreg $0xFFFFFFFF  }
0xa7: {  	s28 =	simm.s32 $_size_execute0_lowered;
	s3 =	sadd.s32 s3, s5;
	[dreg:$0x0] =	wrdreg $0x0  }
0xa8: {  	s5 =	sshll.u32 s28, $0x1;
	[dreg:$0x2] =	wrdreg s3  }
0xa9: {  	[dreg:$0x3] =	wrdreg s5  }
0xaa: {  	[dreg:$0x4] =	wrdreg $0xC0  }
0xab: {  	_ =	task [dreg:s7], $0x5FFFF  }
0xac: {  	[dreg:$0x1] =	wrdreg $0xFFFFFFFF  }
0xad: {  	[dreg:$0x0] =	wrdreg $0x60  }
0xae: {  	[dreg:$0x2] =	wrdreg s2  }
0xaf: {  	[dreg:$0x3] =	wrdreg s24  }
0xb0: {  	[dreg:$0x4] =	wrdreg $0x9  }
0xb1: {  	_ =	task.clear_ibuf [dreg:s7], $0x5FFFF;
	_ =	strace $0x90000046  }
0xb2: {  	s29 =	simm.s32 $0x9;
	_ =	strace $0x80000048  }
0xb3: {  	_ =	swait.ge [sflag:s29], $0x1  }
0xb4: {  	[sflag:s29] =	ssyncadd.s32 $0xFFFFFFFF  }
0xb5: {  	_ =	strace $0x90000048  }
0xb6: {  	_ =	sfence  }
0xb7: {  	s30 =	sld [smem:$0x0];
	_ =	sdelay $0x2  }
0xb8: {  	s31 =	sshll.u32 s1, $0xD;
	s1 =	sshrl.u32 s1, $0x2  }
0xb9: {  	s3 =	sand.u32 $0x4000, s31;
	s1 =	sadd.s32 s1, s30  }
0xba: {  	s0 =	sor.u32 s3, s0;
	s1 =	sshll.u32 s1, $0x11  }
0xbb: {  	s0 =	sor.u32 s1, s0  }
0xbc: {  	s0 =	sadd.s32 $0x8F2B, s0  }
0xbd: {  	[sflag:s0] =	ssyncadd.remote.s32 $0x1  }
0xbe: {  	_ =	sfence.sel $0xFFFF  }
0xbf: {  	[dreg:$0x0] =	wrdreg $0xFFFFFFFF;
	(pc) =	sbr.abs _section_cstart, $3  }
0xc0: {  	[dreg:$0x1] =	wrdreg $0xFFFFFFFF  }
0xc1: {  	_ =	task.clear_ibuf [dreg:s7], $0x2FFFF;
	_ =	strace $0x9FFFFFFF  }
0xc2: {  	(tm) =	ssettm $0x7FFFFFFF  }
0xc3: {  	_ =	shalt  }
tec
execute0_lowered:
.L_overlay_start_1:
0x0: {  	(tag) =	ssettag $0x1  }
0x1: {  	s0 =	srdreg.scid  }
0x2: {  	s2 =	stileid.u32;
	s1 =	rddreg [dreg:$0x0]  }
0x3: {  	s5 =	rddreg [dreg:$0x1];
	s4 =	simm.s32 $0x0;
	s10 =	simm.s32 $0x3  }
0x4: {  	s9 =	simm.s32 $0xC00;
	s13 =	simm.s32 $0x20;
	s15 =	simm.s32 $0x80  }
0x5: {  	s16 =	simm.s32 $0x3C00;
	s18 =	simm.s32 $0x5C00;
	s19 =	simm.s32 $0x6400  }
0x6: {  	s21 =	simm.s32 $0x8400;
	s23 =	simm.s32 $0xA400;
	s28 =	simm.s32 $0xE400  }
0x7: {  	s29 =	simm.s32 $0x10400;
	s30 =	simm.s32 $0x10C00;
	s31 =	simm.s32 $0x12C00  }
0x8: {  	s17 =	simm.s32 $0x17400;
	s20 =	simm.s32 $0x19400;
	s22 =	simm.s32 $0x1B400  }
0x9: {  	s11 =	simm.s32 $0x2;
	s0 =	sand.u32 $0x1, s0;
	s2 =	sshll.u32 s2, $0x1  }
0xa: {  	[smem:$0x7FF] =	sst s4;
	s4 =	sadd.s32 $0x7B5000, s5;
	s2 =	sor.u32 s0, s2  }
0xb: {  	_ =	strace $0x80000047;
	s0 =	ssub.s32 $0x2, s0;
	s3 =	smul.u32 $0x140, s2  }
0xc: {  	s24 =	smul.u32 $0x500, s2;
	s2 =	sshll.u32 s2, $0x6;
	s8 =	sshrl.u32 s0, $0x1  }
0xd: {  	s0 =	ssub.s32 s0, s8;
	s1 =	sadd.s32 s1, s2;
	s6 =	sadd.s32 s3, s5  }
0xe: {  	s7 =	sadd.s32 s24, s5;
	s3 =	sadd.s32 $0xD000, s5;
	s5 =	sadd.s32 s2, s5  }
0xf: {  	[dreg:$0x3] =	wrdreg s1;
	s0 =	smax.u32 s0, $0x1;
	s1 =	simm.s32 $0x13400  }
0x10: {  	s24 =	simm.s32 $0x1;
	s25 =	sadd.s32 $0x800, s6;
	s26 =	sadd.s32 $0x3000, s7  }
0x11: {  	s8 =	sadd.s32 $0xF5D000, s5;
	[dreg:$0x6] =	wrdreg s0;
	s7 =	simm.s32 $0x200  }
0x12: {  	s0 =	simm.s32 $0x15400;
	s5 =	simm.s32 $0x0;
	[dreg:$0x4] =	wrdreg s25  }
0x13: {  	v0 =	vimm.f32 $0.0e+00;
	vm0 =	vcmask $0x3F3C;
	[dreg:$0x5] =	wrdreg s26;
	s25 =	simm.s32 $0xC400;
	s26 =	simm.s32 $0x1D400  }
.LBB2_1:
0x14: {  	[dreg:$0x7] =	wrdreg s5  }
0x15: {  	s2 =	simm.s32 $0x0;
	s6 =	rddreg [dreg:$0x3]  }
0x16: {  	[tilespmem:s2], [sflag:$0x3] =	stream.linear.gather [hbm4b:s6+s2], $0x200, $0x38;
	[tilespmem:$0x1E400] =	vst v63  }
0x17: {  	_ =	swait.ge [sflag:s10], $0x200  }
0x18: {  	[sflag:s10] =	ssyncset.done $0x0  }
0x19: {  	s12 =	rddreg [dreg:$0x4];
	[sflag:s10] =	ssyncadd.s32 $0xFFFFFE00  }
0x1a: {  	[tilespmem:s7], [sflag:$0x3] =	stream.linear.gather [hbm4b:s12+s2], $0xA00, $0x38;
	[tilespmem:$0x1E400] =	vst v63  }
0x1b: {  	_ =	swait.ge [sflag:s10], $0xA00  }
0x1c: {  	[sflag:s10] =	ssyncset.done $0x0  }
0x1d: {  	s14 =	rddreg [dreg:$0x5];
	[sflag:s10] =	ssyncadd.s32 $0xFFFFF600  }
0x1e: {  	[tilespmem:s9], [sflag:$0x3] =	stream.linear.gather [hbm4b:s14+s2], $0x2800, $0x38;
	[tilespmem:$0x1E400] =	vst v63  }
0x1f: {  	_ =	swait.ge [sflag:s10], $0x2800  }
0x20: {  	[sflag:s10] =	ssyncset.done $0x0  }
0x21: {  	s5 =	simm.s32 $0x40;
	s2 =	simm.s32 $0x0;
	[sflag:s10] =	ssyncadd.s32 $0xFFFFD800  }
.LBB2_2:
0x22: {  	p0 =	sne.s32 s5, $0x7C0;
	v1 =	vld [tilespmem:s2+$0x0];
	_ =	sdelay $0x3  }
.Ltmp0:
0x23: {  	(pc) =	sbr.rel @p0 .LBB2_2-.Ltmp0, $4  }
0x24: {  	v2 =	vshll.u32 v1, $0x1  }
0x25: {  	vm1 =	vlt.s32 v1, $0x7A800;
	v1 =	vadd.s32 $0xFFF0B001, v2  }
0x26: {  	v1 =	vsel vm1, v2, v1  }
0x27: {  	[tilespmem:s2+$0x0] =	vst v1;
	s2 =	sshra.s32 s5, $0x2;
	s5 =	sadd.s32 $0x40, s5  }
0x28: {  	v1 =	vld [tilespmem:s2+$0x0];
	_ =	sdelay $0x4  }
0x29: {  	v2 =	vshll.u32 v1, $0x1  }
0x2a: {  	vm1 =	vlt.s32 v1, $0x7A800;
	v1 =	vadd.s32 $0xFFF0B001, v2  }
0x2b: {  	v1 =	vsel vm1, v2, v1  }
0x2c: {  	s5 =	simm.s32 $0x40;
	[tilespmem:s2+$0x0] =	vst v1;
	s2 =	simm.s32 $0x0  }
.LBB2_4:
0x2d: {  	p0 =	sne.s32 s5, $0x27C0;
	v1 =	vld [tilespmem:s2+$0x200];
	_ =	sdelay $0x3  }
.Ltmp1:
0x2e: {  	(pc) =	sbr.rel @p0 .LBB2_4-.Ltmp1, $4  }
0x2f: {  	v2 =	vshll.u32 v1, $0x1  }
0x30: {  	vm1 =	vlt.s32 v1, $0x7A800;
	v1 =	vadd.s32 $0xFFF0B001, v2  }
0x31: {  	v1 =	vsel vm1, v2, v1  }
0x32: {  	[tilespmem:s2+$0x200] =	vst v1;
	s2 =	sshra.s32 s5, $0x2;
	s5 =	sadd.s32 $0x40, s5  }
0x33: {  	v1 =	vld [tilespmem:s2+$0x200];
	_ =	sdelay $0x4  }
0x34: {  	v2 =	vshll.u32 v1, $0x1  }
0x35: {  	vm1 =	vlt.s32 v1, $0x7A800;
	v1 =	vadd.s32 $0xFFF0B001, v2  }
0x36: {  	v1 =	vsel vm1, v2, v1  }
0x37: {  	s5 =	simm.s32 $0x40;
	[tilespmem:s2+$0x200] =	vst v1;
	s2 =	simm.s32 $0x0  }
.LBB2_6:
0x38: {  	p0 =	sne.s32 s5, $0x9FC0;
	v1 =	vld [tilespmem:s2+$0xC00];
	_ =	sdelay $0x3  }
.Ltmp2:
0x39: {  	(pc) =	sbr.rel @p0 .LBB2_6-.Ltmp2, $4  }
0x3a: {  	v2 =	vshll.u32 v1, $0x1  }
0x3b: {  	vm1 =	vlt.s32 v1, $0x7A800;
	v1 =	vadd.s32 $0xFFF0B001, v2  }
0x3c: {  	v1 =	vsel vm1, v2, v1  }
0x3d: {  	[tilespmem:s2+$0xC00] =	vst v1;
	s2 =	sshra.s32 s5, $0x2;
	s5 =	sadd.s32 $0x40, s5  }
0x3e: {  	v1 =	vld [tilespmem:s2+$0xC00];
	_ =	sdelay $0x4  }
0x3f: {  	v2 =	vshll.u32 v1, $0x1  }
0x40: {  	vm1 =	vlt.s32 v1, $0x7A800;
	v1 =	vadd.s32 $0xFFF0B001, v2  }
0x41: {  	v1 =	vsel vm1, v2, v1  }
0x42: {  	[tilespmem:s2+$0xC00] =	vst v1  }
0x43: {  	[tilespmem:$0x1E080] =	vst v0  }
0x44: {  	[tilespmem:$0x1E090] =	vst v0  }
0x45: {  	[tilespmem:$0x1E0A0] =	vst v0  }
0x46: {  	[tilespmem:$0x1E0B0] =	vst v0  }
0x47: {  	[tilespmem:$0x1E0C0] =	vst v0  }
0x48: {  	[tilespmem:$0x1E0D0] =	vst v0  }
0x49: {  	[tilespmem:$0x1E0E0] =	vst v0  }
0x4a: {  	[tilespmem:$0x1E0F0] =	vst v0  }
0x4b: {  	[tilespmem:$0x1E100] =	vst v0  }
0x4c: {  	[tilespmem:$0x1E110] =	vst v0  }
0x4d: {  	[tilespmem:$0x1E120] =	vst v0  }
0x4e: {  	[tilespmem:$0x1E130] =	vst v0  }
0x4f: {  	[tilespmem:$0x1E140] =	vst v0  }
0x50: {  	[tilespmem:$0x1E150] =	vst v0  }
0x51: {  	[tilespmem:$0x1E160] =	vst v0  }
0x52: {  	[tilespmem:$0x1E170] =	vst v0  }
0x53: {  	[tilespmem:$0x1E180] =	vst v0  }
0x54: {  	[tilespmem:$0x1E190] =	vst v0  }
0x55: {  	[tilespmem:$0x1E1A0] =	vst v0  }
0x56: {  	[tilespmem:$0x1E1B0] =	vst v0  }
0x57: {  	[tilespmem:$0x1E1C0] =	vst v0  }
0x58: {  	[tilespmem:$0x1E1D0] =	vst v0  }
0x59: {  	[tilespmem:$0x1E1E0] =	vst v0  }
0x5a: {  	[tilespmem:$0x1E1F0] =	vst v0  }
0x5b: {  	[tilespmem:$0x1E200] =	vst v0  }
0x5c: {  	[tilespmem:$0x1E210] =	vst v0  }
0x5d: {  	[tilespmem:$0x1E220] =	vst v0  }
0x5e: {  	[tilespmem:$0x1E230] =	vst v0  }
0x5f: {  	[tilespmem:$0x1E240] =	vst v0  }
0x60: {  	[tilespmem:$0x1E250] =	vst v0  }
0x61: {  	[tilespmem:$0x1E260] =	vst v0  }
0x62: {  	[tilespmem:$0x1E270] =	vst v0  }
0x63: {  	[tilespmem:$0x1E280] =	vst v0  }
0x64: {  	[tilespmem:$0x1E290] =	vst v0  }
0x65: {  	[tilespmem:$0x1E2A0] =	vst v0  }
0x66: {  	[tilespmem:$0x1E2B0] =	vst v0  }
0x67: {  	[tilespmem:$0x1E2C0] =	vst v0  }
0x68: {  	[tilespmem:$0x1E2D0] =	vst v0  }
0x69: {  	[tilespmem:$0x1E2E0] =	vst v0  }
0x6a: {  	[tilespmem:$0x1E2F0] =	vst v0  }
0x6b: {  	[tilespmem:$0x1E300] =	vst v0  }
0x6c: {  	[tilespmem:$0x1E310] =	vst v0  }
0x6d: {  	[tilespmem:$0x1E320] =	vst v0  }
0x6e: {  	[tilespmem:$0x1E330] =	vst v0  }
0x6f: {  	[tilespmem:$0x1E340] =	vst v0  }
0x70: {  	[tilespmem:$0x1E350] =	vst v0  }
0x71: {  	[tilespmem:$0x1E360] =	vst v0  }
0x72: {  	[tilespmem:$0x1E370] =	vst v0  }
0x73: {  	[tilespmem:$0x1E380] =	vst v0  }
0x74: {  	[tilespmem:$0x1E390] =	vst v0  }
0x75: {  	[tilespmem:$0x1E3A0] =	vst v0  }
0x76: {  	[tilespmem:$0x1E3B0] =	vst v0  }
0x77: {  	[tilespmem:$0x1E3C0] =	vst v0  }
0x78: {  	[tilespmem:$0x1E3D0] =	vst v0  }
0x79: {  	[tilespmem:$0x1E3E0] =	vst v0  }
0x7a: {  	s6 =	simm.s32 $0x0;
	s14 =	simm.s32 $0x3400;
	[tilespmem:$0x1E3F0] =	vst v0  }
0x7b: {  	[tilespmem:s14], [sflag:$0x1] =	stream.indirect.gather [hbm4b:s3+s13], $0x40, s6, s13, $0xb8;
	[tilespmem:$0x1E400] =	vst v63  }
0x7c: {  	_ = 	snop  }
0x7d: {  	[tilespmem:s16], [sflag:$0x1] =	stream.indirect.gather [hbm4b:s4+s15], $0x40, s7, s15, $0xb8;
	[tilespmem:$0x1E400] =	vst v63  }
0x7e: {  	s5 =	simm.s32 $0x280  }
0x7f: {  	[tilespmem:s18], [sflag:$0x1] =	stream.indirect.gather [hbm4b:s4+s13], $0x40, s5, s13, $0xb8;
	[tilespmem:$0x1E400] =	vst v63  }
0x80: {  	_ = 	snop  }
0x81: {  	[tilespmem:s19], [sflag:$0x1] =	stream.indirect.gather [hbm4b:s4+s15], $0x40, s9, s15, $0xb8;
	[tilespmem:$0x1E400] =	vst v63  }
0x82: {  	s7 =	simm.s32 $0xC80  }
0x83: {  	[tilespmem:s21], [sflag:$0x1] =	stream.indirect.gather [hbm4b:s4+s15], $0x40, s7, s15, $0xb8;
	[tilespmem:$0x1E400] =	vst v63  }
0x84: {  	s9 =	simm.s32 $0xD00  }
0x85: {  	[tilespmem:s23], [sflag:$0x1] =	stream.indirect.gather [hbm4b:s4+s15], $0x40, s9, s15, $0xb8;
	[tilespmem:$0x1E400] =	vst v63  }
0x86: {  	s12 =	simm.s32 $0xD80  }
0x87: {  	[tilespmem:s25], [sflag:$0x1] =	stream.indirect.gather [hbm4b:s4+s15], $0x40, s12, s15, $0xb8;
	[tilespmem:$0x1E400] =	vst v63  }
0x88: {  	s14 =	simm.s32 $0xE00  }
0x89: {  	[tilespmem:s28], [sflag:$0x1] =	stream.indirect.gather [hbm4b:s4+s15], $0x40, s14, s15, $0xb8;
	[tilespmem:$0x1E400] =	vst v63  }
.LBB2_8:
0x8a: {  	s7 =	sshll.u32 s6, $0x2  }
0x8b: {  	s2 =	sor.u32 $0x1, s7  }
0x8c: {  	s5 =	sshll.u32 s2, $0x5  }
0x8d: {  	s9 =	smul.u32 $0x280, s2;
	s5 =	sand.u32 $0x3FFFFFA0, s5  }
0x8e: {  	[tilespmem:s29], [sflag:$0x2] =	stream.indirect.gather [hbm4b:s3+s13], $0x40, s5, s13, $0xb8;
	[tilespmem:$0x1E400] =	vst v63  }
0x8f: {  	s12 =	sshra.s32 s9, $0x2  }
0x90: {  	s2 =	smul.u32 $0xA00, s2;
	s9 =	sadd.s32 $0x200, s12  }
0x91: {  	[tilespmem:s30], [sflag:$0x2] =	stream.indirect.gather [hbm4b:s4+s15], $0x40, s9, s15, $0xb8;
	[tilespmem:$0x1E400] =	vst v63  }
0x92: {  	s2 =	sshra.s32 s2, $0x2;
	s5 =	sadd.s32 $0x280, s12  }
0x93: {  	[tilespmem:s31], [sflag:$0x2] =	stream.indirect.gather [hbm4b:s4+s13], $0x40, s5, s13, $0xb8;
	[tilespmem:$0x1E400] =	vst v63  }
0x94: {  	s14 =	sadd.s32 $0xC00, s2  }
0x95: {  	[tilespmem:s1], [sflag:$0x2] =	stream.indirect.gather [hbm4b:s4+s15], $0x40, s14, s15, $0xb8;
	[tilespmem:$0x1E400] =	vst v63  }
0x96: {  	s9 =	sadd.s32 $0xC80, s2  }
0x97: {  	[tilespmem:s0], [sflag:$0x2] =	stream.indirect.gather [hbm4b:s4+s15], $0x40, s9, s15, $0xb8;
	[tilespmem:$0x1E400] =	vst v63  }
0x98: {  	s12 =	sadd.s32 $0xD00, s2  }
0x99: {  	[tilespmem:s17], [sflag:$0x2] =	stream.indirect.gather [hbm4b:s4+s15], $0x40, s12, s15, $0xb8;
	[tilespmem:$0x1E400] =	vst v63  }
0x9a: {  	s14 =	sadd.s32 $0xD80, s2  }
0x9b: {  	[tilespmem:s20], [sflag:$0x2] =	stream.indirect.gather [hbm4b:s4+s15], $0x40, s14, s15, $0xb8;
	[tilespmem:$0x1E400] =	vst v63  }
0x9c: {  	s2 =	sadd.s32 $0xE00, s2  }
0x9d: {  	[tilespmem:s22], [sflag:$0x2] =	stream.indirect.gather [hbm4b:s4+s15], $0x40, s2, s15, $0xb8;
	[tilespmem:$0x1E400] =	vst v63  }
0x9e: {  	_ =	swait.ge [sflag:s24], $0x800  }
0x9f: {  	[sflag:s24] =	ssyncset.done $0x0  }
0xa0: {  	[sflag:s24] =	ssyncadd.s32 $0xFFFFF800  }
0xa1: {  	_ =	swait.ge [sflag:s24], $0x2000  }
0xa2: {  	[sflag:s24] =	ssyncset.done $0x0  }
0xa3: {  	[sflag:s24] =	ssyncadd.s32 $0xFFFFE000  }
0xa4: {  	_ =	swait.ge [sflag:s24], $0x800  }
0xa5: {  	[sflag:s24] =	ssyncset.done $0x0  }
0xa6: {  	[sflag:s24] =	ssyncadd.s32 $0xFFFFF800  }
0xa7: {  	_ =	swait.ge [sflag:s24], $0x2000  }
0xa8: {  	[sflag:s24] =	ssyncset.done $0x0  }
0xa9: {  	[sflag:s24] =	ssyncadd.s32 $0xFFFFE000  }
0xaa: {  	_ =	swait.ge [sflag:s24], $0x2000  }
0xab: {  	[sflag:s24] =	ssyncset.done $0x0  }
0xac: {  	[sflag:s24] =	ssyncadd.s32 $0xFFFFE000  }
0xad: {  	_ =	swait.ge [sflag:s24], $0x2000  }
0xae: {  	[sflag:s24] =	ssyncset.done $0x0  }
0xaf: {  	[sflag:s24] =	ssyncadd.s32 $0xFFFFE000  }
0xb0: {  	_ =	swait.ge [sflag:s24], $0x2000  }
0xb1: {  	[sflag:s24] =	ssyncset.done $0x0  }
0xb2: {  	[sflag:s24] =	ssyncadd.s32 $0xFFFFE000  }
0xb3: {  	_ =	swait.ge [sflag:s24], $0x2000  }
0xb4: {  	s5 =	simm.s32 $0x3CA0;
	s9 =	simm.s32 $0x3420;
	[sflag:s24] =	ssyncset.done $0x0  }
0xb5: {  	s12 =	simm.s32 $0x0;
	s2 =	simm.s32 $0x6680;
	[sflag:s24] =	ssyncadd.s32 $0xFFFFE000  }
.LBB2_9:
0xb6: {  	v1 =	vld [tilespmem:s9+$0xFFFFFFE0]  }
0xb7: {  	v2 =	vld [tilespmem:s9+$0xFFFFFFF0]  }
0xb8: {  	v5 =	vld [tilespmem:s5+$0xFFFFFF60]  }
0xb9: {  	v6 =	vld [tilespmem:s5+$0xFFFFFF70]  }
0xba: {  	v3 =	vld [tilespmem:s9+$0x0]  }
0xbb: {  	v7 =	vld [tilespmem:s5+$0xFFFFFF80]  }
0xbc: {  	v4 =	vld [tilespmem:s9+$0x10]  }
0xbd: {  	v8 =	vld [tilespmem:s5+$0xFFFFFF90]  }
0xbe: {  	v5 =	vmul.f32 v5, v1;
	v6 =	vmul.f32 v6, v2;
	_ =	sdelay $0x1  }
0xbf: {  	v28 =	vmul.f32 v7, v3;
	v5 =	vadd.f32 v6, v5;
	_ =	sdelay $0x1  }
0xc0: {  	v29 =	vmul.f32 v8, v4;
	v5 =	vadd.f32 v28, v5;
	_ =	sdelay $0x1  }
0xc1: {  	v5 =	vadd.f32 v29, v5;
	_ =	sdelay $0x1  }
0xc2: {  	(xrf2) =	vadd.scan.msk.f32 $0xffff, v5;
	_ =	sdelay $0x5  }
0xc3: {  	v30 =	vmov s12;
	_ =	sdelay $0x3  }
0xc4: {  	v31, _, _ =	vpop (xrf2)  }
0xc5: {  	[tilespmem:v30+s26+$0x0] =	vst.idx.msk vm0, v31  }
0xc6: {  	v6 =	vld [tilespmem:s5+$0xFFFFFFA0]  }
0xc7: {  	v32 =	vld [tilespmem:s5+$0xFFFFFFB0];
	_ =	sdelay $0x1  }
0xc8: {  	v33 =	vld [tilespmem:s5+$0xFFFFFFC0];
	_ =	sdelay $0x1  }
0xc9: {  	v9 =	vld [tilespmem:s5+$0xFFFFFFD0]  }
0xca: {  	v6 =	vmul.f32 v6, v1;
	v7 =	vmul.f32 v32, v2;
	_ =	sdelay $0x1  }
0xcb: {  	v34 =	vmul.f32 v33, v3;
	v6 =	vadd.f32 v7, v6;
	_ =	sdelay $0x1  }
0xcc: {  	v35 =	vmul.f32 v9, v4;
	v6 =	vadd.f32 v34, v6;
	_ =	sdelay $0x1  }
0xcd: {  	v6 =	vadd.f32 v35, v6;
	_ =	sdelay $0x1  }
0xce: {  	(xrf2) =	vadd.scan.msk.f32 $0xffff, v6;
	_ =	sdelay $0x4  }
0xcf: {  	v5 =	vand.u32 $0x1F, v30  }
0xd0: {  	v36 =	vor.u32 $0x80, v5;
	_ =	sdelay $0x3  }
0xd1: {  	v37, _, _ =	vpop (xrf2)  }
0xd2: {  	[tilespmem:v36+s26+$0x0] =	vst.idx.msk vm0, v37  }
0xd3: {  	v6 =	vld [tilespmem:s5+$0xFFFFFFE0]  }
0xd4: {  	v7 =	vld [tilespmem:s5+$0xFFFFFFF0];
	_ =	sdelay $0x1  }
0xd5: {  	v38 =	vld [tilespmem:s5+$0x0];
	_ =	sdelay $0x1  }
0xd6: {  	v39 =	vld [tilespmem:s5+$0x10]  }
0xd7: {  	v6 =	vmul.f32 v6, v1;
	v7 =	vmul.f32 v7, v2;
	_ =	sdelay $0x1  }
0xd8: {  	v40 =	vmul.f32 v38, v3;
	v6 =	vadd.f32 v7, v6;
	_ =	sdelay $0x1  }
0xd9: {  	v41 =	vmul.f32 v39, v4;
	v6 =	vadd.f32 v40, v6;
	_ =	sdelay $0x1  }
0xda: {  	v6 =	vadd.f32 v41, v6;
	_ =	sdelay $0x1  }
0xdb: {  	(xrf2) =	vadd.scan.msk.f32 $0xffff, v6;
	_ =	sdelay $0x5  }
0xdc: {  	v42 =	vor.u32 $0x100, v5;
	_ =	sdelay $0x3  }
0xdd: {  	v43, _, _ =	vpop (xrf2)  }
0xde: {  	[tilespmem:v42+s26+$0x0] =	vst.idx.msk vm0, v43  }
0xdf: {  	v6 =	vld [tilespmem:s5+$0x20]  }
0xe0: {  	v7 =	vld [tilespmem:s5+$0x30];
	_ =	sdelay $0x1  }
0xe1: {  	v44 =	vld [tilespmem:s5+$0x40];
	_ =	sdelay $0x1  }
0xe2: {  	v45 =	vld [tilespmem:s5+$0x50]  }
0xe3: {  	v6 =	vmul.f32 v6, v1;
	v7 =	vmul.f32 v7, v2;
	_ =	sdelay $0x1  }
0xe4: {  	v46 =	vmul.f32 v44, v3;
	v6 =	vadd.f32 v7, v6;
	_ =	sdelay $0x1  }
0xe5: {  	v47 =	vmul.f32 v45, v4;
	v6 =	vadd.f32 v46, v6;
	_ =	sdelay $0x1  }
0xe6: {  	v6 =	vadd.f32 v47, v6;
	_ =	sdelay $0x1  }
0xe7: {  	(xrf2) =	vadd.scan.msk.f32 $0xffff, v6;
	_ =	sdelay $0x5  }
0xe8: {  	v48 =	vor.u32 $0x180, v5;
	_ =	sdelay $0x3  }
0xe9: {  	v49, _, _ =	vpop (xrf2)  }
0xea: {  	[tilespmem:v48+s26+$0x0] =	vst.idx.msk vm0, v49  }
0xeb: {  	v6 =	vld [tilespmem:s5+$0x60]  }
0xec: {  	v7 =	vld [tilespmem:s5+$0x70];
	_ =	sdelay $0x1  }
0xed: {  	v50 =	vld [tilespmem:s5+$0x80];
	_ =	sdelay $0x1  }
0xee: {  	v51 =	vld [tilespmem:s5+$0x90]  }
0xef: {  	v6 =	vmul.f32 v6, v1;
	v7 =	vmul.f32 v7, v2;
	_ =	sdelay $0x1  }
0xf0: {  	v52 =	vmul.f32 v50, v3;
	v6 =	vadd.f32 v7, v6;
	_ =	sdelay $0x1  }
0xf1: {  	v53 =	vmul.f32 v51, v4;
	v6 =	vadd.f32 v52, v6;
	_ =	sdelay $0x1  }
0xf2: {  	v6 =	vadd.f32 v53, v6;
	_ =	sdelay $0x1  }
0xf3: {  	(xrf2) =	vadd.scan.msk.f32 $0xffff, v6;
	_ =	sdelay $0x5  }
0xf4: {  	v54 =	vor.u32 $0x200, v5;
	_ =	sdelay $0x3  }
0xf5: {  	v55, _, _ =	vpop (xrf2)  }
0xf6: {  	[tilespmem:v54+s26+$0x0] =	vst.idx.msk vm0, v55  }
0xf7: {  	v6 =	vld [tilespmem:s2+$0xFFFFFD80]  }
0xf8: {  	v7 =	vld [tilespmem:s2+$0xFFFFFD90];
	_ =	sdelay $0x1  }
0xf9: {  	v56 =	vld [tilespmem:s2+$0xFFFFFDA0];
	_ =	sdelay $0x1  }
0xfa: {  	v57 =	vld [tilespmem:s2+$0xFFFFFDB0]  }
0xfb: {  	v6 =	vmul.f32 v6, v1;
	v7 =	vmul.f32 v7, v2;
	_ =	sdelay $0x1  }
0xfc: {  	v58 =	vmul.f32 v56, v3;
	v6 =	vadd.f32 v7, v6;
	_ =	sdelay $0x1  }
0xfd: {  	v59 =	vmul.f32 v57, v4;
	v6 =	vadd.f32 v58, v6;
	_ =	sdelay $0x1  }
0xfe: {  	v6 =	vadd.f32 v59, v6;
	_ =	sdelay $0x1  }
0xff: {  	(xrf2) =	vadd.scan.msk.f32 $0xffff, v6;
	_ =	sdelay $0x5  }
0x100: {  	v60 =	vor.u32 $0x280, v5;
	_ =	sdelay $0x3  }
0x101: {  	v61, _, _ =	vpop (xrf2)  }
0x102: {  	[tilespmem:v60+s26+$0x0] =	vst.idx.msk vm0, v61  }
0x103: {  	v6 =	vld [tilespmem:s2+$0xFFFFFDC0]  }
0x104: {  	v7 =	vld [tilespmem:s2+$0xFFFFFDD0];
	_ =	sdelay $0x1  }
0x105: {  	v62 =	vld [tilespmem:s2+$0xFFFFFDE0];
	_ =	sdelay $0x1  }
0x106: {  	v63 =	vld [tilespmem:s2+$0xFFFFFDF0]  }
0x107: {  	v6 =	vmul.f32 v6, v1;
	v7 =	vmul.f32 v7, v2;
	_ =	sdelay $0x1  }
0x108: {  	v10 =	vmul.f32 v62, v3;
	v6 =	vadd.f32 v7, v6;
	_ =	sdelay $0x1  }
0x109: {  	v11 =	vmul.f32 v63, v4;
	v6 =	vadd.f32 v10, v6;
	_ =	sdelay $0x1  }
0x10a: {  	v6 =	vadd.f32 v11, v6;
	_ =	sdelay $0x1  }
0x10b: {  	(xrf2) =	vadd.scan.msk.f32 $0xffff, v6;
	_ =	sdelay $0x5  }
0x10c: {  	v12 =	vor.u32 $0x300, v5;
	_ =	sdelay $0x3  }
0x10d: {  	v13, _, _ =	vpop (xrf2)  }
0x10e: {  	[tilespmem:v12+s26+$0x0] =	vst.idx.msk vm0, v13  }
0x10f: {  	v6 =	vld [tilespmem:s2+$0xFFFFFE00]  }
0x110: {  	v7 =	vld [tilespmem:s2+$0xFFFFFE10];
	_ =	sdelay $0x1  }
0x111: {  	v14 =	vld [tilespmem:s2+$0xFFFFFE20];
	_ =	sdelay $0x1  }
0x112: {  	v15 =	vld [tilespmem:s2+$0xFFFFFE30]  }
0x113: {  	v6 =	vmul.f32 v6, v1;
	v7 =	vmul.f32 v7, v2;
	_ =	sdelay $0x1  }
0x114: {  	v16 =	vmul.f32 v14, v3;
	v6 =	vadd.f32 v7, v6;
	_ =	sdelay $0x1  }
0x115: {  	v17 =	vmul.f32 v15, v4;
	v6 =	vadd.f32 v16, v6;
	_ =	sdelay $0x1  }
0x116: {  	v6 =	vadd.f32 v17, v6;
	_ =	sdelay $0x1  }
0x117: {  	(xrf2) =	vadd.scan.msk.f32 $0xffff, v6;
	_ =	sdelay $0x5  }
0x118: {  	v18 =	vor.u32 $0x380, v5;
	_ =	sdelay $0x3  }
0x119: {  	v19, _, _ =	vpop (xrf2)  }
0x11a: {  	[tilespmem:v18+s26+$0x0] =	vst.idx.msk vm0, v19  }
0x11b: {  	v6 =	vld [tilespmem:s2+$0xFFFFFE40]  }
0x11c: {  	v7 =	vld [tilespmem:s2+$0xFFFFFE50];
	_ =	sdelay $0x1  }
0x11d: {  	v20 =	vld [tilespmem:s2+$0xFFFFFE60];
	_ =	sdelay $0x1  }
0x11e: {  	v21 =	vld [tilespmem:s2+$0xFFFFFE70]  }
0x11f: {  	v6 =	vmul.f32 v6, v1;
	v7 =	vmul.f32 v7, v2;
	_ =	sdelay $0x1  }
0x120: {  	v22 =	vmul.f32 v20, v3;
	v6 =	vadd.f32 v7, v6;
	_ =	sdelay $0x1  }
0x121: {  	v23 =	vmul.f32 v21, v4;
	v6 =	vadd.f32 v22, v6;
	_ =	sdelay $0x1  }
0x122: {  	v6 =	vadd.f32 v23, v6;
	_ =	sdelay $0x1  }
0x123: {  	(xrf2) =	vadd.scan.msk.f32 $0xffff, v6;
	_ =	sdelay $0x5  }
0x124: {  	v24 =	vor.u32 $0x400, v5;
	_ =	sdelay $0x3  }
0x125: {  	v25, _, _ =	vpop (xrf2)  }
0x126: {  	[tilespmem:v24+s26+$0x0] =	vst.idx.msk vm0, v25  }
0x127: {  	v6 =	vld [tilespmem:s2+$0xFFFFFE80]  }
0x128: {  	v7 =	vld [tilespmem:s2+$0xFFFFFE90];
	_ =	sdelay $0x1  }
0x129: {  	v26 =	vld [tilespmem:s2+$0xFFFFFEA0];
	_ =	sdelay $0x1  }
0x12a: {  	v27 =	vld [tilespmem:s2+$0xFFFFFEB0]  }
0x12b: {  	v6 =	vmul.f32 v6, v1;
	v7 =	vmul.f32 v7, v2;
	_ =	sdelay $0x1  }
0x12c: {  	v28 =	vmul.f32 v26, v3;
	v6 =	vadd.f32 v7, v6;
	_ =	sdelay $0x1  }
0x12d: {  	v29 =	vmul.f32 v27, v4;
	v6 =	vadd.f32 v28, v6;
	_ =	sdelay $0x1  }
0x12e: {  	v6 =	vadd.f32 v29, v6;
	_ =	sdelay $0x1  }
0x12f: {  	(xrf2) =	vadd.scan.msk.f32 $0xffff, v6;
	_ =	sdelay $0x5  }
0x130: {  	v30 =	vor.u32 $0x480, v5;
	_ =	sdelay $0x3  }
0x131: {  	v31, _, _ =	vpop (xrf2)  }
0x132: {  	[tilespmem:v30+s26+$0x0] =	vst.idx.msk vm0, v31  }
0x133: {  	v6 =	vld [tilespmem:s2+$0xFFFFFEC0]  }
0x134: {  	v7 =	vld [tilespmem:s2+$0xFFFFFED0];
	_ =	sdelay $0x1  }
0x135: {  	v32 =	vld [tilespmem:s2+$0xFFFFFEE0];
	_ =	sdelay $0x1  }
0x136: {  	v33 =	vld [tilespmem:s2+$0xFFFFFEF0]  }
0x137: {  	v6 =	vmul.f32 v6, v1;
	v7 =	vmul.f32 v7, v2;
	_ =	sdelay $0x1  }
0x138: {  	v34 =	vmul.f32 v32, v3;
	v6 =	vadd.f32 v7, v6;
	_ =	sdelay $0x1  }
0x139: {  	v35 =	vmul.f32 v33, v4;
	v6 =	vadd.f32 v34, v6;
	_ =	sdelay $0x1  }
0x13a: {  	v6 =	vadd.f32 v35, v6;
	_ =	sdelay $0x1  }
0x13b: {  	(xrf2) =	vadd.scan.msk.f32 $0xffff, v6;
	_ =	sdelay $0x5  }
0x13c: {  	v36 =	vor.u32 $0x500, v5;
	_ =	sdelay $0x3  }
0x13d: {  	v37, _, _ =	vpop (xrf2)  }
0x13e: {  	[tilespmem:v36+s26+$0x0] =	vst.idx.msk vm0, v37  }
0x13f: {  	v6 =	vld [tilespmem:s2+$0xFFFFFF00]  }
0x140: {  	v7 =	vld [tilespmem:s2+$0xFFFFFF10];
	_ =	sdelay $0x1  }
0x141: {  	v38 =	vld [tilespmem:s2+$0xFFFFFF20];
	_ =	sdelay $0x1  }
0x142: {  	v39 =	vld [tilespmem:s2+$0xFFFFFF30]  }
0x143: {  	v6 =	vmul.f32 v6, v1;
	v7 =	vmul.f32 v7, v2;
	_ =	sdelay $0x1  }
0x144: {  	v40 =	vmul.f32 v38, v3;
	v6 =	vadd.f32 v7, v6;
	_ =	sdelay $0x1  }
0x145: {  	v41 =	vmul.f32 v39, v4;
	v6 =	vadd.f32 v40, v6;
	_ =	sdelay $0x1  }
0x146: {  	v6 =	vadd.f32 v41, v6;
	_ =	sdelay $0x1  }
0x147: {  	(xrf2) =	vadd.scan.msk.f32 $0xffff, v6;
	_ =	sdelay $0x5  }
0x148: {  	v42 =	vor.u32 $0x580, v5;
	_ =	sdelay $0x3  }
0x149: {  	v43, _, _ =	vpop (xrf2)  }
0x14a: {  	[tilespmem:v42+s26+$0x0] =	vst.idx.msk vm0, v43  }
0x14b: {  	v6 =	vld [tilespmem:s2+$0xFFFFFF40]  }
0x14c: {  	v7 =	vld [tilespmem:s2+$0xFFFFFF50];
	_ =	sdelay $0x1  }
0x14d: {  	v44 =	vld [tilespmem:s2+$0xFFFFFF60];
	_ =	sdelay $0x1  }
0x14e: {  	v45 =	vld [tilespmem:s2+$0xFFFFFF70]  }
0x14f: {  	v6 =	vmul.f32 v6, v1;
	v7 =	vmul.f32 v7, v2;
	_ =	sdelay $0x1  }
0x150: {  	v46 =	vmul.f32 v44, v3;
	v6 =	vadd.f32 v7, v6;
	_ =	sdelay $0x1  }
0x151: {  	v47 =	vmul.f32 v45, v4;
	v6 =	vadd.f32 v46, v6;
	_ =	sdelay $0x1  }
0x152: {  	v6 =	vadd.f32 v47, v6;
	_ =	sdelay $0x1  }
0x153: {  	(xrf2) =	vadd.scan.msk.f32 $0xffff, v6;
	_ =	sdelay $0x5  }
0x154: {  	v48 =	vor.u32 $0x600, v5;
	_ =	sdelay $0x3  }
0x155: {  	v49, _, _ =	vpop (xrf2)  }
0x156: {  	[tilespmem:v48+s26+$0x0] =	vst.idx.msk vm0, v49  }
0x157: {  	v6 =	vld [tilespmem:s2+$0xFFFFFF80]  }
0x158: {  	v7 =	vld [tilespmem:s2+$0xFFFFFF90];
	_ =	sdelay $0x1  }
0x159: {  	v50 =	vld [tilespmem:s2+$0xFFFFFFA0];
	_ =	sdelay $0x1  }
0x15a: {  	v51 =	vld [tilespmem:s2+$0xFFFFFFB0]  }
0x15b: {  	v6 =	vmul.f32 v6, v1;
	v7 =	vmul.f32 v7, v2;
	_ =	sdelay $0x1  }
0x15c: {  	v52 =	vmul.f32 v50, v3;
	v6 =	vadd.f32 v7, v6;
	_ =	sdelay $0x1  }
0x15d: {  	v53 =	vmul.f32 v51, v4;
	v6 =	vadd.f32 v52, v6;
	_ =	sdelay $0x1  }
0x15e: {  	v6 =	vadd.f32 v53, v6;
	_ =	sdelay $0x1  }
0x15f: {  	(xrf2) =	vadd.scan.msk.f32 $0xffff, v6;
	_ =	sdelay $0x5  }
0x160: {  	v54 =	vor.u32 $0x680, v5;
	_ =	sdelay $0x3  }
0x161: {  	v55, _, _ =	vpop (xrf2)  }
0x162: {  	[tilespmem:v54+s26+$0x0] =	vst.idx.msk vm0, v55  }
0x163: {  	v6 =	vld [tilespmem:s2+$0xFFFFFFC0]  }
0x164: {  	v7 =	vld [tilespmem:s2+$0xFFFFFFD0];
	_ =	sdelay $0x1  }
0x165: {  	v56 =	vld [tilespmem:s2+$0xFFFFFFE0];
	_ =	sdelay $0x1  }
0x166: {  	v57 =	vld [tilespmem:s2+$0xFFFFFFF0]  }
0x167: {  	v6 =	vmul.f32 v6, v1;
	v7 =	vmul.f32 v7, v2;
	_ =	sdelay $0x1  }
0x168: {  	v58 =	vmul.f32 v56, v3;
	v6 =	vadd.f32 v7, v6;
	_ =	sdelay $0x1  }
0x169: {  	v59 =	vmul.f32 v57, v4;
	v6 =	vadd.f32 v58, v6;
	_ =	sdelay $0x1  }
0x16a: {  	v6 =	vadd.f32 v59, v6;
	_ =	sdelay $0x1  }
0x16b: {  	(xrf2) =	vadd.scan.msk.f32 $0xffff, v6;
	_ =	sdelay $0x5  }
0x16c: {  	v60 =	vor.u32 $0x700, v5;
	_ =	sdelay $0x3  }
0x16d: {  	v61, _, _ =	vpop (xrf2)  }
0x16e: {  	[tilespmem:v60+s26+$0x0] =	vst.idx.msk vm0, v61  }
0x16f: {  	v6 =	vld [tilespmem:s2+$0x0]  }
0x170: {  	v7 =	vld [tilespmem:s2+$0x10];
	_ =	sdelay $0x1  }
0x171: {  	v62 =	vld [tilespmem:s2+$0x20];
	_ =	sdelay $0x1  }
0x172: {  	v63 =	vld [tilespmem:s2+$0x30]  }
0x173: {  	v6 =	vmul.f32 v6, v1;
	v7 =	vmul.f32 v7, v2;
	_ =	sdelay $0x1  }
0x174: {  	v10 =	vmul.f32 v62, v3;
	v6 =	vadd.f32 v7, v6;
	_ =	sdelay $0x1  }
0x175: {  	v11 =	vmul.f32 v63, v4;
	v6 =	vadd.f32 v10, v6;
	_ =	sdelay $0x1  }
0x176: {  	v6 =	vadd.f32 v11, v6;
	_ =	sdelay $0x1  }
0x177: {  	(xrf2) =	vadd.scan.msk.f32 $0xffff, v6;
	_ =	sdelay $0x5  }
0x178: {  	v12 =	vor.u32 $0x780, v5;
	_ =	sdelay $0x3  }
0x179: {  	v13, _, _ =	vpop (xrf2)  }
0x17a: {  	[tilespmem:v12+s26+$0x0] =	vst.idx.msk vm0, v13  }
0x17b: {  	v6 =	vld [tilespmem:s2+$0x40]  }
0x17c: {  	v7 =	vld [tilespmem:s2+$0x50];
	_ =	sdelay $0x1  }
0x17d: {  	v14 =	vld [tilespmem:s2+$0x60];
	_ =	sdelay $0x1  }
0x17e: {  	v15 =	vld [tilespmem:s2+$0x70]  }
0x17f: {  	v6 =	vmul.f32 v6, v1;
	v7 =	vmul.f32 v7, v2;
	_ =	sdelay $0x1  }
0x180: {  	v16 =	vmul.f32 v14, v3;
	v6 =	vadd.f32 v7, v6;
	_ =	sdelay $0x1  }
0x181: {  	v17 =	vmul.f32 v15, v4;
	v6 =	vadd.f32 v16, v6;
	_ =	sdelay $0x1  }
0x182: {  	v6 =	vadd.f32 v17, v6;
	_ =	sdelay $0x1  }
0x183: {  	(xrf2) =	vadd.scan.msk.f32 $0xffff, v6;
	_ =	sdelay $0x5  }
0x184: {  	v18 =	vor.u32 $0x800, v5;
	_ =	sdelay $0x3  }
0x185: {  	v19, _, _ =	vpop (xrf2)  }
0x186: {  	[tilespmem:v18+s26+$0x0] =	vst.idx.msk vm0, v19  }
0x187: {  	v6 =	vld [tilespmem:s2+$0x80]  }
0x188: {  	v7 =	vld [tilespmem:s2+$0x90];
	_ =	sdelay $0x1  }
0x189: {  	v20 =	vld [tilespmem:s2+$0xA0];
	_ =	sdelay $0x1  }
0x18a: {  	v21 =	vld [tilespmem:s2+$0xB0]  }
0x18b: {  	v6 =	vmul.f32 v6, v1;
	v7 =	vmul.f32 v7, v2;
	_ =	sdelay $0x1  }
0x18c: {  	v22 =	vmul.f32 v20, v3;
	v6 =	vadd.f32 v7, v6;
	_ =	sdelay $0x1  }
0x18d: {  	v23 =	vmul.f32 v21, v4;
	v6 =	vadd.f32 v22, v6;
	_ =	sdelay $0x1  }
0x18e: {  	v6 =	vadd.f32 v23, v6;
	_ =	sdelay $0x1  }
0x18f: {  	(xrf2) =	vadd.scan.msk.f32 $0xffff, v6;
	_ =	sdelay $0x5  }
0x190: {  	v24 =	vor.u32 $0x880, v5;
	_ =	sdelay $0x3  }
0x191: {  	v25, _, _ =	vpop (xrf2)  }
0x192: {  	[tilespmem:v24+s26+$0x0] =	vst.idx.msk vm0, v25  }
0x193: {  	v6 =	vld [tilespmem:s2+$0xC0]  }
0x194: {  	v7 =	vld [tilespmem:s2+$0xD0];
	_ =	sdelay $0x1  }
0x195: {  	v26 =	vld [tilespmem:s2+$0xE0];
	_ =	sdelay $0x1  }
0x196: {  	v27 =	vld [tilespmem:s2+$0xF0]  }
0x197: {  	v6 =	vmul.f32 v6, v1;
	v7 =	vmul.f32 v7, v2;
	_ =	sdelay $0x1  }
0x198: {  	v28 =	vmul.f32 v26, v3;
	v6 =	vadd.f32 v7, v6;
	_ =	sdelay $0x1  }
0x199: {  	v29 =	vmul.f32 v27, v4;
	v6 =	vadd.f32 v28, v6;
	_ =	sdelay $0x1  }
0x19a: {  	v6 =	vadd.f32 v29, v6;
	_ =	sdelay $0x1  }
0x19b: {  	(xrf2) =	vadd.scan.msk.f32 $0xffff, v6;
	_ =	sdelay $0x5  }
0x19c: {  	v30 =	vor.u32 $0x900, v5;
	_ =	sdelay $0x3  }
0x19d: {  	v31, _, _ =	vpop (xrf2)  }
0x19e: {  	[tilespmem:v30+s26+$0x0] =	vst.idx.msk vm0, v31  }
0x19f: {  	v6 =	vld [tilespmem:s2+$0x100]  }
0x1a0: {  	v7 =	vld [tilespmem:s2+$0x110];
	_ =	sdelay $0x1  }
0x1a1: {  	v32 =	vld [tilespmem:s2+$0x120];
	_ =	sdelay $0x1  }
0x1a2: {  	v33 =	vld [tilespmem:s2+$0x130]  }
0x1a3: {  	v6 =	vmul.f32 v6, v1;
	v7 =	vmul.f32 v7, v2;
	_ =	sdelay $0x1  }
0x1a4: {  	v34 =	vmul.f32 v32, v3;
	v6 =	vadd.f32 v7, v6;
	_ =	sdelay $0x1  }
0x1a5: {  	v35 =	vmul.f32 v33, v4;
	v6 =	vadd.f32 v34, v6;
	_ =	sdelay $0x1  }
0x1a6: {  	v6 =	vadd.f32 v35, v6;
	_ =	sdelay $0x1  }
0x1a7: {  	(xrf2) =	vadd.scan.msk.f32 $0xffff, v6;
	_ =	sdelay $0x5  }
0x1a8: {  	v36 =	vor.u32 $0x980, v5;
	_ =	sdelay $0x3  }
0x1a9: {  	v37, _, _ =	vpop (xrf2)  }
0x1aa: {  	[tilespmem:v36+s26+$0x0] =	vst.idx.msk vm0, v37  }
0x1ab: {  	v6 =	vld [tilespmem:s2+$0x140]  }
0x1ac: {  	v7 =	vld [tilespmem:s2+$0x150];
	_ =	sdelay $0x1  }
0x1ad: {  	v38 =	vld [tilespmem:s2+$0x160];
	_ =	sdelay $0x1  }
0x1ae: {  	v39 =	vld [tilespmem:s2+$0x170]  }
0x1af: {  	v6 =	vmul.f32 v6, v1;
	v7 =	vmul.f32 v7, v2;
	_ =	sdelay $0x1  }
0x1b0: {  	v40 =	vmul.f32 v38, v3;
	v6 =	vadd.f32 v7, v6;
	_ =	sdelay $0x1  }
0x1b1: {  	v41 =	vmul.f32 v39, v4;
	v6 =	vadd.f32 v40, v6;
	_ =	sdelay $0x1  }
0x1b2: {  	v6 =	vadd.f32 v41, v6;
	_ =	sdelay $0x1  }
0x1b3: {  	(xrf2) =	vadd.scan.msk.f32 $0xffff, v6;
	_ =	sdelay $0x5  }
0x1b4: {  	v42 =	vor.u32 $0xA00, v5;
	_ =	sdelay $0x3  }
0x1b5: {  	v43, _, _ =	vpop (xrf2)  }
0x1b6: {  	[tilespmem:v42+s26+$0x0] =	vst.idx.msk vm0, v43  }
0x1b7: {  	v6 =	vld [tilespmem:s2+$0x180]  }
0x1b8: {  	v7 =	vld [tilespmem:s2+$0x190];
	_ =	sdelay $0x1  }
0x1b9: {  	v44 =	vld [tilespmem:s2+$0x1A0];
	_ =	sdelay $0x1  }
0x1ba: {  	v45 =	vld [tilespmem:s2+$0x1B0]  }
0x1bb: {  	v6 =	vmul.f32 v6, v1;
	v7 =	vmul.f32 v7, v2;
	_ =	sdelay $0x1  }
0x1bc: {  	v46 =	vmul.f32 v44, v3;
	v6 =	vadd.f32 v7, v6;
	_ =	sdelay $0x1  }
0x1bd: {  	v47 =	vmul.f32 v45, v4;
	v6 =	vadd.f32 v46, v6;
	_ =	sdelay $0x1  }
0x1be: {  	v6 =	vadd.f32 v47, v6;
	_ =	sdelay $0x1  }
0x1bf: {  	(xrf2) =	vadd.scan.msk.f32 $0xffff, v6;
	_ =	sdelay $0x5  }
0x1c0: {  	v48 =	vor.u32 $0xA80, v5;
	_ =	sdelay $0x3  }
0x1c1: {  	v49, _, _ =	vpop (xrf2)  }
0x1c2: {  	[tilespmem:v48+s26+$0x0] =	vst.idx.msk vm0, v49  }
0x1c3: {  	v6 =	vld [tilespmem:s2+$0x1C0]  }
0x1c4: {  	v7 =	vld [tilespmem:s2+$0x1D0];
	_ =	sdelay $0x1  }
0x1c5: {  	v50 =	vld [tilespmem:s2+$0x1E0];
	_ =	sdelay $0x1  }
0x1c6: {  	v51 =	vld [tilespmem:s2+$0x1F0]  }
0x1c7: {  	v6 =	vmul.f32 v6, v1;
	v7 =	vmul.f32 v7, v2;
	_ =	sdelay $0x1  }
0x1c8: {  	v52 =	vmul.f32 v50, v3;
	v6 =	vadd.f32 v7, v6;
	_ =	sdelay $0x1  }
0x1c9: {  	v53 =	vmul.f32 v51, v4;
	v6 =	vadd.f32 v52, v6;
	_ =	sdelay $0x1  }
0x1ca: {  	v6 =	vadd.f32 v53, v6;
	_ =	sdelay $0x1  }
0x1cb: {  	(xrf2) =	vadd.scan.msk.f32 $0xffff, v6;
	_ =	sdelay $0x5  }
0x1cc: {  	v54 =	vor.u32 $0xB00, v5;
	_ =	sdelay $0x3  }
0x1cd: {  	v55, _, _ =	vpop (xrf2)  }
0x1ce: {  	[tilespmem:v54+s26+$0x0] =	vst.idx.msk vm0, v55  }
0x1cf: {  	v6 =	vld [tilespmem:s2+$0x200]  }
0x1d0: {  	v7 =	vld [tilespmem:s2+$0x210];
	_ =	sdelay $0x1  }
0x1d1: {  	v56 =	vld [tilespmem:s2+$0x220];
	_ =	sdelay $0x1  }
0x1d2: {  	v57 =	vld [tilespmem:s2+$0x230]  }
0x1d3: {  	v6 =	vmul.f32 v6, v1;
	v7 =	vmul.f32 v7, v2;
	_ =	sdelay $0x1  }
0x1d4: {  	v58 =	vmul.f32 v56, v3;
	v6 =	vadd.f32 v7, v6;
	_ =	sdelay $0x1  }
0x1d5: {  	v59 =	vmul.f32 v57, v4;
	v6 =	vadd.f32 v58, v6;
	_ =	sdelay $0x1  }
0x1d6: {  	v6 =	vadd.f32 v59, v6;
	_ =	sdelay $0x1  }
0x1d7: {  	(xrf2) =	vadd.scan.msk.f32 $0xffff, v6;
	_ =	sdelay $0x5  }
0x1d8: {  	v60 =	vor.u32 $0xB80, v5;
	_ =	sdelay $0x3  }
0x1d9: {  	v61, _, _ =	vpop (xrf2)  }
0x1da: {  	[tilespmem:v60+s26+$0x0] =	vst.idx.msk vm0, v61  }
0x1db: {  	v6 =	vld [tilespmem:s2+$0x240]  }
0x1dc: {  	v7 =	vld [tilespmem:s2+$0x250];
	_ =	sdelay $0x1  }
0x1dd: {  	v62 =	vld [tilespmem:s2+$0x260];
	_ =	sdelay $0x1  }
0x1de: {  	v63 =	vld [tilespmem:s2+$0x270]  }
0x1df: {  	v1 =	vmul.f32 v6, v1;
	v2 =	vmul.f32 v7, v2;
	_ =	sdelay $0x1  }
0x1e0: {  	v1 =	vadd.f32 v2, v1;
	v2 =	vmul.f32 v62, v3;
	_ =	sdelay $0x1  }
0x1e1: {  	v1 =	vadd.f32 v2, v1;
	v2 =	vmul.f32 v63, v4;
	_ =	sdelay $0x1  }
0x1e2: {  	v1 =	vadd.f32 v2, v1;
	_ =	sdelay $0x1  }
0x1e3: {  	(xrf2) =	vadd.scan.msk.f32 $0xffff, v1;
	_ =	sdelay $0x5  }
0x1e4: {  	p0 =	sne.s32 s12, $0x1F;
	v1 =	vor.u32 $0xC00, v5  }
.Ltmp3:
0x1e5: {  	_ = 	snop;
	(pc) =	sbr.rel @p0 .LBB2_9-.Ltmp3, $3  }
0x1e6: {  	_ =	sdelay $0x1  }
0x1e7: {  	s9 =	sadd.s32 $0x40, s9;
	v2, _, _ =	vpop (xrf2)  }
0x1e8: {  	s12 =	sadd.s32 $0x1, s12;
	s5 =	sadd.s32 $0x140, s5;
	s2 =	sadd.s32 $0x500, s2;
	[tilespmem:v1+s26+$0x0] =	vst.idx.msk vm0, v2  }
0x1e9: {  	s2 =	sor.u32 $0x2, s7  }
0x1ea: {  	s5 =	sshll.u32 s2, $0x5  }
0x1eb: {  	s12 =	simm.s32 $0x3400;
	s9 =	smul.u32 $0x280, s2;
	s5 =	sand.u32 $0x3FFFFFE0, s5  }
0x1ec: {  	[tilespmem:s12], [sflag:$0x1] =	stream.indirect.gather [hbm4b:s3+s13], $0x40, s5, s13, $0xb8;
	[tilespmem:$0x1E400] =	vst v63  }
0x1ed: {  	s12 =	sshra.s32 s9, $0x2  }
0x1ee: {  	s2 =	smul.u32 $0xA00, s2;
	s9 =	sadd.s32 $0x200, s12  }
0x1ef: {  	[tilespmem:s16], [sflag:$0x1] =	stream.indirect.gather [hbm4b:s4+s15], $0x40, s9, s15, $0xb8;
	[tilespmem:$0x1E400] =	vst v63  }
0x1f0: {  	s2 =	sshra.s32 s2, $0x2;
	s5 =	sadd.s32 $0x280, s12  }
0x1f1: {  	[tilespmem:s18], [sflag:$0x1] =	stream.indirect.gather [hbm4b:s4+s13], $0x40, s5, s13, $0xb8;
	[tilespmem:$0x1E400] =	vst v63  }
0x1f2: {  	s14 =	sadd.s32 $0xC00, s2  }
0x1f3: {  	[tilespmem:s19], [sflag:$0x1] =	stream.indirect.gather [hbm4b:s4+s15], $0x40, s14, s15, $0xb8;
	[tilespmem:$0x1E400] =	vst v63  }
0x1f4: {  	s9 =	sadd.s32 $0xC80, s2  }
0x1f5: {  	[tilespmem:s21], [sflag:$0x1] =	stream.indirect.gather [hbm4b:s4+s15], $0x40, s9, s15, $0xb8;
	[tilespmem:$0x1E400] =	vst v63  }
0x1f6: {  	s12 =	sadd.s32 $0xD00, s2  }
0x1f7: {  	[tilespmem:s23], [sflag:$0x1] =	stream.indirect.gather [hbm4b:s4+s15], $0x40, s12, s15, $0xb8;
	[tilespmem:$0x1E400] =	vst v63  }
0x1f8: {  	s14 =	sadd.s32 $0xD80, s2  }
0x1f9: {  	[tilespmem:s25], [sflag:$0x1] =	stream.indirect.gather [hbm4b:s4+s15], $0x40, s14, s15, $0xb8;
	[tilespmem:$0x1E400] =	vst v63  }
0x1fa: {  	s2 =	sadd.s32 $0xE00, s2  }
0x1fb: {  	[tilespmem:s28], [sflag:$0x1] =	stream.indirect.gather [hbm4b:s4+s15], $0x40, s2, s15, $0xb8;
	[tilespmem:$0x1E400] =	vst v63  }
0x1fc: {  	_ =	swait.ge [sflag:s11], $0x800  }
0x1fd: {  	[sflag:s11] =	ssyncset.done $0x0  }
0x1fe: {  	[sflag:s11] =	ssyncadd.s32 $0xFFFFF800  }
0x1ff: {  	_ =	swait.ge [sflag:s11], $0x2000  }
0x200: {  	[sflag:s11] =	ssyncset.done $0x0  }
0x201: {  	[sflag:s11] =	ssyncadd.s32 $0xFFFFE000  }
0x202: {  	_ =	swait.ge [sflag:s11], $0x800  }
0x203: {  	[sflag:s11] =	ssyncset.done $0x0  }
0x204: {  	[sflag:s11] =	ssyncadd.s32 $0xFFFFF800  }
0x205: {  	_ =	swait.ge [sflag:s11], $0x2000  }
0x206: {  	[sflag:s11] =	ssyncset.done $0x0  }
0x207: {  	[sflag:s11] =	ssyncadd.s32 $0xFFFFE000  }
0x208: {  	_ =	swait.ge [sflag:s11], $0x2000  }
0x209: {  	[sflag:s11] =	ssyncset.done $0x0  }
0x20a: {  	[sflag:s11] =	ssyncadd.s32 $0xFFFFE000  }
0x20b: {  	_ =	swait.ge [sflag:s11], $0x2000  }
0x20c: {  	[sflag:s11] =	ssyncset.done $0x0  }
0x20d: {  	[sflag:s11] =	ssyncadd.s32 $0xFFFFE000  }
0x20e: {  	_ =	swait.ge [sflag:s11], $0x2000  }
0x20f: {  	[sflag:s11] =	ssyncset.done $0x0  }
0x210: {  	[sflag:s11] =	ssyncadd.s32 $0xFFFFE000  }
0x211: {  	_ =	swait.ge [sflag:s11], $0x2000  }
0x212: {  	s5 =	simm.s32 $0x10CA0;
	s9 =	simm.s32 $0x0;
	[sflag:s11] =	ssyncset.done $0x0  }
0x213: {  	s12 =	simm.s32 $0x10420;
	s2 =	simm.s32 $0x13680;
	[sflag:s11] =	ssyncadd.s32 $0xFFFFE000  }
.LBB2_11:
0x214: {  	v1 =	vld [tilespmem:s12+$0xFFFFFFE0]  }
0x215: {  	v2 =	vld [tilespmem:s12+$0xFFFFFFF0]  }
0x216: {  	v5 =	vld [tilespmem:s5+$0xFFFFFF60]  }
0x217: {  	v6 =	vld [tilespmem:s5+$0xFFFFFF70]  }
0x218: {  	v3 =	vld [tilespmem:s12+$0x0]  }
0x219: {  	v7 =	vld [tilespmem:s5+$0xFFFFFF80]  }
0x21a: {  	v4 =	vld [tilespmem:s12+$0x10]  }
0x21b: {  	v8 =	vld [tilespmem:s5+$0xFFFFFF90]  }
0x21c: {  	v5 =	vmul.f32 v5, v1;
	v6 =	vmul.f32 v6, v2;
	_ =	sdelay $0x1  }
0x21d: {  	v28 =	vmul.f32 v7, v3;
	v5 =	vadd.f32 v6, v5;
	_ =	sdelay $0x1  }
0x21e: {  	v29 =	vmul.f32 v8, v4;
	v5 =	vadd.f32 v28, v5;
	_ =	sdelay $0x1  }
0x21f: {  	v5 =	vadd.f32 v29, v5;
	_ =	sdelay $0x1  }
0x220: {  	(xrf2) =	vadd.scan.msk.f32 $0xffff, v5;
	_ =	sdelay $0x2  }
0x221: {  	v30 =	vmov s9  }
0x222: {  	v5 =	vadd.s32 $0x20, v30  }
0x223: {  	v5 =	vbroadcast v5, $0x0;
	_ =	sdelay $0x4  }
0x224: {  	v31, _, _ =	vpop (xrf2)  }
0x225: {  	[tilespmem:v5+s26+$0x0] =	vst.idx.msk vm0, v31  }
0x226: {  	v6 =	vld [tilespmem:s5+$0xFFFFFFA0]  }
0x227: {  	v32 =	vld [tilespmem:s5+$0xFFFFFFB0];
	_ =	sdelay $0x1  }
0x228: {  	v33 =	vld [tilespmem:s5+$0xFFFFFFC0];
	_ =	sdelay $0x1  }
0x229: {  	v9 =	vld [tilespmem:s5+$0xFFFFFFD0]  }
0x22a: {  	v6 =	vmul.f32 v6, v1;
	v7 =	vmul.f32 v32, v2;
	_ =	sdelay $0x1  }
0x22b: {  	v34 =	vmul.f32 v33, v3;
	v6 =	vadd.f32 v7, v6;
	_ =	sdelay $0x1  }
0x22c: {  	v35 =	vmul.f32 v9, v4;
	v6 =	vadd.f32 v34, v6;
	_ =	sdelay $0x1  }
0x22d: {  	v6 =	vadd.f32 v35, v6;
	_ =	sdelay $0x1  }
0x22e: {  	(xrf2) =	vadd.scan.msk.f32 $0xffff, v6;
	_ =	sdelay $0x4  }
0x22f: {  	v5 =	vand.u32 $0x3F, v5  }
0x230: {  	v36 =	vor.u32 $0x80, v5;
	_ =	sdelay $0x3  }
0x231: {  	v37, _, _ =	vpop (xrf2)  }
0x232: {  	[tilespmem:v36+s26+$0x0] =	vst.idx.msk vm0, v37  }
0x233: {  	v6 =	vld [tilespmem:s5+$0xFFFFFFE0]  }
0x234: {  	v7 =	vld [tilespmem:s5+$0xFFFFFFF0];
	_ =	sdelay $0x1  }
0x235: {  	v38 =	vld [tilespmem:s5+$0x0];
	_ =	sdelay $0x1  }
0x236: {  	v39 =	vld [tilespmem:s5+$0x10]  }
0x237: {  	v6 =	vmul.f32 v6, v1;
	v7 =	vmul.f32 v7, v2;
	_ =	sdelay $0x1  }
0x238: {  	v40 =	vmul.f32 v38, v3;
	v6 =	vadd.f32 v7, v6;
	_ =	sdelay $0x1  }
0x239: {  	v41 =	vmul.f32 v39, v4;
	v6 =	vadd.f32 v40, v6;
	_ =	sdelay $0x1  }
0x23a: {  	v6 =	vadd.f32 v41, v6;
	_ =	sdelay $0x1  }
0x23b: {  	(xrf2) =	vadd.scan.msk.f32 $0xffff, v6;
	_ =	sdelay $0x5  }
0x23c: {  	v42 =	vor.u32 $0x100, v5;
	_ =	sdelay $0x3  }
0x23d: {  	v43, _, _ =	vpop (xrf2)  }
0x23e: {  	[tilespmem:v42+s26+$0x0] =	vst.idx.msk vm0, v43  }
0x23f: {  	v6 =	vld [tilespmem:s5+$0x20]  }
0x240: {  	v7 =	vld [tilespmem:s5+$0x30];
	_ =	sdelay $0x1  }
0x241: {  	v44 =	vld [tilespmem:s5+$0x40];
	_ =	sdelay $0x1  }
0x242: {  	v45 =	vld [tilespmem:s5+$0x50]  }
0x243: {  	v6 =	vmul.f32 v6, v1;
	v7 =	vmul.f32 v7, v2;
	_ =	sdelay $0x1  }
0x244: {  	v46 =	vmul.f32 v44, v3;
	v6 =	vadd.f32 v7, v6;
	_ =	sdelay $0x1  }
0x245: {  	v47 =	vmul.f32 v45, v4;
	v6 =	vadd.f32 v46, v6;
	_ =	sdelay $0x1  }
0x246: {  	v6 =	vadd.f32 v47, v6;
	_ =	sdelay $0x1  }
0x247: {  	(xrf2) =	vadd.scan.msk.f32 $0xffff, v6;
	_ =	sdelay $0x5  }
0x248: {  	v48 =	vor.u32 $0x180, v5;
	_ =	sdelay $0x3  }
0x249: {  	v49, _, _ =	vpop (xrf2)  }
0x24a: {  	[tilespmem:v48+s26+$0x0] =	vst.idx.msk vm0, v49  }
0x24b: {  	v6 =	vld [tilespmem:s5+$0x60]  }
0x24c: {  	v7 =	vld [tilespmem:s5+$0x70];
	_ =	sdelay $0x1  }
0x24d: {  	v50 =	vld [tilespmem:s5+$0x80];
	_ =	sdelay $0x1  }
0x24e: {  	v51 =	vld [tilespmem:s5+$0x90]  }
0x24f: {  	v6 =	vmul.f32 v6, v1;
	v7 =	vmul.f32 v7, v2;
	_ =	sdelay $0x1  }
0x250: {  	v52 =	vmul.f32 v50, v3;
	v6 =	vadd.f32 v7, v6;
	_ =	sdelay $0x1  }
0x251: {  	v53 =	vmul.f32 v51, v4;
	v6 =	vadd.f32 v52, v6;
	_ =	sdelay $0x1  }
0x252: {  	v6 =	vadd.f32 v53, v6;
	_ =	sdelay $0x1  }
0x253: {  	(xrf2) =	vadd.scan.msk.f32 $0xffff, v6;
	_ =	sdelay $0x5  }
0x254: {  	v54 =	vor.u32 $0x200, v5;
	_ =	sdelay $0x3  }
0x255: {  	v55, _, _ =	vpop (xrf2)  }
0x256: {  	[tilespmem:v54+s26+$0x0] =	vst.idx.msk vm0, v55  }
0x257: {  	v6 =	vld [tilespmem:s2+$0xFFFFFD80]  }
0x258: {  	v7 =	vld [tilespmem:s2+$0xFFFFFD90];
	_ =	sdelay $0x1  }
0x259: {  	v56 =	vld [tilespmem:s2+$0xFFFFFDA0];
	_ =	sdelay $0x1  }
0x25a: {  	v57 =	vld [tilespmem:s2+$0xFFFFFDB0]  }
0x25b: {  	v6 =	vmul.f32 v6, v1;
	v7 =	vmul.f32 v7, v2;
	_ =	sdelay $0x1  }
0x25c: {  	v58 =	vmul.f32 v56, v3;
	v6 =	vadd.f32 v7, v6;
	_ =	sdelay $0x1  }
0x25d: {  	v59 =	vmul.f32 v57, v4;
	v6 =	vadd.f32 v58, v6;
	_ =	sdelay $0x1  }
0x25e: {  	v6 =	vadd.f32 v59, v6;
	_ =	sdelay $0x1  }
0x25f: {  	(xrf2) =	vadd.scan.msk.f32 $0xffff, v6;
	_ =	sdelay $0x5  }
0x260: {  	v60 =	vor.u32 $0x280, v5;
	_ =	sdelay $0x3  }
0x261: {  	v61, _, _ =	vpop (xrf2)  }
0x262: {  	[tilespmem:v60+s26+$0x0] =	vst.idx.msk vm0, v61  }
0x263: {  	v6 =	vld [tilespmem:s2+$0xFFFFFDC0]  }
0x264: {  	v7 =	vld [tilespmem:s2+$0xFFFFFDD0];
	_ =	sdelay $0x1  }
0x265: {  	v62 =	vld [tilespmem:s2+$0xFFFFFDE0];
	_ =	sdelay $0x1  }
0x266: {  	v63 =	vld [tilespmem:s2+$0xFFFFFDF0]  }
0x267: {  	v6 =	vmul.f32 v6, v1;
	v7 =	vmul.f32 v7, v2;
	_ =	sdelay $0x1  }
0x268: {  	v10 =	vmul.f32 v62, v3;
	v6 =	vadd.f32 v7, v6;
	_ =	sdelay $0x1  }
0x269: {  	v11 =	vmul.f32 v63, v4;
	v6 =	vadd.f32 v10, v6;
	_ =	sdelay $0x1  }
0x26a: {  	v6 =	vadd.f32 v11, v6;
	_ =	sdelay $0x1  }
0x26b: {  	(xrf2) =	vadd.scan.msk.f32 $0xffff, v6;
	_ =	sdelay $0x5  }
0x26c: {  	v12 =	vor.u32 $0x300, v5;
	_ =	sdelay $0x3  }
0x26d: {  	v13, _, _ =	vpop (xrf2)  }
0x26e: {  	[tilespmem:v12+s26+$0x0] =	vst.idx.msk vm0, v13  }
0x26f: {  	v6 =	vld [tilespmem:s2+$0xFFFFFE00]  }
0x270: {  	v7 =	vld [tilespmem:s2+$0xFFFFFE10];
	_ =	sdelay $0x1  }
0x271: {  	v14 =	vld [tilespmem:s2+$0xFFFFFE20];
	_ =	sdelay $0x1  }
0x272: {  	v15 =	vld [tilespmem:s2+$0xFFFFFE30]  }
0x273: {  	v6 =	vmul.f32 v6, v1;
	v7 =	vmul.f32 v7, v2;
	_ =	sdelay $0x1  }
0x274: {  	v16 =	vmul.f32 v14, v3;
	v6 =	vadd.f32 v7, v6;
	_ =	sdelay $0x1  }
0x275: {  	v17 =	vmul.f32 v15, v4;
	v6 =	vadd.f32 v16, v6;
	_ =	sdelay $0x1  }
0x276: {  	v6 =	vadd.f32 v17, v6;
	_ =	sdelay $0x1  }
0x277: {  	(xrf2) =	vadd.scan.msk.f32 $0xffff, v6;
	_ =	sdelay $0x5  }
0x278: {  	v18 =	vor.u32 $0x380, v5;
	_ =	sdelay $0x3  }
0x279: {  	v19, _, _ =	vpop (xrf2)  }
0x27a: {  	[tilespmem:v18+s26+$0x0] =	vst.idx.msk vm0, v19  }
0x27b: {  	v6 =	vld [tilespmem:s2+$0xFFFFFE40]  }
0x27c: {  	v7 =	vld [tilespmem:s2+$0xFFFFFE50];
	_ =	sdelay $0x1  }
0x27d: {  	v20 =	vld [tilespmem:s2+$0xFFFFFE60];
	_ =	sdelay $0x1  }
0x27e: {  	v21 =	vld [tilespmem:s2+$0xFFFFFE70]  }
0x27f: {  	v6 =	vmul.f32 v6, v1;
	v7 =	vmul.f32 v7, v2;
	_ =	sdelay $0x1  }
0x280: {  	v22 =	vmul.f32 v20, v3;
	v6 =	vadd.f32 v7, v6;
	_ =	sdelay $0x1  }
0x281: {  	v23 =	vmul.f32 v21, v4;
	v6 =	vadd.f32 v22, v6;
	_ =	sdelay $0x1  }
0x282: {  	v6 =	vadd.f32 v23, v6;
	_ =	sdelay $0x1  }
0x283: {  	(xrf2) =	vadd.scan.msk.f32 $0xffff, v6;
	_ =	sdelay $0x5  }
0x284: {  	v24 =	vor.u32 $0x400, v5;
	_ =	sdelay $0x3  }
0x285: {  	v25, _, _ =	vpop (xrf2)  }
0x286: {  	[tilespmem:v24+s26+$0x0] =	vst.idx.msk vm0, v25  }
0x287: {  	v6 =	vld [tilespmem:s2+$0xFFFFFE80]  }
0x288: {  	v7 =	vld [tilespmem:s2+$0xFFFFFE90];
	_ =	sdelay $0x1  }
0x289: {  	v26 =	vld [tilespmem:s2+$0xFFFFFEA0];
	_ =	sdelay $0x1  }
0x28a: {  	v27 =	vld [tilespmem:s2+$0xFFFFFEB0]  }
0x28b: {  	v6 =	vmul.f32 v6, v1;
	v7 =	vmul.f32 v7, v2;
	_ =	sdelay $0x1  }
0x28c: {  	v28 =	vmul.f32 v26, v3;
	v6 =	vadd.f32 v7, v6;
	_ =	sdelay $0x1  }
0x28d: {  	v29 =	vmul.f32 v27, v4;
	v6 =	vadd.f32 v28, v6;
	_ =	sdelay $0x1  }
0x28e: {  	v6 =	vadd.f32 v29, v6;
	_ =	sdelay $0x1  }
0x28f: {  	(xrf2) =	vadd.scan.msk.f32 $0xffff, v6;
	_ =	sdelay $0x5  }
0x290: {  	v30 =	vor.u32 $0x480, v5;
	_ =	sdelay $0x3  }
0x291: {  	v31, _, _ =	vpop (xrf2)  }
0x292: {  	[tilespmem:v30+s26+$0x0] =	vst.idx.msk vm0, v31  }
0x293: {  	v6 =	vld [tilespmem:s2+$0xFFFFFEC0]  }
0x294: {  	v7 =	vld [tilespmem:s2+$0xFFFFFED0];
	_ =	sdelay $0x1  }
0x295: {  	v32 =	vld [tilespmem:s2+$0xFFFFFEE0];
	_ =	sdelay $0x1  }
0x296: {  	v33 =	vld [tilespmem:s2+$0xFFFFFEF0]  }
0x297: {  	v6 =	vmul.f32 v6, v1;
	v7 =	vmul.f32 v7, v2;
	_ =	sdelay $0x1  }
0x298: {  	v34 =	vmul.f32 v32, v3;
	v6 =	vadd.f32 v7, v6;
	_ =	sdelay $0x1  }
0x299: {  	v35 =	vmul.f32 v33, v4;
	v6 =	vadd.f32 v34, v6;
	_ =	sdelay $0x1  }
0x29a: {  	v6 =	vadd.f32 v35, v6;
	_ =	sdelay $0x1  }
0x29b: {  	(xrf2) =	vadd.scan.msk.f32 $0xffff, v6;
	_ =	sdelay $0x5  }
0x29c: {  	v36 =	vor.u32 $0x500, v5;
	_ =	sdelay $0x3  }
0x29d: {  	v37, _, _ =	vpop (xrf2)  }
0x29e: {  	[tilespmem:v36+s26+$0x0] =	vst.idx.msk vm0, v37  }
0x29f: {  	v6 =	vld [tilespmem:s2+$0xFFFFFF00]  }
0x2a0: {  	v7 =	vld [tilespmem:s2+$0xFFFFFF10];
	_ =	sdelay $0x1  }
0x2a1: {  	v38 =	vld [tilespmem:s2+$0xFFFFFF20];
	_ =	sdelay $0x1  }
0x2a2: {  	v39 =	vld [tilespmem:s2+$0xFFFFFF30]  }
0x2a3: {  	v6 =	vmul.f32 v6, v1;
	v7 =	vmul.f32 v7, v2;
	_ =	sdelay $0x1  }
0x2a4: {  	v40 =	vmul.f32 v38, v3;
	v6 =	vadd.f32 v7, v6;
	_ =	sdelay $0x1  }
0x2a5: {  	v41 =	vmul.f32 v39, v4;
	v6 =	vadd.f32 v40, v6;
	_ =	sdelay $0x1  }
0x2a6: {  	v6 =	vadd.f32 v41, v6;
	_ =	sdelay $0x1  }
0x2a7: {  	(xrf2) =	vadd.scan.msk.f32 $0xffff, v6;
	_ =	sdelay $0x5  }
0x2a8: {  	v42 =	vor.u32 $0x580, v5;
	_ =	sdelay $0x3  }
0x2a9: {  	v43, _, _ =	vpop (xrf2)  }
0x2aa: {  	[tilespmem:v42+s26+$0x0] =	vst.idx.msk vm0, v43  }
0x2ab: {  	v6 =	vld [tilespmem:s2+$0xFFFFFF40]  }
0x2ac: {  	v7 =	vld [tilespmem:s2+$0xFFFFFF50];
	_ =	sdelay $0x1  }
0x2ad: {  	v44 =	vld [tilespmem:s2+$0xFFFFFF60];
	_ =	sdelay $0x1  }
0x2ae: {  	v45 =	vld [tilespmem:s2+$0xFFFFFF70]  }
0x2af: {  	v6 =	vmul.f32 v6, v1;
	v7 =	vmul.f32 v7, v2;
	_ =	sdelay $0x1  }
0x2b0: {  	v46 =	vmul.f32 v44, v3;
	v6 =	vadd.f32 v7, v6;
	_ =	sdelay $0x1  }
0x2b1: {  	v47 =	vmul.f32 v45, v4;
	v6 =	vadd.f32 v46, v6;
	_ =	sdelay $0x1  }
0x2b2: {  	v6 =	vadd.f32 v47, v6;
	_ =	sdelay $0x1  }
0x2b3: {  	(xrf2) =	vadd.scan.msk.f32 $0xffff, v6;
	_ =	sdelay $0x5  }
0x2b4: {  	v48 =	vor.u32 $0x600, v5;
	_ =	sdelay $0x3  }
0x2b5: {  	v49, _, _ =	vpop (xrf2)  }
0x2b6: {  	[tilespmem:v48+s26+$0x0] =	vst.idx.msk vm0, v49  }
0x2b7: {  	v6 =	vld [tilespmem:s2+$0xFFFFFF80]  }
0x2b8: {  	v7 =	vld [tilespmem:s2+$0xFFFFFF90];
	_ =	sdelay $0x1  }
0x2b9: {  	v50 =	vld [tilespmem:s2+$0xFFFFFFA0];
	_ =	sdelay $0x1  }
0x2ba: {  	v51 =	vld [tilespmem:s2+$0xFFFFFFB0]  }
0x2bb: {  	v6 =	vmul.f32 v6, v1;
	v7 =	vmul.f32 v7, v2;
	_ =	sdelay $0x1  }
0x2bc: {  	v52 =	vmul.f32 v50, v3;
	v6 =	vadd.f32 v7, v6;
	_ =	sdelay $0x1  }
0x2bd: {  	v53 =	vmul.f32 v51, v4;
	v6 =	vadd.f32 v52, v6;
	_ =	sdelay $0x1  }
0x2be: {  	v6 =	vadd.f32 v53, v6;
	_ =	sdelay $0x1  }
0x2bf: {  	(xrf2) =	vadd.scan.msk.f32 $0xffff, v6;
	_ =	sdelay $0x5  }
0x2c0: {  	v54 =	vor.u32 $0x680, v5;
	_ =	sdelay $0x3  }
0x2c1: {  	v55, _, _ =	vpop (xrf2)  }
0x2c2: {  	[tilespmem:v54+s26+$0x0] =	vst.idx.msk vm0, v55  }
0x2c3: {  	v6 =	vld [tilespmem:s2+$0xFFFFFFC0]  }
0x2c4: {  	v7 =	vld [tilespmem:s2+$0xFFFFFFD0];
	_ =	sdelay $0x1  }
0x2c5: {  	v56 =	vld [tilespmem:s2+$0xFFFFFFE0];
	_ =	sdelay $0x1  }
0x2c6: {  	v57 =	vld [tilespmem:s2+$0xFFFFFFF0]  }
0x2c7: {  	v6 =	vmul.f32 v6, v1;
	v7 =	vmul.f32 v7, v2;
	_ =	sdelay $0x1  }
0x2c8: {  	v58 =	vmul.f32 v56, v3;
	v6 =	vadd.f32 v7, v6;
	_ =	sdelay $0x1  }
0x2c9: {  	v59 =	vmul.f32 v57, v4;
	v6 =	vadd.f32 v58, v6;
	_ =	sdelay $0x1  }
0x2ca: {  	v6 =	vadd.f32 v59, v6;
	_ =	sdelay $0x1  }
0x2cb: {  	(xrf2) =	vadd.scan.msk.f32 $0xffff, v6;
	_ =	sdelay $0x5  }
0x2cc: {  	v60 =	vor.u32 $0x700, v5;
	_ =	sdelay $0x3  }
0x2cd: {  	v61, _, _ =	vpop (xrf2)  }
0x2ce: {  	[tilespmem:v60+s26+$0x0] =	vst.idx.msk vm0, v61  }
0x2cf: {  	v6 =	vld [tilespmem:s2+$0x0]  }
0x2d0: {  	v7 =	vld [tilespmem:s2+$0x10];
	_ =	sdelay $0x1  }
0x2d1: {  	v62 =	vld [tilespmem:s2+$0x20];
	_ =	sdelay $0x1  }
0x2d2: {  	v63 =	vld [tilespmem:s2+$0x30]  }
0x2d3: {  	v6 =	vmul.f32 v6, v1;
	v7 =	vmul.f32 v7, v2;
	_ =	sdelay $0x1  }
0x2d4: {  	v10 =	vmul.f32 v62, v3;
	v6 =	vadd.f32 v7, v6;
	_ =	sdelay $0x1  }
0x2d5: {  	v11 =	vmul.f32 v63, v4;
	v6 =	vadd.f32 v10, v6;
	_ =	sdelay $0x1  }
0x2d6: {  	v6 =	vadd.f32 v11, v6;
	_ =	sdelay $0x1  }
0x2d7: {  	(xrf2) =	vadd.scan.msk.f32 $0xffff, v6;
	_ =	sdelay $0x5  }
0x2d8: {  	v12 =	vor.u32 $0x780, v5;
	_ =	sdelay $0x3  }
0x2d9: {  	v13, _, _ =	vpop (xrf2)  }
0x2da: {  	[tilespmem:v12+s26+$0x0] =	vst.idx.msk vm0, v13  }
0x2db: {  	v6 =	vld [tilespmem:s2+$0x40]  }
0x2dc: {  	v7 =	vld [tilespmem:s2+$0x50];
	_ =	sdelay $0x1  }
0x2dd: {  	v14 =	vld [tilespmem:s2+$0x60];
	_ =	sdelay $0x1  }
0x2de: {  	v15 =	vld [tilespmem:s2+$0x70]  }
0x2df: {  	v6 =	vmul.f32 v6, v1;
	v7 =	vmul.f32 v7, v2;
	_ =	sdelay $0x1  }
0x2e0: {  	v16 =	vmul.f32 v14, v3;
	v6 =	vadd.f32 v7, v6;
	_ =	sdelay $0x1  }
0x2e1: {  	v17 =	vmul.f32 v15, v4;
	v6 =	vadd.f32 v16, v6;
	_ =	sdelay $0x1  }
0x2e2: {  	v6 =	vadd.f32 v17, v6;
	_ =	sdelay $0x1  }
0x2e3: {  	(xrf2) =	vadd.scan.msk.f32 $0xffff, v6;
	_ =	sdelay $0x5  }
0x2e4: {  	v18 =	vor.u32 $0x800, v5;
	_ =	sdelay $0x3  }
0x2e5: {  	v19, _, _ =	vpop (xrf2)  }
0x2e6: {  	[tilespmem:v18+s26+$0x0] =	vst.idx.msk vm0, v19  }
0x2e7: {  	v6 =	vld [tilespmem:s2+$0x80]  }
0x2e8: {  	v7 =	vld [tilespmem:s2+$0x90];
	_ =	sdelay $0x1  }
0x2e9: {  	v20 =	vld [tilespmem:s2+$0xA0];
	_ =	sdelay $0x1  }
0x2ea: {  	v21 =	vld [tilespmem:s2+$0xB0]  }
0x2eb: {  	v6 =	vmul.f32 v6, v1;
	v7 =	vmul.f32 v7, v2;
	_ =	sdelay $0x1  }
0x2ec: {  	v22 =	vmul.f32 v20, v3;
	v6 =	vadd.f32 v7, v6;
	_ =	sdelay $0x1  }
0x2ed: {  	v23 =	vmul.f32 v21, v4;
	v6 =	vadd.f32 v22, v6;
	_ =	sdelay $0x1  }
0x2ee: {  	v6 =	vadd.f32 v23, v6;
	_ =	sdelay $0x1  }
0x2ef: {  	(xrf2) =	vadd.scan.msk.f32 $0xffff, v6;
	_ =	sdelay $0x5  }
0x2f0: {  	v24 =	vor.u32 $0x880, v5;
	_ =	sdelay $0x3  }
0x2f1: {  	v25, _, _ =	vpop (xrf2)  }
0x2f2: {  	[tilespmem:v24+s26+$0x0] =	vst.idx.msk vm0, v25  }
0x2f3: {  	v6 =	vld [tilespmem:s2+$0xC0]  }
0x2f4: {  	v7 =	vld [tilespmem:s2+$0xD0];
	_ =	sdelay $0x1  }
0x2f5: {  	v26 =	vld [tilespmem:s2+$0xE0];
	_ =	sdelay $0x1  }
0x2f6: {  	v27 =	vld [tilespmem:s2+$0xF0]  }
0x2f7: {  	v6 =	vmul.f32 v6, v1;
	v7 =	vmul.f32 v7, v2;
	_ =	sdelay $0x1  }
0x2f8: {  	v28 =	vmul.f32 v26, v3;
	v6 =	vadd.f32 v7, v6;
	_ =	sdelay $0x1  }
0x2f9: {  	v29 =	vmul.f32 v27, v4;
	v6 =	vadd.f32 v28, v6;
	_ =	sdelay $0x1  }
0x2fa: {  	v6 =	vadd.f32 v29, v6;
	_ =	sdelay $0x1  }
0x2fb: {  	(xrf2) =	vadd.scan.msk.f32 $0xffff, v6;
	_ =	sdelay $0x5  }
0x2fc: {  	v30 =	vor.u32 $0x900, v5;
	_ =	sdelay $0x3  }
0x2fd: {  	v31, _, _ =	vpop (xrf2)  }
0x2fe: {  	[tilespmem:v30+s26+$0x0] =	vst.idx.msk vm0, v31  }
0x2ff: {  	v6 =	vld [tilespmem:s2+$0x100]  }
0x300: {  	v7 =	vld [tilespmem:s2+$0x110];
	_ =	sdelay $0x1  }
0x301: {  	v32 =	vld [tilespmem:s2+$0x120];
	_ =	sdelay $0x1  }
0x302: {  	v33 =	vld [tilespmem:s2+$0x130]  }
0x303: {  	v6 =	vmul.f32 v6, v1;
	v7 =	vmul.f32 v7, v2;
	_ =	sdelay $0x1  }
0x304: {  	v34 =	vmul.f32 v32, v3;
	v6 =	vadd.f32 v7, v6;
	_ =	sdelay $0x1  }
0x305: {  	v35 =	vmul.f32 v33, v4;
	v6 =	vadd.f32 v34, v6;
	_ =	sdelay $0x1  }
0x306: {  	v6 =	vadd.f32 v35, v6;
	_ =	sdelay $0x1  }
0x307: {  	(xrf2) =	vadd.scan.msk.f32 $0xffff, v6;
	_ =	sdelay $0x5  }
0x308: {  	v36 =	vor.u32 $0x980, v5;
	_ =	sdelay $0x3  }
0x309: {  	v37, _, _ =	vpop (xrf2)  }
0x30a: {  	[tilespmem:v36+s26+$0x0] =	vst.idx.msk vm0, v37  }
0x30b: {  	v6 =	vld [tilespmem:s2+$0x140]  }
0x30c: {  	v7 =	vld [tilespmem:s2+$0x150];
	_ =	sdelay $0x1  }
0x30d: {  	v38 =	vld [tilespmem:s2+$0x160];
	_ =	sdelay $0x1  }
0x30e: {  	v39 =	vld [tilespmem:s2+$0x170]  }
0x30f: {  	v6 =	vmul.f32 v6, v1;
	v7 =	vmul.f32 v7, v2;
	_ =	sdelay $0x1  }
0x310: {  	v40 =	vmul.f32 v38, v3;
	v6 =	vadd.f32 v7, v6;
	_ =	sdelay $0x1  }
0x311: {  	v41 =	vmul.f32 v39, v4;
	v6 =	vadd.f32 v40, v6;
	_ =	sdelay $0x1  }
0x312: {  	v6 =	vadd.f32 v41, v6;
	_ =	sdelay $0x1  }
0x313: {  	(xrf2) =	vadd.scan.msk.f32 $0xffff, v6;
	_ =	sdelay $0x5  }
0x314: {  	v42 =	vor.u32 $0xA00, v5;
	_ =	sdelay $0x3  }
0x315: {  	v43, _, _ =	vpop (xrf2)  }
0x316: {  	[tilespmem:v42+s26+$0x0] =	vst.idx.msk vm0, v43  }
0x317: {  	v6 =	vld [tilespmem:s2+$0x180]  }
0x318: {  	v7 =	vld [tilespmem:s2+$0x190];
	_ =	sdelay $0x1  }
0x319: {  	v44 =	vld [tilespmem:s2+$0x1A0];
	_ =	sdelay $0x1  }
0x31a: {  	v45 =	vld [tilespmem:s2+$0x1B0]  }
0x31b: {  	v6 =	vmul.f32 v6, v1;
	v7 =	vmul.f32 v7, v2;
	_ =	sdelay $0x1  }
0x31c: {  	v46 =	vmul.f32 v44, v3;
	v6 =	vadd.f32 v7, v6;
	_ =	sdelay $0x1  }
0x31d: {  	v47 =	vmul.f32 v45, v4;
	v6 =	vadd.f32 v46, v6;
	_ =	sdelay $0x1  }
0x31e: {  	v6 =	vadd.f32 v47, v6;
	_ =	sdelay $0x1  }
0x31f: {  	(xrf2) =	vadd.scan.msk.f32 $0xffff, v6;
	_ =	sdelay $0x5  }
0x320: {  	v48 =	vor.u32 $0xA80, v5;
	_ =	sdelay $0x3  }
0x321: {  	v49, _, _ =	vpop (xrf2)  }
0x322: {  	[tilespmem:v48+s26+$0x0] =	vst.idx.msk vm0, v49  }
0x323: {  	v6 =	vld [tilespmem:s2+$0x1C0]  }
0x324: {  	v7 =	vld [tilespmem:s2+$0x1D0];
	_ =	sdelay $0x1  }
0x325: {  	v50 =	vld [tilespmem:s2+$0x1E0];
	_ =	sdelay $0x1  }
0x326: {  	v51 =	vld [tilespmem:s2+$0x1F0]  }
0x327: {  	v6 =	vmul.f32 v6, v1;
	v7 =	vmul.f32 v7, v2;
	_ =	sdelay $0x1  }
0x328: {  	v52 =	vmul.f32 v50, v3;
	v6 =	vadd.f32 v7, v6;
	_ =	sdelay $0x1  }
0x329: {  	v53 =	vmul.f32 v51, v4;
	v6 =	vadd.f32 v52, v6;
	_ =	sdelay $0x1  }
0x32a: {  	v6 =	vadd.f32 v53, v6;
	_ =	sdelay $0x1  }
0x32b: {  	(xrf2) =	vadd.scan.msk.f32 $0xffff, v6;
	_ =	sdelay $0x5  }
0x32c: {  	v54 =	vor.u32 $0xB00, v5;
	_ =	sdelay $0x3  }
0x32d: {  	v55, _, _ =	vpop (xrf2)  }
0x32e: {  	[tilespmem:v54+s26+$0x0] =	vst.idx.msk vm0, v55  }
0x32f: {  	v6 =	vld [tilespmem:s2+$0x200]  }
0x330: {  	v7 =	vld [tilespmem:s2+$0x210];
	_ =	sdelay $0x1  }
0x331: {  	v56 =	vld [tilespmem:s2+$0x220];
	_ =	sdelay $0x1  }
0x332: {  	v57 =	vld [tilespmem:s2+$0x230]  }
0x333: {  	v6 =	vmul.f32 v6, v1;
	v7 =	vmul.f32 v7, v2;
	_ =	sdelay $0x1  }
0x334: {  	v58 =	vmul.f32 v56, v3;
	v6 =	vadd.f32 v7, v6;
	_ =	sdelay $0x1  }
0x335: {  	v59 =	vmul.f32 v57, v4;
	v6 =	vadd.f32 v58, v6;
	_ =	sdelay $0x1  }
0x336: {  	v6 =	vadd.f32 v59, v6;
	_ =	sdelay $0x1  }
0x337: {  	(xrf2) =	vadd.scan.msk.f32 $0xffff, v6;
	_ =	sdelay $0x5  }
0x338: {  	v60 =	vor.u32 $0xB80, v5;
	_ =	sdelay $0x3  }
0x339: {  	v61, _, _ =	vpop (xrf2)  }
0x33a: {  	[tilespmem:v60+s26+$0x0] =	vst.idx.msk vm0, v61  }
0x33b: {  	v6 =	vld [tilespmem:s2+$0x240]  }
0x33c: {  	v7 =	vld [tilespmem:s2+$0x250];
	_ =	sdelay $0x1  }
0x33d: {  	v62 =	vld [tilespmem:s2+$0x260];
	_ =	sdelay $0x1  }
0x33e: {  	v63 =	vld [tilespmem:s2+$0x270]  }
0x33f: {  	v1 =	vmul.f32 v6, v1;
	v2 =	vmul.f32 v7, v2;
	_ =	sdelay $0x1  }
0x340: {  	v1 =	vadd.f32 v2, v1;
	v2 =	vmul.f32 v62, v3;
	_ =	sdelay $0x1  }
0x341: {  	v1 =	vadd.f32 v2, v1;
	v2 =	vmul.f32 v63, v4;
	_ =	sdelay $0x1  }
0x342: {  	v1 =	vadd.f32 v2, v1;
	_ =	sdelay $0x1  }
0x343: {  	(xrf2) =	vadd.scan.msk.f32 $0xffff, v1;
	_ =	sdelay $0x5  }
0x344: {  	p0 =	sne.s32 s9, $0x1F;
	v1 =	vor.u32 $0xC00, v5  }
.Ltmp4:
0x345: {  	_ = 	snop;
	(pc) =	sbr.rel @p0 .LBB2_11-.Ltmp4, $3  }
0x346: {  	_ =	sdelay $0x1  }
0x347: {  	s12 =	sadd.s32 $0x40, s12;
	v2, _, _ =	vpop (xrf2)  }
0x348: {  	s9 =	sadd.s32 $0x1, s9;
	s5 =	sadd.s32 $0x140, s5;
	s2 =	sadd.s32 $0x500, s2;
	[tilespmem:v1+s26+$0x0] =	vst.idx.msk vm0, v2  }
0x349: {  	s2 =	sor.u32 $0x3, s7  }
0x34a: {  	s5 =	sshll.u32 s2, $0x5  }
0x34b: {  	s9 =	smul.u32 $0x280, s2;
	s5 =	sand.u32 $0x3FFFFFE0, s5  }
0x34c: {  	[tilespmem:s29], [sflag:$0x2] =	stream.indirect.gather [hbm4b:s3+s13], $0x40, s5, s13, $0xb8;
	[tilespmem:$0x1E400] =	vst v63  }
0x34d: {  	s12 =	sshra.s32 s9, $0x2  }
0x34e: {  	s2 =	smul.u32 $0xA00, s2;
	s9 =	sadd.s32 $0x200, s12  }
0x34f: {  	[tilespmem:s30], [sflag:$0x2] =	stream.indirect.gather [hbm4b:s4+s15], $0x40, s9, s15, $0xb8;
	[tilespmem:$0x1E400] =	vst v63  }
0x350: {  	s2 =	sshra.s32 s2, $0x2;
	s5 =	sadd.s32 $0x280, s12  }
0x351: {  	[tilespmem:s31], [sflag:$0x2] =	stream.indirect.gather [hbm4b:s4+s13], $0x40, s5, s13, $0xb8;
	[tilespmem:$0x1E400] =	vst v63  }
0x352: {  	s14 =	sadd.s32 $0xC00, s2  }
0x353: {  	[tilespmem:s1], [sflag:$0x2] =	stream.indirect.gather [hbm4b:s4+s15], $0x40, s14, s15, $0xb8;
	[tilespmem:$0x1E400] =	vst v63  }
0x354: {  	s9 =	sadd.s32 $0xC80, s2  }
0x355: {  	[tilespmem:s0], [sflag:$0x2] =	stream.indirect.gather [hbm4b:s4+s15], $0x40, s9, s15, $0xb8;
	[tilespmem:$0x1E400] =	vst v63  }
0x356: {  	s12 =	sadd.s32 $0xD00, s2  }
0x357: {  	[tilespmem:s17], [sflag:$0x2] =	stream.indirect.gather [hbm4b:s4+s15], $0x40, s12, s15, $0xb8;
	[tilespmem:$0x1E400] =	vst v63  }
0x358: {  	s14 =	sadd.s32 $0xD80, s2  }
0x359: {  	[tilespmem:s20], [sflag:$0x2] =	stream.indirect.gather [hbm4b:s4+s15], $0x40, s14, s15, $0xb8;
	[tilespmem:$0x1E400] =	vst v63  }
0x35a: {  	s2 =	sadd.s32 $0xE00, s2  }
0x35b: {  	[tilespmem:s22], [sflag:$0x2] =	stream.indirect.gather [hbm4b:s4+s15], $0x40, s2, s15, $0xb8;
	[tilespmem:$0x1E400] =	vst v63  }
0x35c: {  	_ =	swait.ge [sflag:s24], $0x800  }
0x35d: {  	[sflag:s24] =	ssyncset.done $0x0  }
0x35e: {  	[sflag:s24] =	ssyncadd.s32 $0xFFFFF800  }
0x35f: {  	_ =	swait.ge [sflag:s24], $0x2000  }
0x360: {  	[sflag:s24] =	ssyncset.done $0x0  }
0x361: {  	[sflag:s24] =	ssyncadd.s32 $0xFFFFE000  }
0x362: {  	_ =	swait.ge [sflag:s24], $0x800  }
0x363: {  	[sflag:s24] =	ssyncset.done $0x0  }
0x364: {  	[sflag:s24] =	ssyncadd.s32 $0xFFFFF800  }
0x365: {  	_ =	swait.ge [sflag:s24], $0x2000  }
0x366: {  	[sflag:s24] =	ssyncset.done $0x0  }
0x367: {  	[sflag:s24] =	ssyncadd.s32 $0xFFFFE000  }
0x368: {  	_ =	swait.ge [sflag:s24], $0x2000  }
0x369: {  	[sflag:s24] =	ssyncset.done $0x0  }
0x36a: {  	[sflag:s24] =	ssyncadd.s32 $0xFFFFE000  }
0x36b: {  	_ =	swait.ge [sflag:s24], $0x2000  }
0x36c: {  	[sflag:s24] =	ssyncset.done $0x0  }
0x36d: {  	[sflag:s24] =	ssyncadd.s32 $0xFFFFE000  }
0x36e: {  	_ =	swait.ge [sflag:s24], $0x2000  }
0x36f: {  	[sflag:s24] =	ssyncset.done $0x0  }
0x370: {  	[sflag:s24] =	ssyncadd.s32 $0xFFFFE000  }
0x371: {  	_ =	swait.ge [sflag:s24], $0x2000  }
0x372: {  	s5 =	simm.s32 $0x3CA0;
	s9 =	simm.s32 $0x0;
	[sflag:s24] =	ssyncset.done $0x0  }
0x373: {  	s12 =	simm.s32 $0x3420;
	s2 =	simm.s32 $0x6680;
	[sflag:s24] =	ssyncadd.s32 $0xFFFFE000  }
.LBB2_13:
0x374: {  	v1 =	vld [tilespmem:s12+$0xFFFFFFE0]  }
0x375: {  	v2 =	vld [tilespmem:s12+$0xFFFFFFF0]  }
0x376: {  	v5 =	vld [tilespmem:s5+$0xFFFFFF60]  }
0x377: {  	v6 =	vld [tilespmem:s5+$0xFFFFFF70]  }
0x378: {  	v3 =	vld [tilespmem:s12+$0x0]  }
0x379: {  	v7 =	vld [tilespmem:s5+$0xFFFFFF80]  }
0x37a: {  	v4 =	vld [tilespmem:s12+$0x10]  }
0x37b: {  	v8 =	vld [tilespmem:s5+$0xFFFFFF90]  }
0x37c: {  	v5 =	vmul.f32 v5, v1;
	v6 =	vmul.f32 v6, v2;
	_ =	sdelay $0x1  }
0x37d: {  	v28 =	vmul.f32 v7, v3;
	v5 =	vadd.f32 v6, v5;
	_ =	sdelay $0x1  }
0x37e: {  	v29 =	vmul.f32 v8, v4;
	v5 =	vadd.f32 v28, v5;
	_ =	sdelay $0x1  }
0x37f: {  	v5 =	vadd.f32 v29, v5;
	_ =	sdelay $0x1  }
0x380: {  	(xrf2) =	vadd.scan.msk.f32 $0xffff, v5;
	_ =	sdelay $0x2  }
0x381: {  	v30 =	vmov s9  }
0x382: {  	v5 =	vadd.s32 $0x40, v30  }
0x383: {  	v5 =	vbroadcast v5, $0x0;
	_ =	sdelay $0x4  }
0x384: {  	v31, _, _ =	vpop (xrf2)  }
0x385: {  	[tilespmem:v5+s26+$0x0] =	vst.idx.msk vm0, v31  }
0x386: {  	v6 =	vld [tilespmem:s5+$0xFFFFFFA0]  }
0x387: {  	v32 =	vld [tilespmem:s5+$0xFFFFFFB0];
	_ =	sdelay $0x1  }
0x388: {  	v33 =	vld [tilespmem:s5+$0xFFFFFFC0];
	_ =	sdelay $0x1  }
0x389: {  	v9 =	vld [tilespmem:s5+$0xFFFFFFD0]  }
0x38a: {  	v6 =	vmul.f32 v6, v1;
	v7 =	vmul.f32 v32, v2;
	_ =	sdelay $0x1  }
0x38b: {  	v34 =	vmul.f32 v33, v3;
	v6 =	vadd.f32 v7, v6;
	_ =	sdelay $0x1  }
0x38c: {  	v35 =	vmul.f32 v9, v4;
	v6 =	vadd.f32 v34, v6;
	_ =	sdelay $0x1  }
0x38d: {  	v6 =	vadd.f32 v35, v6;
	_ =	sdelay $0x1  }
0x38e: {  	(xrf2) =	vadd.scan.msk.f32 $0xffff, v6;
	_ =	sdelay $0x4  }
0x38f: {  	v5 =	vand.u32 $0x5F, v5  }
0x390: {  	v36 =	vor.u32 $0x80, v5;
	_ =	sdelay $0x3  }
0x391: {  	v37, _, _ =	vpop (xrf2)  }
0x392: {  	[tilespmem:v36+s26+$0x0] =	vst.idx.msk vm0, v37  }
0x393: {  	v6 =	vld [tilespmem:s5+$0xFFFFFFE0]  }
0x394: {  	v7 =	vld [tilespmem:s5+$0xFFFFFFF0];
	_ =	sdelay $0x1  }
0x395: {  	v38 =	vld [tilespmem:s5+$0x0];
	_ =	sdelay $0x1  }
0x396: {  	v39 =	vld [tilespmem:s5+$0x10]  }
0x397: {  	v6 =	vmul.f32 v6, v1;
	v7 =	vmul.f32 v7, v2;
	_ =	sdelay $0x1  }
0x398: {  	v40 =	vmul.f32 v38, v3;
	v6 =	vadd.f32 v7, v6;
	_ =	sdelay $0x1  }
0x399: {  	v41 =	vmul.f32 v39, v4;
	v6 =	vadd.f32 v40, v6;
	_ =	sdelay $0x1  }
0x39a: {  	v6 =	vadd.f32 v41, v6;
	_ =	sdelay $0x1  }
0x39b: {  	(xrf2) =	vadd.scan.msk.f32 $0xffff, v6;
	_ =	sdelay $0x5  }
0x39c: {  	v42 =	vor.u32 $0x100, v5;
	_ =	sdelay $0x3  }
0x39d: {  	v43, _, _ =	vpop (xrf2)  }
0x39e: {  	[tilespmem:v42+s26+$0x0] =	vst.idx.msk vm0, v43  }
0x39f: {  	v6 =	vld [tilespmem:s5+$0x20]  }
0x3a0: {  	v7 =	vld [tilespmem:s5+$0x30];
	_ =	sdelay $0x1  }
0x3a1: {  	v44 =	vld [tilespmem:s5+$0x40];
	_ =	sdelay $0x1  }
0x3a2: {  	v45 =	vld [tilespmem:s5+$0x50]  }
0x3a3: {  	v6 =	vmul.f32 v6, v1;
	v7 =	vmul.f32 v7, v2;
	_ =	sdelay $0x1  }
0x3a4: {  	v46 =	vmul.f32 v44, v3;
	v6 =	vadd.f32 v7, v6;
	_ =	sdelay $0x1  }
0x3a5: {  	v47 =	vmul.f32 v45, v4;
	v6 =	vadd.f32 v46, v6;
	_ =	sdelay $0x1  }
0x3a6: {  	v6 =	vadd.f32 v47, v6;
	_ =	sdelay $0x1  }
0x3a7: {  	(xrf2) =	vadd.scan.msk.f32 $0xffff, v6;
	_ =	sdelay $0x5  }
0x3a8: {  	v48 =	vor.u32 $0x180, v5;
	_ =	sdelay $0x3  }
0x3a9: {  	v49, _, _ =	vpop (xrf2)  }
0x3aa: {  	[tilespmem:v48+s26+$0x0] =	vst.idx.msk vm0, v49  }
0x3ab: {  	v6 =	vld [tilespmem:s5+$0x60]  }
0x3ac: {  	v7 =	vld [tilespmem:s5+$0x70];
	_ =	sdelay $0x1  }
0x3ad: {  	v50 =	vld [tilespmem:s5+$0x80];
	_ =	sdelay $0x1  }
0x3ae: {  	v51 =	vld [tilespmem:s5+$0x90]  }
0x3af: {  	v6 =	vmul.f32 v6, v1;
	v7 =	vmul.f32 v7, v2;
	_ =	sdelay $0x1  }
0x3b0: {  	v52 =	vmul.f32 v50, v3;
	v6 =	vadd.f32 v7, v6;
	_ =	sdelay $0x1  }
0x3b1: {  	v53 =	vmul.f32 v51, v4;
	v6 =	vadd.f32 v52, v6;
	_ =	sdelay $0x1  }
0x3b2: {  	v6 =	vadd.f32 v53, v6;
	_ =	sdelay $0x1  }
0x3b3: {  	(xrf2) =	vadd.scan.msk.f32 $0xffff, v6;
	_ =	sdelay $0x5  }
0x3b4: {  	v54 =	vor.u32 $0x200, v5;
	_ =	sdelay $0x3  }
0x3b5: {  	v55, _, _ =	vpop (xrf2)  }
0x3b6: {  	[tilespmem:v54+s26+$0x0] =	vst.idx.msk vm0, v55  }
0x3b7: {  	v6 =	vld [tilespmem:s2+$0xFFFFFD80]  }
0x3b8: {  	v7 =	vld [tilespmem:s2+$0xFFFFFD90];
	_ =	sdelay $0x1  }
0x3b9: {  	v56 =	vld [tilespmem:s2+$0xFFFFFDA0];
	_ =	sdelay $0x1  }
0x3ba: {  	v57 =	vld [tilespmem:s2+$0xFFFFFDB0]  }
0x3bb: {  	v6 =	vmul.f32 v6, v1;
	v7 =	vmul.f32 v7, v2;
	_ =	sdelay $0x1  }
0x3bc: {  	v58 =	vmul.f32 v56, v3;
	v6 =	vadd.f32 v7, v6;
	_ =	sdelay $0x1  }
0x3bd: {  	v59 =	vmul.f32 v57, v4;
	v6 =	vadd.f32 v58, v6;
	_ =	sdelay $0x1  }
0x3be: {  	v6 =	vadd.f32 v59, v6;
	_ =	sdelay $0x1  }
0x3bf: {  	(xrf2) =	vadd.scan.msk.f32 $0xffff, v6;
	_ =	sdelay $0x5  }
0x3c0: {  	v60 =	vor.u32 $0x280, v5;
	_ =	sdelay $0x3  }
0x3c1: {  	v61, _, _ =	vpop (xrf2)  }
0x3c2: {  	[tilespmem:v60+s26+$0x0] =	vst.idx.msk vm0, v61  }
0x3c3: {  	v6 =	vld [tilespmem:s2+$0xFFFFFDC0]  }
0x3c4: {  	v7 =	vld [tilespmem:s2+$0xFFFFFDD0];
	_ =	sdelay $0x1  }
0x3c5: {  	v62 =	vld [tilespmem:s2+$0xFFFFFDE0];
	_ =	sdelay $0x1  }
0x3c6: {  	v63 =	vld [tilespmem:s2+$0xFFFFFDF0]  }
0x3c7: {  	v6 =	vmul.f32 v6, v1;
	v7 =	vmul.f32 v7, v2;
	_ =	sdelay $0x1  }
0x3c8: {  	v10 =	vmul.f32 v62, v3;
	v6 =	vadd.f32 v7, v6;
	_ =	sdelay $0x1  }
0x3c9: {  	v11 =	vmul.f32 v63, v4;
	v6 =	vadd.f32 v10, v6;
	_ =	sdelay $0x1  }
0x3ca: {  	v6 =	vadd.f32 v11, v6;
	_ =	sdelay $0x1  }
0x3cb: {  	(xrf2) =	vadd.scan.msk.f32 $0xffff, v6;
	_ =	sdelay $0x5  }
0x3cc: {  	v12 =	vor.u32 $0x300, v5;
	_ =	sdelay $0x3  }
0x3cd: {  	v13, _, _ =	vpop (xrf2)  }
0x3ce: {  	[tilespmem:v12+s26+$0x0] =	vst.idx.msk vm0, v13  }
0x3cf: {  	v6 =	vld [tilespmem:s2+$0xFFFFFE00]  }
0x3d0: {  	v7 =	vld [tilespmem:s2+$0xFFFFFE10];
	_ =	sdelay $0x1  }
0x3d1: {  	v14 =	vld [tilespmem:s2+$0xFFFFFE20];
	_ =	sdelay $0x1  }
0x3d2: {  	v15 =	vld [tilespmem:s2+$0xFFFFFE30]  }
0x3d3: {  	v6 =	vmul.f32 v6, v1;
	v7 =	vmul.f32 v7, v2;
	_ =	sdelay $0x1  }
0x3d4: {  	v16 =	vmul.f32 v14, v3;
	v6 =	vadd.f32 v7, v6;
	_ =	sdelay $0x1  }
0x3d5: {  	v17 =	vmul.f32 v15, v4;
	v6 =	vadd.f32 v16, v6;
	_ =	sdelay $0x1  }
0x3d6: {  	v6 =	vadd.f32 v17, v6;
	_ =	sdelay $0x1  }
0x3d7: {  	(xrf2) =	vadd.scan.msk.f32 $0xffff, v6;
	_ =	sdelay $0x5  }
0x3d8: {  	v18 =	vor.u32 $0x380, v5;
	_ =	sdelay $0x3  }
0x3d9: {  	v19, _, _ =	vpop (xrf2)  }
0x3da: {  	[tilespmem:v18+s26+$0x0] =	vst.idx.msk vm0, v19  }
0x3db: {  	v6 =	vld [tilespmem:s2+$0xFFFFFE40]  }
0x3dc: {  	v7 =	vld [tilespmem:s2+$0xFFFFFE50];
	_ =	sdelay $0x1  }
0x3dd: {  	v20 =	vld [tilespmem:s2+$0xFFFFFE60];
	_ =	sdelay $0x1  }
0x3de: {  	v21 =	vld [tilespmem:s2+$0xFFFFFE70]  }
0x3df: {  	v6 =	vmul.f32 v6, v1;
	v7 =	vmul.f32 v7, v2;
	_ =	sdelay $0x1  }
0x3e0: {  	v22 =	vmul.f32 v20, v3;
	v6 =	vadd.f32 v7, v6;
	_ =	sdelay $0x1  }
0x3e1: {  	v23 =	vmul.f32 v21, v4;
	v6 =	vadd.f32 v22, v6;
	_ =	sdelay $0x1  }
0x3e2: {  	v6 =	vadd.f32 v23, v6;
	_ =	sdelay $0x1  }
0x3e3: {  	(xrf2) =	vadd.scan.msk.f32 $0xffff, v6;
	_ =	sdelay $0x5  }
0x3e4: {  	v24 =	vor.u32 $0x400, v5;
	_ =	sdelay $0x3  }
0x3e5: {  	v25, _, _ =	vpop (xrf2)  }
0x3e6: {  	[tilespmem:v24+s26+$0x0] =	vst.idx.msk vm0, v25  }
0x3e7: {  	v6 =	vld [tilespmem:s2+$0xFFFFFE80]  }
0x3e8: {  	v7 =	vld [tilespmem:s2+$0xFFFFFE90];
	_ =	sdelay $0x1  }
0x3e9: {  	v26 =	vld [tilespmem:s2+$0xFFFFFEA0];
	_ =	sdelay $0x1  }
0x3ea: {  	v27 =	vld [tilespmem:s2+$0xFFFFFEB0]  }
0x3eb: {  	v6 =	vmul.f32 v6, v1;
	v7 =	vmul.f32 v7, v2;
	_ =	sdelay $0x1  }
0x3ec: {  	v28 =	vmul.f32 v26, v3;
	v6 =	vadd.f32 v7, v6;
	_ =	sdelay $0x1  }
0x3ed: {  	v29 =	vmul.f32 v27, v4;
	v6 =	vadd.f32 v28, v6;
	_ =	sdelay $0x1  }
0x3ee: {  	v6 =	vadd.f32 v29, v6;
	_ =	sdelay $0x1  }
0x3ef: {  	(xrf2) =	vadd.scan.msk.f32 $0xffff, v6;
	_ =	sdelay $0x5  }
0x3f0: {  	v30 =	vor.u32 $0x480, v5;
	_ =	sdelay $0x3  }
0x3f1: {  	v31, _, _ =	vpop (xrf2)  }
0x3f2: {  	[tilespmem:v30+s26+$0x0] =	vst.idx.msk vm0, v31  }
0x3f3: {  	v6 =	vld [tilespmem:s2+$0xFFFFFEC0]  }
0x3f4: {  	v7 =	vld [tilespmem:s2+$0xFFFFFED0];
	_ =	sdelay $0x1  }
0x3f5: {  	v32 =	vld [tilespmem:s2+$0xFFFFFEE0];
	_ =	sdelay $0x1  }
0x3f6: {  	v33 =	vld [tilespmem:s2+$0xFFFFFEF0]  }
0x3f7: {  	v6 =	vmul.f32 v6, v1;
	v7 =	vmul.f32 v7, v2;
	_ =	sdelay $0x1  }
0x3f8: {  	v34 =	vmul.f32 v32, v3;
	v6 =	vadd.f32 v7, v6;
	_ =	sdelay $0x1  }
0x3f9: {  	v35 =	vmul.f32 v33, v4;
	v6 =	vadd.f32 v34, v6;
	_ =	sdelay $0x1  }
0x3fa: {  	v6 =	vadd.f32 v35, v6;
	_ =	sdelay $0x1  }
0x3fb: {  	(xrf2) =	vadd.scan.msk.f32 $0xffff, v6;
	_ =	sdelay $0x5  }
0x3fc: {  	v36 =	vor.u32 $0x500, v5;
	_ =	sdelay $0x3  }
0x3fd: {  	v37, _, _ =	vpop (xrf2)  }
0x3fe: {  	[tilespmem:v36+s26+$0x0] =	vst.idx.msk vm0, v37  }
0x3ff: {  	v6 =	vld [tilespmem:s2+$0xFFFFFF00]  }
0x400: {  	v7 =	vld [tilespmem:s2+$0xFFFFFF10];
	_ =	sdelay $0x1  }
0x401: {  	v38 =	vld [tilespmem:s2+$0xFFFFFF20];
	_ =	sdelay $0x1  }
0x402: {  	v39 =	vld [tilespmem:s2+$0xFFFFFF30]  }
0x403: {  	v6 =	vmul.f32 v6, v1;
	v7 =	vmul.f32 v7, v2;
	_ =	sdelay $0x1  }
0x404: {  	v40 =	vmul.f32 v38, v3;
	v6 =	vadd.f32 v7, v6;
	_ =	sdelay $0x1  }
0x405: {  	v41 =	vmul.f32 v39, v4;
	v6 =	vadd.f32 v40, v6;
	_ =	sdelay $0x1  }
0x406: {  	v6 =	vadd.f32 v41, v6;
	_ =	sdelay $0x1  }
0x407: {  	(xrf2) =	vadd.scan.msk.f32 $0xffff, v6;
	_ =	sdelay $0x5  }
0x408: {  	v42 =	vor.u32 $0x580, v5;
	_ =	sdelay $0x3  }
0x409: {  	v43, _, _ =	vpop (xrf2)  }
0x40a: {  	[tilespmem:v42+s26+$0x0] =	vst.idx.msk vm0, v43  }
0x40b: {  	v6 =	vld [tilespmem:s2+$0xFFFFFF40]  }
0x40c: {  	v7 =	vld [tilespmem:s2+$0xFFFFFF50];
	_ =	sdelay $0x1  }
0x40d: {  	v44 =	vld [tilespmem:s2+$0xFFFFFF60];
	_ =	sdelay $0x1  }
0x40e: {  	v45 =	vld [tilespmem:s2+$0xFFFFFF70]  }
0x40f: {  	v6 =	vmul.f32 v6, v1;
	v7 =	vmul.f32 v7, v2;
	_ =	sdelay $0x1  }
0x410: {  	v46 =	vmul.f32 v44, v3;
	v6 =	vadd.f32 v7, v6;
	_ =	sdelay $0x1  }
0x411: {  	v47 =	vmul.f32 v45, v4;
	v6 =	vadd.f32 v46, v6;
	_ =	sdelay $0x1  }
0x412: {  	v6 =	vadd.f32 v47, v6;
	_ =	sdelay $0x1  }
0x413: {  	(xrf2) =	vadd.scan.msk.f32 $0xffff, v6;
	_ =	sdelay $0x5  }
0x414: {  	v48 =	vor.u32 $0x600, v5;
	_ =	sdelay $0x3  }
0x415: {  	v49, _, _ =	vpop (xrf2)  }
0x416: {  	[tilespmem:v48+s26+$0x0] =	vst.idx.msk vm0, v49  }
0x417: {  	v6 =	vld [tilespmem:s2+$0xFFFFFF80]  }
0x418: {  	v7 =	vld [tilespmem:s2+$0xFFFFFF90];
	_ =	sdelay $0x1  }
0x419: {  	v50 =	vld [tilespmem:s2+$0xFFFFFFA0];
	_ =	sdelay $0x1  }
0x41a: {  	v51 =	vld [tilespmem:s2+$0xFFFFFFB0]  }
0x41b: {  	v6 =	vmul.f32 v6, v1;
	v7 =	vmul.f32 v7, v2;
	_ =	sdelay $0x1  }
0x41c: {  	v52 =	vmul.f32 v50, v3;
	v6 =	vadd.f32 v7, v6;
	_ =	sdelay $0x1  }
0x41d: {  	v53 =	vmul.f32 v51, v4;
	v6 =	vadd.f32 v52, v6;
	_ =	sdelay $0x1  }
0x41e: {  	v6 =	vadd.f32 v53, v6;
	_ =	sdelay $0x1  }
0x41f: {  	(xrf2) =	vadd.scan.msk.f32 $0xffff, v6;
	_ =	sdelay $0x5  }
0x420: {  	v54 =	vor.u32 $0x680, v5;
	_ =	sdelay $0x3  }
0x421: {  	v55, _, _ =	vpop (xrf2)  }
0x422: {  	[tilespmem:v54+s26+$0x0] =	vst.idx.msk vm0, v55  }
0x423: {  	v6 =	vld [tilespmem:s2+$0xFFFFFFC0]  }
0x424: {  	v7 =	vld [tilespmem:s2+$0xFFFFFFD0];
	_ =	sdelay $0x1  }
0x425: {  	v56 =	vld [tilespmem:s2+$0xFFFFFFE0];
	_ =	sdelay $0x1  }
0x426: {  	v57 =	vld [tilespmem:s2+$0xFFFFFFF0]  }
0x427: {  	v6 =	vmul.f32 v6, v1;
	v7 =	vmul.f32 v7, v2;
	_ =	sdelay $0x1  }
0x428: {  	v58 =	vmul.f32 v56, v3;
	v6 =	vadd.f32 v7, v6;
	_ =	sdelay $0x1  }
0x429: {  	v59 =	vmul.f32 v57, v4;
	v6 =	vadd.f32 v58, v6;
	_ =	sdelay $0x1  }
0x42a: {  	v6 =	vadd.f32 v59, v6;
	_ =	sdelay $0x1  }
0x42b: {  	(xrf2) =	vadd.scan.msk.f32 $0xffff, v6;
	_ =	sdelay $0x5  }
0x42c: {  	v60 =	vor.u32 $0x700, v5;
	_ =	sdelay $0x3  }
0x42d: {  	v61, _, _ =	vpop (xrf2)  }
0x42e: {  	[tilespmem:v60+s26+$0x0] =	vst.idx.msk vm0, v61  }
0x42f: {  	v6 =	vld [tilespmem:s2+$0x0]  }
0x430: {  	v7 =	vld [tilespmem:s2+$0x10];
	_ =	sdelay $0x1  }
0x431: {  	v62 =	vld [tilespmem:s2+$0x20];
	_ =	sdelay $0x1  }
0x432: {  	v63 =	vld [tilespmem:s2+$0x30]  }
0x433: {  	v6 =	vmul.f32 v6, v1;
	v7 =	vmul.f32 v7, v2;
	_ =	sdelay $0x1  }
0x434: {  	v10 =	vmul.f32 v62, v3;
	v6 =	vadd.f32 v7, v6;
	_ =	sdelay $0x1  }
0x435: {  	v11 =	vmul.f32 v63, v4;
	v6 =	vadd.f32 v10, v6;
	_ =	sdelay $0x1  }
0x436: {  	v6 =	vadd.f32 v11, v6;
	_ =	sdelay $0x1  }
0x437: {  	(xrf2) =	vadd.scan.msk.f32 $0xffff, v6;
	_ =	sdelay $0x5  }
0x438: {  	v12 =	vor.u32 $0x780, v5;
	_ =	sdelay $0x3  }
0x439: {  	v13, _, _ =	vpop (xrf2)  }
0x43a: {  	[tilespmem:v12+s26+$0x0] =	vst.idx.msk vm0, v13  }
0x43b: {  	v6 =	vld [tilespmem:s2+$0x40]  }
0x43c: {  	v7 =	vld [tilespmem:s2+$0x50];
	_ =	sdelay $0x1  }
0x43d: {  	v14 =	vld [tilespmem:s2+$0x60];
	_ =	sdelay $0x1  }
0x43e: {  	v15 =	vld [tilespmem:s2+$0x70]  }
0x43f: {  	v6 =	vmul.f32 v6, v1;
	v7 =	vmul.f32 v7, v2;
	_ =	sdelay $0x1  }
0x440: {  	v16 =	vmul.f32 v14, v3;
	v6 =	vadd.f32 v7, v6;
	_ =	sdelay $0x1  }
0x441: {  	v17 =	vmul.f32 v15, v4;
	v6 =	vadd.f32 v16, v6;
	_ =	sdelay $0x1  }
0x442: {  	v6 =	vadd.f32 v17, v6;
	_ =	sdelay $0x1  }
0x443: {  	(xrf2) =	vadd.scan.msk.f32 $0xffff, v6;
	_ =	sdelay $0x5  }
0x444: {  	v18 =	vor.u32 $0x800, v5;
	_ =	sdelay $0x3  }
0x445: {  	v19, _, _ =	vpop (xrf2)  }
0x446: {  	[tilespmem:v18+s26+$0x0] =	vst.idx.msk vm0, v19  }
0x447: {  	v6 =	vld [tilespmem:s2+$0x80]  }
0x448: {  	v7 =	vld [tilespmem:s2+$0x90];
	_ =	sdelay $0x1  }
0x449: {  	v20 =	vld [tilespmem:s2+$0xA0];
	_ =	sdelay $0x1  }
0x44a: {  	v21 =	vld [tilespmem:s2+$0xB0]  }
0x44b: {  	v6 =	vmul.f32 v6, v1;
	v7 =	vmul.f32 v7, v2;
	_ =	sdelay $0x1  }
0x44c: {  	v22 =	vmul.f32 v20, v3;
	v6 =	vadd.f32 v7, v6;
	_ =	sdelay $0x1  }
0x44d: {  	v23 =	vmul.f32 v21, v4;
	v6 =	vadd.f32 v22, v6;
	_ =	sdelay $0x1  }
0x44e: {  	v6 =	vadd.f32 v23, v6;
	_ =	sdelay $0x1  }
0x44f: {  	(xrf2) =	vadd.scan.msk.f32 $0xffff, v6;
	_ =	sdelay $0x5  }
0x450: {  	v24 =	vor.u32 $0x880, v5;
	_ =	sdelay $0x3  }
0x451: {  	v25, _, _ =	vpop (xrf2)  }
0x452: {  	[tilespmem:v24+s26+$0x0] =	vst.idx.msk vm0, v25  }
0x453: {  	v6 =	vld [tilespmem:s2+$0xC0]  }
0x454: {  	v7 =	vld [tilespmem:s2+$0xD0];
	_ =	sdelay $0x1  }
0x455: {  	v26 =	vld [tilespmem:s2+$0xE0];
	_ =	sdelay $0x1  }
0x456: {  	v27 =	vld [tilespmem:s2+$0xF0]  }
0x457: {  	v6 =	vmul.f32 v6, v1;
	v7 =	vmul.f32 v7, v2;
	_ =	sdelay $0x1  }
0x458: {  	v28 =	vmul.f32 v26, v3;
	v6 =	vadd.f32 v7, v6;
	_ =	sdelay $0x1  }
0x459: {  	v29 =	vmul.f32 v27, v4;
	v6 =	vadd.f32 v28, v6;
	_ =	sdelay $0x1  }
0x45a: {  	v6 =	vadd.f32 v29, v6;
	_ =	sdelay $0x1  }
0x45b: {  	(xrf2) =	vadd.scan.msk.f32 $0xffff, v6;
	_ =	sdelay $0x5  }
0x45c: {  	v30 =	vor.u32 $0x900, v5;
	_ =	sdelay $0x3  }
0x45d: {  	v31, _, _ =	vpop (xrf2)  }
0x45e: {  	[tilespmem:v30+s26+$0x0] =	vst.idx.msk vm0, v31  }
0x45f: {  	v6 =	vld [tilespmem:s2+$0x100]  }
0x460: {  	v7 =	vld [tilespmem:s2+$0x110];
	_ =	sdelay $0x1  }
0x461: {  	v32 =	vld [tilespmem:s2+$0x120];
	_ =	sdelay $0x1  }
0x462: {  	v33 =	vld [tilespmem:s2+$0x130]  }
0x463: {  	v6 =	vmul.f32 v6, v1;
	v7 =	vmul.f32 v7, v2;
	_ =	sdelay $0x1  }
0x464: {  	v34 =	vmul.f32 v32, v3;
	v6 =	vadd.f32 v7, v6;
	_ =	sdelay $0x1  }
0x465: {  	v35 =	vmul.f32 v33, v4;
	v6 =	vadd.f32 v34, v6;
	_ =	sdelay $0x1  }
0x466: {  	v6 =	vadd.f32 v35, v6;
	_ =	sdelay $0x1  }
0x467: {  	(xrf2) =	vadd.scan.msk.f32 $0xffff, v6;
	_ =	sdelay $0x5  }
0x468: {  	v36 =	vor.u32 $0x980, v5;
	_ =	sdelay $0x3  }
0x469: {  	v37, _, _ =	vpop (xrf2)  }
0x46a: {  	[tilespmem:v36+s26+$0x0] =	vst.idx.msk vm0, v37  }
0x46b: {  	v6 =	vld [tilespmem:s2+$0x140]  }
0x46c: {  	v7 =	vld [tilespmem:s2+$0x150];
	_ =	sdelay $0x1  }
0x46d: {  	v38 =	vld [tilespmem:s2+$0x160];
	_ =	sdelay $0x1  }
0x46e: {  	v39 =	vld [tilespmem:s2+$0x170]  }
0x46f: {  	v6 =	vmul.f32 v6, v1;
	v7 =	vmul.f32 v7, v2;
	_ =	sdelay $0x1  }
0x470: {  	v40 =	vmul.f32 v38, v3;
	v6 =	vadd.f32 v7, v6;
	_ =	sdelay $0x1  }
0x471: {  	v41 =	vmul.f32 v39, v4;
	v6 =	vadd.f32 v40, v6;
	_ =	sdelay $0x1  }
0x472: {  	v6 =	vadd.f32 v41, v6;
	_ =	sdelay $0x1  }
0x473: {  	(xrf2) =	vadd.scan.msk.f32 $0xffff, v6;
	_ =	sdelay $0x5  }
0x474: {  	v42 =	vor.u32 $0xA00, v5;
	_ =	sdelay $0x3  }
0x475: {  	v43, _, _ =	vpop (xrf2)  }
0x476: {  	[tilespmem:v42+s26+$0x0] =	vst.idx.msk vm0, v43  }
0x477: {  	v6 =	vld [tilespmem:s2+$0x180]  }
0x478: {  	v7 =	vld [tilespmem:s2+$0x190];
	_ =	sdelay $0x1  }
0x479: {  	v44 =	vld [tilespmem:s2+$0x1A0];
	_ =	sdelay $0x1  }
0x47a: {  	v45 =	vld [tilespmem:s2+$0x1B0]  }
0x47b: {  	v6 =	vmul.f32 v6, v1;
	v7 =	vmul.f32 v7, v2;
	_ =	sdelay $0x1  }
0x47c: {  	v46 =	vmul.f32 v44, v3;
	v6 =	vadd.f32 v7, v6;
	_ =	sdelay $0x1  }
0x47d: {  	v47 =	vmul.f32 v45, v4;
	v6 =	vadd.f32 v46, v6;
	_ =	sdelay $0x1  }
0x47e: {  	v6 =	vadd.f32 v47, v6;
	_ =	sdelay $0x1  }
0x47f: {  	(xrf2) =	vadd.scan.msk.f32 $0xffff, v6;
	_ =	sdelay $0x5  }
0x480: {  	v48 =	vor.u32 $0xA80, v5;
	_ =	sdelay $0x3  }
0x481: {  	v49, _, _ =	vpop (xrf2)  }
0x482: {  	[tilespmem:v48+s26+$0x0] =	vst.idx.msk vm0, v49  }
0x483: {  	v6 =	vld [tilespmem:s2+$0x1C0]  }
0x484: {  	v7 =	vld [tilespmem:s2+$0x1D0];
	_ =	sdelay $0x1  }
0x485: {  	v50 =	vld [tilespmem:s2+$0x1E0];
	_ =	sdelay $0x1  }
0x486: {  	v51 =	vld [tilespmem:s2+$0x1F0]  }
0x487: {  	v6 =	vmul.f32 v6, v1;
	v7 =	vmul.f32 v7, v2;
	_ =	sdelay $0x1  }
0x488: {  	v52 =	vmul.f32 v50, v3;
	v6 =	vadd.f32 v7, v6;
	_ =	sdelay $0x1  }
0x489: {  	v53 =	vmul.f32 v51, v4;
	v6 =	vadd.f32 v52, v6;
	_ =	sdelay $0x1  }
0x48a: {  	v6 =	vadd.f32 v53, v6;
	_ =	sdelay $0x1  }
0x48b: {  	(xrf2) =	vadd.scan.msk.f32 $0xffff, v6;
	_ =	sdelay $0x5  }
0x48c: {  	v54 =	vor.u32 $0xB00, v5;
	_ =	sdelay $0x3  }
0x48d: {  	v55, _, _ =	vpop (xrf2)  }
0x48e: {  	[tilespmem:v54+s26+$0x0] =	vst.idx.msk vm0, v55  }
0x48f: {  	v6 =	vld [tilespmem:s2+$0x200]  }
0x490: {  	v7 =	vld [tilespmem:s2+$0x210];
	_ =	sdelay $0x1  }
0x491: {  	v56 =	vld [tilespmem:s2+$0x220];
	_ =	sdelay $0x1  }
0x492: {  	v57 =	vld [tilespmem:s2+$0x230]  }
0x493: {  	v6 =	vmul.f32 v6, v1;
	v7 =	vmul.f32 v7, v2;
	_ =	sdelay $0x1  }
0x494: {  	v58 =	vmul.f32 v56, v3;
	v6 =	vadd.f32 v7, v6;
	_ =	sdelay $0x1  }
0x495: {  	v59 =	vmul.f32 v57, v4;
	v6 =	vadd.f32 v58, v6;
	_ =	sdelay $0x1  }
0x496: {  	v6 =	vadd.f32 v59, v6;
	_ =	sdelay $0x1  }
0x497: {  	(xrf2) =	vadd.scan.msk.f32 $0xffff, v6;
	_ =	sdelay $0x5  }
0x498: {  	v60 =	vor.u32 $0xB80, v5;
	_ =	sdelay $0x3  }
0x499: {  	v61, _, _ =	vpop (xrf2)  }
0x49a: {  	[tilespmem:v60+s26+$0x0] =	vst.idx.msk vm0, v61  }
0x49b: {  	v6 =	vld [tilespmem:s2+$0x240]  }
0x49c: {  	v7 =	vld [tilespmem:s2+$0x250];
	_ =	sdelay $0x1  }
0x49d: {  	v62 =	vld [tilespmem:s2+$0x260];
	_ =	sdelay $0x1  }
0x49e: {  	v63 =	vld [tilespmem:s2+$0x270]  }
0x49f: {  	v1 =	vmul.f32 v6, v1;
	v2 =	vmul.f32 v7, v2;
	_ =	sdelay $0x1  }
0x4a0: {  	v1 =	vadd.f32 v2, v1;
	v2 =	vmul.f32 v62, v3;
	_ =	sdelay $0x1  }
0x4a1: {  	v1 =	vadd.f32 v2, v1;
	v2 =	vmul.f32 v63, v4;
	_ =	sdelay $0x1  }
0x4a2: {  	v1 =	vadd.f32 v2, v1;
	_ =	sdelay $0x1  }
0x4a3: {  	(xrf2) =	vadd.scan.msk.f32 $0xffff, v1;
	_ =	sdelay $0x5  }
0x4a4: {  	p0 =	sne.s32 s9, $0x1F;
	v1 =	vor.u32 $0xC00, v5  }
.Ltmp5:
0x4a5: {  	_ = 	snop;
	(pc) =	sbr.rel @p0 .LBB2_13-.Ltmp5, $3  }
0x4a6: {  	_ =	sdelay $0x1  }
0x4a7: {  	s12 =	sadd.s32 $0x40, s12;
	v2, _, _ =	vpop (xrf2)  }
0x4a8: {  	s9 =	sadd.s32 $0x1, s9;
	s5 =	sadd.s32 $0x140, s5;
	s2 =	sadd.s32 $0x500, s2;
	[tilespmem:v1+s26+$0x0] =	vst.idx.msk vm0, v2  }
0x4a9: {  	p0 =	sgt.u32 s6, $0x2  }
0x4aa: {  	s2 =	sadd.s32 @!p0 $0x4, s7  }
0x4ab: {  	s7 =	simm.s32 @!p0 $0x20;
	s5 =	sshll.u32 @!p0 s2, $0x5  }
0x4ac: {  	s9 =	simm.s32 @!p0 $0x3400;
	s12 =	smul.u32 @!p0 $0x280, s2;
	s5 =	sand.u32 @!p0 $0x3FFFFFE0, s5  }
0x4ad: {  	[tilespmem:s9], [sflag:$0x1] =	stream.indirect.gather @!p0 [hbm4b:s3+s7], $0x40, s5, s7, $0xb8;
	[tilespmem:$0x1E400] =	vst v63  }
0x4ae: {  	s14 =	simm.s32 @!p0 $0x3C00;
	s5 =	sshra.s32 @!p0 s12, $0x2  }
0x4af: {  	s2 =	smul.u32 @!p0 $0xA00, s2;
	s12 =	simm.s32 @!p0 $0x80;
	s9 =	sadd.s32 @!p0 $0x200, s5  }
0x4b0: {  	[tilespmem:s14], [sflag:$0x1] =	stream.indirect.gather @!p0 [hbm4b:s4+s12], $0x40, s9, s12, $0xb8;
	[tilespmem:$0x1E400] =	vst v63  }
0x4b1: {  	s2 =	sshra.s32 @!p0 s2, $0x2;
	s5 =	sadd.s32 @!p0 $0x280, s5;
	s9 =	simm.s32 @!p0 $0x5C00  }
0x4b2: {  	[tilespmem:s9], [sflag:$0x1] =	stream.indirect.gather @!p0 [hbm4b:s4+s7], $0x40, s5, s7, $0xb8;
	[tilespmem:$0x1E400] =	vst v63  }
0x4b3: {  	s5 =	sadd.s32 @!p0 $0xC00, s2;
	s7 =	simm.s32 @!p0 $0x6400  }
0x4b4: {  	[tilespmem:s7], [sflag:$0x1] =	stream.indirect.gather @!p0 [hbm4b:s4+s12], $0x40, s5, s12, $0xb8;
	[tilespmem:$0x1E400] =	vst v63  }
0x4b5: {  	s5 =	sadd.s32 @!p0 $0xC80, s2;
	s7 =	simm.s32 @!p0 $0x8400  }
0x4b6: {  	[tilespmem:s7], [sflag:$0x1] =	stream.indirect.gather @!p0 [hbm4b:s4+s12], $0x40, s5, s12, $0xb8;
	[tilespmem:$0x1E400] =	vst v63  }
0x4b7: {  	s5 =	sadd.s32 @!p0 $0xD00, s2;
	s7 =	simm.s32 @!p0 $0xA400  }
0x4b8: {  	[tilespmem:s7], [sflag:$0x1] =	stream.indirect.gather @!p0 [hbm4b:s4+s12], $0x40, s5, s12, $0xb8;
	[tilespmem:$0x1E400] =	vst v63  }
0x4b9: {  	s5 =	sadd.s32 @!p0 $0xD80, s2;
	s7 =	simm.s32 @!p0 $0xC400  }
0x4ba: {  	[tilespmem:s7], [sflag:$0x1] =	stream.indirect.gather @!p0 [hbm4b:s4+s12], $0x40, s5, s12, $0xb8;
	[tilespmem:$0x1E400] =	vst v63  }
0x4bb: {  	s2 =	sadd.s32 @!p0 $0xE00, s2;
	s5 =	simm.s32 @!p0 $0xE400  }
0x4bc: {  	[tilespmem:s5], [sflag:$0x1] =	stream.indirect.gather @!p0 [hbm4b:s4+s12], $0x40, s2, s12, $0xb8;
	[tilespmem:$0x1E400] =	vst v63  }
0x4bd: {  	_ =	swait.ge [sflag:s11], $0x800  }
0x4be: {  	[sflag:s11] =	ssyncset.done $0x0  }
0x4bf: {  	[sflag:s11] =	ssyncadd.s32 $0xFFFFF800  }
0x4c0: {  	_ =	swait.ge [sflag:s11], $0x2000  }
0x4c1: {  	[sflag:s11] =	ssyncset.done $0x0  }
0x4c2: {  	[sflag:s11] =	ssyncadd.s32 $0xFFFFE000  }
0x4c3: {  	_ =	swait.ge [sflag:s11], $0x800  }
0x4c4: {  	[sflag:s11] =	ssyncset.done $0x0  }
0x4c5: {  	[sflag:s11] =	ssyncadd.s32 $0xFFFFF800  }
0x4c6: {  	_ =	swait.ge [sflag:s11], $0x2000  }
0x4c7: {  	[sflag:s11] =	ssyncset.done $0x0  }
0x4c8: {  	[sflag:s11] =	ssyncadd.s32 $0xFFFFE000  }
0x4c9: {  	_ =	swait.ge [sflag:s11], $0x2000  }
0x4ca: {  	[sflag:s11] =	ssyncset.done $0x0  }
0x4cb: {  	[sflag:s11] =	ssyncadd.s32 $0xFFFFE000  }
0x4cc: {  	_ =	swait.ge [sflag:s11], $0x2000  }
0x4cd: {  	[sflag:s11] =	ssyncset.done $0x0  }
0x4ce: {  	[sflag:s11] =	ssyncadd.s32 $0xFFFFE000  }
0x4cf: {  	_ =	swait.ge [sflag:s11], $0x2000  }
0x4d0: {  	[sflag:s11] =	ssyncset.done $0x0  }
0x4d1: {  	[sflag:s11] =	ssyncadd.s32 $0xFFFFE000  }
0x4d2: {  	_ =	swait.ge [sflag:s11], $0x2000  }
0x4d3: {  	s9 =	simm.s32 $0x10420;
	s7 =	simm.s32 $0x0;
	[sflag:s11] =	ssyncset.done $0x0  }
0x4d4: {  	s2 =	simm.s32 $0x13680;
	s5 =	simm.s32 $0x10CA0;
	[sflag:s11] =	ssyncadd.s32 $0xFFFFE000  }
.LBB2_15:
0x4d5: {  	v1 =	vld [tilespmem:s9+$0xFFFFFFE0]  }
0x4d6: {  	v2 =	vld [tilespmem:s9+$0xFFFFFFF0]  }
0x4d7: {  	v5 =	vld [tilespmem:s5+$0xFFFFFF60]  }
0x4d8: {  	v6 =	vld [tilespmem:s5+$0xFFFFFF70]  }
0x4d9: {  	v3 =	vld [tilespmem:s9+$0x0]  }
0x4da: {  	v7 =	vld [tilespmem:s5+$0xFFFFFF80]  }
0x4db: {  	v4 =	vld [tilespmem:s9+$0x10]  }
0x4dc: {  	v8 =	vld [tilespmem:s5+$0xFFFFFF90]  }
0x4dd: {  	v5 =	vmul.f32 v5, v1;
	v6 =	vmul.f32 v6, v2;
	_ =	sdelay $0x1  }
0x4de: {  	v28 =	vmul.f32 v7, v3;
	v5 =	vadd.f32 v6, v5;
	_ =	sdelay $0x1  }
0x4df: {  	v29 =	vmul.f32 v8, v4;
	v5 =	vadd.f32 v28, v5;
	_ =	sdelay $0x1  }
0x4e0: {  	v5 =	vadd.f32 v29, v5;
	_ =	sdelay $0x1  }
0x4e1: {  	(xrf2) =	vadd.scan.msk.f32 $0xffff, v5;
	_ =	sdelay $0x2  }
0x4e2: {  	v30 =	vmov s7  }
0x4e3: {  	v5 =	vadd.s32 $0x60, v30  }
0x4e4: {  	v5 =	vbroadcast v5, $0x0;
	_ =	sdelay $0x4  }
0x4e5: {  	v31, _, _ =	vpop (xrf2)  }
0x4e6: {  	[tilespmem:v5+s26+$0x0] =	vst.idx.msk vm0, v31  }
0x4e7: {  	v6 =	vld [tilespmem:s5+$0xFFFFFFA0]  }
0x4e8: {  	v32 =	vld [tilespmem:s5+$0xFFFFFFB0];
	_ =	sdelay $0x1  }
0x4e9: {  	v33 =	vld [tilespmem:s5+$0xFFFFFFC0];
	_ =	sdelay $0x1  }
0x4ea: {  	v9 =	vld [tilespmem:s5+$0xFFFFFFD0]  }
0x4eb: {  	v6 =	vmul.f32 v6, v1;
	v7 =	vmul.f32 v32, v2;
	_ =	sdelay $0x1  }
0x4ec: {  	v34 =	vmul.f32 v33, v3;
	v6 =	vadd.f32 v7, v6;
	_ =	sdelay $0x1  }
0x4ed: {  	v35 =	vmul.f32 v9, v4;
	v6 =	vadd.f32 v34, v6;
	_ =	sdelay $0x1  }
0x4ee: {  	v6 =	vadd.f32 v35, v6;
	_ =	sdelay $0x1  }
0x4ef: {  	(xrf2) =	vadd.scan.msk.f32 $0xffff, v6;
	_ =	sdelay $0x4  }
0x4f0: {  	v5 =	vand.u32 $0x7F, v5  }
0x4f1: {  	v36 =	vor.u32 $0x80, v5;
	_ =	sdelay $0x3  }
0x4f2: {  	v37, _, _ =	vpop (xrf2)  }
0x4f3: {  	[tilespmem:v36+s26+$0x0] =	vst.idx.msk vm0, v37  }
0x4f4: {  	v6 =	vld [tilespmem:s5+$0xFFFFFFE0]  }
0x4f5: {  	v7 =	vld [tilespmem:s5+$0xFFFFFFF0];
	_ =	sdelay $0x1  }
0x4f6: {  	v38 =	vld [tilespmem:s5+$0x0];
	_ =	sdelay $0x1  }
0x4f7: {  	v39 =	vld [tilespmem:s5+$0x10]  }
0x4f8: {  	v6 =	vmul.f32 v6, v1;
	v7 =	vmul.f32 v7, v2;
	_ =	sdelay $0x1  }
0x4f9: {  	v40 =	vmul.f32 v38, v3;
	v6 =	vadd.f32 v7, v6;
	_ =	sdelay $0x1  }
0x4fa: {  	v41 =	vmul.f32 v39, v4;
	v6 =	vadd.f32 v40, v6;
	_ =	sdelay $0x1  }
0x4fb: {  	v6 =	vadd.f32 v41, v6;
	_ =	sdelay $0x1  }
0x4fc: {  	(xrf2) =	vadd.scan.msk.f32 $0xffff, v6;
	_ =	sdelay $0x5  }
0x4fd: {  	v42 =	vor.u32 $0x100, v5;
	_ =	sdelay $0x3  }
0x4fe: {  	v43, _, _ =	vpop (xrf2)  }
0x4ff: {  	[tilespmem:v42+s26+$0x0] =	vst.idx.msk vm0, v43  }
0x500: {  	v6 =	vld [tilespmem:s5+$0x20]  }
0x501: {  	v7 =	vld [tilespmem:s5+$0x30];
	_ =	sdelay $0x1  }
0x502: {  	v44 =	vld [tilespmem:s5+$0x40];
	_ =	sdelay $0x1  }
0x503: {  	v45 =	vld [tilespmem:s5+$0x50]  }
0x504: {  	v6 =	vmul.f32 v6, v1;
	v7 =	vmul.f32 v7, v2;
	_ =	sdelay $0x1  }
0x505: {  	v46 =	vmul.f32 v44, v3;
	v6 =	vadd.f32 v7, v6;
	_ =	sdelay $0x1  }
0x506: {  	v47 =	vmul.f32 v45, v4;
	v6 =	vadd.f32 v46, v6;
	_ =	sdelay $0x1  }
0x507: {  	v6 =	vadd.f32 v47, v6;
	_ =	sdelay $0x1  }
0x508: {  	(xrf2) =	vadd.scan.msk.f32 $0xffff, v6;
	_ =	sdelay $0x5  }
0x509: {  	v48 =	vor.u32 $0x180, v5;
	_ =	sdelay $0x3  }
0x50a: {  	v49, _, _ =	vpop (xrf2)  }
0x50b: {  	[tilespmem:v48+s26+$0x0] =	vst.idx.msk vm0, v49  }
0x50c: {  	v6 =	vld [tilespmem:s5+$0x60]  }
0x50d: {  	v7 =	vld [tilespmem:s5+$0x70];
	_ =	sdelay $0x1  }
0x50e: {  	v50 =	vld [tilespmem:s5+$0x80];
	_ =	sdelay $0x1  }
0x50f: {  	v51 =	vld [tilespmem:s5+$0x90]  }
0x510: {  	v6 =	vmul.f32 v6, v1;
	v7 =	vmul.f32 v7, v2;
	_ =	sdelay $0x1  }
0x511: {  	v52 =	vmul.f32 v50, v3;
	v6 =	vadd.f32 v7, v6;
	_ =	sdelay $0x1  }
0x512: {  	v53 =	vmul.f32 v51, v4;
	v6 =	vadd.f32 v52, v6;
	_ =	sdelay $0x1  }
0x513: {  	v6 =	vadd.f32 v53, v6;
	_ =	sdelay $0x1  }
0x514: {  	(xrf2) =	vadd.scan.msk.f32 $0xffff, v6;
	_ =	sdelay $0x5  }
0x515: {  	v54 =	vor.u32 $0x200, v5;
	_ =	sdelay $0x3  }
0x516: {  	v55, _, _ =	vpop (xrf2)  }
0x517: {  	[tilespmem:v54+s26+$0x0] =	vst.idx.msk vm0, v55  }
0x518: {  	v6 =	vld [tilespmem:s2+$0xFFFFFD80]  }
0x519: {  	v7 =	vld [tilespmem:s2+$0xFFFFFD90];
	_ =	sdelay $0x1  }
0x51a: {  	v56 =	vld [tilespmem:s2+$0xFFFFFDA0];
	_ =	sdelay $0x1  }
0x51b: {  	v57 =	vld [tilespmem:s2+$0xFFFFFDB0]  }
0x51c: {  	v6 =	vmul.f32 v6, v1;
	v7 =	vmul.f32 v7, v2;
	_ =	sdelay $0x1  }
0x51d: {  	v58 =	vmul.f32 v56, v3;
	v6 =	vadd.f32 v7, v6;
	_ =	sdelay $0x1  }
0x51e: {  	v59 =	vmul.f32 v57, v4;
	v6 =	vadd.f32 v58, v6;
	_ =	sdelay $0x1  }
0x51f: {  	v6 =	vadd.f32 v59, v6;
	_ =	sdelay $0x1  }
0x520: {  	(xrf2) =	vadd.scan.msk.f32 $0xffff, v6;
	_ =	sdelay $0x5  }
0x521: {  	v60 =	vor.u32 $0x280, v5;
	_ =	sdelay $0x3  }
0x522: {  	v61, _, _ =	vpop (xrf2)  }
0x523: {  	[tilespmem:v60+s26+$0x0] =	vst.idx.msk vm0, v61  }
0x524: {  	v6 =	vld [tilespmem:s2+$0xFFFFFDC0]  }
0x525: {  	v7 =	vld [tilespmem:s2+$0xFFFFFDD0];
	_ =	sdelay $0x1  }
0x526: {  	v62 =	vld [tilespmem:s2+$0xFFFFFDE0];
	_ =	sdelay $0x1  }
0x527: {  	v63 =	vld [tilespmem:s2+$0xFFFFFDF0]  }
0x528: {  	v6 =	vmul.f32 v6, v1;
	v7 =	vmul.f32 v7, v2;
	_ =	sdelay $0x1  }
0x529: {  	v10 =	vmul.f32 v62, v3;
	v6 =	vadd.f32 v7, v6;
	_ =	sdelay $0x1  }
0x52a: {  	v11 =	vmul.f32 v63, v4;
	v6 =	vadd.f32 v10, v6;
	_ =	sdelay $0x1  }
0x52b: {  	v6 =	vadd.f32 v11, v6;
	_ =	sdelay $0x1  }
0x52c: {  	(xrf2) =	vadd.scan.msk.f32 $0xffff, v6;
	_ =	sdelay $0x5  }
0x52d: {  	v12 =	vor.u32 $0x300, v5;
	_ =	sdelay $0x3  }
0x52e: {  	v13, _, _ =	vpop (xrf2)  }
0x52f: {  	[tilespmem:v12+s26+$0x0] =	vst.idx.msk vm0, v13  }
0x530: {  	v6 =	vld [tilespmem:s2+$0xFFFFFE00]  }
0x531: {  	v7 =	vld [tilespmem:s2+$0xFFFFFE10];
	_ =	sdelay $0x1  }
0x532: {  	v14 =	vld [tilespmem:s2+$0xFFFFFE20];
	_ =	sdelay $0x1  }
0x533: {  	v15 =	vld [tilespmem:s2+$0xFFFFFE30]  }
0x534: {  	v6 =	vmul.f32 v6, v1;
	v7 =	vmul.f32 v7, v2;
	_ =	sdelay $0x1  }
0x535: {  	v16 =	vmul.f32 v14, v3;
	v6 =	vadd.f32 v7, v6;
	_ =	sdelay $0x1  }
0x536: {  	v17 =	vmul.f32 v15, v4;
	v6 =	vadd.f32 v16, v6;
	_ =	sdelay $0x1  }
0x537: {  	v6 =	vadd.f32 v17, v6;
	_ =	sdelay $0x1  }
0x538: {  	(xrf2) =	vadd.scan.msk.f32 $0xffff, v6;
	_ =	sdelay $0x5  }
0x539: {  	v18 =	vor.u32 $0x380, v5;
	_ =	sdelay $0x3  }
0x53a: {  	v19, _, _ =	vpop (xrf2)  }
0x53b: {  	[tilespmem:v18+s26+$0x0] =	vst.idx.msk vm0, v19  }
0x53c: {  	v6 =	vld [tilespmem:s2+$0xFFFFFE40]  }
0x53d: {  	v7 =	vld [tilespmem:s2+$0xFFFFFE50];
	_ =	sdelay $0x1  }
0x53e: {  	v20 =	vld [tilespmem:s2+$0xFFFFFE60];
	_ =	sdelay $0x1  }
0x53f: {  	v21 =	vld [tilespmem:s2+$0xFFFFFE70]  }
0x540: {  	v6 =	vmul.f32 v6, v1;
	v7 =	vmul.f32 v7, v2;
	_ =	sdelay $0x1  }
0x541: {  	v22 =	vmul.f32 v20, v3;
	v6 =	vadd.f32 v7, v6;
	_ =	sdelay $0x1  }
0x542: {  	v23 =	vmul.f32 v21, v4;
	v6 =	vadd.f32 v22, v6;
	_ =	sdelay $0x1  }
0x543: {  	v6 =	vadd.f32 v23, v6;
	_ =	sdelay $0x1  }
0x544: {  	(xrf2) =	vadd.scan.msk.f32 $0xffff, v6;
	_ =	sdelay $0x5  }
0x545: {  	v24 =	vor.u32 $0x400, v5;
	_ =	sdelay $0x3  }
0x546: {  	v25, _, _ =	vpop (xrf2)  }
0x547: {  	[tilespmem:v24+s26+$0x0] =	vst.idx.msk vm0, v25  }
0x548: {  	v6 =	vld [tilespmem:s2+$0xFFFFFE80]  }
0x549: {  	v7 =	vld [tilespmem:s2+$0xFFFFFE90];
	_ =	sdelay $0x1  }
0x54a: {  	v26 =	vld [tilespmem:s2+$0xFFFFFEA0];
	_ =	sdelay $0x1  }
0x54b: {  	v27 =	vld [tilespmem:s2+$0xFFFFFEB0]  }
0x54c: {  	v6 =	vmul.f32 v6, v1;
	v7 =	vmul.f32 v7, v2;
	_ =	sdelay $0x1  }
0x54d: {  	v28 =	vmul.f32 v26, v3;
	v6 =	vadd.f32 v7, v6;
	_ =	sdelay $0x1  }
0x54e: {  	v29 =	vmul.f32 v27, v4;
	v6 =	vadd.f32 v28, v6;
	_ =	sdelay $0x1  }
0x54f: {  	v6 =	vadd.f32 v29, v6;
	_ =	sdelay $0x1  }
0x550: {  	(xrf2) =	vadd.scan.msk.f32 $0xffff, v6;
	_ =	sdelay $0x5  }
0x551: {  	v30 =	vor.u32 $0x480, v5;
	_ =	sdelay $0x3  }
0x552: {  	v31, _, _ =	vpop (xrf2)  }
0x553: {  	[tilespmem:v30+s26+$0x0] =	vst.idx.msk vm0, v31  }
0x554: {  	v6 =	vld [tilespmem:s2+$0xFFFFFEC0]  }
0x555: {  	v7 =	vld [tilespmem:s2+$0xFFFFFED0];
	_ =	sdelay $0x1  }
0x556: {  	v32 =	vld [tilespmem:s2+$0xFFFFFEE0];
	_ =	sdelay $0x1  }
0x557: {  	v33 =	vld [tilespmem:s2+$0xFFFFFEF0]  }
0x558: {  	v6 =	vmul.f32 v6, v1;
	v7 =	vmul.f32 v7, v2;
	_ =	sdelay $0x1  }
0x559: {  	v34 =	vmul.f32 v32, v3;
	v6 =	vadd.f32 v7, v6;
	_ =	sdelay $0x1  }
0x55a: {  	v35 =	vmul.f32 v33, v4;
	v6 =	vadd.f32 v34, v6;
	_ =	sdelay $0x1  }
0x55b: {  	v6 =	vadd.f32 v35, v6;
	_ =	sdelay $0x1  }
0x55c: {  	(xrf2) =	vadd.scan.msk.f32 $0xffff, v6;
	_ =	sdelay $0x5  }
0x55d: {  	v36 =	vor.u32 $0x500, v5;
	_ =	sdelay $0x3  }
0x55e: {  	v37, _, _ =	vpop (xrf2)  }
0x55f: {  	[tilespmem:v36+s26+$0x0] =	vst.idx.msk vm0, v37  }
0x560: {  	v6 =	vld [tilespmem:s2+$0xFFFFFF00]  }
0x561: {  	v7 =	vld [tilespmem:s2+$0xFFFFFF10];
	_ =	sdelay $0x1  }
0x562: {  	v38 =	vld [tilespmem:s2+$0xFFFFFF20];
	_ =	sdelay $0x1  }
0x563: {  	v39 =	vld [tilespmem:s2+$0xFFFFFF30]  }
0x564: {  	v6 =	vmul.f32 v6, v1;
	v7 =	vmul.f32 v7, v2;
	_ =	sdelay $0x1  }
0x565: {  	v40 =	vmul.f32 v38, v3;
	v6 =	vadd.f32 v7, v6;
	_ =	sdelay $0x1  }
0x566: {  	v41 =	vmul.f32 v39, v4;
	v6 =	vadd.f32 v40, v6;
	_ =	sdelay $0x1  }
0x567: {  	v6 =	vadd.f32 v41, v6;
	_ =	sdelay $0x1  }
0x568: {  	(xrf2) =	vadd.scan.msk.f32 $0xffff, v6;
	_ =	sdelay $0x5  }
0x569: {  	v42 =	vor.u32 $0x580, v5;
	_ =	sdelay $0x3  }
0x56a: {  	v43, _, _ =	vpop (xrf2)  }
0x56b: {  	[tilespmem:v42+s26+$0x0] =	vst.idx.msk vm0, v43  }
0x56c: {  	v6 =	vld [tilespmem:s2+$0xFFFFFF40]  }
0x56d: {  	v7 =	vld [tilespmem:s2+$0xFFFFFF50];
	_ =	sdelay $0x1  }
0x56e: {  	v44 =	vld [tilespmem:s2+$0xFFFFFF60];
	_ =	sdelay $0x1  }
0x56f: {  	v45 =	vld [tilespmem:s2+$0xFFFFFF70]  }
0x570: {  	v6 =	vmul.f32 v6, v1;
	v7 =	vmul.f32 v7, v2;
	_ =	sdelay $0x1  }
0x571: {  	v46 =	vmul.f32 v44, v3;
	v6 =	vadd.f32 v7, v6;
	_ =	sdelay $0x1  }
0x572: {  	v47 =	vmul.f32 v45, v4;
	v6 =	vadd.f32 v46, v6;
	_ =	sdelay $0x1  }
0x573: {  	v6 =	vadd.f32 v47, v6;
	_ =	sdelay $0x1  }
0x574: {  	(xrf2) =	vadd.scan.msk.f32 $0xffff, v6;
	_ =	sdelay $0x5  }
0x575: {  	v48 =	vor.u32 $0x600, v5;
	_ =	sdelay $0x3  }
0x576: {  	v49, _, _ =	vpop (xrf2)  }
0x577: {  	[tilespmem:v48+s26+$0x0] =	vst.idx.msk vm0, v49  }
0x578: {  	v6 =	vld [tilespmem:s2+$0xFFFFFF80]  }
0x579: {  	v7 =	vld [tilespmem:s2+$0xFFFFFF90];
	_ =	sdelay $0x1  }
0x57a: {  	v50 =	vld [tilespmem:s2+$0xFFFFFFA0];
	_ =	sdelay $0x1  }
0x57b: {  	v51 =	vld [tilespmem:s2+$0xFFFFFFB0]  }
0x57c: {  	v6 =	vmul.f32 v6, v1;
	v7 =	vmul.f32 v7, v2;
	_ =	sdelay $0x1  }
0x57d: {  	v52 =	vmul.f32 v50, v3;
	v6 =	vadd.f32 v7, v6;
	_ =	sdelay $0x1  }
0x57e: {  	v53 =	vmul.f32 v51, v4;
	v6 =	vadd.f32 v52, v6;
	_ =	sdelay $0x1  }
0x57f: {  	v6 =	vadd.f32 v53, v6;
	_ =	sdelay $0x1  }
0x580: {  	(xrf2) =	vadd.scan.msk.f32 $0xffff, v6;
	_ =	sdelay $0x5  }
0x581: {  	v54 =	vor.u32 $0x680, v5;
	_ =	sdelay $0x3  }
0x582: {  	v55, _, _ =	vpop (xrf2)  }
0x583: {  	[tilespmem:v54+s26+$0x0] =	vst.idx.msk vm0, v55  }
0x584: {  	v6 =	vld [tilespmem:s2+$0xFFFFFFC0]  }
0x585: {  	v7 =	vld [tilespmem:s2+$0xFFFFFFD0];
	_ =	sdelay $0x1  }
0x586: {  	v56 =	vld [tilespmem:s2+$0xFFFFFFE0];
	_ =	sdelay $0x1  }
0x587: {  	v57 =	vld [tilespmem:s2+$0xFFFFFFF0]  }
0x588: {  	v6 =	vmul.f32 v6, v1;
	v7 =	vmul.f32 v7, v2;
	_ =	sdelay $0x1  }
0x589: {  	v58 =	vmul.f32 v56, v3;
	v6 =	vadd.f32 v7, v6;
	_ =	sdelay $0x1  }
0x58a: {  	v59 =	vmul.f32 v57, v4;
	v6 =	vadd.f32 v58, v6;
	_ =	sdelay $0x1  }
0x58b: {  	v6 =	vadd.f32 v59, v6;
	_ =	sdelay $0x1  }
0x58c: {  	(xrf2) =	vadd.scan.msk.f32 $0xffff, v6;
	_ =	sdelay $0x5  }
0x58d: {  	v60 =	vor.u32 $0x700, v5;
	_ =	sdelay $0x3  }
0x58e: {  	v61, _, _ =	vpop (xrf2)  }
0x58f: {  	[tilespmem:v60+s26+$0x0] =	vst.idx.msk vm0, v61  }
0x590: {  	v6 =	vld [tilespmem:s2+$0x0]  }
0x591: {  	v7 =	vld [tilespmem:s2+$0x10];
	_ =	sdelay $0x1  }
0x592: {  	v62 =	vld [tilespmem:s2+$0x20];
	_ =	sdelay $0x1  }
0x593: {  	v63 =	vld [tilespmem:s2+$0x30]  }
0x594: {  	v6 =	vmul.f32 v6, v1;
	v7 =	vmul.f32 v7, v2;
	_ =	sdelay $0x1  }
0x595: {  	v10 =	vmul.f32 v62, v3;
	v6 =	vadd.f32 v7, v6;
	_ =	sdelay $0x1  }
0x596: {  	v11 =	vmul.f32 v63, v4;
	v6 =	vadd.f32 v10, v6;
	_ =	sdelay $0x1  }
0x597: {  	v6 =	vadd.f32 v11, v6;
	_ =	sdelay $0x1  }
0x598: {  	(xrf2) =	vadd.scan.msk.f32 $0xffff, v6;
	_ =	sdelay $0x5  }
0x599: {  	v12 =	vor.u32 $0x780, v5;
	_ =	sdelay $0x3  }
0x59a: {  	v13, _, _ =	vpop (xrf2)  }
0x59b: {  	[tilespmem:v12+s26+$0x0] =	vst.idx.msk vm0, v13  }
0x59c: {  	v6 =	vld [tilespmem:s2+$0x40]  }
0x59d: {  	v7 =	vld [tilespmem:s2+$0x50];
	_ =	sdelay $0x1  }
0x59e: {  	v14 =	vld [tilespmem:s2+$0x60];
	_ =	sdelay $0x1  }
0x59f: {  	v15 =	vld [tilespmem:s2+$0x70]  }
0x5a0: {  	v6 =	vmul.f32 v6, v1;
	v7 =	vmul.f32 v7, v2;
	_ =	sdelay $0x1  }
0x5a1: {  	v16 =	vmul.f32 v14, v3;
	v6 =	vadd.f32 v7, v6;
	_ =	sdelay $0x1  }
0x5a2: {  	v17 =	vmul.f32 v15, v4;
	v6 =	vadd.f32 v16, v6;
	_ =	sdelay $0x1  }
0x5a3: {  	v6 =	vadd.f32 v17, v6;
	_ =	sdelay $0x1  }
0x5a4: {  	(xrf2) =	vadd.scan.msk.f32 $0xffff, v6;
	_ =	sdelay $0x5  }
0x5a5: {  	v18 =	vor.u32 $0x800, v5;
	_ =	sdelay $0x3  }
0x5a6: {  	v19, _, _ =	vpop (xrf2)  }
0x5a7: {  	[tilespmem:v18+s26+$0x0] =	vst.idx.msk vm0, v19  }
0x5a8: {  	v6 =	vld [tilespmem:s2+$0x80]  }
0x5a9: {  	v7 =	vld [tilespmem:s2+$0x90];
	_ =	sdelay $0x1  }
0x5aa: {  	v20 =	vld [tilespmem:s2+$0xA0];
	_ =	sdelay $0x1  }
0x5ab: {  	v21 =	vld [tilespmem:s2+$0xB0]  }
0x5ac: {  	v6 =	vmul.f32 v6, v1;
	v7 =	vmul.f32 v7, v2;
	_ =	sdelay $0x1  }
0x5ad: {  	v22 =	vmul.f32 v20, v3;
	v6 =	vadd.f32 v7, v6;
	_ =	sdelay $0x1  }
0x5ae: {  	v23 =	vmul.f32 v21, v4;
	v6 =	vadd.f32 v22, v6;
	_ =	sdelay $0x1  }
0x5af: {  	v6 =	vadd.f32 v23, v6;
	_ =	sdelay $0x1  }
0x5b0: {  	(xrf2) =	vadd.scan.msk.f32 $0xffff, v6;
	_ =	sdelay $0x5  }
0x5b1: {  	v24 =	vor.u32 $0x880, v5;
	_ =	sdelay $0x3  }
0x5b2: {  	v25, _, _ =	vpop (xrf2)  }
0x5b3: {  	[tilespmem:v24+s26+$0x0] =	vst.idx.msk vm0, v25  }
0x5b4: {  	v6 =	vld [tilespmem:s2+$0xC0]  }
0x5b5: {  	v7 =	vld [tilespmem:s2+$0xD0];
	_ =	sdelay $0x1  }
0x5b6: {  	v26 =	vld [tilespmem:s2+$0xE0];
	_ =	sdelay $0x1  }
0x5b7: {  	v27 =	vld [tilespmem:s2+$0xF0]  }
0x5b8: {  	v6 =	vmul.f32 v6, v1;
	v7 =	vmul.f32 v7, v2;
	_ =	sdelay $0x1  }
0x5b9: {  	v28 =	vmul.f32 v26, v3;
	v6 =	vadd.f32 v7, v6;
	_ =	sdelay $0x1  }
0x5ba: {  	v29 =	vmul.f32 v27, v4;
	v6 =	vadd.f32 v28, v6;
	_ =	sdelay $0x1  }
0x5bb: {  	v6 =	vadd.f32 v29, v6;
	_ =	sdelay $0x1  }
0x5bc: {  	(xrf2) =	vadd.scan.msk.f32 $0xffff, v6;
	_ =	sdelay $0x5  }
0x5bd: {  	v30 =	vor.u32 $0x900, v5;
	_ =	sdelay $0x3  }
0x5be: {  	v31, _, _ =	vpop (xrf2)  }
0x5bf: {  	[tilespmem:v30+s26+$0x0] =	vst.idx.msk vm0, v31  }
0x5c0: {  	v6 =	vld [tilespmem:s2+$0x100]  }
0x5c1: {  	v7 =	vld [tilespmem:s2+$0x110];
	_ =	sdelay $0x1  }
0x5c2: {  	v32 =	vld [tilespmem:s2+$0x120];
	_ =	sdelay $0x1  }
0x5c3: {  	v33 =	vld [tilespmem:s2+$0x130]  }
0x5c4: {  	v6 =	vmul.f32 v6, v1;
	v7 =	vmul.f32 v7, v2;
	_ =	sdelay $0x1  }
0x5c5: {  	v34 =	vmul.f32 v32, v3;
	v6 =	vadd.f32 v7, v6;
	_ =	sdelay $0x1  }
0x5c6: {  	v35 =	vmul.f32 v33, v4;
	v6 =	vadd.f32 v34, v6;
	_ =	sdelay $0x1  }
0x5c7: {  	v6 =	vadd.f32 v35, v6;
	_ =	sdelay $0x1  }
0x5c8: {  	(xrf2) =	vadd.scan.msk.f32 $0xffff, v6;
	_ =	sdelay $0x5  }
0x5c9: {  	v36 =	vor.u32 $0x980, v5;
	_ =	sdelay $0x3  }
0x5ca: {  	v37, _, _ =	vpop (xrf2)  }
0x5cb: {  	[tilespmem:v36+s26+$0x0] =	vst.idx.msk vm0, v37  }
0x5cc: {  	v6 =	vld [tilespmem:s2+$0x140]  }
0x5cd: {  	v7 =	vld [tilespmem:s2+$0x150];
	_ =	sdelay $0x1  }
0x5ce: {  	v38 =	vld [tilespmem:s2+$0x160];
	_ =	sdelay $0x1  }
0x5cf: {  	v39 =	vld [tilespmem:s2+$0x170]  }
0x5d0: {  	v6 =	vmul.f32 v6, v1;
	v7 =	vmul.f32 v7, v2;
	_ =	sdelay $0x1  }
0x5d1: {  	v40 =	vmul.f32 v38, v3;
	v6 =	vadd.f32 v7, v6;
	_ =	sdelay $0x1  }
0x5d2: {  	v41 =	vmul.f32 v39, v4;
	v6 =	vadd.f32 v40, v6;
	_ =	sdelay $0x1  }
0x5d3: {  	v6 =	vadd.f32 v41, v6;
	_ =	sdelay $0x1  }
0x5d4: {  	(xrf2) =	vadd.scan.msk.f32 $0xffff, v6;
	_ =	sdelay $0x5  }
0x5d5: {  	v42 =	vor.u32 $0xA00, v5;
	_ =	sdelay $0x3  }
0x5d6: {  	v43, _, _ =	vpop (xrf2)  }
0x5d7: {  	[tilespmem:v42+s26+$0x0] =	vst.idx.msk vm0, v43  }
0x5d8: {  	v6 =	vld [tilespmem:s2+$0x180]  }
0x5d9: {  	v7 =	vld [tilespmem:s2+$0x190];
	_ =	sdelay $0x1  }
0x5da: {  	v44 =	vld [tilespmem:s2+$0x1A0];
	_ =	sdelay $0x1  }
0x5db: {  	v45 =	vld [tilespmem:s2+$0x1B0]  }
0x5dc: {  	v6 =	vmul.f32 v6, v1;
	v7 =	vmul.f32 v7, v2;
	_ =	sdelay $0x1  }
0x5dd: {  	v46 =	vmul.f32 v44, v3;
	v6 =	vadd.f32 v7, v6;
	_ =	sdelay $0x1  }
0x5de: {  	v47 =	vmul.f32 v45, v4;
	v6 =	vadd.f32 v46, v6;
	_ =	sdelay $0x1  }
0x5df: {  	v6 =	vadd.f32 v47, v6;
	_ =	sdelay $0x1  }
0x5e0: {  	(xrf2) =	vadd.scan.msk.f32 $0xffff, v6;
	_ =	sdelay $0x5  }
0x5e1: {  	v48 =	vor.u32 $0xA80, v5;
	_ =	sdelay $0x3  }
0x5e2: {  	v49, _, _ =	vpop (xrf2)  }
0x5e3: {  	[tilespmem:v48+s26+$0x0] =	vst.idx.msk vm0, v49  }
0x5e4: {  	v6 =	vld [tilespmem:s2+$0x1C0]  }
0x5e5: {  	v7 =	vld [tilespmem:s2+$0x1D0];
	_ =	sdelay $0x1  }
0x5e6: {  	v50 =	vld [tilespmem:s2+$0x1E0];
	_ =	sdelay $0x1  }
0x5e7: {  	v51 =	vld [tilespmem:s2+$0x1F0]  }
0x5e8: {  	v6 =	vmul.f32 v6, v1;
	v7 =	vmul.f32 v7, v2;
	_ =	sdelay $0x1  }
0x5e9: {  	v52 =	vmul.f32 v50, v3;
	v6 =	vadd.f32 v7, v6;
	_ =	sdelay $0x1  }
0x5ea: {  	v53 =	vmul.f32 v51, v4;
	v6 =	vadd.f32 v52, v6;
	_ =	sdelay $0x1  }
0x5eb: {  	v6 =	vadd.f32 v53, v6;
	_ =	sdelay $0x1  }
0x5ec: {  	(xrf2) =	vadd.scan.msk.f32 $0xffff, v6;
	_ =	sdelay $0x5  }
0x5ed: {  	v54 =	vor.u32 $0xB00, v5;
	_ =	sdelay $0x3  }
0x5ee: {  	v55, _, _ =	vpop (xrf2)  }
0x5ef: {  	[tilespmem:v54+s26+$0x0] =	vst.idx.msk vm0, v55  }
0x5f0: {  	v6 =	vld [tilespmem:s2+$0x200]  }
0x5f1: {  	v7 =	vld [tilespmem:s2+$0x210];
	_ =	sdelay $0x1  }
0x5f2: {  	v56 =	vld [tilespmem:s2+$0x220];
	_ =	sdelay $0x1  }
0x5f3: {  	v57 =	vld [tilespmem:s2+$0x230]  }
0x5f4: {  	v6 =	vmul.f32 v6, v1;
	v7 =	vmul.f32 v7, v2;
	_ =	sdelay $0x1  }
0x5f5: {  	v58 =	vmul.f32 v56, v3;
	v6 =	vadd.f32 v7, v6;
	_ =	sdelay $0x1  }
0x5f6: {  	v59 =	vmul.f32 v57, v4;
	v6 =	vadd.f32 v58, v6;
	_ =	sdelay $0x1  }
0x5f7: {  	v6 =	vadd.f32 v59, v6;
	_ =	sdelay $0x1  }
0x5f8: {  	(xrf2) =	vadd.scan.msk.f32 $0xffff, v6;
	_ =	sdelay $0x5  }
0x5f9: {  	v60 =	vor.u32 $0xB80, v5;
	_ =	sdelay $0x3  }
0x5fa: {  	v61, _, _ =	vpop (xrf2)  }
0x5fb: {  	[tilespmem:v60+s26+$0x0] =	vst.idx.msk vm0, v61  }
0x5fc: {  	v6 =	vld [tilespmem:s2+$0x240]  }
0x5fd: {  	v7 =	vld [tilespmem:s2+$0x250];
	_ =	sdelay $0x1  }
0x5fe: {  	v62 =	vld [tilespmem:s2+$0x260];
	_ =	sdelay $0x1  }
0x5ff: {  	v63 =	vld [tilespmem:s2+$0x270]  }
0x600: {  	v1 =	vmul.f32 v6, v1;
	v2 =	vmul.f32 v7, v2;
	_ =	sdelay $0x1  }
0x601: {  	v1 =	vadd.f32 v2, v1;
	v2 =	vmul.f32 v62, v3;
	_ =	sdelay $0x1  }
0x602: {  	v1 =	vadd.f32 v2, v1;
	v2 =	vmul.f32 v63, v4;
	_ =	sdelay $0x1  }
0x603: {  	v1 =	vadd.f32 v2, v1;
	_ =	sdelay $0x1  }
0x604: {  	(xrf2) =	vadd.scan.msk.f32 $0xffff, v1;
	_ =	sdelay $0x5  }
0x605: {  	p0 =	sne.s32 s7, $0x1F;
	v1 =	vor.u32 $0xC00, v5  }
.Ltmp6:
0x606: {  	_ = 	snop;
	(pc) =	sbr.rel @p0 .LBB2_15-.Ltmp6, $3  }
0x607: {  	_ =	sdelay $0x1  }
0x608: {  	s9 =	sadd.s32 $0x40, s9;
	v2, _, _ =	vpop (xrf2)  }
0x609: {  	s7 =	sadd.s32 $0x1, s7;
	s5 =	sadd.s32 $0x140, s5;
	s2 =	sadd.s32 $0x500, s2;
	[tilespmem:v1+s26+$0x0] =	vst.idx.msk vm0, v2  }
0x60a: {  	s2 =	sshll.u32 s6, $0x4;
	s6 =	sadd.s32 $0x1, s6  }
0x60b: {  	p0 =	sne.s32 s6, $0x4  }
.Ltmp7:
0x60c: {  	s5 =	simm.s32 $0x4000;
	s2 =	sadd.s32 s2, s8;
	(pc) =	sbr.rel @p0 .LBB2_8-.Ltmp7, $4  }
0x60d: {  	[hbm4b:s2+s15] =	stream.strided.scatter [tilespmem:s26], [sflag:$0x3], $0x1000, s5, s15, $0x38;
	[tilespmem:$0x1E400] =	vst v63  }
0x60e: {  	_ =	swait.ge [sflag:s10], $0x1000  }
0x60f: {  	[sflag:s10] =	ssyncset.done $0x0  }
0x610: {  	[sflag:s10] =	ssyncadd.s32 $0xFFFFF000  }
0x611: {  	s5 =	rddreg [dreg:$0x7]  }
0x612: {  	s2 =	rddreg [dreg:$0x6];
	s5 =	sadd.s32 $0x1, s5  }
0x613: {  	p0 =	sne.s32 s5, s2  }
.Ltmp8:
0x614: {  	_ = 	snop;
	(pc) =	sbr.rel @p0 .LBB2_1-.Ltmp8, $2  }
0x615: {  	_ =	sdelay $0x2  }
0x616: {  	s7 =	simm.s32 $0x200;
	s9 =	simm.s32 $0xC00  }
0x617: {  	_ =	sfence.sel $0x180000  }
0x618: {  	[bflag:$0x0] =	sbarrier.arrive $0xFFFF  }
0x619: {  	_ =	strace $0x90000047  }
0x61a: {  	s0 =	stileid.u32;
	[bflag:$0x2] =	sbarrier.arrive $0xFFFF  }
0x61b: {  	p0 =	sne.s32 s0, $0x0;
	s0 =	rddreg [dreg:$0x2]  }
0x61c: {  	s0 =	sadd.s32 @!p0 $0x100000, s0  }
0x61d: {  	[sflag:s0] =	ssyncadd.tile.s32 @!p0 $0x1;
	_ =	shalt  }
.Lfunc_end2:
_tile_overlayer_lowered:
.L_overlay_start_2:
0x61e: {  	(tag) =	ssettag $0x2  }
0x61f: {  	s0 =	rddreg [dreg:$0x0];
	s2 =	stileid.u32  }
0x620: {  	s1 =	rddreg [dreg:$0x1];
	p0 =	sne.s32 s2, $0x0  }
0x621: {  	s3 =	rddreg [dreg:$0x2];
	[bflag:$0x3] =	sbarrier.arrive $0xFFFF;
	s2 =	simm.s32 @!p0 $0x1C03  }
0x622: {  	[timem:s3], [sflag:s2] =	dma.local @!p0 [hbm:s0], s1  }
0x623: {  	s0 =	simm.s32 @!p0 $0x3  }
0x624: {  	_ =	swait.ge @!p0 [sflag:s0], s1  }
0x625: {  	s1 =	ssub.s32 @!p0 $0x0, s1;
	[sflag:s0] =	ssyncset.done @!p0 $0x0  }
0x626: {  	[sflag:s0] =	ssyncadd.s32 @!p0 s1  }
0x627: {  	[bflag:$0x3] =	sbarrier.arrive $0xFFFF  }
0x628: {  	_ =	shalt  }

</sc_bundles>
